<compile_context>
chip_gen: v7x
topology: tpu7x:2x2x1
jax: 0.10.2.dev20260603
libtpu: 0.0.44.dev20260713+nightly
codegen_flags: <defaults>
</compile_context>

<pallas_src>
import functools

import jax
import jax.numpy as jnp
from jax import lax
from jax.experimental import pallas as pl
from jax.experimental.pallas import tpu as pltpu
from jax.experimental.pallas import tpu_sc as plsc

_K = 3
_L = 4
_B = 8
_V = 1000
_FULL = _V // 16
_TAIL = _V - 16
_NEW0 = _FULL * 16 - _TAIL
_EPS = 2.220446049250313e-16
_NEG_INF = float("-inf")
_BIG = 1 << 20
_SQRT2 = 1.4142135381698608
_LN2_HI = 0.693359375
_LN2_LO = -2.12194440054690583e-4


def _poly_log(x):
    bits = lax.bitcast_convert_type(x, jnp.int32)
    e = (bits >> 23) - 127
    m = lax.bitcast_convert_type(
        (bits & 0x7FFFFF) | 0x3F800000, jnp.float32)
    big = m > _SQRT2
    m = jnp.where(big, m * 0.5, m)
    e = jnp.where(big, e + 1, e)
    r = (m - 1.0) / (m + 1.0)
    t = r * r
    poly = 1.0 + t * (1.0 / 3.0 + t * (0.2 + t * (1.0 / 7.0 + t * (1.0 / 9.0))))
    ln_m = 2.0 * r * poly
    ef = e.astype(jnp.float32)
    return (ln_m + ef * _LN2_LO) + ef * _LN2_HI


def _insert(x, idx, t0, t1, t2, i0, i1, i2):
    c0 = x > t0
    c1 = x > t1
    c2 = x > t2
    nt0 = jnp.where(c0, x, t0)
    ni0 = jnp.where(c0, idx, i0)
    nt1 = jnp.where(c0, t0, jnp.where(c1, x, t1))
    ni1 = jnp.where(c0, i0, jnp.where(c1, idx, i1))
    nt2 = jnp.where(c1, t1, jnp.where(c2, x, t2))
    ni2 = jnp.where(c1, i1, jnp.where(c2, idx, i2))
    return nt0, nt1, nt2, ni0, ni1, ni2


def _sc_body(x_hbm, tok_hbm, sc_hbm, xv, tokv, scv):
    wid = lax.axis_index("c") * 16 + lax.axis_index("s")

    @pl.when(wid < _B)
    def _():
        b = wid
        pltpu.sync_copy(x_hbm.at[b], xv)
        lane = lax.iota(jnp.int32, 16)
        ninf = jnp.full((16,), _NEG_INF, jnp.float32)
        bigv = jnp.full((16,), _BIG, jnp.int32)
        zerov = jnp.zeros((16,), jnp.float32)

        row_m, row_s, row_v, row_t = [], [], [], []
        for r in range(_L):
            def fused_body(i, carry, r=r):
                t0, t1, t2, i0, i1, i2, sa, idx = carry
                x = xv[r, pl.ds(i * 16, 16)]
                sa = sa + jnp.exp(x)
                t0, t1, t2, i0, i1, i2 = _insert(
                    x, idx, t0, t1, t2, i0, i1, i2)
                return t0, t1, t2, i0, i1, i2, sa, idx + 16

            t0, t1, t2, i0, i1, i2, sa, _ = lax.fori_loop(
                0, _FULL, fused_body,
                (ninf, ninf, ninf, bigv, bigv, bigv, zerov, lane),
                unroll=8)

            x = xv[r, pl.ds(_TAIL, 16)]
            new = lane >= _NEW0
            sa = sa + jnp.where(new, jnp.exp(x), 0.0)
            t0, t1, t2, i0, i1, i2 = _insert(
                jnp.where(new, x, _NEG_INF), _TAIL + lane,
                t0, t1, t2, i0, i1, i2)

            vs = [t0, t1, t2]
            ids = [i0, i1, i2]
            vals_r, toks_r = [], []
            for _round in range(_K):
                mv = jnp.maximum(jnp.maximum(vs[0], vs[1]), vs[2])
                m_sc = jnp.max(mv)
                cand = jnp.full((16,), _BIG, jnp.int32)
                for j in range(_K):
                    cand = jnp.minimum(
                        cand, jnp.where(vs[j] == m_sc, ids[j], _BIG))
                idx_sc = jnp.min(cand)
                vals_r.append(m_sc)
                toks_r.append(idx_sc)
                for j in range(_K):
                    hit = (vs[j] == m_sc) & (ids[j] == idx_sc)
                    vs[j] = jnp.where(hit, _NEG_INF, vs[j])
            m_r = vals_r[0]
            row_m.append(m_r)
            row_s.append(jnp.sum(sa))
            row_v.append(vals_r)
            row_t.append(toks_r)

        rowid = jnp.where(lane < 3, 0,
                          jnp.where(lane < 6, 1, jnp.where(lane < 9, 2, 3)))
        m_vec = jnp.where(rowid == 0, row_m[0],
                          jnp.where(rowid == 1, row_m[1],
                                    jnp.where(rowid == 2, row_m[2], row_m[3])))
        s_vec = jnp.where(rowid == 0, row_s[0],
                          jnp.where(rowid == 1, row_s[1],
                                    jnp.where(rowid == 2, row_s[2], row_s[3])))
        s_vec = s_vec * jnp.exp(-m_vec)
        vraw = jnp.zeros((16,), jnp.float32)
        for r in range(_L):
            for i in range(_K):
                vraw = jnp.where(lane == r * _K + i, row_v[r][i], vraw)
        p_vec = jnp.exp(vraw - m_vec) / s_vec
        lp_vec = _poly_log(p_vec + _EPS)
        lp = [[jnp.sum(jnp.where(lane == r * _K + i, lp_vec, 0.0))
               for i in range(_K)] for r in range(_L)]

        scores = [lp[0][i] for i in range(_K)]
        seqs = [[row_t[0][k], 0, 0, 0] for k in range(_K)]
        for t in range(1, _L):
            c9 = [scores[k] + lp[t][i] for k in range(_K) for i in range(_K)]
            new_scores, new_seqs = [], []
            for _j in range(_K):
                best = c9[0]
                for q in range(1, 9):
                    best = jnp.maximum(best, c9[q])
                beam = 2
                ipick = _K - 1
                for q in range(8, -1, -1):
                    beam = jnp.where(c9[q] == best, q // _K, beam)
                    ipick = jnp.where(c9[q] == best, q % _K, ipick)
                tok = jnp.where(ipick == 0, row_t[t][0],
                                jnp.where(ipick == 1, row_t[t][1],
                                          row_t[t][2]))
                g = []
                for s in range(_L):
                    g.append(jnp.where(beam == 0, seqs[0][s],
                                       jnp.where(beam == 1, seqs[1][s],
                                                 seqs[2][s])))
                g[t] = tok
                new_scores.append(best)
                new_seqs.append(g)
                sel = beam * _K + ipick
                c9 = [jnp.where(sel == q, _NEG_INF, c9[q]) for q in range(9)]
            scores, seqs = new_scores, new_seqs

        tokvec = jnp.zeros((16,), jnp.int32)
        for t in range(_L):
            for j in range(_K):
                tokvec = jnp.where(lane == t * 4 + j,
                                   seqs[j][t].astype(jnp.int32), tokvec)
        scvec = jnp.zeros((16,), jnp.float32)
        for j in range(_K):
            scvec = jnp.where(lane == j, scores[j], scvec)
        tokv[...] = tokvec
        scv[...] = scvec
        pltpu.sync_copy(tokv, tok_hbm.at[b])
        pltpu.sync_copy(scv, sc_hbm.at[b])


def kernel(logits):
    mesh = plsc.VectorSubcoreMesh(core_axis_name="c", subcore_axis_name="s",
                                  num_cores=1, num_subcores=16)
    f = pl.kernel(
        _sc_body,
        out_type=(
            jax.ShapeDtypeStruct((_B, 16), jnp.int32),
            jax.ShapeDtypeStruct((_B, 16), jnp.float32),
        ),
        mesh=mesh,
        scratch_types=[
            pltpu.VMEM((_L, _V), jnp.float32),
            pltpu.VMEM((16,), jnp.int32),
            pltpu.VMEM((16,), jnp.float32),
        ],
        compiler_params=pltpu.CompilerParams(needs_layout_passes=False),
    )
    tok_p, sc_p = f(logits)
    return tok_p.reshape(_B, _L, 4)[:, :, :_K], sc_p[:, :_K]

# --- scband reference (transcript-rebuilt; emitter-appended) ---
"""Pipeline reference for scband-beam-search-41257455845859 (READ-ONLY COPY).

The authoritative reference and input builder live on the scoring server;
editing this copy changes nothing except your own understanding.
"""

import jax, jax.numpy as jnp
import numpy as np

TOP_K = 3
TEMPERATURE = 1.0
EPS = 2.220446049250313e-16  # sys.float_info.epsilon


def setup_inputs(seed: int = 0) -> dict:
    key = jax.random.key(seed)
    logits = jax.random.normal(key, (8, 4, 1000), dtype=jnp.float32)
    return {"logits": logits}


def _beam_per_sequence(logits):
    # logits: (length, vocab)
    L, V = logits.shape
    probs = jax.nn.softmax(logits / TEMPERATURE, axis=1)
    logp = jnp.log(probs + EPS)
    # step 0: single initial beam with score 0.0 -> candidates are just logp[0]
    scores, tokens = jax.lax.top_k(logp[0], TOP_K)  # (k,), (k,)
    seqs = tokens[:, None]  # (k, 1)
    for t in range(1, L):
        # candidate score matrix: beams x vocab (matches python double loop,
        # beam-major / token-ascending ordering -> same tie-break as stable sort)
        cand = scores[:, None] + logp[t]  # (k, V)
        scores, idx = jax.lax.top_k(cand.reshape(-1), TOP_K)
        beam_idx = idx // V
        tok = idx % V
        seqs = jnp.concatenate([seqs[beam_idx], tok[:, None]], axis=1)  # (k, t+1)
    # original returns tokens as (length, top_k) and scores (top_k)
    return seqs.T, scores


def reference(logits):
    # logits: (batch, length, vocab)
    tokens, scores = jax.vmap(_beam_per_sequence)(logits)
    # tokens: (batch, length, top_k) int ; scores: (batch, top_k) float
    return tokens, scores

if __name__ == "__main__":
    import jax
    _d = setup_inputs()
    print(jax.jit(kernel)(*tuple(_d.values())))

</pallas_src>

<mosaic_0001>
#map = affine_map<(d0, d1) -> (0, 0, 0)>
#map1 = affine_map<(d0, d1) -> (0, 0)>
module attributes {stable_mosaic.version = 14 : i64} {
  func.func @_sc_body(%arg0: i32, %arg1: i32, %arg2: memref<8x4x1000xf32, #tpu.memory_space<hbm>>, %arg3: memref<8x16xi32, #tpu.memory_space<hbm>>, %arg4: memref<8x16xf32, #tpu.memory_space<hbm>>, %arg5: memref<4x1000xf32, #tpu.memory_space<vmem>>, %arg6: memref<16xi32, #tpu.memory_space<vmem>>, %arg7: memref<16xf32, #tpu.memory_space<vmem>>) attributes {dimension_semantics = [#tpu.dimension_semantics<core_parallel>, #tpu.dimension_semantics<subcore_parallel>], iteration_bounds = array<i64: 1, 16>, scalar_prefetch = 0 : i64, scratch_operands = 3 : i64, tpu.core_type = #tpu.core_type<sc_vector_subcore>, window_params = [{transform_indices = #map}, {transform_indices = #map1}, {transform_indices = #map1}]} {
    %mul3A = arith.constant 16 : i32
    %mul3A_0 = arith.muli %arg0, %mul3A : i32
    %add3A = arith.addi %mul3A_0, %arg1 : i32
    %lt3A = arith.constant 8 : i32
    %lt3A_1 = arith.cmpi slt, %add3A, %lt3A : i32
    %convert_element_type3A = arith.extui %lt3A_1 : i1 to i32
    %cond3A = arith.constant 0 : i32
    %cond3A_2 = arith.cmpi ne, %convert_element_type3A, %cond3A : i32
    scf.if %cond3A_2 {
      "tpu.region"() ({
        %run_scoped3A = tpu.sem_alloc : memref<!tpu.dma_semaphore, #tpu.memory_space<semaphore_mem>>
        %dma_start3A = arith.constant 0 : i32
        %dma_start3A_3114 = arith.constant 0 : i32
        %dma_start3A_3115 = tpu.memref_slice %arg2[%add3A, %dma_start3A, %dma_start3A_3114] : memref<8x4x1000xf32, #tpu.memory_space<hbm>> -> memref<1x4x1000xf32, #tpu.memory_space<hbm>>
        %dma_start3A_3116 = tpu.memref_squeeze %dma_start3A_3115 : memref<1x4x1000xf32, #tpu.memory_space<hbm>> -> memref<4x1000xf32, #tpu.memory_space<hbm>>
        %dma_start3A_3117 = arith.constant 0 : i32
        %dma_start3A_3118 = arith.constant 0 : i32
        %dma_start3A_3119 = tpu.memref_slice %arg2[%add3A, %dma_start3A_3117, %dma_start3A_3118] : memref<8x4x1000xf32, #tpu.memory_space<hbm>> -> memref<1x4x1000xf32, #tpu.memory_space<hbm>>
        %dma_start3A_3120 = tpu.memref_squeeze %dma_start3A_3119 : memref<1x4x1000xf32, #tpu.memory_space<hbm>> -> memref<4x1000xf32, #tpu.memory_space<hbm>>
        tpu.enqueue_dma source(%dma_start3A_3120 : memref<4x1000xf32, #tpu.memory_space<hbm>>) target(%arg5 : memref<4x1000xf32, #tpu.memory_space<vmem>>) target_semaphore(%run_scoped3A : memref<!tpu.dma_semaphore, #tpu.memory_space<semaphore_mem>>)
        %dma_wait3A = arith.constant 0 : i32
        %dma_wait3A_3121 = arith.constant 0 : i32
        %dma_wait3A_3122 = tpu.memref_slice %arg2[%add3A, %dma_wait3A, %dma_wait3A_3121] : memref<8x4x1000xf32, #tpu.memory_space<hbm>> -> memref<1x4x1000xf32, #tpu.memory_space<hbm>>
        %dma_wait3A_3123 = tpu.memref_squeeze %dma_wait3A_3122 : memref<1x4x1000xf32, #tpu.memory_space<hbm>> -> memref<4x1000xf32, #tpu.memory_space<hbm>>
        %dma_wait3A_3124 = arith.constant 0 : i32
        %dma_wait3A_3125 = arith.constant 0 : i32
        %dma_wait3A_3126 = tpu.memref_slice %arg2[%add3A, %dma_wait3A_3124, %dma_wait3A_3125] : memref<8x4x1000xf32, #tpu.memory_space<hbm>> -> memref<1x4x1000xf32, #tpu.memory_space<hbm>>
        %dma_wait3A_3127 = tpu.memref_squeeze %dma_wait3A_3126 : memref<1x4x1000xf32, #tpu.memory_space<hbm>> -> memref<4x1000xf32, #tpu.memory_space<hbm>>
        tpu.wait_dma2 semaphore(%run_scoped3A : memref<!tpu.dma_semaphore, #tpu.memory_space<semaphore_mem>>) src(%dma_wait3A_3127 : memref<4x1000xf32, #tpu.memory_space<hbm>>) dst(%arg5 : memref<4x1000xf32, #tpu.memory_space<vmem>>)
        tpu.yield
      }) : () -> ()
      %iota3A = tpu.iota {dimensions = array<i32: 0>} : vector<16xi32>
      %broadcast_in_dim3A = arith.constant 0xFF800000 : f32
      %broadcast_in_dim3A_3 = vector.broadcast %broadcast_in_dim3A : f32 to vector<16xf32>
      %broadcast_in_dim3A_4 = arith.constant 1048576 : i32
      %broadcast_in_dim3A_5 = vector.broadcast %broadcast_in_dim3A_4 : i32 to vector<16xi32>
      %broadcast_in_dim3A_6 = arith.constant 0.000000e+00 : f32
      %broadcast_in_dim3A_7 = vector.broadcast %broadcast_in_dim3A_6 : f32 to vector<16xf32>
      %scan3A = arith.constant 0 : i32
      %scan3A_8 = arith.constant 56 : i32
      %scan3A_9 = arith.addi %scan3A, %scan3A_8 : i32
      %scan3A_10 = arith.constant 8 : i32
      %scan3A_11:8 = scf.for %scan3A_3114 = %scan3A to %scan3A_9 step %scan3A_10 iter_args(%scan3A_3115 = %broadcast_in_dim3A_3, %scan3A_3116 = %broadcast_in_dim3A_3, %scan3A_3117 = %broadcast_in_dim3A_3, %scan3A_3118 = %broadcast_in_dim3A_5, %scan3A_3119 = %broadcast_in_dim3A_5, %scan3A_3120 = %broadcast_in_dim3A_5, %scan3A_3121 = %broadcast_in_dim3A_7, %scan3A_3122 = %iota3A) -> (vector<16xf32>, vector<16xf32>, vector<16xf32>, vector<16xi32>, vector<16xi32>, vector<16xi32>, vector<16xf32>, vector<16xi32>)  : i32 {
        %mul3A_3123 = arith.constant 16 : i32
        %mul3A_3124 = arith.muli %scan3A_3114, %mul3A_3123 : i32
        %get3A_3125 = arith.constant 0 : i32
        %get3A_3126 = arith.index_cast %get3A_3125 : i32 to index
        %get3A_3127 = arith.index_cast %mul3A_3124 : i32 to index
        %get3A_3128 = tpu.vector_load %arg5[%get3A_3126, %get3A_3127] {strides = array<i32>} : memref<4x1000xf32, #tpu.memory_space<vmem>>, vector<16xf32>,
        %exp3A_3129 = math.exp %get3A_3128 : vector<16xf32>
        %add3A_3130 = arith.addf %scan3A_3121, %exp3A_3129 : vector<16xf32>
        %gt3A_3131 = arith.cmpf ogt, %get3A_3128, %scan3A_3115 : vector<16xf32>
        %gt3A_3132 = arith.cmpf ogt, %get3A_3128, %scan3A_3116 : vector<16xf32>
        %gt3A_3133 = arith.cmpf ogt, %get3A_3128, %scan3A_3117 : vector<16xf32>
        %select_n3A_3134 = arith.select %gt3A_3131, %get3A_3128, %scan3A_3115 : vector<16xi1>, vector<16xf32>
        %select_n3A_3135 = arith.select %gt3A_3131, %scan3A_3122, %scan3A_3118 : vector<16xi1>, vector<16xi32>
        %select_n3A_3136 = arith.select %gt3A_3132, %get3A_3128, %scan3A_3116 : vector<16xi1>, vector<16xf32>
        %select_n3A_3137 = arith.select %gt3A_3131, %scan3A_3115, %select_n3A_3136 : vector<16xi1>, vector<16xf32>
        %select_n3A_3138 = arith.select %gt3A_3132, %scan3A_3122, %scan3A_3119 : vector<16xi1>, vector<16xi32>
        %select_n3A_3139 = arith.select %gt3A_3131, %scan3A_3118, %select_n3A_3138 : vector<16xi1>, vector<16xi32>
        %select_n3A_3140 = arith.select %gt3A_3133, %get3A_3128, %scan3A_3117 : vector<16xi1>, vector<16xf32>
        %select_n3A_3141 = arith.select %gt3A_3132, %scan3A_3116, %select_n3A_3140 : vector<16xi1>, vector<16xf32>
        %select_n3A_3142 = arith.select %gt3A_3133, %scan3A_3122, %scan3A_3120 : vector<16xi1>, vector<16xi32>
        %select_n3A_3143 = arith.select %gt3A_3132, %scan3A_3119, %select_n3A_3142 : vector<16xi1>, vector<16xi32>
        %add3A_3144 = arith.constant 16 : i32
        %add3A_3145 = vector.broadcast %add3A_3144 : i32 to vector<16xi32>
        %add3A_3146 = arith.addi %scan3A_3122, %add3A_3145 : vector<16xi32>
        %scan3A_3147 = arith.constant 1 : i32
        %scan3A_3148 = arith.addi %scan3A_3114, %scan3A_3147 : i32
        %mul3A_3149 = arith.constant 16 : i32
        %mul3A_3150 = arith.muli %scan3A_3148, %mul3A_3149 : i32
        %get3A_3151 = arith.constant 0 : i32
        %get3A_3152 = arith.index_cast %get3A_3151 : i32 to index
        %get3A_3153 = arith.index_cast %mul3A_3150 : i32 to index
        %get3A_3154 = tpu.vector_load %arg5[%get3A_3152, %get3A_3153] {strides = array<i32>} : memref<4x1000xf32, #tpu.memory_space<vmem>>, vector<16xf32>,
        %exp3A_3155 = math.exp %get3A_3154 : vector<16xf32>
        %add3A_3156 = arith.addf %add3A_3130, %exp3A_3155 : vector<16xf32>
        %gt3A_3157 = arith.cmpf ogt, %get3A_3154, %select_n3A_3134 : vector<16xf32>
        %gt3A_3158 = arith.cmpf ogt, %get3A_3154, %select_n3A_3137 : vector<16xf32>
        %gt3A_3159 = arith.cmpf ogt, %get3A_3154, %select_n3A_3141 : vector<16xf32>
        %select_n3A_3160 = arith.select %gt3A_3157, %get3A_3154, %select_n3A_3134 : vector<16xi1>, vector<16xf32>
        %select_n3A_3161 = arith.select %gt3A_3157, %add3A_3146, %select_n3A_3135 : vector<16xi1>, vector<16xi32>
        %select_n3A_3162 = arith.select %gt3A_3158, %get3A_3154, %select_n3A_3137 : vector<16xi1>, vector<16xf32>
        %select_n3A_3163 = arith.select %gt3A_3157, %select_n3A_3134, %select_n3A_3162 : vector<16xi1>, vector<16xf32>
        %select_n3A_3164 = arith.select %gt3A_3158, %add3A_3146, %select_n3A_3139 : vector<16xi1>, vector<16xi32>
        %select_n3A_3165 = arith.select %gt3A_3157, %select_n3A_3135, %select_n3A_3164 : vector<16xi1>, vector<16xi32>
        %select_n3A_3166 = arith.select %gt3A_3159, %get3A_3154, %select_n3A_3141 : vector<16xi1>, vector<16xf32>
        %select_n3A_3167 = arith.select %gt3A_3158, %select_n3A_3137, %select_n3A_3166 : vector<16xi1>, vector<16xf32>
        %select_n3A_3168 = arith.select %gt3A_3159, %add3A_3146, %select_n3A_3143 : vector<16xi1>, vector<16xi32>
        %select_n3A_3169 = arith.select %gt3A_3158, %select_n3A_3139, %select_n3A_3168 : vector<16xi1>, vector<16xi32>
        %add3A_3170 = arith.constant 16 : i32
        %add3A_3171 = vector.broadcast %add3A_3170 : i32 to vector<16xi32>
        %add3A_3172 = arith.addi %add3A_3146, %add3A_3171 : vector<16xi32>
        %scan3A_3173 = arith.constant 2 : i32
        %scan3A_3174 = arith.addi %scan3A_3114, %scan3A_3173 : i32
        %mul3A_3175 = arith.constant 16 : i32
        %mul3A_3176 = arith.muli %scan3A_3174, %mul3A_3175 : i32
        %get3A_3177 = arith.constant 0 : i32
        %get3A_3178 = arith.index_cast %get3A_3177 : i32 to index
        %get3A_3179 = arith.index_cast %mul3A_3176 : i32 to index
        %get3A_3180 = tpu.vector_load %arg5[%get3A_3178, %get3A_3179] {strides = array<i32>} : memref<4x1000xf32, #tpu.memory_space<vmem>>, vector<16xf32>,
        %exp3A_3181 = math.exp %get3A_3180 : vector<16xf32>
        %add3A_3182 = arith.addf %add3A_3156, %exp3A_3181 : vector<16xf32>
        %gt3A_3183 = arith.cmpf ogt, %get3A_3180, %select_n3A_3160 : vector<16xf32>
        %gt3A_3184 = arith.cmpf ogt, %get3A_3180, %select_n3A_3163 : vector<16xf32>
        %gt3A_3185 = arith.cmpf ogt, %get3A_3180, %select_n3A_3167 : vector<16xf32>
        %select_n3A_3186 = arith.select %gt3A_3183, %get3A_3180, %select_n3A_3160 : vector<16xi1>, vector<16xf32>
        %select_n3A_3187 = arith.select %gt3A_3183, %add3A_3172, %select_n3A_3161 : vector<16xi1>, vector<16xi32>
        %select_n3A_3188 = arith.select %gt3A_3184, %get3A_3180, %select_n3A_3163 : vector<16xi1>, vector<16xf32>
        %select_n3A_3189 = arith.select %gt3A_3183, %select_n3A_3160, %select_n3A_3188 : vector<16xi1>, vector<16xf32>
        %select_n3A_3190 = arith.select %gt3A_3184, %add3A_3172, %select_n3A_3165 : vector<16xi1>, vector<16xi32>
        %select_n3A_3191 = arith.select %gt3A_3183, %select_n3A_3161, %select_n3A_3190 : vector<16xi1>, vector<16xi32>
        %select_n3A_3192 = arith.select %gt3A_3185, %get3A_3180, %select_n3A_3167 : vector<16xi1>, vector<16xf32>
        %select_n3A_3193 = arith.select %gt3A_3184, %select_n3A_3163, %select_n3A_3192 : vector<16xi1>, vector<16xf32>
        %select_n3A_3194 = arith.select %gt3A_3185, %add3A_3172, %select_n3A_3169 : vector<16xi1>, vector<16xi32>
        %select_n3A_3195 = arith.select %gt3A_3184, %select_n3A_3165, %select_n3A_3194 : vector<16xi1>, vector<16xi32>
        %add3A_3196 = arith.constant 16 : i32
        %add3A_3197 = vector.broadcast %add3A_3196 : i32 to vector<16xi32>
        %add3A_3198 = arith.addi %add3A_3172, %add3A_3197 : vector<16xi32>
        %scan3A_3199 = arith.constant 3 : i32
        %scan3A_3200 = arith.addi %scan3A_3114, %scan3A_3199 : i32
        %mul3A_3201 = arith.constant 16 : i32
        %mul3A_3202 = arith.muli %scan3A_3200, %mul3A_3201 : i32
        %get3A_3203 = arith.constant 0 : i32
        %get3A_3204 = arith.index_cast %get3A_3203 : i32 to index
        %get3A_3205 = arith.index_cast %mul3A_3202 : i32 to index
        %get3A_3206 = tpu.vector_load %arg5[%get3A_3204, %get3A_3205] {strides = array<i32>} : memref<4x1000xf32, #tpu.memory_space<vmem>>, vector<16xf32>,
        %exp3A_3207 = math.exp %get3A_3206 : vector<16xf32>
        %add3A_3208 = arith.addf %add3A_3182, %exp3A_3207 : vector<16xf32>
        %gt3A_3209 = arith.cmpf ogt, %get3A_3206, %select_n3A_3186 : vector<16xf32>
        %gt3A_3210 = arith.cmpf ogt, %get3A_3206, %select_n3A_3189 : vector<16xf32>
        %gt3A_3211 = arith.cmpf ogt, %get3A_3206, %select_n3A_3193 : vector<16xf32>
        %select_n3A_3212 = arith.select %gt3A_3209, %get3A_3206, %select_n3A_3186 : vector<16xi1>, vector<16xf32>
        %select_n3A_3213 = arith.select %gt3A_3209, %add3A_3198, %select_n3A_3187 : vector<16xi1>, vector<16xi32>
        %select_n3A_3214 = arith.select %gt3A_3210, %get3A_3206, %select_n3A_3189 : vector<16xi1>, vector<16xf32>
        %select_n3A_3215 = arith.select %gt3A_3209, %select_n3A_3186, %select_n3A_3214 : vector<16xi1>, vector<16xf32>
        %select_n3A_3216 = arith.select %gt3A_3210, %add3A_3198, %select_n3A_3191 : vector<16xi1>, vector<16xi32>
        %select_n3A_3217 = arith.select %gt3A_3209, %select_n3A_3187, %select_n3A_3216 : vector<16xi1>, vector<16xi32>
        %select_n3A_3218 = arith.select %gt3A_3211, %get3A_3206, %select_n3A_3193 : vector<16xi1>, vector<16xf32>
        %select_n3A_3219 = arith.select %gt3A_3210, %select_n3A_3189, %select_n3A_3218 : vector<16xi1>, vector<16xf32>
        %select_n3A_3220 = arith.select %gt3A_3211, %add3A_3198, %select_n3A_3195 : vector<16xi1>, vector<16xi32>
        %select_n3A_3221 = arith.select %gt3A_3210, %select_n3A_3191, %select_n3A_3220 : vector<16xi1>, vector<16xi32>
        %add3A_3222 = arith.constant 16 : i32
        %add3A_3223 = vector.broadcast %add3A_3222 : i32 to vector<16xi32>
        %add3A_3224 = arith.addi %add3A_3198, %add3A_3223 : vector<16xi32>
        %scan3A_3225 = arith.constant 4 : i32
        %scan3A_3226 = arith.addi %scan3A_3114, %scan3A_3225 : i32
        %mul3A_3227 = arith.constant 16 : i32
        %mul3A_3228 = arith.muli %scan3A_3226, %mul3A_3227 : i32
        %get3A_3229 = arith.constant 0 : i32
        %get3A_3230 = arith.index_cast %get3A_3229 : i32 to index
        %get3A_3231 = arith.index_cast %mul3A_3228 : i32 to index
        %get3A_3232 = tpu.vector_load %arg5[%get3A_3230, %get3A_3231] {strides = array<i32>} : memref<4x1000xf32, #tpu.memory_space<vmem>>, vector<16xf32>,
        %exp3A_3233 = math.exp %get3A_3232 : vector<16xf32>
        %add3A_3234 = arith.addf %add3A_3208, %exp3A_3233 : vector<16xf32>
        %gt3A_3235 = arith.cmpf ogt, %get3A_3232, %select_n3A_3212 : vector<16xf32>
        %gt3A_3236 = arith.cmpf ogt, %get3A_3232, %select_n3A_3215 : vector<16xf32>
        %gt3A_3237 = arith.cmpf ogt, %get3A_3232, %select_n3A_3219 : vector<16xf32>
        %select_n3A_3238 = arith.select %gt3A_3235, %get3A_3232, %select_n3A_3212 : vector<16xi1>, vector<16xf32>
        %select_n3A_3239 = arith.select %gt3A_3235, %add3A_3224, %select_n3A_3213 : vector<16xi1>, vector<16xi32>
        %select_n3A_3240 = arith.select %gt3A_3236, %get3A_3232, %select_n3A_3215 : vector<16xi1>, vector<16xf32>
        %select_n3A_3241 = arith.select %gt3A_3235, %select_n3A_3212, %select_n3A_3240 : vector<16xi1>, vector<16xf32>
        %select_n3A_3242 = arith.select %gt3A_3236, %add3A_3224, %select_n3A_3217 : vector<16xi1>, vector<16xi32>
        %select_n3A_3243 = arith.select %gt3A_3235, %select_n3A_3213, %select_n3A_3242 : vector<16xi1>, vector<16xi32>
        %select_n3A_3244 = arith.select %gt3A_3237, %get3A_3232, %select_n3A_3219 : vector<16xi1>, vector<16xf32>
        %select_n3A_3245 = arith.select %gt3A_3236, %select_n3A_3215, %select_n3A_3244 : vector<16xi1>, vector<16xf32>
        %select_n3A_3246 = arith.select %gt3A_3237, %add3A_3224, %select_n3A_3221 : vector<16xi1>, vector<16xi32>
        %select_n3A_3247 = arith.select %gt3A_3236, %select_n3A_3217, %select_n3A_3246 : vector<16xi1>, vector<16xi32>
        %add3A_3248 = arith.constant 16 : i32
        %add3A_3249 = vector.broadcast %add3A_3248 : i32 to vector<16xi32>
        %add3A_3250 = arith.addi %add3A_3224, %add3A_3249 : vector<16xi32>
        %scan3A_3251 = arith.constant 5 : i32
        %scan3A_3252 = arith.addi %scan3A_3114, %scan3A_3251 : i32
        %mul3A_3253 = arith.constant 16 : i32
        %mul3A_3254 = arith.muli %scan3A_3252, %mul3A_3253 : i32
        %get3A_3255 = arith.constant 0 : i32
        %get3A_3256 = arith.index_cast %get3A_3255 : i32 to index
        %get3A_3257 = arith.index_cast %mul3A_3254 : i32 to index
        %get3A_3258 = tpu.vector_load %arg5[%get3A_3256, %get3A_3257] {strides = array<i32>} : memref<4x1000xf32, #tpu.memory_space<vmem>>, vector<16xf32>,
        %exp3A_3259 = math.exp %get3A_3258 : vector<16xf32>
        %add3A_3260 = arith.addf %add3A_3234, %exp3A_3259 : vector<16xf32>
        %gt3A_3261 = arith.cmpf ogt, %get3A_3258, %select_n3A_3238 : vector<16xf32>
        %gt3A_3262 = arith.cmpf ogt, %get3A_3258, %select_n3A_3241 : vector<16xf32>
        %gt3A_3263 = arith.cmpf ogt, %get3A_3258, %select_n3A_3245 : vector<16xf32>
        %select_n3A_3264 = arith.select %gt3A_3261, %get3A_3258, %select_n3A_3238 : vector<16xi1>, vector<16xf32>
        %select_n3A_3265 = arith.select %gt3A_3261, %add3A_3250, %select_n3A_3239 : vector<16xi1>, vector<16xi32>
        %select_n3A_3266 = arith.select %gt3A_3262, %get3A_3258, %select_n3A_3241 : vector<16xi1>, vector<16xf32>
        %select_n3A_3267 = arith.select %gt3A_3261, %select_n3A_3238, %select_n3A_3266 : vector<16xi1>, vector<16xf32>
        %select_n3A_3268 = arith.select %gt3A_3262, %add3A_3250, %select_n3A_3243 : vector<16xi1>, vector<16xi32>
        %select_n3A_3269 = arith.select %gt3A_3261, %select_n3A_3239, %select_n3A_3268 : vector<16xi1>, vector<16xi32>
        %select_n3A_3270 = arith.select %gt3A_3263, %get3A_3258, %select_n3A_3245 : vector<16xi1>, vector<16xf32>
        %select_n3A_3271 = arith.select %gt3A_3262, %select_n3A_3241, %select_n3A_3270 : vector<16xi1>, vector<16xf32>
        %select_n3A_3272 = arith.select %gt3A_3263, %add3A_3250, %select_n3A_3247 : vector<16xi1>, vector<16xi32>
        %select_n3A_3273 = arith.select %gt3A_3262, %select_n3A_3243, %select_n3A_3272 : vector<16xi1>, vector<16xi32>
        %add3A_3274 = arith.constant 16 : i32
        %add3A_3275 = vector.broadcast %add3A_3274 : i32 to vector<16xi32>
        %add3A_3276 = arith.addi %add3A_3250, %add3A_3275 : vector<16xi32>
        %scan3A_3277 = arith.constant 6 : i32
        %scan3A_3278 = arith.addi %scan3A_3114, %scan3A_3277 : i32
        %mul3A_3279 = arith.constant 16 : i32
        %mul3A_3280 = arith.muli %scan3A_3278, %mul3A_3279 : i32
        %get3A_3281 = arith.constant 0 : i32
        %get3A_3282 = arith.index_cast %get3A_3281 : i32 to index
        %get3A_3283 = arith.index_cast %mul3A_3280 : i32 to index
        %get3A_3284 = tpu.vector_load %arg5[%get3A_3282, %get3A_3283] {strides = array<i32>} : memref<4x1000xf32, #tpu.memory_space<vmem>>, vector<16xf32>,
        %exp3A_3285 = math.exp %get3A_3284 : vector<16xf32>
        %add3A_3286 = arith.addf %add3A_3260, %exp3A_3285 : vector<16xf32>
        %gt3A_3287 = arith.cmpf ogt, %get3A_3284, %select_n3A_3264 : vector<16xf32>
        %gt3A_3288 = arith.cmpf ogt, %get3A_3284, %select_n3A_3267 : vector<16xf32>
        %gt3A_3289 = arith.cmpf ogt, %get3A_3284, %select_n3A_3271 : vector<16xf32>
        %select_n3A_3290 = arith.select %gt3A_3287, %get3A_3284, %select_n3A_3264 : vector<16xi1>, vector<16xf32>
        %select_n3A_3291 = arith.select %gt3A_3287, %add3A_3276, %select_n3A_3265 : vector<16xi1>, vector<16xi32>
        %select_n3A_3292 = arith.select %gt3A_3288, %get3A_3284, %select_n3A_3267 : vector<16xi1>, vector<16xf32>
        %select_n3A_3293 = arith.select %gt3A_3287, %select_n3A_3264, %select_n3A_3292 : vector<16xi1>, vector<16xf32>
        %select_n3A_3294 = arith.select %gt3A_3288, %add3A_3276, %select_n3A_3269 : vector<16xi1>, vector<16xi32>
        %select_n3A_3295 = arith.select %gt3A_3287, %select_n3A_3265, %select_n3A_3294 : vector<16xi1>, vector<16xi32>
        %select_n3A_3296 = arith.select %gt3A_3289, %get3A_3284, %select_n3A_3271 : vector<16xi1>, vector<16xf32>
        %select_n3A_3297 = arith.select %gt3A_3288, %select_n3A_3267, %select_n3A_3296 : vector<16xi1>, vector<16xf32>
        %select_n3A_3298 = arith.select %gt3A_3289, %add3A_3276, %select_n3A_3273 : vector<16xi1>, vector<16xi32>
        %select_n3A_3299 = arith.select %gt3A_3288, %select_n3A_3269, %select_n3A_3298 : vector<16xi1>, vector<16xi32>
        %add3A_3300 = arith.constant 16 : i32
        %add3A_3301 = vector.broadcast %add3A_3300 : i32 to vector<16xi32>
        %add3A_3302 = arith.addi %add3A_3276, %add3A_3301 : vector<16xi32>
        %scan3A_3303 = arith.constant 7 : i32
        %scan3A_3304 = arith.addi %scan3A_3114, %scan3A_3303 : i32
        %mul3A_3305 = arith.constant 16 : i32
        %mul3A_3306 = arith.muli %scan3A_3304, %mul3A_3305 : i32
        %get3A_3307 = arith.constant 0 : i32
        %get3A_3308 = arith.index_cast %get3A_3307 : i32 to index
        %get3A_3309 = arith.index_cast %mul3A_3306 : i32 to index
        %get3A_3310 = tpu.vector_load %arg5[%get3A_3308, %get3A_3309] {strides = array<i32>} : memref<4x1000xf32, #tpu.memory_space<vmem>>, vector<16xf32>,
        %exp3A_3311 = math.exp %get3A_3310 : vector<16xf32>
        %add3A_3312 = arith.addf %add3A_3286, %exp3A_3311 : vector<16xf32>
        %gt3A_3313 = arith.cmpf ogt, %get3A_3310, %select_n3A_3290 : vector<16xf32>
        %gt3A_3314 = arith.cmpf ogt, %get3A_3310, %select_n3A_3293 : vector<16xf32>
        %gt3A_3315 = arith.cmpf ogt, %get3A_3310, %select_n3A_3297 : vector<16xf32>
        %select_n3A_3316 = arith.select %gt3A_3313, %get3A_3310, %select_n3A_3290 : vector<16xi1>, vector<16xf32>
        %select_n3A_3317 = arith.select %gt3A_3313, %add3A_3302, %select_n3A_3291 : vector<16xi1>, vector<16xi32>
        %select_n3A_3318 = arith.select %gt3A_3314, %get3A_3310, %select_n3A_3293 : vector<16xi1>, vector<16xf32>
        %select_n3A_3319 = arith.select %gt3A_3313, %select_n3A_3290, %select_n3A_3318 : vector<16xi1>, vector<16xf32>
        %select_n3A_3320 = arith.select %gt3A_3314, %add3A_3302, %select_n3A_3295 : vector<16xi1>, vector<16xi32>
        %select_n3A_3321 = arith.select %gt3A_3313, %select_n3A_3291, %select_n3A_3320 : vector<16xi1>, vector<16xi32>
        %select_n3A_3322 = arith.select %gt3A_3315, %get3A_3310, %select_n3A_3297 : vector<16xi1>, vector<16xf32>
        %select_n3A_3323 = arith.select %gt3A_3314, %select_n3A_3293, %select_n3A_3322 : vector<16xi1>, vector<16xf32>
        %select_n3A_3324 = arith.select %gt3A_3315, %add3A_3302, %select_n3A_3299 : vector<16xi1>, vector<16xi32>
        %select_n3A_3325 = arith.select %gt3A_3314, %select_n3A_3295, %select_n3A_3324 : vector<16xi1>, vector<16xi32>
        %add3A_3326 = arith.constant 16 : i32
        %add3A_3327 = vector.broadcast %add3A_3326 : i32 to vector<16xi32>
        %add3A_3328 = arith.addi %add3A_3302, %add3A_3327 : vector<16xi32>
        scf.yield %select_n3A_3316, %select_n3A_3319, %select_n3A_3323, %select_n3A_3317, %select_n3A_3321, %select_n3A_3325, %add3A_3312, %add3A_3328 : vector<16xf32>, vector<16xf32>, vector<16xf32>, vector<16xi32>, vector<16xi32>, vector<16xi32>, vector<16xf32>, vector<16xi32>
      }
      %scan3A_12 = arith.constant 56 : i32
      %scan3A_13 = arith.addi %scan3A, %scan3A_12 : i32
      %mul3A_14 = arith.constant 16 : i32
      %mul3A_15 = arith.muli %scan3A_13, %mul3A_14 : i32
      %get3A = arith.constant 0 : i32
      %get3A_16 = arith.index_cast %get3A : i32 to index
      %get3A_17 = arith.index_cast %mul3A_15 : i32 to index
      %get3A_18 = tpu.vector_load %arg5[%get3A_16, %get3A_17] {strides = array<i32>} : memref<4x1000xf32, #tpu.memory_space<vmem>>, vector<16xf32>,
      %exp3A = math.exp %get3A_18 : vector<16xf32>
      %add3A_19 = arith.addf %scan3A_11#6, %exp3A : vector<16xf32>
      %gt3A = arith.cmpf ogt, %get3A_18, %scan3A_11#0 : vector<16xf32>
      %gt3A_20 = arith.cmpf ogt, %get3A_18, %scan3A_11#1 : vector<16xf32>
      %gt3A_21 = arith.cmpf ogt, %get3A_18, %scan3A_11#2 : vector<16xf32>
      %select_n3A = arith.select %gt3A, %get3A_18, %scan3A_11#0 : vector<16xi1>, vector<16xf32>
      %select_n3A_22 = arith.select %gt3A, %scan3A_11#7, %scan3A_11#3 : vector<16xi1>, vector<16xi32>
      %select_n3A_23 = arith.select %gt3A_20, %get3A_18, %scan3A_11#1 : vector<16xi1>, vector<16xf32>
      %select_n3A_24 = arith.select %gt3A, %scan3A_11#0, %select_n3A_23 : vector<16xi1>, vector<16xf32>
      %select_n3A_25 = arith.select %gt3A_20, %scan3A_11#7, %scan3A_11#4 : vector<16xi1>, vector<16xi32>
      %select_n3A_26 = arith.select %gt3A, %scan3A_11#3, %select_n3A_25 : vector<16xi1>, vector<16xi32>
      %select_n3A_27 = arith.select %gt3A_21, %get3A_18, %scan3A_11#2 : vector<16xi1>, vector<16xf32>
      %select_n3A_28 = arith.select %gt3A_20, %scan3A_11#1, %select_n3A_27 : vector<16xi1>, vector<16xf32>
      %select_n3A_29 = arith.select %gt3A_21, %scan3A_11#7, %scan3A_11#5 : vector<16xi1>, vector<16xi32>
      %select_n3A_30 = arith.select %gt3A_20, %scan3A_11#4, %select_n3A_29 : vector<16xi1>, vector<16xi32>
      %add3A_31 = arith.constant 16 : i32
      %add3A_32 = vector.broadcast %add3A_31 : i32 to vector<16xi32>
      %add3A_33 = arith.addi %scan3A_11#7, %add3A_32 : vector<16xi32>
      %scan3A_34 = arith.constant 57 : i32
      %scan3A_35 = arith.addi %scan3A, %scan3A_34 : i32
      %mul3A_36 = arith.constant 16 : i32
      %mul3A_37 = arith.muli %scan3A_35, %mul3A_36 : i32
      %get3A_38 = arith.constant 0 : i32
      %get3A_39 = arith.index_cast %get3A_38 : i32 to index
      %get3A_40 = arith.index_cast %mul3A_37 : i32 to index
      %get3A_41 = tpu.vector_load %arg5[%get3A_39, %get3A_40] {strides = array<i32>} : memref<4x1000xf32, #tpu.memory_space<vmem>>, vector<16xf32>,
      %exp3A_42 = math.exp %get3A_41 : vector<16xf32>
      %add3A_43 = arith.addf %add3A_19, %exp3A_42 : vector<16xf32>
      %gt3A_44 = arith.cmpf ogt, %get3A_41, %select_n3A : vector<16xf32>
      %gt3A_45 = arith.cmpf ogt, %get3A_41, %select_n3A_24 : vector<16xf32>
      %gt3A_46 = arith.cmpf ogt, %get3A_41, %select_n3A_28 : vector<16xf32>
      %select_n3A_47 = arith.select %gt3A_44, %get3A_41, %select_n3A : vector<16xi1>, vector<16xf32>
      %select_n3A_48 = arith.select %gt3A_44, %add3A_33, %select_n3A_22 : vector<16xi1>, vector<16xi32>
      %select_n3A_49 = arith.select %gt3A_45, %get3A_41, %select_n3A_24 : vector<16xi1>, vector<16xf32>
      %select_n3A_50 = arith.select %gt3A_44, %select_n3A, %select_n3A_49 : vector<16xi1>, vector<16xf32>
      %select_n3A_51 = arith.select %gt3A_45, %add3A_33, %select_n3A_26 : vector<16xi1>, vector<16xi32>
      %select_n3A_52 = arith.select %gt3A_44, %select_n3A_22, %select_n3A_51 : vector<16xi1>, vector<16xi32>
      %select_n3A_53 = arith.select %gt3A_46, %get3A_41, %select_n3A_28 : vector<16xi1>, vector<16xf32>
      %select_n3A_54 = arith.select %gt3A_45, %select_n3A_24, %select_n3A_53 : vector<16xi1>, vector<16xf32>
      %select_n3A_55 = arith.select %gt3A_46, %add3A_33, %select_n3A_30 : vector<16xi1>, vector<16xi32>
      %select_n3A_56 = arith.select %gt3A_45, %select_n3A_26, %select_n3A_55 : vector<16xi1>, vector<16xi32>
      %add3A_57 = arith.constant 16 : i32
      %add3A_58 = vector.broadcast %add3A_57 : i32 to vector<16xi32>
      %add3A_59 = arith.addi %add3A_33, %add3A_58 : vector<16xi32>
      %scan3A_60 = arith.constant 58 : i32
      %scan3A_61 = arith.addi %scan3A, %scan3A_60 : i32
      %mul3A_62 = arith.constant 16 : i32
      %mul3A_63 = arith.muli %scan3A_61, %mul3A_62 : i32
      %get3A_64 = arith.constant 0 : i32
      %get3A_65 = arith.index_cast %get3A_64 : i32 to index
      %get3A_66 = arith.index_cast %mul3A_63 : i32 to index
      %get3A_67 = tpu.vector_load %arg5[%get3A_65, %get3A_66] {strides = array<i32>} : memref<4x1000xf32, #tpu.memory_space<vmem>>, vector<16xf32>,
      %exp3A_68 = math.exp %get3A_67 : vector<16xf32>
      %add3A_69 = arith.addf %add3A_43, %exp3A_68 : vector<16xf32>
      %gt3A_70 = arith.cmpf ogt, %get3A_67, %select_n3A_47 : vector<16xf32>
      %gt3A_71 = arith.cmpf ogt, %get3A_67, %select_n3A_50 : vector<16xf32>
      %gt3A_72 = arith.cmpf ogt, %get3A_67, %select_n3A_54 : vector<16xf32>
      %select_n3A_73 = arith.select %gt3A_70, %get3A_67, %select_n3A_47 : vector<16xi1>, vector<16xf32>
      %select_n3A_74 = arith.select %gt3A_70, %add3A_59, %select_n3A_48 : vector<16xi1>, vector<16xi32>
      %select_n3A_75 = arith.select %gt3A_71, %get3A_67, %select_n3A_50 : vector<16xi1>, vector<16xf32>
      %select_n3A_76 = arith.select %gt3A_70, %select_n3A_47, %select_n3A_75 : vector<16xi1>, vector<16xf32>
      %select_n3A_77 = arith.select %gt3A_71, %add3A_59, %select_n3A_52 : vector<16xi1>, vector<16xi32>
      %select_n3A_78 = arith.select %gt3A_70, %select_n3A_48, %select_n3A_77 : vector<16xi1>, vector<16xi32>
      %select_n3A_79 = arith.select %gt3A_72, %get3A_67, %select_n3A_54 : vector<16xi1>, vector<16xf32>
      %select_n3A_80 = arith.select %gt3A_71, %select_n3A_50, %select_n3A_79 : vector<16xi1>, vector<16xf32>
      %select_n3A_81 = arith.select %gt3A_72, %add3A_59, %select_n3A_56 : vector<16xi1>, vector<16xi32>
      %select_n3A_82 = arith.select %gt3A_71, %select_n3A_52, %select_n3A_81 : vector<16xi1>, vector<16xi32>
      %add3A_83 = arith.constant 16 : i32
      %add3A_84 = vector.broadcast %add3A_83 : i32 to vector<16xi32>
      %add3A_85 = arith.addi %add3A_59, %add3A_84 : vector<16xi32>
      %scan3A_86 = arith.constant 59 : i32
      %scan3A_87 = arith.addi %scan3A, %scan3A_86 : i32
      %mul3A_88 = arith.constant 16 : i32
      %mul3A_89 = arith.muli %scan3A_87, %mul3A_88 : i32
      %get3A_90 = arith.constant 0 : i32
      %get3A_91 = arith.index_cast %get3A_90 : i32 to index
      %get3A_92 = arith.index_cast %mul3A_89 : i32 to index
      %get3A_93 = tpu.vector_load %arg5[%get3A_91, %get3A_92] {strides = array<i32>} : memref<4x1000xf32, #tpu.memory_space<vmem>>, vector<16xf32>,
      %exp3A_94 = math.exp %get3A_93 : vector<16xf32>
      %add3A_95 = arith.addf %add3A_69, %exp3A_94 : vector<16xf32>
      %gt3A_96 = arith.cmpf ogt, %get3A_93, %select_n3A_73 : vector<16xf32>
      %gt3A_97 = arith.cmpf ogt, %get3A_93, %select_n3A_76 : vector<16xf32>
      %gt3A_98 = arith.cmpf ogt, %get3A_93, %select_n3A_80 : vector<16xf32>
      %select_n3A_99 = arith.select %gt3A_96, %get3A_93, %select_n3A_73 : vector<16xi1>, vector<16xf32>
      %select_n3A_100 = arith.select %gt3A_96, %add3A_85, %select_n3A_74 : vector<16xi1>, vector<16xi32>
      %select_n3A_101 = arith.select %gt3A_97, %get3A_93, %select_n3A_76 : vector<16xi1>, vector<16xf32>
      %select_n3A_102 = arith.select %gt3A_96, %select_n3A_73, %select_n3A_101 : vector<16xi1>, vector<16xf32>
      %select_n3A_103 = arith.select %gt3A_97, %add3A_85, %select_n3A_78 : vector<16xi1>, vector<16xi32>
      %select_n3A_104 = arith.select %gt3A_96, %select_n3A_74, %select_n3A_103 : vector<16xi1>, vector<16xi32>
      %select_n3A_105 = arith.select %gt3A_98, %get3A_93, %select_n3A_80 : vector<16xi1>, vector<16xf32>
      %select_n3A_106 = arith.select %gt3A_97, %select_n3A_76, %select_n3A_105 : vector<16xi1>, vector<16xf32>
      %select_n3A_107 = arith.select %gt3A_98, %add3A_85, %select_n3A_82 : vector<16xi1>, vector<16xi32>
      %select_n3A_108 = arith.select %gt3A_97, %select_n3A_78, %select_n3A_107 : vector<16xi1>, vector<16xi32>
      %add3A_109 = arith.constant 16 : i32
      %add3A_110 = vector.broadcast %add3A_109 : i32 to vector<16xi32>
      %add3A_111 = arith.addi %add3A_85, %add3A_110 : vector<16xi32>
      %scan3A_112 = arith.constant 60 : i32
      %scan3A_113 = arith.addi %scan3A, %scan3A_112 : i32
      %mul3A_114 = arith.constant 16 : i32
      %mul3A_115 = arith.muli %scan3A_113, %mul3A_114 : i32
      %get3A_116 = arith.constant 0 : i32
      %get3A_117 = arith.index_cast %get3A_116 : i32 to index
      %get3A_118 = arith.index_cast %mul3A_115 : i32 to index
      %get3A_119 = tpu.vector_load %arg5[%get3A_117, %get3A_118] {strides = array<i32>} : memref<4x1000xf32, #tpu.memory_space<vmem>>, vector<16xf32>,
      %exp3A_120 = math.exp %get3A_119 : vector<16xf32>
      %add3A_121 = arith.addf %add3A_95, %exp3A_120 : vector<16xf32>
      %gt3A_122 = arith.cmpf ogt, %get3A_119, %select_n3A_99 : vector<16xf32>
      %gt3A_123 = arith.cmpf ogt, %get3A_119, %select_n3A_102 : vector<16xf32>
      %gt3A_124 = arith.cmpf ogt, %get3A_119, %select_n3A_106 : vector<16xf32>
      %select_n3A_125 = arith.select %gt3A_122, %get3A_119, %select_n3A_99 : vector<16xi1>, vector<16xf32>
      %select_n3A_126 = arith.select %gt3A_122, %add3A_111, %select_n3A_100 : vector<16xi1>, vector<16xi32>
      %select_n3A_127 = arith.select %gt3A_123, %get3A_119, %select_n3A_102 : vector<16xi1>, vector<16xf32>
      %select_n3A_128 = arith.select %gt3A_122, %select_n3A_99, %select_n3A_127 : vector<16xi1>, vector<16xf32>
      %select_n3A_129 = arith.select %gt3A_123, %add3A_111, %select_n3A_104 : vector<16xi1>, vector<16xi32>
      %select_n3A_130 = arith.select %gt3A_122, %select_n3A_100, %select_n3A_129 : vector<16xi1>, vector<16xi32>
      %select_n3A_131 = arith.select %gt3A_124, %get3A_119, %select_n3A_106 : vector<16xi1>, vector<16xf32>
      %select_n3A_132 = arith.select %gt3A_123, %select_n3A_102, %select_n3A_131 : vector<16xi1>, vector<16xf32>
      %select_n3A_133 = arith.select %gt3A_124, %add3A_111, %select_n3A_108 : vector<16xi1>, vector<16xi32>
      %select_n3A_134 = arith.select %gt3A_123, %select_n3A_104, %select_n3A_133 : vector<16xi1>, vector<16xi32>
      %add3A_135 = arith.constant 16 : i32
      %add3A_136 = vector.broadcast %add3A_135 : i32 to vector<16xi32>
      %add3A_137 = arith.addi %add3A_111, %add3A_136 : vector<16xi32>
      %scan3A_138 = arith.constant 61 : i32
      %scan3A_139 = arith.addi %scan3A, %scan3A_138 : i32
      %mul3A_140 = arith.constant 16 : i32
      %mul3A_141 = arith.muli %scan3A_139, %mul3A_140 : i32
      %get3A_142 = arith.constant 0 : i32
      %get3A_143 = arith.index_cast %get3A_142 : i32 to index
      %get3A_144 = arith.index_cast %mul3A_141 : i32 to index
      %get3A_145 = tpu.vector_load %arg5[%get3A_143, %get3A_144] {strides = array<i32>} : memref<4x1000xf32, #tpu.memory_space<vmem>>, vector<16xf32>,
      %exp3A_146 = math.exp %get3A_145 : vector<16xf32>
      %add3A_147 = arith.addf %add3A_121, %exp3A_146 : vector<16xf32>
      %gt3A_148 = arith.cmpf ogt, %get3A_145, %select_n3A_125 : vector<16xf32>
      %gt3A_149 = arith.cmpf ogt, %get3A_145, %select_n3A_128 : vector<16xf32>
      %gt3A_150 = arith.cmpf ogt, %get3A_145, %select_n3A_132 : vector<16xf32>
      %select_n3A_151 = arith.select %gt3A_148, %get3A_145, %select_n3A_125 : vector<16xi1>, vector<16xf32>
      %select_n3A_152 = arith.select %gt3A_148, %add3A_137, %select_n3A_126 : vector<16xi1>, vector<16xi32>
      %select_n3A_153 = arith.select %gt3A_149, %get3A_145, %select_n3A_128 : vector<16xi1>, vector<16xf32>
      %select_n3A_154 = arith.select %gt3A_148, %select_n3A_125, %select_n3A_153 : vector<16xi1>, vector<16xf32>
      %select_n3A_155 = arith.select %gt3A_149, %add3A_137, %select_n3A_130 : vector<16xi1>, vector<16xi32>
      %select_n3A_156 = arith.select %gt3A_148, %select_n3A_126, %select_n3A_155 : vector<16xi1>, vector<16xi32>
      %select_n3A_157 = arith.select %gt3A_150, %get3A_145, %select_n3A_132 : vector<16xi1>, vector<16xf32>
      %select_n3A_158 = arith.select %gt3A_149, %select_n3A_128, %select_n3A_157 : vector<16xi1>, vector<16xf32>
      %select_n3A_159 = arith.select %gt3A_150, %add3A_137, %select_n3A_134 : vector<16xi1>, vector<16xi32>
      %select_n3A_160 = arith.select %gt3A_149, %select_n3A_130, %select_n3A_159 : vector<16xi1>, vector<16xi32>
      %add3A_161 = arith.constant 16 : i32
      %add3A_162 = vector.broadcast %add3A_161 : i32 to vector<16xi32>
      %add3A_163 = arith.addi %add3A_137, %add3A_162 : vector<16xi32>
      %scan3A_164 = arith.constant 62 : i32
      %get3A_165 = arith.constant 0 : i32
      %get3A_166 = arith.index_cast %get3A_165 : i32 to index
      %get3A_167 = arith.constant 984 : index
      %get3A_168 = tpu.vector_load %arg5[%get3A_166, %get3A_167] {strides = array<i32>} : memref<4x1000xf32, #tpu.memory_space<vmem>>, vector<16xf32>,
      %ge3A = arith.constant 8 : i32
      %ge3A_169 = vector.broadcast %ge3A : i32 to vector<16xi32>
      %ge3A_170 = arith.cmpi sge, %iota3A, %ge3A_169 : vector<16xi32>
      %exp3A_171 = math.exp %get3A_168 : vector<16xf32>
      %jit3A = arith.constant 0.000000e+00 : f32
      %broadcast_in_dim3A_172 = vector.broadcast %jit3A : f32 to vector<16xf32>
      %select_n3A_173 = arith.select %ge3A_170, %exp3A_171, %broadcast_in_dim3A_172 : vector<16xi1>, vector<16xf32>
      %add3A_174 = arith.addf %add3A_147, %select_n3A_173 : vector<16xf32>
      %jit3A_175 = arith.constant 0xFF800000 : f32
      %broadcast_in_dim3A_176 = vector.broadcast %jit3A_175 : f32 to vector<16xf32>
      %select_n3A_177 = arith.select %ge3A_170, %get3A_168, %broadcast_in_dim3A_176 : vector<16xi1>, vector<16xf32>
      %add3A_178 = arith.constant 984 : i32
      %add3A_179 = vector.broadcast %add3A_178 : i32 to vector<16xi32>
      %add3A_180 = arith.addi %add3A_179, %iota3A : vector<16xi32>
      %gt3A_181 = arith.cmpf ogt, %select_n3A_177, %select_n3A_151 : vector<16xf32>
      %gt3A_182 = arith.cmpf ogt, %select_n3A_177, %select_n3A_154 : vector<16xf32>
      %gt3A_183 = arith.cmpf ogt, %select_n3A_177, %select_n3A_158 : vector<16xf32>
      %select_n3A_184 = arith.select %gt3A_181, %select_n3A_177, %select_n3A_151 : vector<16xi1>, vector<16xf32>
      %select_n3A_185 = arith.select %gt3A_181, %add3A_180, %select_n3A_152 : vector<16xi1>, vector<16xi32>
      %select_n3A_186 = arith.select %gt3A_182, %select_n3A_177, %select_n3A_154 : vector<16xi1>, vector<16xf32>
      %select_n3A_187 = arith.select %gt3A_181, %select_n3A_151, %select_n3A_186 : vector<16xi1>, vector<16xf32>
      %select_n3A_188 = arith.select %gt3A_182, %add3A_180, %select_n3A_156 : vector<16xi1>, vector<16xi32>
      %select_n3A_189 = arith.select %gt3A_181, %select_n3A_152, %select_n3A_188 : vector<16xi1>, vector<16xi32>
      %select_n3A_190 = arith.select %gt3A_183, %select_n3A_177, %select_n3A_158 : vector<16xi1>, vector<16xf32>
      %select_n3A_191 = arith.select %gt3A_182, %select_n3A_154, %select_n3A_190 : vector<16xi1>, vector<16xf32>
      %select_n3A_192 = arith.select %gt3A_183, %add3A_180, %select_n3A_160 : vector<16xi1>, vector<16xi32>
      %select_n3A_193 = arith.select %gt3A_182, %select_n3A_156, %select_n3A_192 : vector<16xi1>, vector<16xi32>
      %max3A = arith.maximumf %select_n3A_184, %select_n3A_187 : vector<16xf32>
      %max3A_194 = arith.maximumf %max3A, %select_n3A_191 : vector<16xf32>
      %reduce_max3A = arith.constant true
      %reduce_max3A_195 = vector.broadcast %reduce_max3A : i1 to vector<16xi1>
      %reduce_max3A_196 = tpu.scan <max>, %max3A_194 masked %reduce_max3A_195 : vector<16xf32>, vector<16xi1> -> vector<16xf32>
      %reduce_max3A_197 = vector.extract %reduce_max3A_196[15] : f32 from vector<16xf32>
      %broadcast_in_dim3A_198 = arith.constant 1048576 : i32
      %broadcast_in_dim3A_199 = vector.broadcast %broadcast_in_dim3A_198 : i32 to vector<16xi32>
      %eq3A = vector.broadcast %reduce_max3A_197 : f32 to vector<16xf32>
      %eq3A_200 = arith.cmpf oeq, %select_n3A_184, %eq3A : vector<16xf32>
      %jit3A_201 = arith.constant 1048576 : i32
      %broadcast_in_dim3A_202 = vector.broadcast %jit3A_201 : i32 to vector<16xi32>
      %select_n3A_203 = arith.select %eq3A_200, %select_n3A_185, %broadcast_in_dim3A_202 : vector<16xi1>, vector<16xi32>
      %min3A = arith.minsi %broadcast_in_dim3A_199, %select_n3A_203 : vector<16xi32>
      %eq3A_204 = vector.broadcast %reduce_max3A_197 : f32 to vector<16xf32>
      %eq3A_205 = arith.cmpf oeq, %select_n3A_187, %eq3A_204 : vector<16xf32>
      %jit3A_206 = arith.constant 1048576 : i32
      %broadcast_in_dim3A_207 = vector.broadcast %jit3A_206 : i32 to vector<16xi32>
      %select_n3A_208 = arith.select %eq3A_205, %select_n3A_189, %broadcast_in_dim3A_207 : vector<16xi1>, vector<16xi32>
      %min3A_209 = arith.minsi %min3A, %select_n3A_208 : vector<16xi32>
      %eq3A_210 = vector.broadcast %reduce_max3A_197 : f32 to vector<16xf32>
      %eq3A_211 = arith.cmpf oeq, %select_n3A_191, %eq3A_210 : vector<16xf32>
      %jit3A_212 = arith.constant 1048576 : i32
      %broadcast_in_dim3A_213 = vector.broadcast %jit3A_212 : i32 to vector<16xi32>
      %select_n3A_214 = arith.select %eq3A_211, %select_n3A_193, %broadcast_in_dim3A_213 : vector<16xi1>, vector<16xi32>
      %min3A_215 = arith.minsi %min3A_209, %select_n3A_214 : vector<16xi32>
      %reduce_min3A = arith.constant true
      %reduce_min3A_216 = vector.broadcast %reduce_min3A : i1 to vector<16xi1>
      %reduce_min3A_217 = arith.constant -2147483648 : i32
      %reduce_min3A_218 = vector.broadcast %reduce_min3A_217 : i32 to vector<16xi32>
      %reduce_min3A_219 = arith.xori %min3A_215, %reduce_min3A_218 : vector<16xi32>
      %reduce_min3A_220 = tpu.scan <min>, %reduce_min3A_219 masked %reduce_min3A_216 : vector<16xi32>, vector<16xi1> -> vector<16xi32>
      %reduce_min3A_221 = arith.xori %reduce_min3A_220, %reduce_min3A_218 : vector<16xi32>
      %reduce_min3A_222 = vector.extract %reduce_min3A_221[15] : i32 from vector<16xi32>
      %eq3A_223 = vector.broadcast %reduce_max3A_197 : f32 to vector<16xf32>
      %eq3A_224 = arith.cmpf oeq, %select_n3A_184, %eq3A_223 : vector<16xf32>
      %eq3A_225 = vector.broadcast %reduce_min3A_222 : i32 to vector<16xi32>
      %eq3A_226 = arith.cmpi eq, %select_n3A_185, %eq3A_225 : vector<16xi32>
      %and3A = arith.andi %eq3A_224, %eq3A_226 : vector<16xi1>
      %jit3A_227 = arith.constant 0xFF800000 : f32
      %broadcast_in_dim3A_228 = vector.broadcast %jit3A_227 : f32 to vector<16xf32>
      %select_n3A_229 = arith.select %and3A, %broadcast_in_dim3A_228, %select_n3A_184 : vector<16xi1>, vector<16xf32>
      %eq3A_230 = vector.broadcast %reduce_max3A_197 : f32 to vector<16xf32>
      %eq3A_231 = arith.cmpf oeq, %select_n3A_187, %eq3A_230 : vector<16xf32>
      %eq3A_232 = vector.broadcast %reduce_min3A_222 : i32 to vector<16xi32>
      %eq3A_233 = arith.cmpi eq, %select_n3A_189, %eq3A_232 : vector<16xi32>
      %and3A_234 = arith.andi %eq3A_231, %eq3A_233 : vector<16xi1>
      %jit3A_235 = arith.constant 0xFF800000 : f32
      %broadcast_in_dim3A_236 = vector.broadcast %jit3A_235 : f32 to vector<16xf32>
      %select_n3A_237 = arith.select %and3A_234, %broadcast_in_dim3A_236, %select_n3A_187 : vector<16xi1>, vector<16xf32>
      %eq3A_238 = vector.broadcast %reduce_max3A_197 : f32 to vector<16xf32>
      %eq3A_239 = arith.cmpf oeq, %select_n3A_191, %eq3A_238 : vector<16xf32>
      %eq3A_240 = vector.broadcast %reduce_min3A_222 : i32 to vector<16xi32>
      %eq3A_241 = arith.cmpi eq, %select_n3A_193, %eq3A_240 : vector<16xi32>
      %and3A_242 = arith.andi %eq3A_239, %eq3A_241 : vector<16xi1>
      %jit3A_243 = arith.constant 0xFF800000 : f32
      %broadcast_in_dim3A_244 = vector.broadcast %jit3A_243 : f32 to vector<16xf32>
      %select_n3A_245 = arith.select %and3A_242, %broadcast_in_dim3A_244, %select_n3A_191 : vector<16xi1>, vector<16xf32>
      %max3A_246 = arith.maximumf %select_n3A_229, %select_n3A_237 : vector<16xf32>
      %max3A_247 = arith.maximumf %max3A_246, %select_n3A_245 : vector<16xf32>
      %reduce_max3A_248 = arith.constant true
      %reduce_max3A_249 = vector.broadcast %reduce_max3A_248 : i1 to vector<16xi1>
      %reduce_max3A_250 = tpu.scan <max>, %max3A_247 masked %reduce_max3A_249 : vector<16xf32>, vector<16xi1> -> vector<16xf32>
      %reduce_max3A_251 = vector.extract %reduce_max3A_250[15] : f32 from vector<16xf32>
      %broadcast_in_dim3A_252 = arith.constant 1048576 : i32
      %broadcast_in_dim3A_253 = vector.broadcast %broadcast_in_dim3A_252 : i32 to vector<16xi32>
      %eq3A_254 = vector.broadcast %reduce_max3A_251 : f32 to vector<16xf32>
      %eq3A_255 = arith.cmpf oeq, %select_n3A_229, %eq3A_254 : vector<16xf32>
      %jit3A_256 = arith.constant 1048576 : i32
      %broadcast_in_dim3A_257 = vector.broadcast %jit3A_256 : i32 to vector<16xi32>
      %select_n3A_258 = arith.select %eq3A_255, %select_n3A_185, %broadcast_in_dim3A_257 : vector<16xi1>, vector<16xi32>
      %min3A_259 = arith.minsi %broadcast_in_dim3A_253, %select_n3A_258 : vector<16xi32>
      %eq3A_260 = vector.broadcast %reduce_max3A_251 : f32 to vector<16xf32>
      %eq3A_261 = arith.cmpf oeq, %select_n3A_237, %eq3A_260 : vector<16xf32>
      %jit3A_262 = arith.constant 1048576 : i32
      %broadcast_in_dim3A_263 = vector.broadcast %jit3A_262 : i32 to vector<16xi32>
      %select_n3A_264 = arith.select %eq3A_261, %select_n3A_189, %broadcast_in_dim3A_263 : vector<16xi1>, vector<16xi32>
      %min3A_265 = arith.minsi %min3A_259, %select_n3A_264 : vector<16xi32>
      %eq3A_266 = vector.broadcast %reduce_max3A_251 : f32 to vector<16xf32>
      %eq3A_267 = arith.cmpf oeq, %select_n3A_245, %eq3A_266 : vector<16xf32>
      %jit3A_268 = arith.constant 1048576 : i32
      %broadcast_in_dim3A_269 = vector.broadcast %jit3A_268 : i32 to vector<16xi32>
      %select_n3A_270 = arith.select %eq3A_267, %select_n3A_193, %broadcast_in_dim3A_269 : vector<16xi1>, vector<16xi32>
      %min3A_271 = arith.minsi %min3A_265, %select_n3A_270 : vector<16xi32>
      %reduce_min3A_272 = arith.constant true
      %reduce_min3A_273 = vector.broadcast %reduce_min3A_272 : i1 to vector<16xi1>
      %reduce_min3A_274 = arith.constant -2147483648 : i32
      %reduce_min3A_275 = vector.broadcast %reduce_min3A_274 : i32 to vector<16xi32>
      %reduce_min3A_276 = arith.xori %min3A_271, %reduce_min3A_275 : vector<16xi32>
      %reduce_min3A_277 = tpu.scan <min>, %reduce_min3A_276 masked %reduce_min3A_273 : vector<16xi32>, vector<16xi1> -> vector<16xi32>
      %reduce_min3A_278 = arith.xori %reduce_min3A_277, %reduce_min3A_275 : vector<16xi32>
      %reduce_min3A_279 = vector.extract %reduce_min3A_278[15] : i32 from vector<16xi32>
      %eq3A_280 = vector.broadcast %reduce_max3A_251 : f32 to vector<16xf32>
      %eq3A_281 = arith.cmpf oeq, %select_n3A_229, %eq3A_280 : vector<16xf32>
      %eq3A_282 = vector.broadcast %reduce_min3A_279 : i32 to vector<16xi32>
      %eq3A_283 = arith.cmpi eq, %select_n3A_185, %eq3A_282 : vector<16xi32>
      %and3A_284 = arith.andi %eq3A_281, %eq3A_283 : vector<16xi1>
      %jit3A_285 = arith.constant 0xFF800000 : f32
      %broadcast_in_dim3A_286 = vector.broadcast %jit3A_285 : f32 to vector<16xf32>
      %select_n3A_287 = arith.select %and3A_284, %broadcast_in_dim3A_286, %select_n3A_229 : vector<16xi1>, vector<16xf32>
      %eq3A_288 = vector.broadcast %reduce_max3A_251 : f32 to vector<16xf32>
      %eq3A_289 = arith.cmpf oeq, %select_n3A_237, %eq3A_288 : vector<16xf32>
      %eq3A_290 = vector.broadcast %reduce_min3A_279 : i32 to vector<16xi32>
      %eq3A_291 = arith.cmpi eq, %select_n3A_189, %eq3A_290 : vector<16xi32>
      %and3A_292 = arith.andi %eq3A_289, %eq3A_291 : vector<16xi1>
      %jit3A_293 = arith.constant 0xFF800000 : f32
      %broadcast_in_dim3A_294 = vector.broadcast %jit3A_293 : f32 to vector<16xf32>
      %select_n3A_295 = arith.select %and3A_292, %broadcast_in_dim3A_294, %select_n3A_237 : vector<16xi1>, vector<16xf32>
      %eq3A_296 = vector.broadcast %reduce_max3A_251 : f32 to vector<16xf32>
      %eq3A_297 = arith.cmpf oeq, %select_n3A_245, %eq3A_296 : vector<16xf32>
      %eq3A_298 = vector.broadcast %reduce_min3A_279 : i32 to vector<16xi32>
      %eq3A_299 = arith.cmpi eq, %select_n3A_193, %eq3A_298 : vector<16xi32>
      %and3A_300 = arith.andi %eq3A_297, %eq3A_299 : vector<16xi1>
      %jit3A_301 = arith.constant 0xFF800000 : f32
      %broadcast_in_dim3A_302 = vector.broadcast %jit3A_301 : f32 to vector<16xf32>
      %select_n3A_303 = arith.select %and3A_300, %broadcast_in_dim3A_302, %select_n3A_245 : vector<16xi1>, vector<16xf32>
      %max3A_304 = arith.maximumf %select_n3A_287, %select_n3A_295 : vector<16xf32>
      %max3A_305 = arith.maximumf %max3A_304, %select_n3A_303 : vector<16xf32>
      %reduce_max3A_306 = arith.constant true
      %reduce_max3A_307 = vector.broadcast %reduce_max3A_306 : i1 to vector<16xi1>
      %reduce_max3A_308 = tpu.scan <max>, %max3A_305 masked %reduce_max3A_307 : vector<16xf32>, vector<16xi1> -> vector<16xf32>
      %reduce_max3A_309 = vector.extract %reduce_max3A_308[15] : f32 from vector<16xf32>
      %broadcast_in_dim3A_310 = arith.constant 1048576 : i32
      %broadcast_in_dim3A_311 = vector.broadcast %broadcast_in_dim3A_310 : i32 to vector<16xi32>
      %eq3A_312 = vector.broadcast %reduce_max3A_309 : f32 to vector<16xf32>
      %eq3A_313 = arith.cmpf oeq, %select_n3A_287, %eq3A_312 : vector<16xf32>
      %jit3A_314 = arith.constant 1048576 : i32
      %broadcast_in_dim3A_315 = vector.broadcast %jit3A_314 : i32 to vector<16xi32>
      %select_n3A_316 = arith.select %eq3A_313, %select_n3A_185, %broadcast_in_dim3A_315 : vector<16xi1>, vector<16xi32>
      %min3A_317 = arith.minsi %broadcast_in_dim3A_311, %select_n3A_316 : vector<16xi32>
      %eq3A_318 = vector.broadcast %reduce_max3A_309 : f32 to vector<16xf32>
      %eq3A_319 = arith.cmpf oeq, %select_n3A_295, %eq3A_318 : vector<16xf32>
      %jit3A_320 = arith.constant 1048576 : i32
      %broadcast_in_dim3A_321 = vector.broadcast %jit3A_320 : i32 to vector<16xi32>
      %select_n3A_322 = arith.select %eq3A_319, %select_n3A_189, %broadcast_in_dim3A_321 : vector<16xi1>, vector<16xi32>
      %min3A_323 = arith.minsi %min3A_317, %select_n3A_322 : vector<16xi32>
      %eq3A_324 = vector.broadcast %reduce_max3A_309 : f32 to vector<16xf32>
      %eq3A_325 = arith.cmpf oeq, %select_n3A_303, %eq3A_324 : vector<16xf32>
      %jit3A_326 = arith.constant 1048576 : i32
      %broadcast_in_dim3A_327 = vector.broadcast %jit3A_326 : i32 to vector<16xi32>
      %select_n3A_328 = arith.select %eq3A_325, %select_n3A_193, %broadcast_in_dim3A_327 : vector<16xi1>, vector<16xi32>
      %min3A_329 = arith.minsi %min3A_323, %select_n3A_328 : vector<16xi32>
      %reduce_min3A_330 = arith.constant true
      %reduce_min3A_331 = vector.broadcast %reduce_min3A_330 : i1 to vector<16xi1>
      %reduce_min3A_332 = arith.constant -2147483648 : i32
      %reduce_min3A_333 = vector.broadcast %reduce_min3A_332 : i32 to vector<16xi32>
      %reduce_min3A_334 = arith.xori %min3A_329, %reduce_min3A_333 : vector<16xi32>
      %reduce_min3A_335 = tpu.scan <min>, %reduce_min3A_334 masked %reduce_min3A_331 : vector<16xi32>, vector<16xi1> -> vector<16xi32>
      %reduce_min3A_336 = arith.xori %reduce_min3A_335, %reduce_min3A_333 : vector<16xi32>
      %reduce_min3A_337 = vector.extract %reduce_min3A_336[15] : i32 from vector<16xi32>
      %eq3A_338 = vector.broadcast %reduce_max3A_309 : f32 to vector<16xf32>
      %eq3A_339 = arith.cmpf oeq, %select_n3A_287, %eq3A_338 : vector<16xf32>
      %eq3A_340 = vector.broadcast %reduce_min3A_337 : i32 to vector<16xi32>
      %eq3A_341 = arith.cmpi eq, %select_n3A_185, %eq3A_340 : vector<16xi32>
      %and3A_342 = arith.andi %eq3A_339, %eq3A_341 : vector<16xi1>
      %jit3A_343 = arith.constant 0xFF800000 : f32
      %broadcast_in_dim3A_344 = vector.broadcast %jit3A_343 : f32 to vector<16xf32>
      %select_n3A_345 = arith.select %and3A_342, %broadcast_in_dim3A_344, %select_n3A_287 : vector<16xi1>, vector<16xf32>
      %eq3A_346 = vector.broadcast %reduce_max3A_309 : f32 to vector<16xf32>
      %eq3A_347 = arith.cmpf oeq, %select_n3A_295, %eq3A_346 : vector<16xf32>
      %eq3A_348 = vector.broadcast %reduce_min3A_337 : i32 to vector<16xi32>
      %eq3A_349 = arith.cmpi eq, %select_n3A_189, %eq3A_348 : vector<16xi32>
      %and3A_350 = arith.andi %eq3A_347, %eq3A_349 : vector<16xi1>
      %jit3A_351 = arith.constant 0xFF800000 : f32
      %broadcast_in_dim3A_352 = vector.broadcast %jit3A_351 : f32 to vector<16xf32>
      %select_n3A_353 = arith.select %and3A_350, %broadcast_in_dim3A_352, %select_n3A_295 : vector<16xi1>, vector<16xf32>
      %eq3A_354 = vector.broadcast %reduce_max3A_309 : f32 to vector<16xf32>
      %eq3A_355 = arith.cmpf oeq, %select_n3A_303, %eq3A_354 : vector<16xf32>
      %eq3A_356 = vector.broadcast %reduce_min3A_337 : i32 to vector<16xi32>
      %eq3A_357 = arith.cmpi eq, %select_n3A_193, %eq3A_356 : vector<16xi32>
      %and3A_358 = arith.andi %eq3A_355, %eq3A_357 : vector<16xi1>
      %jit3A_359 = arith.constant 0xFF800000 : f32
      %broadcast_in_dim3A_360 = vector.broadcast %jit3A_359 : f32 to vector<16xf32>
      %select_n3A_361 = arith.select %and3A_358, %broadcast_in_dim3A_360, %select_n3A_303 : vector<16xi1>, vector<16xf32>
      %reduce_sum3A = arith.constant true
      %reduce_sum3A_362 = vector.broadcast %reduce_sum3A : i1 to vector<16xi1>
      %reduce_sum3A_363 = tpu.scan <sum>, %add3A_174 masked %reduce_sum3A_362 : vector<16xf32>, vector<16xi1> -> vector<16xf32>
      %reduce_sum3A_364 = vector.extract %reduce_sum3A_363[15] : f32 from vector<16xf32>
      %scan3A_365 = arith.constant 0 : i32
      %scan3A_366 = arith.constant 56 : i32
      %scan3A_367 = arith.addi %scan3A_365, %scan3A_366 : i32
      %scan3A_368 = arith.constant 8 : i32
      %scan3A_369:8 = scf.for %scan3A_3114 = %scan3A_365 to %scan3A_367 step %scan3A_368 iter_args(%scan3A_3115 = %broadcast_in_dim3A_3, %scan3A_3116 = %broadcast_in_dim3A_3, %scan3A_3117 = %broadcast_in_dim3A_3, %scan3A_3118 = %broadcast_in_dim3A_5, %scan3A_3119 = %broadcast_in_dim3A_5, %scan3A_3120 = %broadcast_in_dim3A_5, %scan3A_3121 = %broadcast_in_dim3A_7, %scan3A_3122 = %iota3A) -> (vector<16xf32>, vector<16xf32>, vector<16xf32>, vector<16xi32>, vector<16xi32>, vector<16xi32>, vector<16xf32>, vector<16xi32>)  : i32 {
        %mul3A_3123 = arith.constant 16 : i32
        %mul3A_3124 = arith.muli %scan3A_3114, %mul3A_3123 : i32
        %get3A_3125 = arith.constant 1 : i32
        %get3A_3126 = arith.index_cast %get3A_3125 : i32 to index
        %get3A_3127 = arith.index_cast %mul3A_3124 : i32 to index
        %get3A_3128 = tpu.vector_load %arg5[%get3A_3126, %get3A_3127] {strides = array<i32>} : memref<4x1000xf32, #tpu.memory_space<vmem>>, vector<16xf32>,
        %exp3A_3129 = math.exp %get3A_3128 : vector<16xf32>
        %add3A_3130 = arith.addf %scan3A_3121, %exp3A_3129 : vector<16xf32>
        %gt3A_3131 = arith.cmpf ogt, %get3A_3128, %scan3A_3115 : vector<16xf32>
        %gt3A_3132 = arith.cmpf ogt, %get3A_3128, %scan3A_3116 : vector<16xf32>
        %gt3A_3133 = arith.cmpf ogt, %get3A_3128, %scan3A_3117 : vector<16xf32>
        %select_n3A_3134 = arith.select %gt3A_3131, %get3A_3128, %scan3A_3115 : vector<16xi1>, vector<16xf32>
        %select_n3A_3135 = arith.select %gt3A_3131, %scan3A_3122, %scan3A_3118 : vector<16xi1>, vector<16xi32>
        %select_n3A_3136 = arith.select %gt3A_3132, %get3A_3128, %scan3A_3116 : vector<16xi1>, vector<16xf32>
        %select_n3A_3137 = arith.select %gt3A_3131, %scan3A_3115, %select_n3A_3136 : vector<16xi1>, vector<16xf32>
        %select_n3A_3138 = arith.select %gt3A_3132, %scan3A_3122, %scan3A_3119 : vector<16xi1>, vector<16xi32>
        %select_n3A_3139 = arith.select %gt3A_3131, %scan3A_3118, %select_n3A_3138 : vector<16xi1>, vector<16xi32>
        %select_n3A_3140 = arith.select %gt3A_3133, %get3A_3128, %scan3A_3117 : vector<16xi1>, vector<16xf32>
        %select_n3A_3141 = arith.select %gt3A_3132, %scan3A_3116, %select_n3A_3140 : vector<16xi1>, vector<16xf32>
        %select_n3A_3142 = arith.select %gt3A_3133, %scan3A_3122, %scan3A_3120 : vector<16xi1>, vector<16xi32>
        %select_n3A_3143 = arith.select %gt3A_3132, %scan3A_3119, %select_n3A_3142 : vector<16xi1>, vector<16xi32>
        %add3A_3144 = arith.constant 16 : i32
        %add3A_3145 = vector.broadcast %add3A_3144 : i32 to vector<16xi32>
        %add3A_3146 = arith.addi %scan3A_3122, %add3A_3145 : vector<16xi32>
        %scan3A_3147 = arith.constant 1 : i32
        %scan3A_3148 = arith.addi %scan3A_3114, %scan3A_3147 : i32
        %mul3A_3149 = arith.constant 16 : i32
        %mul3A_3150 = arith.muli %scan3A_3148, %mul3A_3149 : i32
        %get3A_3151 = arith.constant 1 : i32
        %get3A_3152 = arith.index_cast %get3A_3151 : i32 to index
        %get3A_3153 = arith.index_cast %mul3A_3150 : i32 to index
        %get3A_3154 = tpu.vector_load %arg5[%get3A_3152, %get3A_3153] {strides = array<i32>} : memref<4x1000xf32, #tpu.memory_space<vmem>>, vector<16xf32>,
        %exp3A_3155 = math.exp %get3A_3154 : vector<16xf32>
        %add3A_3156 = arith.addf %add3A_3130, %exp3A_3155 : vector<16xf32>
        %gt3A_3157 = arith.cmpf ogt, %get3A_3154, %select_n3A_3134 : vector<16xf32>
        %gt3A_3158 = arith.cmpf ogt, %get3A_3154, %select_n3A_3137 : vector<16xf32>
        %gt3A_3159 = arith.cmpf ogt, %get3A_3154, %select_n3A_3141 : vector<16xf32>
        %select_n3A_3160 = arith.select %gt3A_3157, %get3A_3154, %select_n3A_3134 : vector<16xi1>, vector<16xf32>
        %select_n3A_3161 = arith.select %gt3A_3157, %add3A_3146, %select_n3A_3135 : vector<16xi1>, vector<16xi32>
        %select_n3A_3162 = arith.select %gt3A_3158, %get3A_3154, %select_n3A_3137 : vector<16xi1>, vector<16xf32>
        %select_n3A_3163 = arith.select %gt3A_3157, %select_n3A_3134, %select_n3A_3162 : vector<16xi1>, vector<16xf32>
        %select_n3A_3164 = arith.select %gt3A_3158, %add3A_3146, %select_n3A_3139 : vector<16xi1>, vector<16xi32>
        %select_n3A_3165 = arith.select %gt3A_3157, %select_n3A_3135, %select_n3A_3164 : vector<16xi1>, vector<16xi32>
        %select_n3A_3166 = arith.select %gt3A_3159, %get3A_3154, %select_n3A_3141 : vector<16xi1>, vector<16xf32>
        %select_n3A_3167 = arith.select %gt3A_3158, %select_n3A_3137, %select_n3A_3166 : vector<16xi1>, vector<16xf32>
        %select_n3A_3168 = arith.select %gt3A_3159, %add3A_3146, %select_n3A_3143 : vector<16xi1>, vector<16xi32>
        %select_n3A_3169 = arith.select %gt3A_3158, %select_n3A_3139, %select_n3A_3168 : vector<16xi1>, vector<16xi32>
        %add3A_3170 = arith.constant 16 : i32
        %add3A_3171 = vector.broadcast %add3A_3170 : i32 to vector<16xi32>
        %add3A_3172 = arith.addi %add3A_3146, %add3A_3171 : vector<16xi32>
        %scan3A_3173 = arith.constant 2 : i32
        %scan3A_3174 = arith.addi %scan3A_3114, %scan3A_3173 : i32
        %mul3A_3175 = arith.constant 16 : i32
        %mul3A_3176 = arith.muli %scan3A_3174, %mul3A_3175 : i32
        %get3A_3177 = arith.constant 1 : i32
        %get3A_3178 = arith.index_cast %get3A_3177 : i32 to index
        %get3A_3179 = arith.index_cast %mul3A_3176 : i32 to index
        %get3A_3180 = tpu.vector_load %arg5[%get3A_3178, %get3A_3179] {strides = array<i32>} : memref<4x1000xf32, #tpu.memory_space<vmem>>, vector<16xf32>,
        %exp3A_3181 = math.exp %get3A_3180 : vector<16xf32>
        %add3A_3182 = arith.addf %add3A_3156, %exp3A_3181 : vector<16xf32>
        %gt3A_3183 = arith.cmpf ogt, %get3A_3180, %select_n3A_3160 : vector<16xf32>
        %gt3A_3184 = arith.cmpf ogt, %get3A_3180, %select_n3A_3163 : vector<16xf32>
        %gt3A_3185 = arith.cmpf ogt, %get3A_3180, %select_n3A_3167 : vector<16xf32>
        %select_n3A_3186 = arith.select %gt3A_3183, %get3A_3180, %select_n3A_3160 : vector<16xi1>, vector<16xf32>
        %select_n3A_3187 = arith.select %gt3A_3183, %add3A_3172, %select_n3A_3161 : vector<16xi1>, vector<16xi32>
        %select_n3A_3188 = arith.select %gt3A_3184, %get3A_3180, %select_n3A_3163 : vector<16xi1>, vector<16xf32>
        %select_n3A_3189 = arith.select %gt3A_3183, %select_n3A_3160, %select_n3A_3188 : vector<16xi1>, vector<16xf32>
        %select_n3A_3190 = arith.select %gt3A_3184, %add3A_3172, %select_n3A_3165 : vector<16xi1>, vector<16xi32>
        %select_n3A_3191 = arith.select %gt3A_3183, %select_n3A_3161, %select_n3A_3190 : vector<16xi1>, vector<16xi32>
        %select_n3A_3192 = arith.select %gt3A_3185, %get3A_3180, %select_n3A_3167 : vector<16xi1>, vector<16xf32>
        %select_n3A_3193 = arith.select %gt3A_3184, %select_n3A_3163, %select_n3A_3192 : vector<16xi1>, vector<16xf32>
        %select_n3A_3194 = arith.select %gt3A_3185, %add3A_3172, %select_n3A_3169 : vector<16xi1>, vector<16xi32>
        %select_n3A_3195 = arith.select %gt3A_3184, %select_n3A_3165, %select_n3A_3194 : vector<16xi1>, vector<16xi32>
        %add3A_3196 = arith.constant 16 : i32
        %add3A_3197 = vector.broadcast %add3A_3196 : i32 to vector<16xi32>
        %add3A_3198 = arith.addi %add3A_3172, %add3A_3197 : vector<16xi32>
        %scan3A_3199 = arith.constant 3 : i32
        %scan3A_3200 = arith.addi %scan3A_3114, %scan3A_3199 : i32
        %mul3A_3201 = arith.constant 16 : i32
        %mul3A_3202 = arith.muli %scan3A_3200, %mul3A_3201 : i32
        %get3A_3203 = arith.constant 1 : i32
        %get3A_3204 = arith.index_cast %get3A_3203 : i32 to index
        %get3A_3205 = arith.index_cast %mul3A_3202 : i32 to index
        %get3A_3206 = tpu.vector_load %arg5[%get3A_3204, %get3A_3205] {strides = array<i32>} : memref<4x1000xf32, #tpu.memory_space<vmem>>, vector<16xf32>,
        %exp3A_3207 = math.exp %get3A_3206 : vector<16xf32>
        %add3A_3208 = arith.addf %add3A_3182, %exp3A_3207 : vector<16xf32>
        %gt3A_3209 = arith.cmpf ogt, %get3A_3206, %select_n3A_3186 : vector<16xf32>
        %gt3A_3210 = arith.cmpf ogt, %get3A_3206, %select_n3A_3189 : vector<16xf32>
        %gt3A_3211 = arith.cmpf ogt, %get3A_3206, %select_n3A_3193 : vector<16xf32>
        %select_n3A_3212 = arith.select %gt3A_3209, %get3A_3206, %select_n3A_3186 : vector<16xi1>, vector<16xf32>
        %select_n3A_3213 = arith.select %gt3A_3209, %add3A_3198, %select_n3A_3187 : vector<16xi1>, vector<16xi32>
        %select_n3A_3214 = arith.select %gt3A_3210, %get3A_3206, %select_n3A_3189 : vector<16xi1>, vector<16xf32>
        %select_n3A_3215 = arith.select %gt3A_3209, %select_n3A_3186, %select_n3A_3214 : vector<16xi1>, vector<16xf32>
        %select_n3A_3216 = arith.select %gt3A_3210, %add3A_3198, %select_n3A_3191 : vector<16xi1>, vector<16xi32>
        %select_n3A_3217 = arith.select %gt3A_3209, %select_n3A_3187, %select_n3A_3216 : vector<16xi1>, vector<16xi32>
        %select_n3A_3218 = arith.select %gt3A_3211, %get3A_3206, %select_n3A_3193 : vector<16xi1>, vector<16xf32>
        %select_n3A_3219 = arith.select %gt3A_3210, %select_n3A_3189, %select_n3A_3218 : vector<16xi1>, vector<16xf32>
        %select_n3A_3220 = arith.select %gt3A_3211, %add3A_3198, %select_n3A_3195 : vector<16xi1>, vector<16xi32>
        %select_n3A_3221 = arith.select %gt3A_3210, %select_n3A_3191, %select_n3A_3220 : vector<16xi1>, vector<16xi32>
        %add3A_3222 = arith.constant 16 : i32
        %add3A_3223 = vector.broadcast %add3A_3222 : i32 to vector<16xi32>
        %add3A_3224 = arith.addi %add3A_3198, %add3A_3223 : vector<16xi32>
        %scan3A_3225 = arith.constant 4 : i32
        %scan3A_3226 = arith.addi %scan3A_3114, %scan3A_3225 : i32
        %mul3A_3227 = arith.constant 16 : i32
        %mul3A_3228 = arith.muli %scan3A_3226, %mul3A_3227 : i32
        %get3A_3229 = arith.constant 1 : i32
        %get3A_3230 = arith.index_cast %get3A_3229 : i32 to index
        %get3A_3231 = arith.index_cast %mul3A_3228 : i32 to index
        %get3A_3232 = tpu.vector_load %arg5[%get3A_3230, %get3A_3231] {strides = array<i32>} : memref<4x1000xf32, #tpu.memory_space<vmem>>, vector<16xf32>,
        %exp3A_3233 = math.exp %get3A_3232 : vector<16xf32>
        %add3A_3234 = arith.addf %add3A_3208, %exp3A_3233 : vector<16xf32>
        %gt3A_3235 = arith.cmpf ogt, %get3A_3232, %select_n3A_3212 : vector<16xf32>
        %gt3A_3236 = arith.cmpf ogt, %get3A_3232, %select_n3A_3215 : vector<16xf32>
        %gt3A_3237 = arith.cmpf ogt, %get3A_3232, %select_n3A_3219 : vector<16xf32>
        %select_n3A_3238 = arith.select %gt3A_3235, %get3A_3232, %select_n3A_3212 : vector<16xi1>, vector<16xf32>
        %select_n3A_3239 = arith.select %gt3A_3235, %add3A_3224, %select_n3A_3213 : vector<16xi1>, vector<16xi32>
        %select_n3A_3240 = arith.select %gt3A_3236, %get3A_3232, %select_n3A_3215 : vector<16xi1>, vector<16xf32>
        %select_n3A_3241 = arith.select %gt3A_3235, %select_n3A_3212, %select_n3A_3240 : vector<16xi1>, vector<16xf32>
        %select_n3A_3242 = arith.select %gt3A_3236, %add3A_3224, %select_n3A_3217 : vector<16xi1>, vector<16xi32>
        %select_n3A_3243 = arith.select %gt3A_3235, %select_n3A_3213, %select_n3A_3242 : vector<16xi1>, vector<16xi32>
        %select_n3A_3244 = arith.select %gt3A_3237, %get3A_3232, %select_n3A_3219 : vector<16xi1>, vector<16xf32>
        %select_n3A_3245 = arith.select %gt3A_3236, %select_n3A_3215, %select_n3A_3244 : vector<16xi1>, vector<16xf32>
        %select_n3A_3246 = arith.select %gt3A_3237, %add3A_3224, %select_n3A_3221 : vector<16xi1>, vector<16xi32>
        %select_n3A_3247 = arith.select %gt3A_3236, %select_n3A_3217, %select_n3A_3246 : vector<16xi1>, vector<16xi32>
        %add3A_3248 = arith.constant 16 : i32
        %add3A_3249 = vector.broadcast %add3A_3248 : i32 to vector<16xi32>
        %add3A_3250 = arith.addi %add3A_3224, %add3A_3249 : vector<16xi32>
        %scan3A_3251 = arith.constant 5 : i32
        %scan3A_3252 = arith.addi %scan3A_3114, %scan3A_3251 : i32
        %mul3A_3253 = arith.constant 16 : i32
        %mul3A_3254 = arith.muli %scan3A_3252, %mul3A_3253 : i32
        %get3A_3255 = arith.constant 1 : i32
        %get3A_3256 = arith.index_cast %get3A_3255 : i32 to index
        %get3A_3257 = arith.index_cast %mul3A_3254 : i32 to index
        %get3A_3258 = tpu.vector_load %arg5[%get3A_3256, %get3A_3257] {strides = array<i32>} : memref<4x1000xf32, #tpu.memory_space<vmem>>, vector<16xf32>,
        %exp3A_3259 = math.exp %get3A_3258 : vector<16xf32>
        %add3A_3260 = arith.addf %add3A_3234, %exp3A_3259 : vector<16xf32>
        %gt3A_3261 = arith.cmpf ogt, %get3A_3258, %select_n3A_3238 : vector<16xf32>
        %gt3A_3262 = arith.cmpf ogt, %get3A_3258, %select_n3A_3241 : vector<16xf32>
        %gt3A_3263 = arith.cmpf ogt, %get3A_3258, %select_n3A_3245 : vector<16xf32>
        %select_n3A_3264 = arith.select %gt3A_3261, %get3A_3258, %select_n3A_3238 : vector<16xi1>, vector<16xf32>
        %select_n3A_3265 = arith.select %gt3A_3261, %add3A_3250, %select_n3A_3239 : vector<16xi1>, vector<16xi32>
        %select_n3A_3266 = arith.select %gt3A_3262, %get3A_3258, %select_n3A_3241 : vector<16xi1>, vector<16xf32>
        %select_n3A_3267 = arith.select %gt3A_3261, %select_n3A_3238, %select_n3A_3266 : vector<16xi1>, vector<16xf32>
        %select_n3A_3268 = arith.select %gt3A_3262, %add3A_3250, %select_n3A_3243 : vector<16xi1>, vector<16xi32>
        %select_n3A_3269 = arith.select %gt3A_3261, %select_n3A_3239, %select_n3A_3268 : vector<16xi1>, vector<16xi32>
        %select_n3A_3270 = arith.select %gt3A_3263, %get3A_3258, %select_n3A_3245 : vector<16xi1>, vector<16xf32>
        %select_n3A_3271 = arith.select %gt3A_3262, %select_n3A_3241, %select_n3A_3270 : vector<16xi1>, vector<16xf32>
        %select_n3A_3272 = arith.select %gt3A_3263, %add3A_3250, %select_n3A_3247 : vector<16xi1>, vector<16xi32>
        %select_n3A_3273 = arith.select %gt3A_3262, %select_n3A_3243, %select_n3A_3272 : vector<16xi1>, vector<16xi32>
        %add3A_3274 = arith.constant 16 : i32
        %add3A_3275 = vector.broadcast %add3A_3274 : i32 to vector<16xi32>
        %add3A_3276 = arith.addi %add3A_3250, %add3A_3275 : vector<16xi32>
        %scan3A_3277 = arith.constant 6 : i32
        %scan3A_3278 = arith.addi %scan3A_3114, %scan3A_3277 : i32
        %mul3A_3279 = arith.constant 16 : i32
        %mul3A_3280 = arith.muli %scan3A_3278, %mul3A_3279 : i32
        %get3A_3281 = arith.constant 1 : i32
        %get3A_3282 = arith.index_cast %get3A_3281 : i32 to index
        %get3A_3283 = arith.index_cast %mul3A_3280 : i32 to index
        %get3A_3284 = tpu.vector_load %arg5[%get3A_3282, %get3A_3283] {strides = array<i32>} : memref<4x1000xf32, #tpu.memory_space<vmem>>, vector<16xf32>,
        %exp3A_3285 = math.exp %get3A_3284 : vector<16xf32>
        %add3A_3286 = arith.addf %add3A_3260, %exp3A_3285 : vector<16xf32>
        %gt3A_3287 = arith.cmpf ogt, %get3A_3284, %select_n3A_3264 : vector<16xf32>
        %gt3A_3288 = arith.cmpf ogt, %get3A_3284, %select_n3A_3267 : vector<16xf32>
        %gt3A_3289 = arith.cmpf ogt, %get3A_3284, %select_n3A_3271 : vector<16xf32>
        %select_n3A_3290 = arith.select %gt3A_3287, %get3A_3284, %select_n3A_3264 : vector<16xi1>, vector<16xf32>
        %select_n3A_3291 = arith.select %gt3A_3287, %add3A_3276, %select_n3A_3265 : vector<16xi1>, vector<16xi32>
        %select_n3A_3292 = arith.select %gt3A_3288, %get3A_3284, %select_n3A_3267 : vector<16xi1>, vector<16xf32>
        %select_n3A_3293 = arith.select %gt3A_3287, %select_n3A_3264, %select_n3A_3292 : vector<16xi1>, vector<16xf32>
        %select_n3A_3294 = arith.select %gt3A_3288, %add3A_3276, %select_n3A_3269 : vector<16xi1>, vector<16xi32>
        %select_n3A_3295 = arith.select %gt3A_3287, %select_n3A_3265, %select_n3A_3294 : vector<16xi1>, vector<16xi32>
        %select_n3A_3296 = arith.select %gt3A_3289, %get3A_3284, %select_n3A_3271 : vector<16xi1>, vector<16xf32>
        %select_n3A_3297 = arith.select %gt3A_3288, %select_n3A_3267, %select_n3A_3296 : vector<16xi1>, vector<16xf32>
        %select_n3A_3298 = arith.select %gt3A_3289, %add3A_3276, %select_n3A_3273 : vector<16xi1>, vector<16xi32>
        %select_n3A_3299 = arith.select %gt3A_3288, %select_n3A_3269, %select_n3A_3298 : vector<16xi1>, vector<16xi32>
        %add3A_3300 = arith.constant 16 : i32
        %add3A_3301 = vector.broadcast %add3A_3300 : i32 to vector<16xi32>
        %add3A_3302 = arith.addi %add3A_3276, %add3A_3301 : vector<16xi32>
        %scan3A_3303 = arith.constant 7 : i32
        %scan3A_3304 = arith.addi %scan3A_3114, %scan3A_3303 : i32
        %mul3A_3305 = arith.constant 16 : i32
        %mul3A_3306 = arith.muli %scan3A_3304, %mul3A_3305 : i32
        %get3A_3307 = arith.constant 1 : i32
        %get3A_3308 = arith.index_cast %get3A_3307 : i32 to index
        %get3A_3309 = arith.index_cast %mul3A_3306 : i32 to index
        %get3A_3310 = tpu.vector_load %arg5[%get3A_3308, %get3A_3309] {strides = array<i32>} : memref<4x1000xf32, #tpu.memory_space<vmem>>, vector<16xf32>,
        %exp3A_3311 = math.exp %get3A_3310 : vector<16xf32>
        %add3A_3312 = arith.addf %add3A_3286, %exp3A_3311 : vector<16xf32>
        %gt3A_3313 = arith.cmpf ogt, %get3A_3310, %select_n3A_3290 : vector<16xf32>
        %gt3A_3314 = arith.cmpf ogt, %get3A_3310, %select_n3A_3293 : vector<16xf32>
        %gt3A_3315 = arith.cmpf ogt, %get3A_3310, %select_n3A_3297 : vector<16xf32>
        %select_n3A_3316 = arith.select %gt3A_3313, %get3A_3310, %select_n3A_3290 : vector<16xi1>, vector<16xf32>
        %select_n3A_3317 = arith.select %gt3A_3313, %add3A_3302, %select_n3A_3291 : vector<16xi1>, vector<16xi32>
        %select_n3A_3318 = arith.select %gt3A_3314, %get3A_3310, %select_n3A_3293 : vector<16xi1>, vector<16xf32>
        %select_n3A_3319 = arith.select %gt3A_3313, %select_n3A_3290, %select_n3A_3318 : vector<16xi1>, vector<16xf32>
        %select_n3A_3320 = arith.select %gt3A_3314, %add3A_3302, %select_n3A_3295 : vector<16xi1>, vector<16xi32>
        %select_n3A_3321 = arith.select %gt3A_3313, %select_n3A_3291, %select_n3A_3320 : vector<16xi1>, vector<16xi32>
        %select_n3A_3322 = arith.select %gt3A_3315, %get3A_3310, %select_n3A_3297 : vector<16xi1>, vector<16xf32>
        %select_n3A_3323 = arith.select %gt3A_3314, %select_n3A_3293, %select_n3A_3322 : vector<16xi1>, vector<16xf32>
        %select_n3A_3324 = arith.select %gt3A_3315, %add3A_3302, %select_n3A_3299 : vector<16xi1>, vector<16xi32>
        %select_n3A_3325 = arith.select %gt3A_3314, %select_n3A_3295, %select_n3A_3324 : vector<16xi1>, vector<16xi32>
        %add3A_3326 = arith.constant 16 : i32
        %add3A_3327 = vector.broadcast %add3A_3326 : i32 to vector<16xi32>
        %add3A_3328 = arith.addi %add3A_3302, %add3A_3327 : vector<16xi32>
        scf.yield %select_n3A_3316, %select_n3A_3319, %select_n3A_3323, %select_n3A_3317, %select_n3A_3321, %select_n3A_3325, %add3A_3312, %add3A_3328 : vector<16xf32>, vector<16xf32>, vector<16xf32>, vector<16xi32>, vector<16xi32>, vector<16xi32>, vector<16xf32>, vector<16xi32>
      }
      %scan3A_370 = arith.constant 56 : i32
      %scan3A_371 = arith.addi %scan3A_365, %scan3A_370 : i32
      %mul3A_372 = arith.constant 16 : i32
      %mul3A_373 = arith.muli %scan3A_371, %mul3A_372 : i32
      %get3A_374 = arith.constant 1 : i32
      %get3A_375 = arith.index_cast %get3A_374 : i32 to index
      %get3A_376 = arith.index_cast %mul3A_373 : i32 to index
      %get3A_377 = tpu.vector_load %arg5[%get3A_375, %get3A_376] {strides = array<i32>} : memref<4x1000xf32, #tpu.memory_space<vmem>>, vector<16xf32>,
      %exp3A_378 = math.exp %get3A_377 : vector<16xf32>
      %add3A_379 = arith.addf %scan3A_369#6, %exp3A_378 : vector<16xf32>
      %gt3A_380 = arith.cmpf ogt, %get3A_377, %scan3A_369#0 : vector<16xf32>
      %gt3A_381 = arith.cmpf ogt, %get3A_377, %scan3A_369#1 : vector<16xf32>
      %gt3A_382 = arith.cmpf ogt, %get3A_377, %scan3A_369#2 : vector<16xf32>
      %select_n3A_383 = arith.select %gt3A_380, %get3A_377, %scan3A_369#0 : vector<16xi1>, vector<16xf32>
      %select_n3A_384 = arith.select %gt3A_380, %scan3A_369#7, %scan3A_369#3 : vector<16xi1>, vector<16xi32>
      %select_n3A_385 = arith.select %gt3A_381, %get3A_377, %scan3A_369#1 : vector<16xi1>, vector<16xf32>
      %select_n3A_386 = arith.select %gt3A_380, %scan3A_369#0, %select_n3A_385 : vector<16xi1>, vector<16xf32>
      %select_n3A_387 = arith.select %gt3A_381, %scan3A_369#7, %scan3A_369#4 : vector<16xi1>, vector<16xi32>
      %select_n3A_388 = arith.select %gt3A_380, %scan3A_369#3, %select_n3A_387 : vector<16xi1>, vector<16xi32>
      %select_n3A_389 = arith.select %gt3A_382, %get3A_377, %scan3A_369#2 : vector<16xi1>, vector<16xf32>
      %select_n3A_390 = arith.select %gt3A_381, %scan3A_369#1, %select_n3A_389 : vector<16xi1>, vector<16xf32>
      %select_n3A_391 = arith.select %gt3A_382, %scan3A_369#7, %scan3A_369#5 : vector<16xi1>, vector<16xi32>
      %select_n3A_392 = arith.select %gt3A_381, %scan3A_369#4, %select_n3A_391 : vector<16xi1>, vector<16xi32>
      %add3A_393 = arith.constant 16 : i32
      %add3A_394 = vector.broadcast %add3A_393 : i32 to vector<16xi32>
      %add3A_395 = arith.addi %scan3A_369#7, %add3A_394 : vector<16xi32>
      %scan3A_396 = arith.constant 57 : i32
      %scan3A_397 = arith.addi %scan3A_365, %scan3A_396 : i32
      %mul3A_398 = arith.constant 16 : i32
      %mul3A_399 = arith.muli %scan3A_397, %mul3A_398 : i32
      %get3A_400 = arith.constant 1 : i32
      %get3A_401 = arith.index_cast %get3A_400 : i32 to index
      %get3A_402 = arith.index_cast %mul3A_399 : i32 to index
      %get3A_403 = tpu.vector_load %arg5[%get3A_401, %get3A_402] {strides = array<i32>} : memref<4x1000xf32, #tpu.memory_space<vmem>>, vector<16xf32>,
      %exp3A_404 = math.exp %get3A_403 : vector<16xf32>
      %add3A_405 = arith.addf %add3A_379, %exp3A_404 : vector<16xf32>
      %gt3A_406 = arith.cmpf ogt, %get3A_403, %select_n3A_383 : vector<16xf32>
      %gt3A_407 = arith.cmpf ogt, %get3A_403, %select_n3A_386 : vector<16xf32>
      %gt3A_408 = arith.cmpf ogt, %get3A_403, %select_n3A_390 : vector<16xf32>
      %select_n3A_409 = arith.select %gt3A_406, %get3A_403, %select_n3A_383 : vector<16xi1>, vector<16xf32>
      %select_n3A_410 = arith.select %gt3A_406, %add3A_395, %select_n3A_384 : vector<16xi1>, vector<16xi32>
      %select_n3A_411 = arith.select %gt3A_407, %get3A_403, %select_n3A_386 : vector<16xi1>, vector<16xf32>
      %select_n3A_412 = arith.select %gt3A_406, %select_n3A_383, %select_n3A_411 : vector<16xi1>, vector<16xf32>
      %select_n3A_413 = arith.select %gt3A_407, %add3A_395, %select_n3A_388 : vector<16xi1>, vector<16xi32>
      %select_n3A_414 = arith.select %gt3A_406, %select_n3A_384, %select_n3A_413 : vector<16xi1>, vector<16xi32>
      %select_n3A_415 = arith.select %gt3A_408, %get3A_403, %select_n3A_390 : vector<16xi1>, vector<16xf32>
      %select_n3A_416 = arith.select %gt3A_407, %select_n3A_386, %select_n3A_415 : vector<16xi1>, vector<16xf32>
      %select_n3A_417 = arith.select %gt3A_408, %add3A_395, %select_n3A_392 : vector<16xi1>, vector<16xi32>
      %select_n3A_418 = arith.select %gt3A_407, %select_n3A_388, %select_n3A_417 : vector<16xi1>, vector<16xi32>
      %add3A_419 = arith.constant 16 : i32
      %add3A_420 = vector.broadcast %add3A_419 : i32 to vector<16xi32>
      %add3A_421 = arith.addi %add3A_395, %add3A_420 : vector<16xi32>
      %scan3A_422 = arith.constant 58 : i32
      %scan3A_423 = arith.addi %scan3A_365, %scan3A_422 : i32
      %mul3A_424 = arith.constant 16 : i32
      %mul3A_425 = arith.muli %scan3A_423, %mul3A_424 : i32
      %get3A_426 = arith.constant 1 : i32
      %get3A_427 = arith.index_cast %get3A_426 : i32 to index
      %get3A_428 = arith.index_cast %mul3A_425 : i32 to index
      %get3A_429 = tpu.vector_load %arg5[%get3A_427, %get3A_428] {strides = array<i32>} : memref<4x1000xf32, #tpu.memory_space<vmem>>, vector<16xf32>,
      %exp3A_430 = math.exp %get3A_429 : vector<16xf32>
      %add3A_431 = arith.addf %add3A_405, %exp3A_430 : vector<16xf32>
      %gt3A_432 = arith.cmpf ogt, %get3A_429, %select_n3A_409 : vector<16xf32>
      %gt3A_433 = arith.cmpf ogt, %get3A_429, %select_n3A_412 : vector<16xf32>
      %gt3A_434 = arith.cmpf ogt, %get3A_429, %select_n3A_416 : vector<16xf32>
      %select_n3A_435 = arith.select %gt3A_432, %get3A_429, %select_n3A_409 : vector<16xi1>, vector<16xf32>
      %select_n3A_436 = arith.select %gt3A_432, %add3A_421, %select_n3A_410 : vector<16xi1>, vector<16xi32>
      %select_n3A_437 = arith.select %gt3A_433, %get3A_429, %select_n3A_412 : vector<16xi1>, vector<16xf32>
      %select_n3A_438 = arith.select %gt3A_432, %select_n3A_409, %select_n3A_437 : vector<16xi1>, vector<16xf32>
      %select_n3A_439 = arith.select %gt3A_433, %add3A_421, %select_n3A_414 : vector<16xi1>, vector<16xi32>
      %select_n3A_440 = arith.select %gt3A_432, %select_n3A_410, %select_n3A_439 : vector<16xi1>, vector<16xi32>
      %select_n3A_441 = arith.select %gt3A_434, %get3A_429, %select_n3A_416 : vector<16xi1>, vector<16xf32>
      %select_n3A_442 = arith.select %gt3A_433, %select_n3A_412, %select_n3A_441 : vector<16xi1>, vector<16xf32>
      %select_n3A_443 = arith.select %gt3A_434, %add3A_421, %select_n3A_418 : vector<16xi1>, vector<16xi32>
      %select_n3A_444 = arith.select %gt3A_433, %select_n3A_414, %select_n3A_443 : vector<16xi1>, vector<16xi32>
      %add3A_445 = arith.constant 16 : i32
      %add3A_446 = vector.broadcast %add3A_445 : i32 to vector<16xi32>
      %add3A_447 = arith.addi %add3A_421, %add3A_446 : vector<16xi32>
      %scan3A_448 = arith.constant 59 : i32
      %scan3A_449 = arith.addi %scan3A_365, %scan3A_448 : i32
      %mul3A_450 = arith.constant 16 : i32
      %mul3A_451 = arith.muli %scan3A_449, %mul3A_450 : i32
      %get3A_452 = arith.constant 1 : i32
      %get3A_453 = arith.index_cast %get3A_452 : i32 to index
      %get3A_454 = arith.index_cast %mul3A_451 : i32 to index
      %get3A_455 = tpu.vector_load %arg5[%get3A_453, %get3A_454] {strides = array<i32>} : memref<4x1000xf32, #tpu.memory_space<vmem>>, vector<16xf32>,
      %exp3A_456 = math.exp %get3A_455 : vector<16xf32>
      %add3A_457 = arith.addf %add3A_431, %exp3A_456 : vector<16xf32>
      %gt3A_458 = arith.cmpf ogt, %get3A_455, %select_n3A_435 : vector<16xf32>
      %gt3A_459 = arith.cmpf ogt, %get3A_455, %select_n3A_438 : vector<16xf32>
      %gt3A_460 = arith.cmpf ogt, %get3A_455, %select_n3A_442 : vector<16xf32>
      %select_n3A_461 = arith.select %gt3A_458, %get3A_455, %select_n3A_435 : vector<16xi1>, vector<16xf32>
      %select_n3A_462 = arith.select %gt3A_458, %add3A_447, %select_n3A_436 : vector<16xi1>, vector<16xi32>
      %select_n3A_463 = arith.select %gt3A_459, %get3A_455, %select_n3A_438 : vector<16xi1>, vector<16xf32>
      %select_n3A_464 = arith.select %gt3A_458, %select_n3A_435, %select_n3A_463 : vector<16xi1>, vector<16xf32>
      %select_n3A_465 = arith.select %gt3A_459, %add3A_447, %select_n3A_440 : vector<16xi1>, vector<16xi32>
      %select_n3A_466 = arith.select %gt3A_458, %select_n3A_436, %select_n3A_465 : vector<16xi1>, vector<16xi32>
      %select_n3A_467 = arith.select %gt3A_460, %get3A_455, %select_n3A_442 : vector<16xi1>, vector<16xf32>
      %select_n3A_468 = arith.select %gt3A_459, %select_n3A_438, %select_n3A_467 : vector<16xi1>, vector<16xf32>
      %select_n3A_469 = arith.select %gt3A_460, %add3A_447, %select_n3A_444 : vector<16xi1>, vector<16xi32>
      %select_n3A_470 = arith.select %gt3A_459, %select_n3A_440, %select_n3A_469 : vector<16xi1>, vector<16xi32>
      %add3A_471 = arith.constant 16 : i32
      %add3A_472 = vector.broadcast %add3A_471 : i32 to vector<16xi32>
      %add3A_473 = arith.addi %add3A_447, %add3A_472 : vector<16xi32>
      %scan3A_474 = arith.constant 60 : i32
      %scan3A_475 = arith.addi %scan3A_365, %scan3A_474 : i32
      %mul3A_476 = arith.constant 16 : i32
      %mul3A_477 = arith.muli %scan3A_475, %mul3A_476 : i32
      %get3A_478 = arith.constant 1 : i32
      %get3A_479 = arith.index_cast %get3A_478 : i32 to index
      %get3A_480 = arith.index_cast %mul3A_477 : i32 to index
      %get3A_481 = tpu.vector_load %arg5[%get3A_479, %get3A_480] {strides = array<i32>} : memref<4x1000xf32, #tpu.memory_space<vmem>>, vector<16xf32>,
      %exp3A_482 = math.exp %get3A_481 : vector<16xf32>
      %add3A_483 = arith.addf %add3A_457, %exp3A_482 : vector<16xf32>
      %gt3A_484 = arith.cmpf ogt, %get3A_481, %select_n3A_461 : vector<16xf32>
      %gt3A_485 = arith.cmpf ogt, %get3A_481, %select_n3A_464 : vector<16xf32>
      %gt3A_486 = arith.cmpf ogt, %get3A_481, %select_n3A_468 : vector<16xf32>
      %select_n3A_487 = arith.select %gt3A_484, %get3A_481, %select_n3A_461 : vector<16xi1>, vector<16xf32>
      %select_n3A_488 = arith.select %gt3A_484, %add3A_473, %select_n3A_462 : vector<16xi1>, vector<16xi32>
      %select_n3A_489 = arith.select %gt3A_485, %get3A_481, %select_n3A_464 : vector<16xi1>, vector<16xf32>
      %select_n3A_490 = arith.select %gt3A_484, %select_n3A_461, %select_n3A_489 : vector<16xi1>, vector<16xf32>
      %select_n3A_491 = arith.select %gt3A_485, %add3A_473, %select_n3A_466 : vector<16xi1>, vector<16xi32>
      %select_n3A_492 = arith.select %gt3A_484, %select_n3A_462, %select_n3A_491 : vector<16xi1>, vector<16xi32>
      %select_n3A_493 = arith.select %gt3A_486, %get3A_481, %select_n3A_468 : vector<16xi1>, vector<16xf32>
      %select_n3A_494 = arith.select %gt3A_485, %select_n3A_464, %select_n3A_493 : vector<16xi1>, vector<16xf32>
      %select_n3A_495 = arith.select %gt3A_486, %add3A_473, %select_n3A_470 : vector<16xi1>, vector<16xi32>
      %select_n3A_496 = arith.select %gt3A_485, %select_n3A_466, %select_n3A_495 : vector<16xi1>, vector<16xi32>
      %add3A_497 = arith.constant 16 : i32
      %add3A_498 = vector.broadcast %add3A_497 : i32 to vector<16xi32>
      %add3A_499 = arith.addi %add3A_473, %add3A_498 : vector<16xi32>
      %scan3A_500 = arith.constant 61 : i32
      %scan3A_501 = arith.addi %scan3A_365, %scan3A_500 : i32
      %mul3A_502 = arith.constant 16 : i32
      %mul3A_503 = arith.muli %scan3A_501, %mul3A_502 : i32
      %get3A_504 = arith.constant 1 : i32
      %get3A_505 = arith.index_cast %get3A_504 : i32 to index
      %get3A_506 = arith.index_cast %mul3A_503 : i32 to index
      %get3A_507 = tpu.vector_load %arg5[%get3A_505, %get3A_506] {strides = array<i32>} : memref<4x1000xf32, #tpu.memory_space<vmem>>, vector<16xf32>,
      %exp3A_508 = math.exp %get3A_507 : vector<16xf32>
      %add3A_509 = arith.addf %add3A_483, %exp3A_508 : vector<16xf32>
      %gt3A_510 = arith.cmpf ogt, %get3A_507, %select_n3A_487 : vector<16xf32>
      %gt3A_511 = arith.cmpf ogt, %get3A_507, %select_n3A_490 : vector<16xf32>
      %gt3A_512 = arith.cmpf ogt, %get3A_507, %select_n3A_494 : vector<16xf32>
      %select_n3A_513 = arith.select %gt3A_510, %get3A_507, %select_n3A_487 : vector<16xi1>, vector<16xf32>
      %select_n3A_514 = arith.select %gt3A_510, %add3A_499, %select_n3A_488 : vector<16xi1>, vector<16xi32>
      %select_n3A_515 = arith.select %gt3A_511, %get3A_507, %select_n3A_490 : vector<16xi1>, vector<16xf32>
      %select_n3A_516 = arith.select %gt3A_510, %select_n3A_487, %select_n3A_515 : vector<16xi1>, vector<16xf32>
      %select_n3A_517 = arith.select %gt3A_511, %add3A_499, %select_n3A_492 : vector<16xi1>, vector<16xi32>
      %select_n3A_518 = arith.select %gt3A_510, %select_n3A_488, %select_n3A_517 : vector<16xi1>, vector<16xi32>
      %select_n3A_519 = arith.select %gt3A_512, %get3A_507, %select_n3A_494 : vector<16xi1>, vector<16xf32>
      %select_n3A_520 = arith.select %gt3A_511, %select_n3A_490, %select_n3A_519 : vector<16xi1>, vector<16xf32>
      %select_n3A_521 = arith.select %gt3A_512, %add3A_499, %select_n3A_496 : vector<16xi1>, vector<16xi32>
      %select_n3A_522 = arith.select %gt3A_511, %select_n3A_492, %select_n3A_521 : vector<16xi1>, vector<16xi32>
      %add3A_523 = arith.constant 16 : i32
      %add3A_524 = vector.broadcast %add3A_523 : i32 to vector<16xi32>
      %add3A_525 = arith.addi %add3A_499, %add3A_524 : vector<16xi32>
      %scan3A_526 = arith.constant 62 : i32
      %get3A_527 = arith.constant 1 : i32
      %get3A_528 = arith.index_cast %get3A_527 : i32 to index
      %get3A_529 = arith.constant 984 : index
      %get3A_530 = tpu.vector_load %arg5[%get3A_528, %get3A_529] {strides = array<i32>} : memref<4x1000xf32, #tpu.memory_space<vmem>>, vector<16xf32>,
      %ge3A_531 = arith.constant 8 : i32
      %ge3A_532 = vector.broadcast %ge3A_531 : i32 to vector<16xi32>
      %ge3A_533 = arith.cmpi sge, %iota3A, %ge3A_532 : vector<16xi32>
      %exp3A_534 = math.exp %get3A_530 : vector<16xf32>
      %jit3A_535 = arith.constant 0.000000e+00 : f32
      %broadcast_in_dim3A_536 = vector.broadcast %jit3A_535 : f32 to vector<16xf32>
      %select_n3A_537 = arith.select %ge3A_533, %exp3A_534, %broadcast_in_dim3A_536 : vector<16xi1>, vector<16xf32>
      %add3A_538 = arith.addf %add3A_509, %select_n3A_537 : vector<16xf32>
      %jit3A_539 = arith.constant 0xFF800000 : f32
      %broadcast_in_dim3A_540 = vector.broadcast %jit3A_539 : f32 to vector<16xf32>
      %select_n3A_541 = arith.select %ge3A_533, %get3A_530, %broadcast_in_dim3A_540 : vector<16xi1>, vector<16xf32>
      %add3A_542 = arith.constant 984 : i32
      %add3A_543 = vector.broadcast %add3A_542 : i32 to vector<16xi32>
      %add3A_544 = arith.addi %add3A_543, %iota3A : vector<16xi32>
      %gt3A_545 = arith.cmpf ogt, %select_n3A_541, %select_n3A_513 : vector<16xf32>
      %gt3A_546 = arith.cmpf ogt, %select_n3A_541, %select_n3A_516 : vector<16xf32>
      %gt3A_547 = arith.cmpf ogt, %select_n3A_541, %select_n3A_520 : vector<16xf32>
      %select_n3A_548 = arith.select %gt3A_545, %select_n3A_541, %select_n3A_513 : vector<16xi1>, vector<16xf32>
      %select_n3A_549 = arith.select %gt3A_545, %add3A_544, %select_n3A_514 : vector<16xi1>, vector<16xi32>
      %select_n3A_550 = arith.select %gt3A_546, %select_n3A_541, %select_n3A_516 : vector<16xi1>, vector<16xf32>
      %select_n3A_551 = arith.select %gt3A_545, %select_n3A_513, %select_n3A_550 : vector<16xi1>, vector<16xf32>
      %select_n3A_552 = arith.select %gt3A_546, %add3A_544, %select_n3A_518 : vector<16xi1>, vector<16xi32>
      %select_n3A_553 = arith.select %gt3A_545, %select_n3A_514, %select_n3A_552 : vector<16xi1>, vector<16xi32>
      %select_n3A_554 = arith.select %gt3A_547, %select_n3A_541, %select_n3A_520 : vector<16xi1>, vector<16xf32>
      %select_n3A_555 = arith.select %gt3A_546, %select_n3A_516, %select_n3A_554 : vector<16xi1>, vector<16xf32>
      %select_n3A_556 = arith.select %gt3A_547, %add3A_544, %select_n3A_522 : vector<16xi1>, vector<16xi32>
      %select_n3A_557 = arith.select %gt3A_546, %select_n3A_518, %select_n3A_556 : vector<16xi1>, vector<16xi32>
      %max3A_558 = arith.maximumf %select_n3A_548, %select_n3A_551 : vector<16xf32>
      %max3A_559 = arith.maximumf %max3A_558, %select_n3A_555 : vector<16xf32>
      %reduce_max3A_560 = arith.constant true
      %reduce_max3A_561 = vector.broadcast %reduce_max3A_560 : i1 to vector<16xi1>
      %reduce_max3A_562 = tpu.scan <max>, %max3A_559 masked %reduce_max3A_561 : vector<16xf32>, vector<16xi1> -> vector<16xf32>
      %reduce_max3A_563 = vector.extract %reduce_max3A_562[15] : f32 from vector<16xf32>
      %broadcast_in_dim3A_564 = arith.constant 1048576 : i32
      %broadcast_in_dim3A_565 = vector.broadcast %broadcast_in_dim3A_564 : i32 to vector<16xi32>
      %eq3A_566 = vector.broadcast %reduce_max3A_563 : f32 to vector<16xf32>
      %eq3A_567 = arith.cmpf oeq, %select_n3A_548, %eq3A_566 : vector<16xf32>
      %jit3A_568 = arith.constant 1048576 : i32
      %broadcast_in_dim3A_569 = vector.broadcast %jit3A_568 : i32 to vector<16xi32>
      %select_n3A_570 = arith.select %eq3A_567, %select_n3A_549, %broadcast_in_dim3A_569 : vector<16xi1>, vector<16xi32>
      %min3A_571 = arith.minsi %broadcast_in_dim3A_565, %select_n3A_570 : vector<16xi32>
      %eq3A_572 = vector.broadcast %reduce_max3A_563 : f32 to vector<16xf32>
      %eq3A_573 = arith.cmpf oeq, %select_n3A_551, %eq3A_572 : vector<16xf32>
      %jit3A_574 = arith.constant 1048576 : i32
      %broadcast_in_dim3A_575 = vector.broadcast %jit3A_574 : i32 to vector<16xi32>
      %select_n3A_576 = arith.select %eq3A_573, %select_n3A_553, %broadcast_in_dim3A_575 : vector<16xi1>, vector<16xi32>
      %min3A_577 = arith.minsi %min3A_571, %select_n3A_576 : vector<16xi32>
      %eq3A_578 = vector.broadcast %reduce_max3A_563 : f32 to vector<16xf32>
      %eq3A_579 = arith.cmpf oeq, %select_n3A_555, %eq3A_578 : vector<16xf32>
      %jit3A_580 = arith.constant 1048576 : i32
      %broadcast_in_dim3A_581 = vector.broadcast %jit3A_580 : i32 to vector<16xi32>
      %select_n3A_582 = arith.select %eq3A_579, %select_n3A_557, %broadcast_in_dim3A_581 : vector<16xi1>, vector<16xi32>
      %min3A_583 = arith.minsi %min3A_577, %select_n3A_582 : vector<16xi32>
      %reduce_min3A_584 = arith.constant true
      %reduce_min3A_585 = vector.broadcast %reduce_min3A_584 : i1 to vector<16xi1>
      %reduce_min3A_586 = arith.constant -2147483648 : i32
      %reduce_min3A_587 = vector.broadcast %reduce_min3A_586 : i32 to vector<16xi32>
      %reduce_min3A_588 = arith.xori %min3A_583, %reduce_min3A_587 : vector<16xi32>
      %reduce_min3A_589 = tpu.scan <min>, %reduce_min3A_588 masked %reduce_min3A_585 : vector<16xi32>, vector<16xi1> -> vector<16xi32>
      %reduce_min3A_590 = arith.xori %reduce_min3A_589, %reduce_min3A_587 : vector<16xi32>
      %reduce_min3A_591 = vector.extract %reduce_min3A_590[15] : i32 from vector<16xi32>
      %eq3A_592 = vector.broadcast %reduce_max3A_563 : f32 to vector<16xf32>
      %eq3A_593 = arith.cmpf oeq, %select_n3A_548, %eq3A_592 : vector<16xf32>
      %eq3A_594 = vector.broadcast %reduce_min3A_591 : i32 to vector<16xi32>
      %eq3A_595 = arith.cmpi eq, %select_n3A_549, %eq3A_594 : vector<16xi32>
      %and3A_596 = arith.andi %eq3A_593, %eq3A_595 : vector<16xi1>
      %jit3A_597 = arith.constant 0xFF800000 : f32
      %broadcast_in_dim3A_598 = vector.broadcast %jit3A_597 : f32 to vector<16xf32>
      %select_n3A_599 = arith.select %and3A_596, %broadcast_in_dim3A_598, %select_n3A_548 : vector<16xi1>, vector<16xf32>
      %eq3A_600 = vector.broadcast %reduce_max3A_563 : f32 to vector<16xf32>
      %eq3A_601 = arith.cmpf oeq, %select_n3A_551, %eq3A_600 : vector<16xf32>
      %eq3A_602 = vector.broadcast %reduce_min3A_591 : i32 to vector<16xi32>
      %eq3A_603 = arith.cmpi eq, %select_n3A_553, %eq3A_602 : vector<16xi32>
      %and3A_604 = arith.andi %eq3A_601, %eq3A_603 : vector<16xi1>
      %jit3A_605 = arith.constant 0xFF800000 : f32
      %broadcast_in_dim3A_606 = vector.broadcast %jit3A_605 : f32 to vector<16xf32>
      %select_n3A_607 = arith.select %and3A_604, %broadcast_in_dim3A_606, %select_n3A_551 : vector<16xi1>, vector<16xf32>
      %eq3A_608 = vector.broadcast %reduce_max3A_563 : f32 to vector<16xf32>
      %eq3A_609 = arith.cmpf oeq, %select_n3A_555, %eq3A_608 : vector<16xf32>
      %eq3A_610 = vector.broadcast %reduce_min3A_591 : i32 to vector<16xi32>
      %eq3A_611 = arith.cmpi eq, %select_n3A_557, %eq3A_610 : vector<16xi32>
      %and3A_612 = arith.andi %eq3A_609, %eq3A_611 : vector<16xi1>
      %jit3A_613 = arith.constant 0xFF800000 : f32
      %broadcast_in_dim3A_614 = vector.broadcast %jit3A_613 : f32 to vector<16xf32>
      %select_n3A_615 = arith.select %and3A_612, %broadcast_in_dim3A_614, %select_n3A_555 : vector<16xi1>, vector<16xf32>
      %max3A_616 = arith.maximumf %select_n3A_599, %select_n3A_607 : vector<16xf32>
      %max3A_617 = arith.maximumf %max3A_616, %select_n3A_615 : vector<16xf32>
      %reduce_max3A_618 = arith.constant true
      %reduce_max3A_619 = vector.broadcast %reduce_max3A_618 : i1 to vector<16xi1>
      %reduce_max3A_620 = tpu.scan <max>, %max3A_617 masked %reduce_max3A_619 : vector<16xf32>, vector<16xi1> -> vector<16xf32>
      %reduce_max3A_621 = vector.extract %reduce_max3A_620[15] : f32 from vector<16xf32>
      %broadcast_in_dim3A_622 = arith.constant 1048576 : i32
      %broadcast_in_dim3A_623 = vector.broadcast %broadcast_in_dim3A_622 : i32 to vector<16xi32>
      %eq3A_624 = vector.broadcast %reduce_max3A_621 : f32 to vector<16xf32>
      %eq3A_625 = arith.cmpf oeq, %select_n3A_599, %eq3A_624 : vector<16xf32>
      %jit3A_626 = arith.constant 1048576 : i32
      %broadcast_in_dim3A_627 = vector.broadcast %jit3A_626 : i32 to vector<16xi32>
      %select_n3A_628 = arith.select %eq3A_625, %select_n3A_549, %broadcast_in_dim3A_627 : vector<16xi1>, vector<16xi32>
      %min3A_629 = arith.minsi %broadcast_in_dim3A_623, %select_n3A_628 : vector<16xi32>
      %eq3A_630 = vector.broadcast %reduce_max3A_621 : f32 to vector<16xf32>
      %eq3A_631 = arith.cmpf oeq, %select_n3A_607, %eq3A_630 : vector<16xf32>
      %jit3A_632 = arith.constant 1048576 : i32
      %broadcast_in_dim3A_633 = vector.broadcast %jit3A_632 : i32 to vector<16xi32>
      %select_n3A_634 = arith.select %eq3A_631, %select_n3A_553, %broadcast_in_dim3A_633 : vector<16xi1>, vector<16xi32>
      %min3A_635 = arith.minsi %min3A_629, %select_n3A_634 : vector<16xi32>
      %eq3A_636 = vector.broadcast %reduce_max3A_621 : f32 to vector<16xf32>
      %eq3A_637 = arith.cmpf oeq, %select_n3A_615, %eq3A_636 : vector<16xf32>
      %jit3A_638 = arith.constant 1048576 : i32
      %broadcast_in_dim3A_639 = vector.broadcast %jit3A_638 : i32 to vector<16xi32>
      %select_n3A_640 = arith.select %eq3A_637, %select_n3A_557, %broadcast_in_dim3A_639 : vector<16xi1>, vector<16xi32>
      %min3A_641 = arith.minsi %min3A_635, %select_n3A_640 : vector<16xi32>
      %reduce_min3A_642 = arith.constant true
      %reduce_min3A_643 = vector.broadcast %reduce_min3A_642 : i1 to vector<16xi1>
      %reduce_min3A_644 = arith.constant -2147483648 : i32
      %reduce_min3A_645 = vector.broadcast %reduce_min3A_644 : i32 to vector<16xi32>
      %reduce_min3A_646 = arith.xori %min3A_641, %reduce_min3A_645 : vector<16xi32>
      %reduce_min3A_647 = tpu.scan <min>, %reduce_min3A_646 masked %reduce_min3A_643 : vector<16xi32>, vector<16xi1> -> vector<16xi32>
      %reduce_min3A_648 = arith.xori %reduce_min3A_647, %reduce_min3A_645 : vector<16xi32>
      %reduce_min3A_649 = vector.extract %reduce_min3A_648[15] : i32 from vector<16xi32>
      %eq3A_650 = vector.broadcast %reduce_max3A_621 : f32 to vector<16xf32>
      %eq3A_651 = arith.cmpf oeq, %select_n3A_599, %eq3A_650 : vector<16xf32>
      %eq3A_652 = vector.broadcast %reduce_min3A_649 : i32 to vector<16xi32>
      %eq3A_653 = arith.cmpi eq, %select_n3A_549, %eq3A_652 : vector<16xi32>
      %and3A_654 = arith.andi %eq3A_651, %eq3A_653 : vector<16xi1>
      %jit3A_655 = arith.constant 0xFF800000 : f32
      %broadcast_in_dim3A_656 = vector.broadcast %jit3A_655 : f32 to vector<16xf32>
      %select_n3A_657 = arith.select %and3A_654, %broadcast_in_dim3A_656, %select_n3A_599 : vector<16xi1>, vector<16xf32>
      %eq3A_658 = vector.broadcast %reduce_max3A_621 : f32 to vector<16xf32>
      %eq3A_659 = arith.cmpf oeq, %select_n3A_607, %eq3A_658 : vector<16xf32>
      %eq3A_660 = vector.broadcast %reduce_min3A_649 : i32 to vector<16xi32>
      %eq3A_661 = arith.cmpi eq, %select_n3A_553, %eq3A_660 : vector<16xi32>
      %and3A_662 = arith.andi %eq3A_659, %eq3A_661 : vector<16xi1>
      %jit3A_663 = arith.constant 0xFF800000 : f32
      %broadcast_in_dim3A_664 = vector.broadcast %jit3A_663 : f32 to vector<16xf32>
      %select_n3A_665 = arith.select %and3A_662, %broadcast_in_dim3A_664, %select_n3A_607 : vector<16xi1>, vector<16xf32>
      %eq3A_666 = vector.broadcast %reduce_max3A_621 : f32 to vector<16xf32>
      %eq3A_667 = arith.cmpf oeq, %select_n3A_615, %eq3A_666 : vector<16xf32>
      %eq3A_668 = vector.broadcast %reduce_min3A_649 : i32 to vector<16xi32>
      %eq3A_669 = arith.cmpi eq, %select_n3A_557, %eq3A_668 : vector<16xi32>
      %and3A_670 = arith.andi %eq3A_667, %eq3A_669 : vector<16xi1>
      %jit3A_671 = arith.constant 0xFF800000 : f32
      %broadcast_in_dim3A_672 = vector.broadcast %jit3A_671 : f32 to vector<16xf32>
      %select_n3A_673 = arith.select %and3A_670, %broadcast_in_dim3A_672, %select_n3A_615 : vector<16xi1>, vector<16xf32>
      %max3A_674 = arith.maximumf %select_n3A_657, %select_n3A_665 : vector<16xf32>
      %max3A_675 = arith.maximumf %max3A_674, %select_n3A_673 : vector<16xf32>
      %reduce_max3A_676 = arith.constant true
      %reduce_max3A_677 = vector.broadcast %reduce_max3A_676 : i1 to vector<16xi1>
      %reduce_max3A_678 = tpu.scan <max>, %max3A_675 masked %reduce_max3A_677 : vector<16xf32>, vector<16xi1> -> vector<16xf32>
      %reduce_max3A_679 = vector.extract %reduce_max3A_678[15] : f32 from vector<16xf32>
      %broadcast_in_dim3A_680 = arith.constant 1048576 : i32
      %broadcast_in_dim3A_681 = vector.broadcast %broadcast_in_dim3A_680 : i32 to vector<16xi32>
      %eq3A_682 = vector.broadcast %reduce_max3A_679 : f32 to vector<16xf32>
      %eq3A_683 = arith.cmpf oeq, %select_n3A_657, %eq3A_682 : vector<16xf32>
      %jit3A_684 = arith.constant 1048576 : i32
      %broadcast_in_dim3A_685 = vector.broadcast %jit3A_684 : i32 to vector<16xi32>
      %select_n3A_686 = arith.select %eq3A_683, %select_n3A_549, %broadcast_in_dim3A_685 : vector<16xi1>, vector<16xi32>
      %min3A_687 = arith.minsi %broadcast_in_dim3A_681, %select_n3A_686 : vector<16xi32>
      %eq3A_688 = vector.broadcast %reduce_max3A_679 : f32 to vector<16xf32>
      %eq3A_689 = arith.cmpf oeq, %select_n3A_665, %eq3A_688 : vector<16xf32>
      %jit3A_690 = arith.constant 1048576 : i32
      %broadcast_in_dim3A_691 = vector.broadcast %jit3A_690 : i32 to vector<16xi32>
      %select_n3A_692 = arith.select %eq3A_689, %select_n3A_553, %broadcast_in_dim3A_691 : vector<16xi1>, vector<16xi32>
      %min3A_693 = arith.minsi %min3A_687, %select_n3A_692 : vector<16xi32>
      %eq3A_694 = vector.broadcast %reduce_max3A_679 : f32 to vector<16xf32>
      %eq3A_695 = arith.cmpf oeq, %select_n3A_673, %eq3A_694 : vector<16xf32>
      %jit3A_696 = arith.constant 1048576 : i32
      %broadcast_in_dim3A_697 = vector.broadcast %jit3A_696 : i32 to vector<16xi32>
      %select_n3A_698 = arith.select %eq3A_695, %select_n3A_557, %broadcast_in_dim3A_697 : vector<16xi1>, vector<16xi32>
      %min3A_699 = arith.minsi %min3A_693, %select_n3A_698 : vector<16xi32>
      %reduce_min3A_700 = arith.constant true
      %reduce_min3A_701 = vector.broadcast %reduce_min3A_700 : i1 to vector<16xi1>
      %reduce_min3A_702 = arith.constant -2147483648 : i32
      %reduce_min3A_703 = vector.broadcast %reduce_min3A_702 : i32 to vector<16xi32>
      %reduce_min3A_704 = arith.xori %min3A_699, %reduce_min3A_703 : vector<16xi32>
      %reduce_min3A_705 = tpu.scan <min>, %reduce_min3A_704 masked %reduce_min3A_701 : vector<16xi32>, vector<16xi1> -> vector<16xi32>
      %reduce_min3A_706 = arith.xori %reduce_min3A_705, %reduce_min3A_703 : vector<16xi32>
      %reduce_min3A_707 = vector.extract %reduce_min3A_706[15] : i32 from vector<16xi32>
      %eq3A_708 = vector.broadcast %reduce_max3A_679 : f32 to vector<16xf32>
      %eq3A_709 = arith.cmpf oeq, %select_n3A_657, %eq3A_708 : vector<16xf32>
      %eq3A_710 = vector.broadcast %reduce_min3A_707 : i32 to vector<16xi32>
      %eq3A_711 = arith.cmpi eq, %select_n3A_549, %eq3A_710 : vector<16xi32>
      %and3A_712 = arith.andi %eq3A_709, %eq3A_711 : vector<16xi1>
      %jit3A_713 = arith.constant 0xFF800000 : f32
      %broadcast_in_dim3A_714 = vector.broadcast %jit3A_713 : f32 to vector<16xf32>
      %select_n3A_715 = arith.select %and3A_712, %broadcast_in_dim3A_714, %select_n3A_657 : vector<16xi1>, vector<16xf32>
      %eq3A_716 = vector.broadcast %reduce_max3A_679 : f32 to vector<16xf32>
      %eq3A_717 = arith.cmpf oeq, %select_n3A_665, %eq3A_716 : vector<16xf32>
      %eq3A_718 = vector.broadcast %reduce_min3A_707 : i32 to vector<16xi32>
      %eq3A_719 = arith.cmpi eq, %select_n3A_553, %eq3A_718 : vector<16xi32>
      %and3A_720 = arith.andi %eq3A_717, %eq3A_719 : vector<16xi1>
      %jit3A_721 = arith.constant 0xFF800000 : f32
      %broadcast_in_dim3A_722 = vector.broadcast %jit3A_721 : f32 to vector<16xf32>
      %select_n3A_723 = arith.select %and3A_720, %broadcast_in_dim3A_722, %select_n3A_665 : vector<16xi1>, vector<16xf32>
      %eq3A_724 = vector.broadcast %reduce_max3A_679 : f32 to vector<16xf32>
      %eq3A_725 = arith.cmpf oeq, %select_n3A_673, %eq3A_724 : vector<16xf32>
      %eq3A_726 = vector.broadcast %reduce_min3A_707 : i32 to vector<16xi32>
      %eq3A_727 = arith.cmpi eq, %select_n3A_557, %eq3A_726 : vector<16xi32>
      %and3A_728 = arith.andi %eq3A_725, %eq3A_727 : vector<16xi1>
      %jit3A_729 = arith.constant 0xFF800000 : f32
      %broadcast_in_dim3A_730 = vector.broadcast %jit3A_729 : f32 to vector<16xf32>
      %select_n3A_731 = arith.select %and3A_728, %broadcast_in_dim3A_730, %select_n3A_673 : vector<16xi1>, vector<16xf32>
      %reduce_sum3A_732 = arith.constant true
      %reduce_sum3A_733 = vector.broadcast %reduce_sum3A_732 : i1 to vector<16xi1>
      %reduce_sum3A_734 = tpu.scan <sum>, %add3A_538 masked %reduce_sum3A_733 : vector<16xf32>, vector<16xi1> -> vector<16xf32>
      %reduce_sum3A_735 = vector.extract %reduce_sum3A_734[15] : f32 from vector<16xf32>
      %scan3A_736 = arith.constant 0 : i32
      %scan3A_737 = arith.constant 56 : i32
      %scan3A_738 = arith.addi %scan3A_736, %scan3A_737 : i32
      %scan3A_739 = arith.constant 8 : i32
      %scan3A_740:8 = scf.for %scan3A_3114 = %scan3A_736 to %scan3A_738 step %scan3A_739 iter_args(%scan3A_3115 = %broadcast_in_dim3A_3, %scan3A_3116 = %broadcast_in_dim3A_3, %scan3A_3117 = %broadcast_in_dim3A_3, %scan3A_3118 = %broadcast_in_dim3A_5, %scan3A_3119 = %broadcast_in_dim3A_5, %scan3A_3120 = %broadcast_in_dim3A_5, %scan3A_3121 = %broadcast_in_dim3A_7, %scan3A_3122 = %iota3A) -> (vector<16xf32>, vector<16xf32>, vector<16xf32>, vector<16xi32>, vector<16xi32>, vector<16xi32>, vector<16xf32>, vector<16xi32>)  : i32 {
        %mul3A_3123 = arith.constant 16 : i32
        %mul3A_3124 = arith.muli %scan3A_3114, %mul3A_3123 : i32
        %get3A_3125 = arith.constant 2 : i32
        %get3A_3126 = arith.index_cast %get3A_3125 : i32 to index
        %get3A_3127 = arith.index_cast %mul3A_3124 : i32 to index
        %get3A_3128 = tpu.vector_load %arg5[%get3A_3126, %get3A_3127] {strides = array<i32>} : memref<4x1000xf32, #tpu.memory_space<vmem>>, vector<16xf32>,
        %exp3A_3129 = math.exp %get3A_3128 : vector<16xf32>
        %add3A_3130 = arith.addf %scan3A_3121, %exp3A_3129 : vector<16xf32>
        %gt3A_3131 = arith.cmpf ogt, %get3A_3128, %scan3A_3115 : vector<16xf32>
        %gt3A_3132 = arith.cmpf ogt, %get3A_3128, %scan3A_3116 : vector<16xf32>
        %gt3A_3133 = arith.cmpf ogt, %get3A_3128, %scan3A_3117 : vector<16xf32>
        %select_n3A_3134 = arith.select %gt3A_3131, %get3A_3128, %scan3A_3115 : vector<16xi1>, vector<16xf32>
        %select_n3A_3135 = arith.select %gt3A_3131, %scan3A_3122, %scan3A_3118 : vector<16xi1>, vector<16xi32>
        %select_n3A_3136 = arith.select %gt3A_3132, %get3A_3128, %scan3A_3116 : vector<16xi1>, vector<16xf32>
        %select_n3A_3137 = arith.select %gt3A_3131, %scan3A_3115, %select_n3A_3136 : vector<16xi1>, vector<16xf32>
        %select_n3A_3138 = arith.select %gt3A_3132, %scan3A_3122, %scan3A_3119 : vector<16xi1>, vector<16xi32>
        %select_n3A_3139 = arith.select %gt3A_3131, %scan3A_3118, %select_n3A_3138 : vector<16xi1>, vector<16xi32>
        %select_n3A_3140 = arith.select %gt3A_3133, %get3A_3128, %scan3A_3117 : vector<16xi1>, vector<16xf32>
        %select_n3A_3141 = arith.select %gt3A_3132, %scan3A_3116, %select_n3A_3140 : vector<16xi1>, vector<16xf32>
        %select_n3A_3142 = arith.select %gt3A_3133, %scan3A_3122, %scan3A_3120 : vector<16xi1>, vector<16xi32>
        %select_n3A_3143 = arith.select %gt3A_3132, %scan3A_3119, %select_n3A_3142 : vector<16xi1>, vector<16xi32>
        %add3A_3144 = arith.constant 16 : i32
        %add3A_3145 = vector.broadcast %add3A_3144 : i32 to vector<16xi32>
        %add3A_3146 = arith.addi %scan3A_3122, %add3A_3145 : vector<16xi32>
        %scan3A_3147 = arith.constant 1 : i32
        %scan3A_3148 = arith.addi %scan3A_3114, %scan3A_3147 : i32
        %mul3A_3149 = arith.constant 16 : i32
        %mul3A_3150 = arith.muli %scan3A_3148, %mul3A_3149 : i32
        %get3A_3151 = arith.constant 2 : i32
        %get3A_3152 = arith.index_cast %get3A_3151 : i32 to index
        %get3A_3153 = arith.index_cast %mul3A_3150 : i32 to index
        %get3A_3154 = tpu.vector_load %arg5[%get3A_3152, %get3A_3153] {strides = array<i32>} : memref<4x1000xf32, #tpu.memory_space<vmem>>, vector<16xf32>,
        %exp3A_3155 = math.exp %get3A_3154 : vector<16xf32>
        %add3A_3156 = arith.addf %add3A_3130, %exp3A_3155 : vector<16xf32>
        %gt3A_3157 = arith.cmpf ogt, %get3A_3154, %select_n3A_3134 : vector<16xf32>
        %gt3A_3158 = arith.cmpf ogt, %get3A_3154, %select_n3A_3137 : vector<16xf32>
        %gt3A_3159 = arith.cmpf ogt, %get3A_3154, %select_n3A_3141 : vector<16xf32>
        %select_n3A_3160 = arith.select %gt3A_3157, %get3A_3154, %select_n3A_3134 : vector<16xi1>, vector<16xf32>
        %select_n3A_3161 = arith.select %gt3A_3157, %add3A_3146, %select_n3A_3135 : vector<16xi1>, vector<16xi32>
        %select_n3A_3162 = arith.select %gt3A_3158, %get3A_3154, %select_n3A_3137 : vector<16xi1>, vector<16xf32>
        %select_n3A_3163 = arith.select %gt3A_3157, %select_n3A_3134, %select_n3A_3162 : vector<16xi1>, vector<16xf32>
        %select_n3A_3164 = arith.select %gt3A_3158, %add3A_3146, %select_n3A_3139 : vector<16xi1>, vector<16xi32>
        %select_n3A_3165 = arith.select %gt3A_3157, %select_n3A_3135, %select_n3A_3164 : vector<16xi1>, vector<16xi32>
        %select_n3A_3166 = arith.select %gt3A_3159, %get3A_3154, %select_n3A_3141 : vector<16xi1>, vector<16xf32>
        %select_n3A_3167 = arith.select %gt3A_3158, %select_n3A_3137, %select_n3A_3166 : vector<16xi1>, vector<16xf32>
        %select_n3A_3168 = arith.select %gt3A_3159, %add3A_3146, %select_n3A_3143 : vector<16xi1>, vector<16xi32>
        %select_n3A_3169 = arith.select %gt3A_3158, %select_n3A_3139, %select_n3A_3168 : vector<16xi1>, vector<16xi32>
        %add3A_3170 = arith.constant 16 : i32
        %add3A_3171 = vector.broadcast %add3A_3170 : i32 to vector<16xi32>
        %add3A_3172 = arith.addi %add3A_3146, %add3A_3171 : vector<16xi32>
        %scan3A_3173 = arith.constant 2 : i32
        %scan3A_3174 = arith.addi %scan3A_3114, %scan3A_3173 : i32
        %mul3A_3175 = arith.constant 16 : i32
        %mul3A_3176 = arith.muli %scan3A_3174, %mul3A_3175 : i32
        %get3A_3177 = arith.constant 2 : i32
        %get3A_3178 = arith.index_cast %get3A_3177 : i32 to index
        %get3A_3179 = arith.index_cast %mul3A_3176 : i32 to index
        %get3A_3180 = tpu.vector_load %arg5[%get3A_3178, %get3A_3179] {strides = array<i32>} : memref<4x1000xf32, #tpu.memory_space<vmem>>, vector<16xf32>,
        %exp3A_3181 = math.exp %get3A_3180 : vector<16xf32>
        %add3A_3182 = arith.addf %add3A_3156, %exp3A_3181 : vector<16xf32>
        %gt3A_3183 = arith.cmpf ogt, %get3A_3180, %select_n3A_3160 : vector<16xf32>
        %gt3A_3184 = arith.cmpf ogt, %get3A_3180, %select_n3A_3163 : vector<16xf32>
        %gt3A_3185 = arith.cmpf ogt, %get3A_3180, %select_n3A_3167 : vector<16xf32>
        %select_n3A_3186 = arith.select %gt3A_3183, %get3A_3180, %select_n3A_3160 : vector<16xi1>, vector<16xf32>
        %select_n3A_3187 = arith.select %gt3A_3183, %add3A_3172, %select_n3A_3161 : vector<16xi1>, vector<16xi32>
        %select_n3A_3188 = arith.select %gt3A_3184, %get3A_3180, %select_n3A_3163 : vector<16xi1>, vector<16xf32>
        %select_n3A_3189 = arith.select %gt3A_3183, %select_n3A_3160, %select_n3A_3188 : vector<16xi1>, vector<16xf32>
        %select_n3A_3190 = arith.select %gt3A_3184, %add3A_3172, %select_n3A_3165 : vector<16xi1>, vector<16xi32>
        %select_n3A_3191 = arith.select %gt3A_3183, %select_n3A_3161, %select_n3A_3190 : vector<16xi1>, vector<16xi32>
        %select_n3A_3192 = arith.select %gt3A_3185, %get3A_3180, %select_n3A_3167 : vector<16xi1>, vector<16xf32>
        %select_n3A_3193 = arith.select %gt3A_3184, %select_n3A_3163, %select_n3A_3192 : vector<16xi1>, vector<16xf32>
        %select_n3A_3194 = arith.select %gt3A_3185, %add3A_3172, %select_n3A_3169 : vector<16xi1>, vector<16xi32>
        %select_n3A_3195 = arith.select %gt3A_3184, %select_n3A_3165, %select_n3A_3194 : vector<16xi1>, vector<16xi32>
        %add3A_3196 = arith.constant 16 : i32
        %add3A_3197 = vector.broadcast %add3A_3196 : i32 to vector<16xi32>
        %add3A_3198 = arith.addi %add3A_3172, %add3A_3197 : vector<16xi32>
        %scan3A_3199 = arith.constant 3 : i32
        %scan3A_3200 = arith.addi %scan3A_3114, %scan3A_3199 : i32
        %mul3A_3201 = arith.constant 16 : i32
        %mul3A_3202 = arith.muli %scan3A_3200, %mul3A_3201 : i32
        %get3A_3203 = arith.constant 2 : i32
        %get3A_3204 = arith.index_cast %get3A_3203 : i32 to index
        %get3A_3205 = arith.index_cast %mul3A_3202 : i32 to index
        %get3A_3206 = tpu.vector_load %arg5[%get3A_3204, %get3A_3205] {strides = array<i32>} : memref<4x1000xf32, #tpu.memory_space<vmem>>, vector<16xf32>,
        %exp3A_3207 = math.exp %get3A_3206 : vector<16xf32>
        %add3A_3208 = arith.addf %add3A_3182, %exp3A_3207 : vector<16xf32>
        %gt3A_3209 = arith.cmpf ogt, %get3A_3206, %select_n3A_3186 : vector<16xf32>
        %gt3A_3210 = arith.cmpf ogt, %get3A_3206, %select_n3A_3189 : vector<16xf32>
        %gt3A_3211 = arith.cmpf ogt, %get3A_3206, %select_n3A_3193 : vector<16xf32>
        %select_n3A_3212 = arith.select %gt3A_3209, %get3A_3206, %select_n3A_3186 : vector<16xi1>, vector<16xf32>
        %select_n3A_3213 = arith.select %gt3A_3209, %add3A_3198, %select_n3A_3187 : vector<16xi1>, vector<16xi32>
        %select_n3A_3214 = arith.select %gt3A_3210, %get3A_3206, %select_n3A_3189 : vector<16xi1>, vector<16xf32>
        %select_n3A_3215 = arith.select %gt3A_3209, %select_n3A_3186, %select_n3A_3214 : vector<16xi1>, vector<16xf32>
        %select_n3A_3216 = arith.select %gt3A_3210, %add3A_3198, %select_n3A_3191 : vector<16xi1>, vector<16xi32>
        %select_n3A_3217 = arith.select %gt3A_3209, %select_n3A_3187, %select_n3A_3216 : vector<16xi1>, vector<16xi32>
        %select_n3A_3218 = arith.select %gt3A_3211, %get3A_3206, %select_n3A_3193 : vector<16xi1>, vector<16xf32>
        %select_n3A_3219 = arith.select %gt3A_3210, %select_n3A_3189, %select_n3A_3218 : vector<16xi1>, vector<16xf32>
        %select_n3A_3220 = arith.select %gt3A_3211, %add3A_3198, %select_n3A_3195 : vector<16xi1>, vector<16xi32>
        %select_n3A_3221 = arith.select %gt3A_3210, %select_n3A_3191, %select_n3A_3220 : vector<16xi1>, vector<16xi32>
        %add3A_3222 = arith.constant 16 : i32
        %add3A_3223 = vector.broadcast %add3A_3222 : i32 to vector<16xi32>
        %add3A_3224 = arith.addi %add3A_3198, %add3A_3223 : vector<16xi32>
        %scan3A_3225 = arith.constant 4 : i32
        %scan3A_3226 = arith.addi %scan3A_3114, %scan3A_3225 : i32
        %mul3A_3227 = arith.constant 16 : i32
        %mul3A_3228 = arith.muli %scan3A_3226, %mul3A_3227 : i32
        %get3A_3229 = arith.constant 2 : i32
        %get3A_3230 = arith.index_cast %get3A_3229 : i32 to index
        %get3A_3231 = arith.index_cast %mul3A_3228 : i32 to index
        %get3A_3232 = tpu.vector_load %arg5[%get3A_3230, %get3A_3231] {strides = array<i32>} : memref<4x1000xf32, #tpu.memory_space<vmem>>, vector<16xf32>,
        %exp3A_3233 = math.exp %get3A_3232 : vector<16xf32>
        %add3A_3234 = arith.addf %add3A_3208, %exp3A_3233 : vector<16xf32>
        %gt3A_3235 = arith.cmpf ogt, %get3A_3232, %select_n3A_3212 : vector<16xf32>
        %gt3A_3236 = arith.cmpf ogt, %get3A_3232, %select_n3A_3215 : vector<16xf32>
        %gt3A_3237 = arith.cmpf ogt, %get3A_3232, %select_n3A_3219 : vector<16xf32>
        %select_n3A_3238 = arith.select %gt3A_3235, %get3A_3232, %select_n3A_3212 : vector<16xi1>, vector<16xf32>
        %select_n3A_3239 = arith.select %gt3A_3235, %add3A_3224, %select_n3A_3213 : vector<16xi1>, vector<16xi32>
        %select_n3A_3240 = arith.select %gt3A_3236, %get3A_3232, %select_n3A_3215 : vector<16xi1>, vector<16xf32>
        %select_n3A_3241 = arith.select %gt3A_3235, %select_n3A_3212, %select_n3A_3240 : vector<16xi1>, vector<16xf32>
        %select_n3A_3242 = arith.select %gt3A_3236, %add3A_3224, %select_n3A_3217 : vector<16xi1>, vector<16xi32>
        %select_n3A_3243 = arith.select %gt3A_3235, %select_n3A_3213, %select_n3A_3242 : vector<16xi1>, vector<16xi32>
        %select_n3A_3244 = arith.select %gt3A_3237, %get3A_3232, %select_n3A_3219 : vector<16xi1>, vector<16xf32>
        %select_n3A_3245 = arith.select %gt3A_3236, %select_n3A_3215, %select_n3A_3244 : vector<16xi1>, vector<16xf32>
        %select_n3A_3246 = arith.select %gt3A_3237, %add3A_3224, %select_n3A_3221 : vector<16xi1>, vector<16xi32>
        %select_n3A_3247 = arith.select %gt3A_3236, %select_n3A_3217, %select_n3A_3246 : vector<16xi1>, vector<16xi32>
        %add3A_3248 = arith.constant 16 : i32
        %add3A_3249 = vector.broadcast %add3A_3248 : i32 to vector<16xi32>
        %add3A_3250 = arith.addi %add3A_3224, %add3A_3249 : vector<16xi32>
        %scan3A_3251 = arith.constant 5 : i32
        %scan3A_3252 = arith.addi %scan3A_3114, %scan3A_3251 : i32
        %mul3A_3253 = arith.constant 16 : i32
        %mul3A_3254 = arith.muli %scan3A_3252, %mul3A_3253 : i32
        %get3A_3255 = arith.constant 2 : i32
        %get3A_3256 = arith.index_cast %get3A_3255 : i32 to index
        %get3A_3257 = arith.index_cast %mul3A_3254 : i32 to index
        %get3A_3258 = tpu.vector_load %arg5[%get3A_3256, %get3A_3257] {strides = array<i32>} : memref<4x1000xf32, #tpu.memory_space<vmem>>, vector<16xf32>,
        %exp3A_3259 = math.exp %get3A_3258 : vector<16xf32>
        %add3A_3260 = arith.addf %add3A_3234, %exp3A_3259 : vector<16xf32>
        %gt3A_3261 = arith.cmpf ogt, %get3A_3258, %select_n3A_3238 : vector<16xf32>
        %gt3A_3262 = arith.cmpf ogt, %get3A_3258, %select_n3A_3241 : vector<16xf32>
        %gt3A_3263 = arith.cmpf ogt, %get3A_3258, %select_n3A_3245 : vector<16xf32>
        %select_n3A_3264 = arith.select %gt3A_3261, %get3A_3258, %select_n3A_3238 : vector<16xi1>, vector<16xf32>
        %select_n3A_3265 = arith.select %gt3A_3261, %add3A_3250, %select_n3A_3239 : vector<16xi1>, vector<16xi32>
        %select_n3A_3266 = arith.select %gt3A_3262, %get3A_3258, %select_n3A_3241 : vector<16xi1>, vector<16xf32>
        %select_n3A_3267 = arith.select %gt3A_3261, %select_n3A_3238, %select_n3A_3266 : vector<16xi1>, vector<16xf32>
        %select_n3A_3268 = arith.select %gt3A_3262, %add3A_3250, %select_n3A_3243 : vector<16xi1>, vector<16xi32>
        %select_n3A_3269 = arith.select %gt3A_3261, %select_n3A_3239, %select_n3A_3268 : vector<16xi1>, vector<16xi32>
        %select_n3A_3270 = arith.select %gt3A_3263, %get3A_3258, %select_n3A_3245 : vector<16xi1>, vector<16xf32>
        %select_n3A_3271 = arith.select %gt3A_3262, %select_n3A_3241, %select_n3A_3270 : vector<16xi1>, vector<16xf32>
        %select_n3A_3272 = arith.select %gt3A_3263, %add3A_3250, %select_n3A_3247 : vector<16xi1>, vector<16xi32>
        %select_n3A_3273 = arith.select %gt3A_3262, %select_n3A_3243, %select_n3A_3272 : vector<16xi1>, vector<16xi32>
        %add3A_3274 = arith.constant 16 : i32
        %add3A_3275 = vector.broadcast %add3A_3274 : i32 to vector<16xi32>
        %add3A_3276 = arith.addi %add3A_3250, %add3A_3275 : vector<16xi32>
        %scan3A_3277 = arith.constant 6 : i32
        %scan3A_3278 = arith.addi %scan3A_3114, %scan3A_3277 : i32
        %mul3A_3279 = arith.constant 16 : i32
        %mul3A_3280 = arith.muli %scan3A_3278, %mul3A_3279 : i32
        %get3A_3281 = arith.constant 2 : i32
        %get3A_3282 = arith.index_cast %get3A_3281 : i32 to index
        %get3A_3283 = arith.index_cast %mul3A_3280 : i32 to index
        %get3A_3284 = tpu.vector_load %arg5[%get3A_3282, %get3A_3283] {strides = array<i32>} : memref<4x1000xf32, #tpu.memory_space<vmem>>, vector<16xf32>,
        %exp3A_3285 = math.exp %get3A_3284 : vector<16xf32>
        %add3A_3286 = arith.addf %add3A_3260, %exp3A_3285 : vector<16xf32>
        %gt3A_3287 = arith.cmpf ogt, %get3A_3284, %select_n3A_3264 : vector<16xf32>
        %gt3A_3288 = arith.cmpf ogt, %get3A_3284, %select_n3A_3267 : vector<16xf32>
        %gt3A_3289 = arith.cmpf ogt, %get3A_3284, %select_n3A_3271 : vector<16xf32>
        %select_n3A_3290 = arith.select %gt3A_3287, %get3A_3284, %select_n3A_3264 : vector<16xi1>, vector<16xf32>
        %select_n3A_3291 = arith.select %gt3A_3287, %add3A_3276, %select_n3A_3265 : vector<16xi1>, vector<16xi32>
        %select_n3A_3292 = arith.select %gt3A_3288, %get3A_3284, %select_n3A_3267 : vector<16xi1>, vector<16xf32>
        %select_n3A_3293 = arith.select %gt3A_3287, %select_n3A_3264, %select_n3A_3292 : vector<16xi1>, vector<16xf32>
        %select_n3A_3294 = arith.select %gt3A_3288, %add3A_3276, %select_n3A_3269 : vector<16xi1>, vector<16xi32>
        %select_n3A_3295 = arith.select %gt3A_3287, %select_n3A_3265, %select_n3A_3294 : vector<16xi1>, vector<16xi32>
        %select_n3A_3296 = arith.select %gt3A_3289, %get3A_3284, %select_n3A_3271 : vector<16xi1>, vector<16xf32>
        %select_n3A_3297 = arith.select %gt3A_3288, %select_n3A_3267, %select_n3A_3296 : vector<16xi1>, vector<16xf32>
        %select_n3A_3298 = arith.select %gt3A_3289, %add3A_3276, %select_n3A_3273 : vector<16xi1>, vector<16xi32>
        %select_n3A_3299 = arith.select %gt3A_3288, %select_n3A_3269, %select_n3A_3298 : vector<16xi1>, vector<16xi32>
        %add3A_3300 = arith.constant 16 : i32
        %add3A_3301 = vector.broadcast %add3A_3300 : i32 to vector<16xi32>
        %add3A_3302 = arith.addi %add3A_3276, %add3A_3301 : vector<16xi32>
        %scan3A_3303 = arith.constant 7 : i32
        %scan3A_3304 = arith.addi %scan3A_3114, %scan3A_3303 : i32
        %mul3A_3305 = arith.constant 16 : i32
        %mul3A_3306 = arith.muli %scan3A_3304, %mul3A_3305 : i32
        %get3A_3307 = arith.constant 2 : i32
        %get3A_3308 = arith.index_cast %get3A_3307 : i32 to index
        %get3A_3309 = arith.index_cast %mul3A_3306 : i32 to index
        %get3A_3310 = tpu.vector_load %arg5[%get3A_3308, %get3A_3309] {strides = array<i32>} : memref<4x1000xf32, #tpu.memory_space<vmem>>, vector<16xf32>,
        %exp3A_3311 = math.exp %get3A_3310 : vector<16xf32>
        %add3A_3312 = arith.addf %add3A_3286, %exp3A_3311 : vector<16xf32>
        %gt3A_3313 = arith.cmpf ogt, %get3A_3310, %select_n3A_3290 : vector<16xf32>
        %gt3A_3314 = arith.cmpf ogt, %get3A_3310, %select_n3A_3293 : vector<16xf32>
        %gt3A_3315 = arith.cmpf ogt, %get3A_3310, %select_n3A_3297 : vector<16xf32>
        %select_n3A_3316 = arith.select %gt3A_3313, %get3A_3310, %select_n3A_3290 : vector<16xi1>, vector<16xf32>
        %select_n3A_3317 = arith.select %gt3A_3313, %add3A_3302, %select_n3A_3291 : vector<16xi1>, vector<16xi32>
        %select_n3A_3318 = arith.select %gt3A_3314, %get3A_3310, %select_n3A_3293 : vector<16xi1>, vector<16xf32>
        %select_n3A_3319 = arith.select %gt3A_3313, %select_n3A_3290, %select_n3A_3318 : vector<16xi1>, vector<16xf32>
        %select_n3A_3320 = arith.select %gt3A_3314, %add3A_3302, %select_n3A_3295 : vector<16xi1>, vector<16xi32>
        %select_n3A_3321 = arith.select %gt3A_3313, %select_n3A_3291, %select_n3A_3320 : vector<16xi1>, vector<16xi32>
        %select_n3A_3322 = arith.select %gt3A_3315, %get3A_3310, %select_n3A_3297 : vector<16xi1>, vector<16xf32>
        %select_n3A_3323 = arith.select %gt3A_3314, %select_n3A_3293, %select_n3A_3322 : vector<16xi1>, vector<16xf32>
        %select_n3A_3324 = arith.select %gt3A_3315, %add3A_3302, %select_n3A_3299 : vector<16xi1>, vector<16xi32>
        %select_n3A_3325 = arith.select %gt3A_3314, %select_n3A_3295, %select_n3A_3324 : vector<16xi1>, vector<16xi32>
        %add3A_3326 = arith.constant 16 : i32
        %add3A_3327 = vector.broadcast %add3A_3326 : i32 to vector<16xi32>
        %add3A_3328 = arith.addi %add3A_3302, %add3A_3327 : vector<16xi32>
        scf.yield %select_n3A_3316, %select_n3A_3319, %select_n3A_3323, %select_n3A_3317, %select_n3A_3321, %select_n3A_3325, %add3A_3312, %add3A_3328 : vector<16xf32>, vector<16xf32>, vector<16xf32>, vector<16xi32>, vector<16xi32>, vector<16xi32>, vector<16xf32>, vector<16xi32>
      }
      %scan3A_741 = arith.constant 56 : i32
      %scan3A_742 = arith.addi %scan3A_736, %scan3A_741 : i32
      %mul3A_743 = arith.constant 16 : i32
      %mul3A_744 = arith.muli %scan3A_742, %mul3A_743 : i32
      %get3A_745 = arith.constant 2 : i32
      %get3A_746 = arith.index_cast %get3A_745 : i32 to index
      %get3A_747 = arith.index_cast %mul3A_744 : i32 to index
      %get3A_748 = tpu.vector_load %arg5[%get3A_746, %get3A_747] {strides = array<i32>} : memref<4x1000xf32, #tpu.memory_space<vmem>>, vector<16xf32>,
      %exp3A_749 = math.exp %get3A_748 : vector<16xf32>
      %add3A_750 = arith.addf %scan3A_740#6, %exp3A_749 : vector<16xf32>
      %gt3A_751 = arith.cmpf ogt, %get3A_748, %scan3A_740#0 : vector<16xf32>
      %gt3A_752 = arith.cmpf ogt, %get3A_748, %scan3A_740#1 : vector<16xf32>
      %gt3A_753 = arith.cmpf ogt, %get3A_748, %scan3A_740#2 : vector<16xf32>
      %select_n3A_754 = arith.select %gt3A_751, %get3A_748, %scan3A_740#0 : vector<16xi1>, vector<16xf32>
      %select_n3A_755 = arith.select %gt3A_751, %scan3A_740#7, %scan3A_740#3 : vector<16xi1>, vector<16xi32>
      %select_n3A_756 = arith.select %gt3A_752, %get3A_748, %scan3A_740#1 : vector<16xi1>, vector<16xf32>
      %select_n3A_757 = arith.select %gt3A_751, %scan3A_740#0, %select_n3A_756 : vector<16xi1>, vector<16xf32>
      %select_n3A_758 = arith.select %gt3A_752, %scan3A_740#7, %scan3A_740#4 : vector<16xi1>, vector<16xi32>
      %select_n3A_759 = arith.select %gt3A_751, %scan3A_740#3, %select_n3A_758 : vector<16xi1>, vector<16xi32>
      %select_n3A_760 = arith.select %gt3A_753, %get3A_748, %scan3A_740#2 : vector<16xi1>, vector<16xf32>
      %select_n3A_761 = arith.select %gt3A_752, %scan3A_740#1, %select_n3A_760 : vector<16xi1>, vector<16xf32>
      %select_n3A_762 = arith.select %gt3A_753, %scan3A_740#7, %scan3A_740#5 : vector<16xi1>, vector<16xi32>
      %select_n3A_763 = arith.select %gt3A_752, %scan3A_740#4, %select_n3A_762 : vector<16xi1>, vector<16xi32>
      %add3A_764 = arith.constant 16 : i32
      %add3A_765 = vector.broadcast %add3A_764 : i32 to vector<16xi32>
      %add3A_766 = arith.addi %scan3A_740#7, %add3A_765 : vector<16xi32>
      %scan3A_767 = arith.constant 57 : i32
      %scan3A_768 = arith.addi %scan3A_736, %scan3A_767 : i32
      %mul3A_769 = arith.constant 16 : i32
      %mul3A_770 = arith.muli %scan3A_768, %mul3A_769 : i32
      %get3A_771 = arith.constant 2 : i32
      %get3A_772 = arith.index_cast %get3A_771 : i32 to index
      %get3A_773 = arith.index_cast %mul3A_770 : i32 to index
      %get3A_774 = tpu.vector_load %arg5[%get3A_772, %get3A_773] {strides = array<i32>} : memref<4x1000xf32, #tpu.memory_space<vmem>>, vector<16xf32>,
      %exp3A_775 = math.exp %get3A_774 : vector<16xf32>
      %add3A_776 = arith.addf %add3A_750, %exp3A_775 : vector<16xf32>
      %gt3A_777 = arith.cmpf ogt, %get3A_774, %select_n3A_754 : vector<16xf32>
      %gt3A_778 = arith.cmpf ogt, %get3A_774, %select_n3A_757 : vector<16xf32>
      %gt3A_779 = arith.cmpf ogt, %get3A_774, %select_n3A_761 : vector<16xf32>
      %select_n3A_780 = arith.select %gt3A_777, %get3A_774, %select_n3A_754 : vector<16xi1>, vector<16xf32>
      %select_n3A_781 = arith.select %gt3A_777, %add3A_766, %select_n3A_755 : vector<16xi1>, vector<16xi32>
      %select_n3A_782 = arith.select %gt3A_778, %get3A_774, %select_n3A_757 : vector<16xi1>, vector<16xf32>
      %select_n3A_783 = arith.select %gt3A_777, %select_n3A_754, %select_n3A_782 : vector<16xi1>, vector<16xf32>
      %select_n3A_784 = arith.select %gt3A_778, %add3A_766, %select_n3A_759 : vector<16xi1>, vector<16xi32>
      %select_n3A_785 = arith.select %gt3A_777, %select_n3A_755, %select_n3A_784 : vector<16xi1>, vector<16xi32>
      %select_n3A_786 = arith.select %gt3A_779, %get3A_774, %select_n3A_761 : vector<16xi1>, vector<16xf32>
      %select_n3A_787 = arith.select %gt3A_778, %select_n3A_757, %select_n3A_786 : vector<16xi1>, vector<16xf32>
      %select_n3A_788 = arith.select %gt3A_779, %add3A_766, %select_n3A_763 : vector<16xi1>, vector<16xi32>
      %select_n3A_789 = arith.select %gt3A_778, %select_n3A_759, %select_n3A_788 : vector<16xi1>, vector<16xi32>
      %add3A_790 = arith.constant 16 : i32
      %add3A_791 = vector.broadcast %add3A_790 : i32 to vector<16xi32>
      %add3A_792 = arith.addi %add3A_766, %add3A_791 : vector<16xi32>
      %scan3A_793 = arith.constant 58 : i32
      %scan3A_794 = arith.addi %scan3A_736, %scan3A_793 : i32
      %mul3A_795 = arith.constant 16 : i32
      %mul3A_796 = arith.muli %scan3A_794, %mul3A_795 : i32
      %get3A_797 = arith.constant 2 : i32
      %get3A_798 = arith.index_cast %get3A_797 : i32 to index
      %get3A_799 = arith.index_cast %mul3A_796 : i32 to index
      %get3A_800 = tpu.vector_load %arg5[%get3A_798, %get3A_799] {strides = array<i32>} : memref<4x1000xf32, #tpu.memory_space<vmem>>, vector<16xf32>,
      %exp3A_801 = math.exp %get3A_800 : vector<16xf32>
      %add3A_802 = arith.addf %add3A_776, %exp3A_801 : vector<16xf32>
      %gt3A_803 = arith.cmpf ogt, %get3A_800, %select_n3A_780 : vector<16xf32>
      %gt3A_804 = arith.cmpf ogt, %get3A_800, %select_n3A_783 : vector<16xf32>
      %gt3A_805 = arith.cmpf ogt, %get3A_800, %select_n3A_787 : vector<16xf32>
      %select_n3A_806 = arith.select %gt3A_803, %get3A_800, %select_n3A_780 : vector<16xi1>, vector<16xf32>
      %select_n3A_807 = arith.select %gt3A_803, %add3A_792, %select_n3A_781 : vector<16xi1>, vector<16xi32>
      %select_n3A_808 = arith.select %gt3A_804, %get3A_800, %select_n3A_783 : vector<16xi1>, vector<16xf32>
      %select_n3A_809 = arith.select %gt3A_803, %select_n3A_780, %select_n3A_808 : vector<16xi1>, vector<16xf32>
      %select_n3A_810 = arith.select %gt3A_804, %add3A_792, %select_n3A_785 : vector<16xi1>, vector<16xi32>
      %select_n3A_811 = arith.select %gt3A_803, %select_n3A_781, %select_n3A_810 : vector<16xi1>, vector<16xi32>
      %select_n3A_812 = arith.select %gt3A_805, %get3A_800, %select_n3A_787 : vector<16xi1>, vector<16xf32>
      %select_n3A_813 = arith.select %gt3A_804, %select_n3A_783, %select_n3A_812 : vector<16xi1>, vector<16xf32>
      %select_n3A_814 = arith.select %gt3A_805, %add3A_792, %select_n3A_789 : vector<16xi1>, vector<16xi32>
      %select_n3A_815 = arith.select %gt3A_804, %select_n3A_785, %select_n3A_814 : vector<16xi1>, vector<16xi32>
      %add3A_816 = arith.constant 16 : i32
      %add3A_817 = vector.broadcast %add3A_816 : i32 to vector<16xi32>
      %add3A_818 = arith.addi %add3A_792, %add3A_817 : vector<16xi32>
      %scan3A_819 = arith.constant 59 : i32
      %scan3A_820 = arith.addi %scan3A_736, %scan3A_819 : i32
      %mul3A_821 = arith.constant 16 : i32
      %mul3A_822 = arith.muli %scan3A_820, %mul3A_821 : i32
      %get3A_823 = arith.constant 2 : i32
      %get3A_824 = arith.index_cast %get3A_823 : i32 to index
      %get3A_825 = arith.index_cast %mul3A_822 : i32 to index
      %get3A_826 = tpu.vector_load %arg5[%get3A_824, %get3A_825] {strides = array<i32>} : memref<4x1000xf32, #tpu.memory_space<vmem>>, vector<16xf32>,
      %exp3A_827 = math.exp %get3A_826 : vector<16xf32>
      %add3A_828 = arith.addf %add3A_802, %exp3A_827 : vector<16xf32>
      %gt3A_829 = arith.cmpf ogt, %get3A_826, %select_n3A_806 : vector<16xf32>
      %gt3A_830 = arith.cmpf ogt, %get3A_826, %select_n3A_809 : vector<16xf32>
      %gt3A_831 = arith.cmpf ogt, %get3A_826, %select_n3A_813 : vector<16xf32>
      %select_n3A_832 = arith.select %gt3A_829, %get3A_826, %select_n3A_806 : vector<16xi1>, vector<16xf32>
      %select_n3A_833 = arith.select %gt3A_829, %add3A_818, %select_n3A_807 : vector<16xi1>, vector<16xi32>
      %select_n3A_834 = arith.select %gt3A_830, %get3A_826, %select_n3A_809 : vector<16xi1>, vector<16xf32>
      %select_n3A_835 = arith.select %gt3A_829, %select_n3A_806, %select_n3A_834 : vector<16xi1>, vector<16xf32>
      %select_n3A_836 = arith.select %gt3A_830, %add3A_818, %select_n3A_811 : vector<16xi1>, vector<16xi32>
      %select_n3A_837 = arith.select %gt3A_829, %select_n3A_807, %select_n3A_836 : vector<16xi1>, vector<16xi32>
      %select_n3A_838 = arith.select %gt3A_831, %get3A_826, %select_n3A_813 : vector<16xi1>, vector<16xf32>
      %select_n3A_839 = arith.select %gt3A_830, %select_n3A_809, %select_n3A_838 : vector<16xi1>, vector<16xf32>
      %select_n3A_840 = arith.select %gt3A_831, %add3A_818, %select_n3A_815 : vector<16xi1>, vector<16xi32>
      %select_n3A_841 = arith.select %gt3A_830, %select_n3A_811, %select_n3A_840 : vector<16xi1>, vector<16xi32>
      %add3A_842 = arith.constant 16 : i32
      %add3A_843 = vector.broadcast %add3A_842 : i32 to vector<16xi32>
      %add3A_844 = arith.addi %add3A_818, %add3A_843 : vector<16xi32>
      %scan3A_845 = arith.constant 60 : i32
      %scan3A_846 = arith.addi %scan3A_736, %scan3A_845 : i32
      %mul3A_847 = arith.constant 16 : i32
      %mul3A_848 = arith.muli %scan3A_846, %mul3A_847 : i32
      %get3A_849 = arith.constant 2 : i32
      %get3A_850 = arith.index_cast %get3A_849 : i32 to index
      %get3A_851 = arith.index_cast %mul3A_848 : i32 to index
      %get3A_852 = tpu.vector_load %arg5[%get3A_850, %get3A_851] {strides = array<i32>} : memref<4x1000xf32, #tpu.memory_space<vmem>>, vector<16xf32>,
      %exp3A_853 = math.exp %get3A_852 : vector<16xf32>
      %add3A_854 = arith.addf %add3A_828, %exp3A_853 : vector<16xf32>
      %gt3A_855 = arith.cmpf ogt, %get3A_852, %select_n3A_832 : vector<16xf32>
      %gt3A_856 = arith.cmpf ogt, %get3A_852, %select_n3A_835 : vector<16xf32>
      %gt3A_857 = arith.cmpf ogt, %get3A_852, %select_n3A_839 : vector<16xf32>
      %select_n3A_858 = arith.select %gt3A_855, %get3A_852, %select_n3A_832 : vector<16xi1>, vector<16xf32>
      %select_n3A_859 = arith.select %gt3A_855, %add3A_844, %select_n3A_833 : vector<16xi1>, vector<16xi32>
      %select_n3A_860 = arith.select %gt3A_856, %get3A_852, %select_n3A_835 : vector<16xi1>, vector<16xf32>
      %select_n3A_861 = arith.select %gt3A_855, %select_n3A_832, %select_n3A_860 : vector<16xi1>, vector<16xf32>
      %select_n3A_862 = arith.select %gt3A_856, %add3A_844, %select_n3A_837 : vector<16xi1>, vector<16xi32>
      %select_n3A_863 = arith.select %gt3A_855, %select_n3A_833, %select_n3A_862 : vector<16xi1>, vector<16xi32>
      %select_n3A_864 = arith.select %gt3A_857, %get3A_852, %select_n3A_839 : vector<16xi1>, vector<16xf32>
      %select_n3A_865 = arith.select %gt3A_856, %select_n3A_835, %select_n3A_864 : vector<16xi1>, vector<16xf32>
      %select_n3A_866 = arith.select %gt3A_857, %add3A_844, %select_n3A_841 : vector<16xi1>, vector<16xi32>
      %select_n3A_867 = arith.select %gt3A_856, %select_n3A_837, %select_n3A_866 : vector<16xi1>, vector<16xi32>
      %add3A_868 = arith.constant 16 : i32
      %add3A_869 = vector.broadcast %add3A_868 : i32 to vector<16xi32>
      %add3A_870 = arith.addi %add3A_844, %add3A_869 : vector<16xi32>
      %scan3A_871 = arith.constant 61 : i32
      %scan3A_872 = arith.addi %scan3A_736, %scan3A_871 : i32
      %mul3A_873 = arith.constant 16 : i32
      %mul3A_874 = arith.muli %scan3A_872, %mul3A_873 : i32
      %get3A_875 = arith.constant 2 : i32
      %get3A_876 = arith.index_cast %get3A_875 : i32 to index
      %get3A_877 = arith.index_cast %mul3A_874 : i32 to index
      %get3A_878 = tpu.vector_load %arg5[%get3A_876, %get3A_877] {strides = array<i32>} : memref<4x1000xf32, #tpu.memory_space<vmem>>, vector<16xf32>,
      %exp3A_879 = math.exp %get3A_878 : vector<16xf32>
      %add3A_880 = arith.addf %add3A_854, %exp3A_879 : vector<16xf32>
      %gt3A_881 = arith.cmpf ogt, %get3A_878, %select_n3A_858 : vector<16xf32>
      %gt3A_882 = arith.cmpf ogt, %get3A_878, %select_n3A_861 : vector<16xf32>
      %gt3A_883 = arith.cmpf ogt, %get3A_878, %select_n3A_865 : vector<16xf32>
      %select_n3A_884 = arith.select %gt3A_881, %get3A_878, %select_n3A_858 : vector<16xi1>, vector<16xf32>
      %select_n3A_885 = arith.select %gt3A_881, %add3A_870, %select_n3A_859 : vector<16xi1>, vector<16xi32>
      %select_n3A_886 = arith.select %gt3A_882, %get3A_878, %select_n3A_861 : vector<16xi1>, vector<16xf32>
      %select_n3A_887 = arith.select %gt3A_881, %select_n3A_858, %select_n3A_886 : vector<16xi1>, vector<16xf32>
      %select_n3A_888 = arith.select %gt3A_882, %add3A_870, %select_n3A_863 : vector<16xi1>, vector<16xi32>
      %select_n3A_889 = arith.select %gt3A_881, %select_n3A_859, %select_n3A_888 : vector<16xi1>, vector<16xi32>
      %select_n3A_890 = arith.select %gt3A_883, %get3A_878, %select_n3A_865 : vector<16xi1>, vector<16xf32>
      %select_n3A_891 = arith.select %gt3A_882, %select_n3A_861, %select_n3A_890 : vector<16xi1>, vector<16xf32>
      %select_n3A_892 = arith.select %gt3A_883, %add3A_870, %select_n3A_867 : vector<16xi1>, vector<16xi32>
      %select_n3A_893 = arith.select %gt3A_882, %select_n3A_863, %select_n3A_892 : vector<16xi1>, vector<16xi32>
      %add3A_894 = arith.constant 16 : i32
      %add3A_895 = vector.broadcast %add3A_894 : i32 to vector<16xi32>
      %add3A_896 = arith.addi %add3A_870, %add3A_895 : vector<16xi32>
      %scan3A_897 = arith.constant 62 : i32
      %get3A_898 = arith.constant 2 : i32
      %get3A_899 = arith.index_cast %get3A_898 : i32 to index
      %get3A_900 = arith.constant 984 : index
      %get3A_901 = tpu.vector_load %arg5[%get3A_899, %get3A_900] {strides = array<i32>} : memref<4x1000xf32, #tpu.memory_space<vmem>>, vector<16xf32>,
      %ge3A_902 = arith.constant 8 : i32
      %ge3A_903 = vector.broadcast %ge3A_902 : i32 to vector<16xi32>
      %ge3A_904 = arith.cmpi sge, %iota3A, %ge3A_903 : vector<16xi32>
      %exp3A_905 = math.exp %get3A_901 : vector<16xf32>
      %jit3A_906 = arith.constant 0.000000e+00 : f32
      %broadcast_in_dim3A_907 = vector.broadcast %jit3A_906 : f32 to vector<16xf32>
      %select_n3A_908 = arith.select %ge3A_904, %exp3A_905, %broadcast_in_dim3A_907 : vector<16xi1>, vector<16xf32>
      %add3A_909 = arith.addf %add3A_880, %select_n3A_908 : vector<16xf32>
      %jit3A_910 = arith.constant 0xFF800000 : f32
      %broadcast_in_dim3A_911 = vector.broadcast %jit3A_910 : f32 to vector<16xf32>
      %select_n3A_912 = arith.select %ge3A_904, %get3A_901, %broadcast_in_dim3A_911 : vector<16xi1>, vector<16xf32>
      %add3A_913 = arith.constant 984 : i32
      %add3A_914 = vector.broadcast %add3A_913 : i32 to vector<16xi32>
      %add3A_915 = arith.addi %add3A_914, %iota3A : vector<16xi32>
      %gt3A_916 = arith.cmpf ogt, %select_n3A_912, %select_n3A_884 : vector<16xf32>
      %gt3A_917 = arith.cmpf ogt, %select_n3A_912, %select_n3A_887 : vector<16xf32>
      %gt3A_918 = arith.cmpf ogt, %select_n3A_912, %select_n3A_891 : vector<16xf32>
      %select_n3A_919 = arith.select %gt3A_916, %select_n3A_912, %select_n3A_884 : vector<16xi1>, vector<16xf32>
      %select_n3A_920 = arith.select %gt3A_916, %add3A_915, %select_n3A_885 : vector<16xi1>, vector<16xi32>
      %select_n3A_921 = arith.select %gt3A_917, %select_n3A_912, %select_n3A_887 : vector<16xi1>, vector<16xf32>
      %select_n3A_922 = arith.select %gt3A_916, %select_n3A_884, %select_n3A_921 : vector<16xi1>, vector<16xf32>
      %select_n3A_923 = arith.select %gt3A_917, %add3A_915, %select_n3A_889 : vector<16xi1>, vector<16xi32>
      %select_n3A_924 = arith.select %gt3A_916, %select_n3A_885, %select_n3A_923 : vector<16xi1>, vector<16xi32>
      %select_n3A_925 = arith.select %gt3A_918, %select_n3A_912, %select_n3A_891 : vector<16xi1>, vector<16xf32>
      %select_n3A_926 = arith.select %gt3A_917, %select_n3A_887, %select_n3A_925 : vector<16xi1>, vector<16xf32>
      %select_n3A_927 = arith.select %gt3A_918, %add3A_915, %select_n3A_893 : vector<16xi1>, vector<16xi32>
      %select_n3A_928 = arith.select %gt3A_917, %select_n3A_889, %select_n3A_927 : vector<16xi1>, vector<16xi32>
      %max3A_929 = arith.maximumf %select_n3A_919, %select_n3A_922 : vector<16xf32>
      %max3A_930 = arith.maximumf %max3A_929, %select_n3A_926 : vector<16xf32>
      %reduce_max3A_931 = arith.constant true
      %reduce_max3A_932 = vector.broadcast %reduce_max3A_931 : i1 to vector<16xi1>
      %reduce_max3A_933 = tpu.scan <max>, %max3A_930 masked %reduce_max3A_932 : vector<16xf32>, vector<16xi1> -> vector<16xf32>
      %reduce_max3A_934 = vector.extract %reduce_max3A_933[15] : f32 from vector<16xf32>
      %broadcast_in_dim3A_935 = arith.constant 1048576 : i32
      %broadcast_in_dim3A_936 = vector.broadcast %broadcast_in_dim3A_935 : i32 to vector<16xi32>
      %eq3A_937 = vector.broadcast %reduce_max3A_934 : f32 to vector<16xf32>
      %eq3A_938 = arith.cmpf oeq, %select_n3A_919, %eq3A_937 : vector<16xf32>
      %jit3A_939 = arith.constant 1048576 : i32
      %broadcast_in_dim3A_940 = vector.broadcast %jit3A_939 : i32 to vector<16xi32>
      %select_n3A_941 = arith.select %eq3A_938, %select_n3A_920, %broadcast_in_dim3A_940 : vector<16xi1>, vector<16xi32>
      %min3A_942 = arith.minsi %broadcast_in_dim3A_936, %select_n3A_941 : vector<16xi32>
      %eq3A_943 = vector.broadcast %reduce_max3A_934 : f32 to vector<16xf32>
      %eq3A_944 = arith.cmpf oeq, %select_n3A_922, %eq3A_943 : vector<16xf32>
      %jit3A_945 = arith.constant 1048576 : i32
      %broadcast_in_dim3A_946 = vector.broadcast %jit3A_945 : i32 to vector<16xi32>
      %select_n3A_947 = arith.select %eq3A_944, %select_n3A_924, %broadcast_in_dim3A_946 : vector<16xi1>, vector<16xi32>
      %min3A_948 = arith.minsi %min3A_942, %select_n3A_947 : vector<16xi32>
      %eq3A_949 = vector.broadcast %reduce_max3A_934 : f32 to vector<16xf32>
      %eq3A_950 = arith.cmpf oeq, %select_n3A_926, %eq3A_949 : vector<16xf32>
      %jit3A_951 = arith.constant 1048576 : i32
      %broadcast_in_dim3A_952 = vector.broadcast %jit3A_951 : i32 to vector<16xi32>
      %select_n3A_953 = arith.select %eq3A_950, %select_n3A_928, %broadcast_in_dim3A_952 : vector<16xi1>, vector<16xi32>
      %min3A_954 = arith.minsi %min3A_948, %select_n3A_953 : vector<16xi32>
      %reduce_min3A_955 = arith.constant true
      %reduce_min3A_956 = vector.broadcast %reduce_min3A_955 : i1 to vector<16xi1>
      %reduce_min3A_957 = arith.constant -2147483648 : i32
      %reduce_min3A_958 = vector.broadcast %reduce_min3A_957 : i32 to vector<16xi32>
      %reduce_min3A_959 = arith.xori %min3A_954, %reduce_min3A_958 : vector<16xi32>
      %reduce_min3A_960 = tpu.scan <min>, %reduce_min3A_959 masked %reduce_min3A_956 : vector<16xi32>, vector<16xi1> -> vector<16xi32>
      %reduce_min3A_961 = arith.xori %reduce_min3A_960, %reduce_min3A_958 : vector<16xi32>
      %reduce_min3A_962 = vector.extract %reduce_min3A_961[15] : i32 from vector<16xi32>
      %eq3A_963 = vector.broadcast %reduce_max3A_934 : f32 to vector<16xf32>
      %eq3A_964 = arith.cmpf oeq, %select_n3A_919, %eq3A_963 : vector<16xf32>
      %eq3A_965 = vector.broadcast %reduce_min3A_962 : i32 to vector<16xi32>
      %eq3A_966 = arith.cmpi eq, %select_n3A_920, %eq3A_965 : vector<16xi32>
      %and3A_967 = arith.andi %eq3A_964, %eq3A_966 : vector<16xi1>
      %jit3A_968 = arith.constant 0xFF800000 : f32
      %broadcast_in_dim3A_969 = vector.broadcast %jit3A_968 : f32 to vector<16xf32>
      %select_n3A_970 = arith.select %and3A_967, %broadcast_in_dim3A_969, %select_n3A_919 : vector<16xi1>, vector<16xf32>
      %eq3A_971 = vector.broadcast %reduce_max3A_934 : f32 to vector<16xf32>
      %eq3A_972 = arith.cmpf oeq, %select_n3A_922, %eq3A_971 : vector<16xf32>
      %eq3A_973 = vector.broadcast %reduce_min3A_962 : i32 to vector<16xi32>
      %eq3A_974 = arith.cmpi eq, %select_n3A_924, %eq3A_973 : vector<16xi32>
      %and3A_975 = arith.andi %eq3A_972, %eq3A_974 : vector<16xi1>
      %jit3A_976 = arith.constant 0xFF800000 : f32
      %broadcast_in_dim3A_977 = vector.broadcast %jit3A_976 : f32 to vector<16xf32>
      %select_n3A_978 = arith.select %and3A_975, %broadcast_in_dim3A_977, %select_n3A_922 : vector<16xi1>, vector<16xf32>
      %eq3A_979 = vector.broadcast %reduce_max3A_934 : f32 to vector<16xf32>
      %eq3A_980 = arith.cmpf oeq, %select_n3A_926, %eq3A_979 : vector<16xf32>
      %eq3A_981 = vector.broadcast %reduce_min3A_962 : i32 to vector<16xi32>
      %eq3A_982 = arith.cmpi eq, %select_n3A_928, %eq3A_981 : vector<16xi32>
      %and3A_983 = arith.andi %eq3A_980, %eq3A_982 : vector<16xi1>
      %jit3A_984 = arith.constant 0xFF800000 : f32
      %broadcast_in_dim3A_985 = vector.broadcast %jit3A_984 : f32 to vector<16xf32>
      %select_n3A_986 = arith.select %and3A_983, %broadcast_in_dim3A_985, %select_n3A_926 : vector<16xi1>, vector<16xf32>
      %max3A_987 = arith.maximumf %select_n3A_970, %select_n3A_978 : vector<16xf32>
      %max3A_988 = arith.maximumf %max3A_987, %select_n3A_986 : vector<16xf32>
      %reduce_max3A_989 = arith.constant true
      %reduce_max3A_990 = vector.broadcast %reduce_max3A_989 : i1 to vector<16xi1>
      %reduce_max3A_991 = tpu.scan <max>, %max3A_988 masked %reduce_max3A_990 : vector<16xf32>, vector<16xi1> -> vector<16xf32>
      %reduce_max3A_992 = vector.extract %reduce_max3A_991[15] : f32 from vector<16xf32>
      %broadcast_in_dim3A_993 = arith.constant 1048576 : i32
      %broadcast_in_dim3A_994 = vector.broadcast %broadcast_in_dim3A_993 : i32 to vector<16xi32>
      %eq3A_995 = vector.broadcast %reduce_max3A_992 : f32 to vector<16xf32>
      %eq3A_996 = arith.cmpf oeq, %select_n3A_970, %eq3A_995 : vector<16xf32>
      %jit3A_997 = arith.constant 1048576 : i32
      %broadcast_in_dim3A_998 = vector.broadcast %jit3A_997 : i32 to vector<16xi32>
      %select_n3A_999 = arith.select %eq3A_996, %select_n3A_920, %broadcast_in_dim3A_998 : vector<16xi1>, vector<16xi32>
      %min3A_1000 = arith.minsi %broadcast_in_dim3A_994, %select_n3A_999 : vector<16xi32>
      %eq3A_1001 = vector.broadcast %reduce_max3A_992 : f32 to vector<16xf32>
      %eq3A_1002 = arith.cmpf oeq, %select_n3A_978, %eq3A_1001 : vector<16xf32>
      %jit3A_1003 = arith.constant 1048576 : i32
      %broadcast_in_dim3A_1004 = vector.broadcast %jit3A_1003 : i32 to vector<16xi32>
      %select_n3A_1005 = arith.select %eq3A_1002, %select_n3A_924, %broadcast_in_dim3A_1004 : vector<16xi1>, vector<16xi32>
      %min3A_1006 = arith.minsi %min3A_1000, %select_n3A_1005 : vector<16xi32>
      %eq3A_1007 = vector.broadcast %reduce_max3A_992 : f32 to vector<16xf32>
      %eq3A_1008 = arith.cmpf oeq, %select_n3A_986, %eq3A_1007 : vector<16xf32>
      %jit3A_1009 = arith.constant 1048576 : i32
      %broadcast_in_dim3A_1010 = vector.broadcast %jit3A_1009 : i32 to vector<16xi32>
      %select_n3A_1011 = arith.select %eq3A_1008, %select_n3A_928, %broadcast_in_dim3A_1010 : vector<16xi1>, vector<16xi32>
      %min3A_1012 = arith.minsi %min3A_1006, %select_n3A_1011 : vector<16xi32>
      %reduce_min3A_1013 = arith.constant true
      %reduce_min3A_1014 = vector.broadcast %reduce_min3A_1013 : i1 to vector<16xi1>
      %reduce_min3A_1015 = arith.constant -2147483648 : i32
      %reduce_min3A_1016 = vector.broadcast %reduce_min3A_1015 : i32 to vector<16xi32>
      %reduce_min3A_1017 = arith.xori %min3A_1012, %reduce_min3A_1016 : vector<16xi32>
      %reduce_min3A_1018 = tpu.scan <min>, %reduce_min3A_1017 masked %reduce_min3A_1014 : vector<16xi32>, vector<16xi1> -> vector<16xi32>
      %reduce_min3A_1019 = arith.xori %reduce_min3A_1018, %reduce_min3A_1016 : vector<16xi32>
      %reduce_min3A_1020 = vector.extract %reduce_min3A_1019[15] : i32 from vector<16xi32>
      %eq3A_1021 = vector.broadcast %reduce_max3A_992 : f32 to vector<16xf32>
      %eq3A_1022 = arith.cmpf oeq, %select_n3A_970, %eq3A_1021 : vector<16xf32>
      %eq3A_1023 = vector.broadcast %reduce_min3A_1020 : i32 to vector<16xi32>
      %eq3A_1024 = arith.cmpi eq, %select_n3A_920, %eq3A_1023 : vector<16xi32>
      %and3A_1025 = arith.andi %eq3A_1022, %eq3A_1024 : vector<16xi1>
      %jit3A_1026 = arith.constant 0xFF800000 : f32
      %broadcast_in_dim3A_1027 = vector.broadcast %jit3A_1026 : f32 to vector<16xf32>
      %select_n3A_1028 = arith.select %and3A_1025, %broadcast_in_dim3A_1027, %select_n3A_970 : vector<16xi1>, vector<16xf32>
      %eq3A_1029 = vector.broadcast %reduce_max3A_992 : f32 to vector<16xf32>
      %eq3A_1030 = arith.cmpf oeq, %select_n3A_978, %eq3A_1029 : vector<16xf32>
      %eq3A_1031 = vector.broadcast %reduce_min3A_1020 : i32 to vector<16xi32>
      %eq3A_1032 = arith.cmpi eq, %select_n3A_924, %eq3A_1031 : vector<16xi32>
      %and3A_1033 = arith.andi %eq3A_1030, %eq3A_1032 : vector<16xi1>
      %jit3A_1034 = arith.constant 0xFF800000 : f32
      %broadcast_in_dim3A_1035 = vector.broadcast %jit3A_1034 : f32 to vector<16xf32>
      %select_n3A_1036 = arith.select %and3A_1033, %broadcast_in_dim3A_1035, %select_n3A_978 : vector<16xi1>, vector<16xf32>
      %eq3A_1037 = vector.broadcast %reduce_max3A_992 : f32 to vector<16xf32>
      %eq3A_1038 = arith.cmpf oeq, %select_n3A_986, %eq3A_1037 : vector<16xf32>
      %eq3A_1039 = vector.broadcast %reduce_min3A_1020 : i32 to vector<16xi32>
      %eq3A_1040 = arith.cmpi eq, %select_n3A_928, %eq3A_1039 : vector<16xi32>
      %and3A_1041 = arith.andi %eq3A_1038, %eq3A_1040 : vector<16xi1>
      %jit3A_1042 = arith.constant 0xFF800000 : f32
      %broadcast_in_dim3A_1043 = vector.broadcast %jit3A_1042 : f32 to vector<16xf32>
      %select_n3A_1044 = arith.select %and3A_1041, %broadcast_in_dim3A_1043, %select_n3A_986 : vector<16xi1>, vector<16xf32>
      %max3A_1045 = arith.maximumf %select_n3A_1028, %select_n3A_1036 : vector<16xf32>
      %max3A_1046 = arith.maximumf %max3A_1045, %select_n3A_1044 : vector<16xf32>
      %reduce_max3A_1047 = arith.constant true
      %reduce_max3A_1048 = vector.broadcast %reduce_max3A_1047 : i1 to vector<16xi1>
      %reduce_max3A_1049 = tpu.scan <max>, %max3A_1046 masked %reduce_max3A_1048 : vector<16xf32>, vector<16xi1> -> vector<16xf32>
      %reduce_max3A_1050 = vector.extract %reduce_max3A_1049[15] : f32 from vector<16xf32>
      %broadcast_in_dim3A_1051 = arith.constant 1048576 : i32
      %broadcast_in_dim3A_1052 = vector.broadcast %broadcast_in_dim3A_1051 : i32 to vector<16xi32>
      %eq3A_1053 = vector.broadcast %reduce_max3A_1050 : f32 to vector<16xf32>
      %eq3A_1054 = arith.cmpf oeq, %select_n3A_1028, %eq3A_1053 : vector<16xf32>
      %jit3A_1055 = arith.constant 1048576 : i32
      %broadcast_in_dim3A_1056 = vector.broadcast %jit3A_1055 : i32 to vector<16xi32>
      %select_n3A_1057 = arith.select %eq3A_1054, %select_n3A_920, %broadcast_in_dim3A_1056 : vector<16xi1>, vector<16xi32>
      %min3A_1058 = arith.minsi %broadcast_in_dim3A_1052, %select_n3A_1057 : vector<16xi32>
      %eq3A_1059 = vector.broadcast %reduce_max3A_1050 : f32 to vector<16xf32>
      %eq3A_1060 = arith.cmpf oeq, %select_n3A_1036, %eq3A_1059 : vector<16xf32>
      %jit3A_1061 = arith.constant 1048576 : i32
      %broadcast_in_dim3A_1062 = vector.broadcast %jit3A_1061 : i32 to vector<16xi32>
      %select_n3A_1063 = arith.select %eq3A_1060, %select_n3A_924, %broadcast_in_dim3A_1062 : vector<16xi1>, vector<16xi32>
      %min3A_1064 = arith.minsi %min3A_1058, %select_n3A_1063 : vector<16xi32>
      %eq3A_1065 = vector.broadcast %reduce_max3A_1050 : f32 to vector<16xf32>
      %eq3A_1066 = arith.cmpf oeq, %select_n3A_1044, %eq3A_1065 : vector<16xf32>
      %jit3A_1067 = arith.constant 1048576 : i32
      %broadcast_in_dim3A_1068 = vector.broadcast %jit3A_1067 : i32 to vector<16xi32>
      %select_n3A_1069 = arith.select %eq3A_1066, %select_n3A_928, %broadcast_in_dim3A_1068 : vector<16xi1>, vector<16xi32>
      %min3A_1070 = arith.minsi %min3A_1064, %select_n3A_1069 : vector<16xi32>
      %reduce_min3A_1071 = arith.constant true
      %reduce_min3A_1072 = vector.broadcast %reduce_min3A_1071 : i1 to vector<16xi1>
      %reduce_min3A_1073 = arith.constant -2147483648 : i32
      %reduce_min3A_1074 = vector.broadcast %reduce_min3A_1073 : i32 to vector<16xi32>
      %reduce_min3A_1075 = arith.xori %min3A_1070, %reduce_min3A_1074 : vector<16xi32>
      %reduce_min3A_1076 = tpu.scan <min>, %reduce_min3A_1075 masked %reduce_min3A_1072 : vector<16xi32>, vector<16xi1> -> vector<16xi32>
      %reduce_min3A_1077 = arith.xori %reduce_min3A_1076, %reduce_min3A_1074 : vector<16xi32>
      %reduce_min3A_1078 = vector.extract %reduce_min3A_1077[15] : i32 from vector<16xi32>
      %eq3A_1079 = vector.broadcast %reduce_max3A_1050 : f32 to vector<16xf32>
      %eq3A_1080 = arith.cmpf oeq, %select_n3A_1028, %eq3A_1079 : vector<16xf32>
      %eq3A_1081 = vector.broadcast %reduce_min3A_1078 : i32 to vector<16xi32>
      %eq3A_1082 = arith.cmpi eq, %select_n3A_920, %eq3A_1081 : vector<16xi32>
      %and3A_1083 = arith.andi %eq3A_1080, %eq3A_1082 : vector<16xi1>
      %jit3A_1084 = arith.constant 0xFF800000 : f32
      %broadcast_in_dim3A_1085 = vector.broadcast %jit3A_1084 : f32 to vector<16xf32>
      %select_n3A_1086 = arith.select %and3A_1083, %broadcast_in_dim3A_1085, %select_n3A_1028 : vector<16xi1>, vector<16xf32>
      %eq3A_1087 = vector.broadcast %reduce_max3A_1050 : f32 to vector<16xf32>
      %eq3A_1088 = arith.cmpf oeq, %select_n3A_1036, %eq3A_1087 : vector<16xf32>
      %eq3A_1089 = vector.broadcast %reduce_min3A_1078 : i32 to vector<16xi32>
      %eq3A_1090 = arith.cmpi eq, %select_n3A_924, %eq3A_1089 : vector<16xi32>
      %and3A_1091 = arith.andi %eq3A_1088, %eq3A_1090 : vector<16xi1>
      %jit3A_1092 = arith.constant 0xFF800000 : f32
      %broadcast_in_dim3A_1093 = vector.broadcast %jit3A_1092 : f32 to vector<16xf32>
      %select_n3A_1094 = arith.select %and3A_1091, %broadcast_in_dim3A_1093, %select_n3A_1036 : vector<16xi1>, vector<16xf32>
      %eq3A_1095 = vector.broadcast %reduce_max3A_1050 : f32 to vector<16xf32>
      %eq3A_1096 = arith.cmpf oeq, %select_n3A_1044, %eq3A_1095 : vector<16xf32>
      %eq3A_1097 = vector.broadcast %reduce_min3A_1078 : i32 to vector<16xi32>
      %eq3A_1098 = arith.cmpi eq, %select_n3A_928, %eq3A_1097 : vector<16xi32>
      %and3A_1099 = arith.andi %eq3A_1096, %eq3A_1098 : vector<16xi1>
      %jit3A_1100 = arith.constant 0xFF800000 : f32
      %broadcast_in_dim3A_1101 = vector.broadcast %jit3A_1100 : f32 to vector<16xf32>
      %select_n3A_1102 = arith.select %and3A_1099, %broadcast_in_dim3A_1101, %select_n3A_1044 : vector<16xi1>, vector<16xf32>
      %reduce_sum3A_1103 = arith.constant true
      %reduce_sum3A_1104 = vector.broadcast %reduce_sum3A_1103 : i1 to vector<16xi1>
      %reduce_sum3A_1105 = tpu.scan <sum>, %add3A_909 masked %reduce_sum3A_1104 : vector<16xf32>, vector<16xi1> -> vector<16xf32>
      %reduce_sum3A_1106 = vector.extract %reduce_sum3A_1105[15] : f32 from vector<16xf32>
      %scan3A_1107 = arith.constant 0 : i32
      %scan3A_1108 = arith.constant 56 : i32
      %scan3A_1109 = arith.addi %scan3A_1107, %scan3A_1108 : i32
      %scan3A_1110 = arith.constant 8 : i32
      %scan3A_1111:8 = scf.for %scan3A_3114 = %scan3A_1107 to %scan3A_1109 step %scan3A_1110 iter_args(%scan3A_3115 = %broadcast_in_dim3A_3, %scan3A_3116 = %broadcast_in_dim3A_3, %scan3A_3117 = %broadcast_in_dim3A_3, %scan3A_3118 = %broadcast_in_dim3A_5, %scan3A_3119 = %broadcast_in_dim3A_5, %scan3A_3120 = %broadcast_in_dim3A_5, %scan3A_3121 = %broadcast_in_dim3A_7, %scan3A_3122 = %iota3A) -> (vector<16xf32>, vector<16xf32>, vector<16xf32>, vector<16xi32>, vector<16xi32>, vector<16xi32>, vector<16xf32>, vector<16xi32>)  : i32 {
        %mul3A_3123 = arith.constant 16 : i32
        %mul3A_3124 = arith.muli %scan3A_3114, %mul3A_3123 : i32
        %get3A_3125 = arith.constant 3 : i32
        %get3A_3126 = arith.index_cast %get3A_3125 : i32 to index
        %get3A_3127 = arith.index_cast %mul3A_3124 : i32 to index
        %get3A_3128 = tpu.vector_load %arg5[%get3A_3126, %get3A_3127] {strides = array<i32>} : memref<4x1000xf32, #tpu.memory_space<vmem>>, vector<16xf32>,
        %exp3A_3129 = math.exp %get3A_3128 : vector<16xf32>
        %add3A_3130 = arith.addf %scan3A_3121, %exp3A_3129 : vector<16xf32>
        %gt3A_3131 = arith.cmpf ogt, %get3A_3128, %scan3A_3115 : vector<16xf32>
        %gt3A_3132 = arith.cmpf ogt, %get3A_3128, %scan3A_3116 : vector<16xf32>
        %gt3A_3133 = arith.cmpf ogt, %get3A_3128, %scan3A_3117 : vector<16xf32>
        %select_n3A_3134 = arith.select %gt3A_3131, %get3A_3128, %scan3A_3115 : vector<16xi1>, vector<16xf32>
        %select_n3A_3135 = arith.select %gt3A_3131, %scan3A_3122, %scan3A_3118 : vector<16xi1>, vector<16xi32>
        %select_n3A_3136 = arith.select %gt3A_3132, %get3A_3128, %scan3A_3116 : vector<16xi1>, vector<16xf32>
        %select_n3A_3137 = arith.select %gt3A_3131, %scan3A_3115, %select_n3A_3136 : vector<16xi1>, vector<16xf32>
        %select_n3A_3138 = arith.select %gt3A_3132, %scan3A_3122, %scan3A_3119 : vector<16xi1>, vector<16xi32>
        %select_n3A_3139 = arith.select %gt3A_3131, %scan3A_3118, %select_n3A_3138 : vector<16xi1>, vector<16xi32>
        %select_n3A_3140 = arith.select %gt3A_3133, %get3A_3128, %scan3A_3117 : vector<16xi1>, vector<16xf32>
        %select_n3A_3141 = arith.select %gt3A_3132, %scan3A_3116, %select_n3A_3140 : vector<16xi1>, vector<16xf32>
        %select_n3A_3142 = arith.select %gt3A_3133, %scan3A_3122, %scan3A_3120 : vector<16xi1>, vector<16xi32>
        %select_n3A_3143 = arith.select %gt3A_3132, %scan3A_3119, %select_n3A_3142 : vector<16xi1>, vector<16xi32>
        %add3A_3144 = arith.constant 16 : i32
        %add3A_3145 = vector.broadcast %add3A_3144 : i32 to vector<16xi32>
        %add3A_3146 = arith.addi %scan3A_3122, %add3A_3145 : vector<16xi32>
        %scan3A_3147 = arith.constant 1 : i32
        %scan3A_3148 = arith.addi %scan3A_3114, %scan3A_3147 : i32
        %mul3A_3149 = arith.constant 16 : i32
        %mul3A_3150 = arith.muli %scan3A_3148, %mul3A_3149 : i32
        %get3A_3151 = arith.constant 3 : i32
        %get3A_3152 = arith.index_cast %get3A_3151 : i32 to index
        %get3A_3153 = arith.index_cast %mul3A_3150 : i32 to index
        %get3A_3154 = tpu.vector_load %arg5[%get3A_3152, %get3A_3153] {strides = array<i32>} : memref<4x1000xf32, #tpu.memory_space<vmem>>, vector<16xf32>,
        %exp3A_3155 = math.exp %get3A_3154 : vector<16xf32>
        %add3A_3156 = arith.addf %add3A_3130, %exp3A_3155 : vector<16xf32>
        %gt3A_3157 = arith.cmpf ogt, %get3A_3154, %select_n3A_3134 : vector<16xf32>
        %gt3A_3158 = arith.cmpf ogt, %get3A_3154, %select_n3A_3137 : vector<16xf32>
        %gt3A_3159 = arith.cmpf ogt, %get3A_3154, %select_n3A_3141 : vector<16xf32>
        %select_n3A_3160 = arith.select %gt3A_3157, %get3A_3154, %select_n3A_3134 : vector<16xi1>, vector<16xf32>
        %select_n3A_3161 = arith.select %gt3A_3157, %add3A_3146, %select_n3A_3135 : vector<16xi1>, vector<16xi32>
        %select_n3A_3162 = arith.select %gt3A_3158, %get3A_3154, %select_n3A_3137 : vector<16xi1>, vector<16xf32>
        %select_n3A_3163 = arith.select %gt3A_3157, %select_n3A_3134, %select_n3A_3162 : vector<16xi1>, vector<16xf32>
        %select_n3A_3164 = arith.select %gt3A_3158, %add3A_3146, %select_n3A_3139 : vector<16xi1>, vector<16xi32>
        %select_n3A_3165 = arith.select %gt3A_3157, %select_n3A_3135, %select_n3A_3164 : vector<16xi1>, vector<16xi32>
        %select_n3A_3166 = arith.select %gt3A_3159, %get3A_3154, %select_n3A_3141 : vector<16xi1>, vector<16xf32>
        %select_n3A_3167 = arith.select %gt3A_3158, %select_n3A_3137, %select_n3A_3166 : vector<16xi1>, vector<16xf32>
        %select_n3A_3168 = arith.select %gt3A_3159, %add3A_3146, %select_n3A_3143 : vector<16xi1>, vector<16xi32>
        %select_n3A_3169 = arith.select %gt3A_3158, %select_n3A_3139, %select_n3A_3168 : vector<16xi1>, vector<16xi32>
        %add3A_3170 = arith.constant 16 : i32
        %add3A_3171 = vector.broadcast %add3A_3170 : i32 to vector<16xi32>
        %add3A_3172 = arith.addi %add3A_3146, %add3A_3171 : vector<16xi32>
        %scan3A_3173 = arith.constant 2 : i32
        %scan3A_3174 = arith.addi %scan3A_3114, %scan3A_3173 : i32
        %mul3A_3175 = arith.constant 16 : i32
        %mul3A_3176 = arith.muli %scan3A_3174, %mul3A_3175 : i32
        %get3A_3177 = arith.constant 3 : i32
        %get3A_3178 = arith.index_cast %get3A_3177 : i32 to index
        %get3A_3179 = arith.index_cast %mul3A_3176 : i32 to index
        %get3A_3180 = tpu.vector_load %arg5[%get3A_3178, %get3A_3179] {strides = array<i32>} : memref<4x1000xf32, #tpu.memory_space<vmem>>, vector<16xf32>,
        %exp3A_3181 = math.exp %get3A_3180 : vector<16xf32>
        %add3A_3182 = arith.addf %add3A_3156, %exp3A_3181 : vector<16xf32>
        %gt3A_3183 = arith.cmpf ogt, %get3A_3180, %select_n3A_3160 : vector<16xf32>
        %gt3A_3184 = arith.cmpf ogt, %get3A_3180, %select_n3A_3163 : vector<16xf32>
        %gt3A_3185 = arith.cmpf ogt, %get3A_3180, %select_n3A_3167 : vector<16xf32>
        %select_n3A_3186 = arith.select %gt3A_3183, %get3A_3180, %select_n3A_3160 : vector<16xi1>, vector<16xf32>
        %select_n3A_3187 = arith.select %gt3A_3183, %add3A_3172, %select_n3A_3161 : vector<16xi1>, vector<16xi32>
        %select_n3A_3188 = arith.select %gt3A_3184, %get3A_3180, %select_n3A_3163 : vector<16xi1>, vector<16xf32>
        %select_n3A_3189 = arith.select %gt3A_3183, %select_n3A_3160, %select_n3A_3188 : vector<16xi1>, vector<16xf32>
        %select_n3A_3190 = arith.select %gt3A_3184, %add3A_3172, %select_n3A_3165 : vector<16xi1>, vector<16xi32>
        %select_n3A_3191 = arith.select %gt3A_3183, %select_n3A_3161, %select_n3A_3190 : vector<16xi1>, vector<16xi32>
        %select_n3A_3192 = arith.select %gt3A_3185, %get3A_3180, %select_n3A_3167 : vector<16xi1>, vector<16xf32>
        %select_n3A_3193 = arith.select %gt3A_3184, %select_n3A_3163, %select_n3A_3192 : vector<16xi1>, vector<16xf32>
        %select_n3A_3194 = arith.select %gt3A_3185, %add3A_3172, %select_n3A_3169 : vector<16xi1>, vector<16xi32>
        %select_n3A_3195 = arith.select %gt3A_3184, %select_n3A_3165, %select_n3A_3194 : vector<16xi1>, vector<16xi32>
        %add3A_3196 = arith.constant 16 : i32
        %add3A_3197 = vector.broadcast %add3A_3196 : i32 to vector<16xi32>
        %add3A_3198 = arith.addi %add3A_3172, %add3A_3197 : vector<16xi32>
        %scan3A_3199 = arith.constant 3 : i32
        %scan3A_3200 = arith.addi %scan3A_3114, %scan3A_3199 : i32
        %mul3A_3201 = arith.constant 16 : i32
        %mul3A_3202 = arith.muli %scan3A_3200, %mul3A_3201 : i32
        %get3A_3203 = arith.constant 3 : i32
        %get3A_3204 = arith.index_cast %get3A_3203 : i32 to index
        %get3A_3205 = arith.index_cast %mul3A_3202 : i32 to index
        %get3A_3206 = tpu.vector_load %arg5[%get3A_3204, %get3A_3205] {strides = array<i32>} : memref<4x1000xf32, #tpu.memory_space<vmem>>, vector<16xf32>,
        %exp3A_3207 = math.exp %get3A_3206 : vector<16xf32>
        %add3A_3208 = arith.addf %add3A_3182, %exp3A_3207 : vector<16xf32>
        %gt3A_3209 = arith.cmpf ogt, %get3A_3206, %select_n3A_3186 : vector<16xf32>
        %gt3A_3210 = arith.cmpf ogt, %get3A_3206, %select_n3A_3189 : vector<16xf32>
        %gt3A_3211 = arith.cmpf ogt, %get3A_3206, %select_n3A_3193 : vector<16xf32>
        %select_n3A_3212 = arith.select %gt3A_3209, %get3A_3206, %select_n3A_3186 : vector<16xi1>, vector<16xf32>
        %select_n3A_3213 = arith.select %gt3A_3209, %add3A_3198, %select_n3A_3187 : vector<16xi1>, vector<16xi32>
        %select_n3A_3214 = arith.select %gt3A_3210, %get3A_3206, %select_n3A_3189 : vector<16xi1>, vector<16xf32>
        %select_n3A_3215 = arith.select %gt3A_3209, %select_n3A_3186, %select_n3A_3214 : vector<16xi1>, vector<16xf32>
        %select_n3A_3216 = arith.select %gt3A_3210, %add3A_3198, %select_n3A_3191 : vector<16xi1>, vector<16xi32>
        %select_n3A_3217 = arith.select %gt3A_3209, %select_n3A_3187, %select_n3A_3216 : vector<16xi1>, vector<16xi32>
        %select_n3A_3218 = arith.select %gt3A_3211, %get3A_3206, %select_n3A_3193 : vector<16xi1>, vector<16xf32>
        %select_n3A_3219 = arith.select %gt3A_3210, %select_n3A_3189, %select_n3A_3218 : vector<16xi1>, vector<16xf32>
        %select_n3A_3220 = arith.select %gt3A_3211, %add3A_3198, %select_n3A_3195 : vector<16xi1>, vector<16xi32>
        %select_n3A_3221 = arith.select %gt3A_3210, %select_n3A_3191, %select_n3A_3220 : vector<16xi1>, vector<16xi32>
        %add3A_3222 = arith.constant 16 : i32
        %add3A_3223 = vector.broadcast %add3A_3222 : i32 to vector<16xi32>
        %add3A_3224 = arith.addi %add3A_3198, %add3A_3223 : vector<16xi32>
        %scan3A_3225 = arith.constant 4 : i32
        %scan3A_3226 = arith.addi %scan3A_3114, %scan3A_3225 : i32
        %mul3A_3227 = arith.constant 16 : i32
        %mul3A_3228 = arith.muli %scan3A_3226, %mul3A_3227 : i32
        %get3A_3229 = arith.constant 3 : i32
        %get3A_3230 = arith.index_cast %get3A_3229 : i32 to index
        %get3A_3231 = arith.index_cast %mul3A_3228 : i32 to index
        %get3A_3232 = tpu.vector_load %arg5[%get3A_3230, %get3A_3231] {strides = array<i32>} : memref<4x1000xf32, #tpu.memory_space<vmem>>, vector<16xf32>,
        %exp3A_3233 = math.exp %get3A_3232 : vector<16xf32>
        %add3A_3234 = arith.addf %add3A_3208, %exp3A_3233 : vector<16xf32>
        %gt3A_3235 = arith.cmpf ogt, %get3A_3232, %select_n3A_3212 : vector<16xf32>
        %gt3A_3236 = arith.cmpf ogt, %get3A_3232, %select_n3A_3215 : vector<16xf32>
        %gt3A_3237 = arith.cmpf ogt, %get3A_3232, %select_n3A_3219 : vector<16xf32>
        %select_n3A_3238 = arith.select %gt3A_3235, %get3A_3232, %select_n3A_3212 : vector<16xi1>, vector<16xf32>
        %select_n3A_3239 = arith.select %gt3A_3235, %add3A_3224, %select_n3A_3213 : vector<16xi1>, vector<16xi32>
        %select_n3A_3240 = arith.select %gt3A_3236, %get3A_3232, %select_n3A_3215 : vector<16xi1>, vector<16xf32>
        %select_n3A_3241 = arith.select %gt3A_3235, %select_n3A_3212, %select_n3A_3240 : vector<16xi1>, vector<16xf32>
        %select_n3A_3242 = arith.select %gt3A_3236, %add3A_3224, %select_n3A_3217 : vector<16xi1>, vector<16xi32>
        %select_n3A_3243 = arith.select %gt3A_3235, %select_n3A_3213, %select_n3A_3242 : vector<16xi1>, vector<16xi32>
        %select_n3A_3244 = arith.select %gt3A_3237, %get3A_3232, %select_n3A_3219 : vector<16xi1>, vector<16xf32>
        %select_n3A_3245 = arith.select %gt3A_3236, %select_n3A_3215, %select_n3A_3244 : vector<16xi1>, vector<16xf32>
        %select_n3A_3246 = arith.select %gt3A_3237, %add3A_3224, %select_n3A_3221 : vector<16xi1>, vector<16xi32>
        %select_n3A_3247 = arith.select %gt3A_3236, %select_n3A_3217, %select_n3A_3246 : vector<16xi1>, vector<16xi32>
        %add3A_3248 = arith.constant 16 : i32
        %add3A_3249 = vector.broadcast %add3A_3248 : i32 to vector<16xi32>
        %add3A_3250 = arith.addi %add3A_3224, %add3A_3249 : vector<16xi32>
        %scan3A_3251 = arith.constant 5 : i32
        %scan3A_3252 = arith.addi %scan3A_3114, %scan3A_3251 : i32
        %mul3A_3253 = arith.constant 16 : i32
        %mul3A_3254 = arith.muli %scan3A_3252, %mul3A_3253 : i32
        %get3A_3255 = arith.constant 3 : i32
        %get3A_3256 = arith.index_cast %get3A_3255 : i32 to index
        %get3A_3257 = arith.index_cast %mul3A_3254 : i32 to index
        %get3A_3258 = tpu.vector_load %arg5[%get3A_3256, %get3A_3257] {strides = array<i32>} : memref<4x1000xf32, #tpu.memory_space<vmem>>, vector<16xf32>,
        %exp3A_3259 = math.exp %get3A_3258 : vector<16xf32>
        %add3A_3260 = arith.addf %add3A_3234, %exp3A_3259 : vector<16xf32>
        %gt3A_3261 = arith.cmpf ogt, %get3A_3258, %select_n3A_3238 : vector<16xf32>
        %gt3A_3262 = arith.cmpf ogt, %get3A_3258, %select_n3A_3241 : vector<16xf32>
        %gt3A_3263 = arith.cmpf ogt, %get3A_3258, %select_n3A_3245 : vector<16xf32>
        %select_n3A_3264 = arith.select %gt3A_3261, %get3A_3258, %select_n3A_3238 : vector<16xi1>, vector<16xf32>
        %select_n3A_3265 = arith.select %gt3A_3261, %add3A_3250, %select_n3A_3239 : vector<16xi1>, vector<16xi32>
        %select_n3A_3266 = arith.select %gt3A_3262, %get3A_3258, %select_n3A_3241 : vector<16xi1>, vector<16xf32>
        %select_n3A_3267 = arith.select %gt3A_3261, %select_n3A_3238, %select_n3A_3266 : vector<16xi1>, vector<16xf32>
        %select_n3A_3268 = arith.select %gt3A_3262, %add3A_3250, %select_n3A_3243 : vector<16xi1>, vector<16xi32>
        %select_n3A_3269 = arith.select %gt3A_3261, %select_n3A_3239, %select_n3A_3268 : vector<16xi1>, vector<16xi32>
        %select_n3A_3270 = arith.select %gt3A_3263, %get3A_3258, %select_n3A_3245 : vector<16xi1>, vector<16xf32>
        %select_n3A_3271 = arith.select %gt3A_3262, %select_n3A_3241, %select_n3A_3270 : vector<16xi1>, vector<16xf32>
        %select_n3A_3272 = arith.select %gt3A_3263, %add3A_3250, %select_n3A_3247 : vector<16xi1>, vector<16xi32>
        %select_n3A_3273 = arith.select %gt3A_3262, %select_n3A_3243, %select_n3A_3272 : vector<16xi1>, vector<16xi32>
        %add3A_3274 = arith.constant 16 : i32
        %add3A_3275 = vector.broadcast %add3A_3274 : i32 to vector<16xi32>
        %add3A_3276 = arith.addi %add3A_3250, %add3A_3275 : vector<16xi32>
        %scan3A_3277 = arith.constant 6 : i32
        %scan3A_3278 = arith.addi %scan3A_3114, %scan3A_3277 : i32
        %mul3A_3279 = arith.constant 16 : i32
        %mul3A_3280 = arith.muli %scan3A_3278, %mul3A_3279 : i32
        %get3A_3281 = arith.constant 3 : i32
        %get3A_3282 = arith.index_cast %get3A_3281 : i32 to index
        %get3A_3283 = arith.index_cast %mul3A_3280 : i32 to index
        %get3A_3284 = tpu.vector_load %arg5[%get3A_3282, %get3A_3283] {strides = array<i32>} : memref<4x1000xf32, #tpu.memory_space<vmem>>, vector<16xf32>,
        %exp3A_3285 = math.exp %get3A_3284 : vector<16xf32>
        %add3A_3286 = arith.addf %add3A_3260, %exp3A_3285 : vector<16xf32>
        %gt3A_3287 = arith.cmpf ogt, %get3A_3284, %select_n3A_3264 : vector<16xf32>
        %gt3A_3288 = arith.cmpf ogt, %get3A_3284, %select_n3A_3267 : vector<16xf32>
        %gt3A_3289 = arith.cmpf ogt, %get3A_3284, %select_n3A_3271 : vector<16xf32>
        %select_n3A_3290 = arith.select %gt3A_3287, %get3A_3284, %select_n3A_3264 : vector<16xi1>, vector<16xf32>
        %select_n3A_3291 = arith.select %gt3A_3287, %add3A_3276, %select_n3A_3265 : vector<16xi1>, vector<16xi32>
        %select_n3A_3292 = arith.select %gt3A_3288, %get3A_3284, %select_n3A_3267 : vector<16xi1>, vector<16xf32>
        %select_n3A_3293 = arith.select %gt3A_3287, %select_n3A_3264, %select_n3A_3292 : vector<16xi1>, vector<16xf32>
        %select_n3A_3294 = arith.select %gt3A_3288, %add3A_3276, %select_n3A_3269 : vector<16xi1>, vector<16xi32>
        %select_n3A_3295 = arith.select %gt3A_3287, %select_n3A_3265, %select_n3A_3294 : vector<16xi1>, vector<16xi32>
        %select_n3A_3296 = arith.select %gt3A_3289, %get3A_3284, %select_n3A_3271 : vector<16xi1>, vector<16xf32>
        %select_n3A_3297 = arith.select %gt3A_3288, %select_n3A_3267, %select_n3A_3296 : vector<16xi1>, vector<16xf32>
        %select_n3A_3298 = arith.select %gt3A_3289, %add3A_3276, %select_n3A_3273 : vector<16xi1>, vector<16xi32>
        %select_n3A_3299 = arith.select %gt3A_3288, %select_n3A_3269, %select_n3A_3298 : vector<16xi1>, vector<16xi32>
        %add3A_3300 = arith.constant 16 : i32
        %add3A_3301 = vector.broadcast %add3A_3300 : i32 to vector<16xi32>
        %add3A_3302 = arith.addi %add3A_3276, %add3A_3301 : vector<16xi32>
        %scan3A_3303 = arith.constant 7 : i32
        %scan3A_3304 = arith.addi %scan3A_3114, %scan3A_3303 : i32
        %mul3A_3305 = arith.constant 16 : i32
        %mul3A_3306 = arith.muli %scan3A_3304, %mul3A_3305 : i32
        %get3A_3307 = arith.constant 3 : i32
        %get3A_3308 = arith.index_cast %get3A_3307 : i32 to index
        %get3A_3309 = arith.index_cast %mul3A_3306 : i32 to index
        %get3A_3310 = tpu.vector_load %arg5[%get3A_3308, %get3A_3309] {strides = array<i32>} : memref<4x1000xf32, #tpu.memory_space<vmem>>, vector<16xf32>,
        %exp3A_3311 = math.exp %get3A_3310 : vector<16xf32>
        %add3A_3312 = arith.addf %add3A_3286, %exp3A_3311 : vector<16xf32>
        %gt3A_3313 = arith.cmpf ogt, %get3A_3310, %select_n3A_3290 : vector<16xf32>
        %gt3A_3314 = arith.cmpf ogt, %get3A_3310, %select_n3A_3293 : vector<16xf32>
        %gt3A_3315 = arith.cmpf ogt, %get3A_3310, %select_n3A_3297 : vector<16xf32>
        %select_n3A_3316 = arith.select %gt3A_3313, %get3A_3310, %select_n3A_3290 : vector<16xi1>, vector<16xf32>
        %select_n3A_3317 = arith.select %gt3A_3313, %add3A_3302, %select_n3A_3291 : vector<16xi1>, vector<16xi32>
        %select_n3A_3318 = arith.select %gt3A_3314, %get3A_3310, %select_n3A_3293 : vector<16xi1>, vector<16xf32>
        %select_n3A_3319 = arith.select %gt3A_3313, %select_n3A_3290, %select_n3A_3318 : vector<16xi1>, vector<16xf32>
        %select_n3A_3320 = arith.select %gt3A_3314, %add3A_3302, %select_n3A_3295 : vector<16xi1>, vector<16xi32>
        %select_n3A_3321 = arith.select %gt3A_3313, %select_n3A_3291, %select_n3A_3320 : vector<16xi1>, vector<16xi32>
        %select_n3A_3322 = arith.select %gt3A_3315, %get3A_3310, %select_n3A_3297 : vector<16xi1>, vector<16xf32>
        %select_n3A_3323 = arith.select %gt3A_3314, %select_n3A_3293, %select_n3A_3322 : vector<16xi1>, vector<16xf32>
        %select_n3A_3324 = arith.select %gt3A_3315, %add3A_3302, %select_n3A_3299 : vector<16xi1>, vector<16xi32>
        %select_n3A_3325 = arith.select %gt3A_3314, %select_n3A_3295, %select_n3A_3324 : vector<16xi1>, vector<16xi32>
        %add3A_3326 = arith.constant 16 : i32
        %add3A_3327 = vector.broadcast %add3A_3326 : i32 to vector<16xi32>
        %add3A_3328 = arith.addi %add3A_3302, %add3A_3327 : vector<16xi32>
        scf.yield %select_n3A_3316, %select_n3A_3319, %select_n3A_3323, %select_n3A_3317, %select_n3A_3321, %select_n3A_3325, %add3A_3312, %add3A_3328 : vector<16xf32>, vector<16xf32>, vector<16xf32>, vector<16xi32>, vector<16xi32>, vector<16xi32>, vector<16xf32>, vector<16xi32>
      }
      %scan3A_1112 = arith.constant 56 : i32
      %scan3A_1113 = arith.addi %scan3A_1107, %scan3A_1112 : i32
      %mul3A_1114 = arith.constant 16 : i32
      %mul3A_1115 = arith.muli %scan3A_1113, %mul3A_1114 : i32
      %get3A_1116 = arith.constant 3 : i32
      %get3A_1117 = arith.index_cast %get3A_1116 : i32 to index
      %get3A_1118 = arith.index_cast %mul3A_1115 : i32 to index
      %get3A_1119 = tpu.vector_load %arg5[%get3A_1117, %get3A_1118] {strides = array<i32>} : memref<4x1000xf32, #tpu.memory_space<vmem>>, vector<16xf32>,
      %exp3A_1120 = math.exp %get3A_1119 : vector<16xf32>
      %add3A_1121 = arith.addf %scan3A_1111#6, %exp3A_1120 : vector<16xf32>
      %gt3A_1122 = arith.cmpf ogt, %get3A_1119, %scan3A_1111#0 : vector<16xf32>
      %gt3A_1123 = arith.cmpf ogt, %get3A_1119, %scan3A_1111#1 : vector<16xf32>
      %gt3A_1124 = arith.cmpf ogt, %get3A_1119, %scan3A_1111#2 : vector<16xf32>
      %select_n3A_1125 = arith.select %gt3A_1122, %get3A_1119, %scan3A_1111#0 : vector<16xi1>, vector<16xf32>
      %select_n3A_1126 = arith.select %gt3A_1122, %scan3A_1111#7, %scan3A_1111#3 : vector<16xi1>, vector<16xi32>
      %select_n3A_1127 = arith.select %gt3A_1123, %get3A_1119, %scan3A_1111#1 : vector<16xi1>, vector<16xf32>
      %select_n3A_1128 = arith.select %gt3A_1122, %scan3A_1111#0, %select_n3A_1127 : vector<16xi1>, vector<16xf32>
      %select_n3A_1129 = arith.select %gt3A_1123, %scan3A_1111#7, %scan3A_1111#4 : vector<16xi1>, vector<16xi32>
      %select_n3A_1130 = arith.select %gt3A_1122, %scan3A_1111#3, %select_n3A_1129 : vector<16xi1>, vector<16xi32>
      %select_n3A_1131 = arith.select %gt3A_1124, %get3A_1119, %scan3A_1111#2 : vector<16xi1>, vector<16xf32>
      %select_n3A_1132 = arith.select %gt3A_1123, %scan3A_1111#1, %select_n3A_1131 : vector<16xi1>, vector<16xf32>
      %select_n3A_1133 = arith.select %gt3A_1124, %scan3A_1111#7, %scan3A_1111#5 : vector<16xi1>, vector<16xi32>
      %select_n3A_1134 = arith.select %gt3A_1123, %scan3A_1111#4, %select_n3A_1133 : vector<16xi1>, vector<16xi32>
      %add3A_1135 = arith.constant 16 : i32
      %add3A_1136 = vector.broadcast %add3A_1135 : i32 to vector<16xi32>
      %add3A_1137 = arith.addi %scan3A_1111#7, %add3A_1136 : vector<16xi32>
      %scan3A_1138 = arith.constant 57 : i32
      %scan3A_1139 = arith.addi %scan3A_1107, %scan3A_1138 : i32
      %mul3A_1140 = arith.constant 16 : i32
      %mul3A_1141 = arith.muli %scan3A_1139, %mul3A_1140 : i32
      %get3A_1142 = arith.constant 3 : i32
      %get3A_1143 = arith.index_cast %get3A_1142 : i32 to index
      %get3A_1144 = arith.index_cast %mul3A_1141 : i32 to index
      %get3A_1145 = tpu.vector_load %arg5[%get3A_1143, %get3A_1144] {strides = array<i32>} : memref<4x1000xf32, #tpu.memory_space<vmem>>, vector<16xf32>,
      %exp3A_1146 = math.exp %get3A_1145 : vector<16xf32>
      %add3A_1147 = arith.addf %add3A_1121, %exp3A_1146 : vector<16xf32>
      %gt3A_1148 = arith.cmpf ogt, %get3A_1145, %select_n3A_1125 : vector<16xf32>
      %gt3A_1149 = arith.cmpf ogt, %get3A_1145, %select_n3A_1128 : vector<16xf32>
      %gt3A_1150 = arith.cmpf ogt, %get3A_1145, %select_n3A_1132 : vector<16xf32>
      %select_n3A_1151 = arith.select %gt3A_1148, %get3A_1145, %select_n3A_1125 : vector<16xi1>, vector<16xf32>
      %select_n3A_1152 = arith.select %gt3A_1148, %add3A_1137, %select_n3A_1126 : vector<16xi1>, vector<16xi32>
      %select_n3A_1153 = arith.select %gt3A_1149, %get3A_1145, %select_n3A_1128 : vector<16xi1>, vector<16xf32>
      %select_n3A_1154 = arith.select %gt3A_1148, %select_n3A_1125, %select_n3A_1153 : vector<16xi1>, vector<16xf32>
      %select_n3A_1155 = arith.select %gt3A_1149, %add3A_1137, %select_n3A_1130 : vector<16xi1>, vector<16xi32>
      %select_n3A_1156 = arith.select %gt3A_1148, %select_n3A_1126, %select_n3A_1155 : vector<16xi1>, vector<16xi32>
      %select_n3A_1157 = arith.select %gt3A_1150, %get3A_1145, %select_n3A_1132 : vector<16xi1>, vector<16xf32>
      %select_n3A_1158 = arith.select %gt3A_1149, %select_n3A_1128, %select_n3A_1157 : vector<16xi1>, vector<16xf32>
      %select_n3A_1159 = arith.select %gt3A_1150, %add3A_1137, %select_n3A_1134 : vector<16xi1>, vector<16xi32>
      %select_n3A_1160 = arith.select %gt3A_1149, %select_n3A_1130, %select_n3A_1159 : vector<16xi1>, vector<16xi32>
      %add3A_1161 = arith.constant 16 : i32
      %add3A_1162 = vector.broadcast %add3A_1161 : i32 to vector<16xi32>
      %add3A_1163 = arith.addi %add3A_1137, %add3A_1162 : vector<16xi32>
      %scan3A_1164 = arith.constant 58 : i32
      %scan3A_1165 = arith.addi %scan3A_1107, %scan3A_1164 : i32
      %mul3A_1166 = arith.constant 16 : i32
      %mul3A_1167 = arith.muli %scan3A_1165, %mul3A_1166 : i32
      %get3A_1168 = arith.constant 3 : i32
      %get3A_1169 = arith.index_cast %get3A_1168 : i32 to index
      %get3A_1170 = arith.index_cast %mul3A_1167 : i32 to index
      %get3A_1171 = tpu.vector_load %arg5[%get3A_1169, %get3A_1170] {strides = array<i32>} : memref<4x1000xf32, #tpu.memory_space<vmem>>, vector<16xf32>,
      %exp3A_1172 = math.exp %get3A_1171 : vector<16xf32>
      %add3A_1173 = arith.addf %add3A_1147, %exp3A_1172 : vector<16xf32>
      %gt3A_1174 = arith.cmpf ogt, %get3A_1171, %select_n3A_1151 : vector<16xf32>
      %gt3A_1175 = arith.cmpf ogt, %get3A_1171, %select_n3A_1154 : vector<16xf32>
      %gt3A_1176 = arith.cmpf ogt, %get3A_1171, %select_n3A_1158 : vector<16xf32>
      %select_n3A_1177 = arith.select %gt3A_1174, %get3A_1171, %select_n3A_1151 : vector<16xi1>, vector<16xf32>
      %select_n3A_1178 = arith.select %gt3A_1174, %add3A_1163, %select_n3A_1152 : vector<16xi1>, vector<16xi32>
      %select_n3A_1179 = arith.select %gt3A_1175, %get3A_1171, %select_n3A_1154 : vector<16xi1>, vector<16xf32>
      %select_n3A_1180 = arith.select %gt3A_1174, %select_n3A_1151, %select_n3A_1179 : vector<16xi1>, vector<16xf32>
      %select_n3A_1181 = arith.select %gt3A_1175, %add3A_1163, %select_n3A_1156 : vector<16xi1>, vector<16xi32>
      %select_n3A_1182 = arith.select %gt3A_1174, %select_n3A_1152, %select_n3A_1181 : vector<16xi1>, vector<16xi32>
      %select_n3A_1183 = arith.select %gt3A_1176, %get3A_1171, %select_n3A_1158 : vector<16xi1>, vector<16xf32>
      %select_n3A_1184 = arith.select %gt3A_1175, %select_n3A_1154, %select_n3A_1183 : vector<16xi1>, vector<16xf32>
      %select_n3A_1185 = arith.select %gt3A_1176, %add3A_1163, %select_n3A_1160 : vector<16xi1>, vector<16xi32>
      %select_n3A_1186 = arith.select %gt3A_1175, %select_n3A_1156, %select_n3A_1185 : vector<16xi1>, vector<16xi32>
      %add3A_1187 = arith.constant 16 : i32
      %add3A_1188 = vector.broadcast %add3A_1187 : i32 to vector<16xi32>
      %add3A_1189 = arith.addi %add3A_1163, %add3A_1188 : vector<16xi32>
      %scan3A_1190 = arith.constant 59 : i32
      %scan3A_1191 = arith.addi %scan3A_1107, %scan3A_1190 : i32
      %mul3A_1192 = arith.constant 16 : i32
      %mul3A_1193 = arith.muli %scan3A_1191, %mul3A_1192 : i32
      %get3A_1194 = arith.constant 3 : i32
      %get3A_1195 = arith.index_cast %get3A_1194 : i32 to index
      %get3A_1196 = arith.index_cast %mul3A_1193 : i32 to index
      %get3A_1197 = tpu.vector_load %arg5[%get3A_1195, %get3A_1196] {strides = array<i32>} : memref<4x1000xf32, #tpu.memory_space<vmem>>, vector<16xf32>,
      %exp3A_1198 = math.exp %get3A_1197 : vector<16xf32>
      %add3A_1199 = arith.addf %add3A_1173, %exp3A_1198 : vector<16xf32>
      %gt3A_1200 = arith.cmpf ogt, %get3A_1197, %select_n3A_1177 : vector<16xf32>
      %gt3A_1201 = arith.cmpf ogt, %get3A_1197, %select_n3A_1180 : vector<16xf32>
      %gt3A_1202 = arith.cmpf ogt, %get3A_1197, %select_n3A_1184 : vector<16xf32>
      %select_n3A_1203 = arith.select %gt3A_1200, %get3A_1197, %select_n3A_1177 : vector<16xi1>, vector<16xf32>
      %select_n3A_1204 = arith.select %gt3A_1200, %add3A_1189, %select_n3A_1178 : vector<16xi1>, vector<16xi32>
      %select_n3A_1205 = arith.select %gt3A_1201, %get3A_1197, %select_n3A_1180 : vector<16xi1>, vector<16xf32>
      %select_n3A_1206 = arith.select %gt3A_1200, %select_n3A_1177, %select_n3A_1205 : vector<16xi1>, vector<16xf32>
      %select_n3A_1207 = arith.select %gt3A_1201, %add3A_1189, %select_n3A_1182 : vector<16xi1>, vector<16xi32>
      %select_n3A_1208 = arith.select %gt3A_1200, %select_n3A_1178, %select_n3A_1207 : vector<16xi1>, vector<16xi32>
      %select_n3A_1209 = arith.select %gt3A_1202, %get3A_1197, %select_n3A_1184 : vector<16xi1>, vector<16xf32>
      %select_n3A_1210 = arith.select %gt3A_1201, %select_n3A_1180, %select_n3A_1209 : vector<16xi1>, vector<16xf32>
      %select_n3A_1211 = arith.select %gt3A_1202, %add3A_1189, %select_n3A_1186 : vector<16xi1>, vector<16xi32>
      %select_n3A_1212 = arith.select %gt3A_1201, %select_n3A_1182, %select_n3A_1211 : vector<16xi1>, vector<16xi32>
      %add3A_1213 = arith.constant 16 : i32
      %add3A_1214 = vector.broadcast %add3A_1213 : i32 to vector<16xi32>
      %add3A_1215 = arith.addi %add3A_1189, %add3A_1214 : vector<16xi32>
      %scan3A_1216 = arith.constant 60 : i32
      %scan3A_1217 = arith.addi %scan3A_1107, %scan3A_1216 : i32
      %mul3A_1218 = arith.constant 16 : i32
      %mul3A_1219 = arith.muli %scan3A_1217, %mul3A_1218 : i32
      %get3A_1220 = arith.constant 3 : i32
      %get3A_1221 = arith.index_cast %get3A_1220 : i32 to index
      %get3A_1222 = arith.index_cast %mul3A_1219 : i32 to index
      %get3A_1223 = tpu.vector_load %arg5[%get3A_1221, %get3A_1222] {strides = array<i32>} : memref<4x1000xf32, #tpu.memory_space<vmem>>, vector<16xf32>,
      %exp3A_1224 = math.exp %get3A_1223 : vector<16xf32>
      %add3A_1225 = arith.addf %add3A_1199, %exp3A_1224 : vector<16xf32>
      %gt3A_1226 = arith.cmpf ogt, %get3A_1223, %select_n3A_1203 : vector<16xf32>
      %gt3A_1227 = arith.cmpf ogt, %get3A_1223, %select_n3A_1206 : vector<16xf32>
      %gt3A_1228 = arith.cmpf ogt, %get3A_1223, %select_n3A_1210 : vector<16xf32>
      %select_n3A_1229 = arith.select %gt3A_1226, %get3A_1223, %select_n3A_1203 : vector<16xi1>, vector<16xf32>
      %select_n3A_1230 = arith.select %gt3A_1226, %add3A_1215, %select_n3A_1204 : vector<16xi1>, vector<16xi32>
      %select_n3A_1231 = arith.select %gt3A_1227, %get3A_1223, %select_n3A_1206 : vector<16xi1>, vector<16xf32>
      %select_n3A_1232 = arith.select %gt3A_1226, %select_n3A_1203, %select_n3A_1231 : vector<16xi1>, vector<16xf32>
      %select_n3A_1233 = arith.select %gt3A_1227, %add3A_1215, %select_n3A_1208 : vector<16xi1>, vector<16xi32>
      %select_n3A_1234 = arith.select %gt3A_1226, %select_n3A_1204, %select_n3A_1233 : vector<16xi1>, vector<16xi32>
      %select_n3A_1235 = arith.select %gt3A_1228, %get3A_1223, %select_n3A_1210 : vector<16xi1>, vector<16xf32>
      %select_n3A_1236 = arith.select %gt3A_1227, %select_n3A_1206, %select_n3A_1235 : vector<16xi1>, vector<16xf32>
      %select_n3A_1237 = arith.select %gt3A_1228, %add3A_1215, %select_n3A_1212 : vector<16xi1>, vector<16xi32>
      %select_n3A_1238 = arith.select %gt3A_1227, %select_n3A_1208, %select_n3A_1237 : vector<16xi1>, vector<16xi32>
      %add3A_1239 = arith.constant 16 : i32
      %add3A_1240 = vector.broadcast %add3A_1239 : i32 to vector<16xi32>
      %add3A_1241 = arith.addi %add3A_1215, %add3A_1240 : vector<16xi32>
      %scan3A_1242 = arith.constant 61 : i32
      %scan3A_1243 = arith.addi %scan3A_1107, %scan3A_1242 : i32
      %mul3A_1244 = arith.constant 16 : i32
      %mul3A_1245 = arith.muli %scan3A_1243, %mul3A_1244 : i32
      %get3A_1246 = arith.constant 3 : i32
      %get3A_1247 = arith.index_cast %get3A_1246 : i32 to index
      %get3A_1248 = arith.index_cast %mul3A_1245 : i32 to index
      %get3A_1249 = tpu.vector_load %arg5[%get3A_1247, %get3A_1248] {strides = array<i32>} : memref<4x1000xf32, #tpu.memory_space<vmem>>, vector<16xf32>,
      %exp3A_1250 = math.exp %get3A_1249 : vector<16xf32>
      %add3A_1251 = arith.addf %add3A_1225, %exp3A_1250 : vector<16xf32>
      %gt3A_1252 = arith.cmpf ogt, %get3A_1249, %select_n3A_1229 : vector<16xf32>
      %gt3A_1253 = arith.cmpf ogt, %get3A_1249, %select_n3A_1232 : vector<16xf32>
      %gt3A_1254 = arith.cmpf ogt, %get3A_1249, %select_n3A_1236 : vector<16xf32>
      %select_n3A_1255 = arith.select %gt3A_1252, %get3A_1249, %select_n3A_1229 : vector<16xi1>, vector<16xf32>
      %select_n3A_1256 = arith.select %gt3A_1252, %add3A_1241, %select_n3A_1230 : vector<16xi1>, vector<16xi32>
      %select_n3A_1257 = arith.select %gt3A_1253, %get3A_1249, %select_n3A_1232 : vector<16xi1>, vector<16xf32>
      %select_n3A_1258 = arith.select %gt3A_1252, %select_n3A_1229, %select_n3A_1257 : vector<16xi1>, vector<16xf32>
      %select_n3A_1259 = arith.select %gt3A_1253, %add3A_1241, %select_n3A_1234 : vector<16xi1>, vector<16xi32>
      %select_n3A_1260 = arith.select %gt3A_1252, %select_n3A_1230, %select_n3A_1259 : vector<16xi1>, vector<16xi32>
      %select_n3A_1261 = arith.select %gt3A_1254, %get3A_1249, %select_n3A_1236 : vector<16xi1>, vector<16xf32>
      %select_n3A_1262 = arith.select %gt3A_1253, %select_n3A_1232, %select_n3A_1261 : vector<16xi1>, vector<16xf32>
      %select_n3A_1263 = arith.select %gt3A_1254, %add3A_1241, %select_n3A_1238 : vector<16xi1>, vector<16xi32>
      %select_n3A_1264 = arith.select %gt3A_1253, %select_n3A_1234, %select_n3A_1263 : vector<16xi1>, vector<16xi32>
      %add3A_1265 = arith.constant 16 : i32
      %add3A_1266 = vector.broadcast %add3A_1265 : i32 to vector<16xi32>
      %add3A_1267 = arith.addi %add3A_1241, %add3A_1266 : vector<16xi32>
      %scan3A_1268 = arith.constant 62 : i32
      %get3A_1269 = arith.constant 3 : i32
      %get3A_1270 = arith.index_cast %get3A_1269 : i32 to index
      %get3A_1271 = arith.constant 984 : index
      %get3A_1272 = tpu.vector_load %arg5[%get3A_1270, %get3A_1271] {strides = array<i32>} : memref<4x1000xf32, #tpu.memory_space<vmem>>, vector<16xf32>,
      %ge3A_1273 = arith.constant 8 : i32
      %ge3A_1274 = vector.broadcast %ge3A_1273 : i32 to vector<16xi32>
      %ge3A_1275 = arith.cmpi sge, %iota3A, %ge3A_1274 : vector<16xi32>
      %exp3A_1276 = math.exp %get3A_1272 : vector<16xf32>
      %jit3A_1277 = arith.constant 0.000000e+00 : f32
      %broadcast_in_dim3A_1278 = vector.broadcast %jit3A_1277 : f32 to vector<16xf32>
      %select_n3A_1279 = arith.select %ge3A_1275, %exp3A_1276, %broadcast_in_dim3A_1278 : vector<16xi1>, vector<16xf32>
      %add3A_1280 = arith.addf %add3A_1251, %select_n3A_1279 : vector<16xf32>
      %jit3A_1281 = arith.constant 0xFF800000 : f32
      %broadcast_in_dim3A_1282 = vector.broadcast %jit3A_1281 : f32 to vector<16xf32>
      %select_n3A_1283 = arith.select %ge3A_1275, %get3A_1272, %broadcast_in_dim3A_1282 : vector<16xi1>, vector<16xf32>
      %add3A_1284 = arith.constant 984 : i32
      %add3A_1285 = vector.broadcast %add3A_1284 : i32 to vector<16xi32>
      %add3A_1286 = arith.addi %add3A_1285, %iota3A : vector<16xi32>
      %gt3A_1287 = arith.cmpf ogt, %select_n3A_1283, %select_n3A_1255 : vector<16xf32>
      %gt3A_1288 = arith.cmpf ogt, %select_n3A_1283, %select_n3A_1258 : vector<16xf32>
      %gt3A_1289 = arith.cmpf ogt, %select_n3A_1283, %select_n3A_1262 : vector<16xf32>
      %select_n3A_1290 = arith.select %gt3A_1287, %select_n3A_1283, %select_n3A_1255 : vector<16xi1>, vector<16xf32>
      %select_n3A_1291 = arith.select %gt3A_1287, %add3A_1286, %select_n3A_1256 : vector<16xi1>, vector<16xi32>
      %select_n3A_1292 = arith.select %gt3A_1288, %select_n3A_1283, %select_n3A_1258 : vector<16xi1>, vector<16xf32>
      %select_n3A_1293 = arith.select %gt3A_1287, %select_n3A_1255, %select_n3A_1292 : vector<16xi1>, vector<16xf32>
      %select_n3A_1294 = arith.select %gt3A_1288, %add3A_1286, %select_n3A_1260 : vector<16xi1>, vector<16xi32>
      %select_n3A_1295 = arith.select %gt3A_1287, %select_n3A_1256, %select_n3A_1294 : vector<16xi1>, vector<16xi32>
      %select_n3A_1296 = arith.select %gt3A_1289, %select_n3A_1283, %select_n3A_1262 : vector<16xi1>, vector<16xf32>
      %select_n3A_1297 = arith.select %gt3A_1288, %select_n3A_1258, %select_n3A_1296 : vector<16xi1>, vector<16xf32>
      %select_n3A_1298 = arith.select %gt3A_1289, %add3A_1286, %select_n3A_1264 : vector<16xi1>, vector<16xi32>
      %select_n3A_1299 = arith.select %gt3A_1288, %select_n3A_1260, %select_n3A_1298 : vector<16xi1>, vector<16xi32>
      %max3A_1300 = arith.maximumf %select_n3A_1290, %select_n3A_1293 : vector<16xf32>
      %max3A_1301 = arith.maximumf %max3A_1300, %select_n3A_1297 : vector<16xf32>
      %reduce_max3A_1302 = arith.constant true
      %reduce_max3A_1303 = vector.broadcast %reduce_max3A_1302 : i1 to vector<16xi1>
      %reduce_max3A_1304 = tpu.scan <max>, %max3A_1301 masked %reduce_max3A_1303 : vector<16xf32>, vector<16xi1> -> vector<16xf32>
      %reduce_max3A_1305 = vector.extract %reduce_max3A_1304[15] : f32 from vector<16xf32>
      %broadcast_in_dim3A_1306 = arith.constant 1048576 : i32
      %broadcast_in_dim3A_1307 = vector.broadcast %broadcast_in_dim3A_1306 : i32 to vector<16xi32>
      %eq3A_1308 = vector.broadcast %reduce_max3A_1305 : f32 to vector<16xf32>
      %eq3A_1309 = arith.cmpf oeq, %select_n3A_1290, %eq3A_1308 : vector<16xf32>
      %jit3A_1310 = arith.constant 1048576 : i32
      %broadcast_in_dim3A_1311 = vector.broadcast %jit3A_1310 : i32 to vector<16xi32>
      %select_n3A_1312 = arith.select %eq3A_1309, %select_n3A_1291, %broadcast_in_dim3A_1311 : vector<16xi1>, vector<16xi32>
      %min3A_1313 = arith.minsi %broadcast_in_dim3A_1307, %select_n3A_1312 : vector<16xi32>
      %eq3A_1314 = vector.broadcast %reduce_max3A_1305 : f32 to vector<16xf32>
      %eq3A_1315 = arith.cmpf oeq, %select_n3A_1293, %eq3A_1314 : vector<16xf32>
      %jit3A_1316 = arith.constant 1048576 : i32
      %broadcast_in_dim3A_1317 = vector.broadcast %jit3A_1316 : i32 to vector<16xi32>
      %select_n3A_1318 = arith.select %eq3A_1315, %select_n3A_1295, %broadcast_in_dim3A_1317 : vector<16xi1>, vector<16xi32>
      %min3A_1319 = arith.minsi %min3A_1313, %select_n3A_1318 : vector<16xi32>
      %eq3A_1320 = vector.broadcast %reduce_max3A_1305 : f32 to vector<16xf32>
      %eq3A_1321 = arith.cmpf oeq, %select_n3A_1297, %eq3A_1320 : vector<16xf32>
      %jit3A_1322 = arith.constant 1048576 : i32
      %broadcast_in_dim3A_1323 = vector.broadcast %jit3A_1322 : i32 to vector<16xi32>
      %select_n3A_1324 = arith.select %eq3A_1321, %select_n3A_1299, %broadcast_in_dim3A_1323 : vector<16xi1>, vector<16xi32>
      %min3A_1325 = arith.minsi %min3A_1319, %select_n3A_1324 : vector<16xi32>
      %reduce_min3A_1326 = arith.constant true
      %reduce_min3A_1327 = vector.broadcast %reduce_min3A_1326 : i1 to vector<16xi1>
      %reduce_min3A_1328 = arith.constant -2147483648 : i32
      %reduce_min3A_1329 = vector.broadcast %reduce_min3A_1328 : i32 to vector<16xi32>
      %reduce_min3A_1330 = arith.xori %min3A_1325, %reduce_min3A_1329 : vector<16xi32>
      %reduce_min3A_1331 = tpu.scan <min>, %reduce_min3A_1330 masked %reduce_min3A_1327 : vector<16xi32>, vector<16xi1> -> vector<16xi32>
      %reduce_min3A_1332 = arith.xori %reduce_min3A_1331, %reduce_min3A_1329 : vector<16xi32>
      %reduce_min3A_1333 = vector.extract %reduce_min3A_1332[15] : i32 from vector<16xi32>
      %eq3A_1334 = vector.broadcast %reduce_max3A_1305 : f32 to vector<16xf32>
      %eq3A_1335 = arith.cmpf oeq, %select_n3A_1290, %eq3A_1334 : vector<16xf32>
      %eq3A_1336 = vector.broadcast %reduce_min3A_1333 : i32 to vector<16xi32>
      %eq3A_1337 = arith.cmpi eq, %select_n3A_1291, %eq3A_1336 : vector<16xi32>
      %and3A_1338 = arith.andi %eq3A_1335, %eq3A_1337 : vector<16xi1>
      %jit3A_1339 = arith.constant 0xFF800000 : f32
      %broadcast_in_dim3A_1340 = vector.broadcast %jit3A_1339 : f32 to vector<16xf32>
      %select_n3A_1341 = arith.select %and3A_1338, %broadcast_in_dim3A_1340, %select_n3A_1290 : vector<16xi1>, vector<16xf32>
      %eq3A_1342 = vector.broadcast %reduce_max3A_1305 : f32 to vector<16xf32>
      %eq3A_1343 = arith.cmpf oeq, %select_n3A_1293, %eq3A_1342 : vector<16xf32>
      %eq3A_1344 = vector.broadcast %reduce_min3A_1333 : i32 to vector<16xi32>
      %eq3A_1345 = arith.cmpi eq, %select_n3A_1295, %eq3A_1344 : vector<16xi32>
      %and3A_1346 = arith.andi %eq3A_1343, %eq3A_1345 : vector<16xi1>
      %jit3A_1347 = arith.constant 0xFF800000 : f32
      %broadcast_in_dim3A_1348 = vector.broadcast %jit3A_1347 : f32 to vector<16xf32>
      %select_n3A_1349 = arith.select %and3A_1346, %broadcast_in_dim3A_1348, %select_n3A_1293 : vector<16xi1>, vector<16xf32>
      %eq3A_1350 = vector.broadcast %reduce_max3A_1305 : f32 to vector<16xf32>
      %eq3A_1351 = arith.cmpf oeq, %select_n3A_1297, %eq3A_1350 : vector<16xf32>
      %eq3A_1352 = vector.broadcast %reduce_min3A_1333 : i32 to vector<16xi32>
      %eq3A_1353 = arith.cmpi eq, %select_n3A_1299, %eq3A_1352 : vector<16xi32>
      %and3A_1354 = arith.andi %eq3A_1351, %eq3A_1353 : vector<16xi1>
      %jit3A_1355 = arith.constant 0xFF800000 : f32
      %broadcast_in_dim3A_1356 = vector.broadcast %jit3A_1355 : f32 to vector<16xf32>
      %select_n3A_1357 = arith.select %and3A_1354, %broadcast_in_dim3A_1356, %select_n3A_1297 : vector<16xi1>, vector<16xf32>
      %max3A_1358 = arith.maximumf %select_n3A_1341, %select_n3A_1349 : vector<16xf32>
      %max3A_1359 = arith.maximumf %max3A_1358, %select_n3A_1357 : vector<16xf32>
      %reduce_max3A_1360 = arith.constant true
      %reduce_max3A_1361 = vector.broadcast %reduce_max3A_1360 : i1 to vector<16xi1>
      %reduce_max3A_1362 = tpu.scan <max>, %max3A_1359 masked %reduce_max3A_1361 : vector<16xf32>, vector<16xi1> -> vector<16xf32>
      %reduce_max3A_1363 = vector.extract %reduce_max3A_1362[15] : f32 from vector<16xf32>
      %broadcast_in_dim3A_1364 = arith.constant 1048576 : i32
      %broadcast_in_dim3A_1365 = vector.broadcast %broadcast_in_dim3A_1364 : i32 to vector<16xi32>
      %eq3A_1366 = vector.broadcast %reduce_max3A_1363 : f32 to vector<16xf32>
      %eq3A_1367 = arith.cmpf oeq, %select_n3A_1341, %eq3A_1366 : vector<16xf32>
      %jit3A_1368 = arith.constant 1048576 : i32
      %broadcast_in_dim3A_1369 = vector.broadcast %jit3A_1368 : i32 to vector<16xi32>
      %select_n3A_1370 = arith.select %eq3A_1367, %select_n3A_1291, %broadcast_in_dim3A_1369 : vector<16xi1>, vector<16xi32>
      %min3A_1371 = arith.minsi %broadcast_in_dim3A_1365, %select_n3A_1370 : vector<16xi32>
      %eq3A_1372 = vector.broadcast %reduce_max3A_1363 : f32 to vector<16xf32>
      %eq3A_1373 = arith.cmpf oeq, %select_n3A_1349, %eq3A_1372 : vector<16xf32>
      %jit3A_1374 = arith.constant 1048576 : i32
      %broadcast_in_dim3A_1375 = vector.broadcast %jit3A_1374 : i32 to vector<16xi32>
      %select_n3A_1376 = arith.select %eq3A_1373, %select_n3A_1295, %broadcast_in_dim3A_1375 : vector<16xi1>, vector<16xi32>
      %min3A_1377 = arith.minsi %min3A_1371, %select_n3A_1376 : vector<16xi32>
      %eq3A_1378 = vector.broadcast %reduce_max3A_1363 : f32 to vector<16xf32>
      %eq3A_1379 = arith.cmpf oeq, %select_n3A_1357, %eq3A_1378 : vector<16xf32>
      %jit3A_1380 = arith.constant 1048576 : i32
      %broadcast_in_dim3A_1381 = vector.broadcast %jit3A_1380 : i32 to vector<16xi32>
      %select_n3A_1382 = arith.select %eq3A_1379, %select_n3A_1299, %broadcast_in_dim3A_1381 : vector<16xi1>, vector<16xi32>
      %min3A_1383 = arith.minsi %min3A_1377, %select_n3A_1382 : vector<16xi32>
      %reduce_min3A_1384 = arith.constant true
      %reduce_min3A_1385 = vector.broadcast %reduce_min3A_1384 : i1 to vector<16xi1>
      %reduce_min3A_1386 = arith.constant -2147483648 : i32
      %reduce_min3A_1387 = vector.broadcast %reduce_min3A_1386 : i32 to vector<16xi32>
      %reduce_min3A_1388 = arith.xori %min3A_1383, %reduce_min3A_1387 : vector<16xi32>
      %reduce_min3A_1389 = tpu.scan <min>, %reduce_min3A_1388 masked %reduce_min3A_1385 : vector<16xi32>, vector<16xi1> -> vector<16xi32>
      %reduce_min3A_1390 = arith.xori %reduce_min3A_1389, %reduce_min3A_1387 : vector<16xi32>
      %reduce_min3A_1391 = vector.extract %reduce_min3A_1390[15] : i32 from vector<16xi32>
      %eq3A_1392 = vector.broadcast %reduce_max3A_1363 : f32 to vector<16xf32>
      %eq3A_1393 = arith.cmpf oeq, %select_n3A_1341, %eq3A_1392 : vector<16xf32>
      %eq3A_1394 = vector.broadcast %reduce_min3A_1391 : i32 to vector<16xi32>
      %eq3A_1395 = arith.cmpi eq, %select_n3A_1291, %eq3A_1394 : vector<16xi32>
      %and3A_1396 = arith.andi %eq3A_1393, %eq3A_1395 : vector<16xi1>
      %jit3A_1397 = arith.constant 0xFF800000 : f32
      %broadcast_in_dim3A_1398 = vector.broadcast %jit3A_1397 : f32 to vector<16xf32>
      %select_n3A_1399 = arith.select %and3A_1396, %broadcast_in_dim3A_1398, %select_n3A_1341 : vector<16xi1>, vector<16xf32>
      %eq3A_1400 = vector.broadcast %reduce_max3A_1363 : f32 to vector<16xf32>
      %eq3A_1401 = arith.cmpf oeq, %select_n3A_1349, %eq3A_1400 : vector<16xf32>
      %eq3A_1402 = vector.broadcast %reduce_min3A_1391 : i32 to vector<16xi32>
      %eq3A_1403 = arith.cmpi eq, %select_n3A_1295, %eq3A_1402 : vector<16xi32>
      %and3A_1404 = arith.andi %eq3A_1401, %eq3A_1403 : vector<16xi1>
      %jit3A_1405 = arith.constant 0xFF800000 : f32
      %broadcast_in_dim3A_1406 = vector.broadcast %jit3A_1405 : f32 to vector<16xf32>
      %select_n3A_1407 = arith.select %and3A_1404, %broadcast_in_dim3A_1406, %select_n3A_1349 : vector<16xi1>, vector<16xf32>
      %eq3A_1408 = vector.broadcast %reduce_max3A_1363 : f32 to vector<16xf32>
      %eq3A_1409 = arith.cmpf oeq, %select_n3A_1357, %eq3A_1408 : vector<16xf32>
      %eq3A_1410 = vector.broadcast %reduce_min3A_1391 : i32 to vector<16xi32>
      %eq3A_1411 = arith.cmpi eq, %select_n3A_1299, %eq3A_1410 : vector<16xi32>
      %and3A_1412 = arith.andi %eq3A_1409, %eq3A_1411 : vector<16xi1>
      %jit3A_1413 = arith.constant 0xFF800000 : f32
      %broadcast_in_dim3A_1414 = vector.broadcast %jit3A_1413 : f32 to vector<16xf32>
      %select_n3A_1415 = arith.select %and3A_1412, %broadcast_in_dim3A_1414, %select_n3A_1357 : vector<16xi1>, vector<16xf32>
      %max3A_1416 = arith.maximumf %select_n3A_1399, %select_n3A_1407 : vector<16xf32>
      %max3A_1417 = arith.maximumf %max3A_1416, %select_n3A_1415 : vector<16xf32>
      %reduce_max3A_1418 = arith.constant true
      %reduce_max3A_1419 = vector.broadcast %reduce_max3A_1418 : i1 to vector<16xi1>
      %reduce_max3A_1420 = tpu.scan <max>, %max3A_1417 masked %reduce_max3A_1419 : vector<16xf32>, vector<16xi1> -> vector<16xf32>
      %reduce_max3A_1421 = vector.extract %reduce_max3A_1420[15] : f32 from vector<16xf32>
      %broadcast_in_dim3A_1422 = arith.constant 1048576 : i32
      %broadcast_in_dim3A_1423 = vector.broadcast %broadcast_in_dim3A_1422 : i32 to vector<16xi32>
      %eq3A_1424 = vector.broadcast %reduce_max3A_1421 : f32 to vector<16xf32>
      %eq3A_1425 = arith.cmpf oeq, %select_n3A_1399, %eq3A_1424 : vector<16xf32>
      %jit3A_1426 = arith.constant 1048576 : i32
      %broadcast_in_dim3A_1427 = vector.broadcast %jit3A_1426 : i32 to vector<16xi32>
      %select_n3A_1428 = arith.select %eq3A_1425, %select_n3A_1291, %broadcast_in_dim3A_1427 : vector<16xi1>, vector<16xi32>
      %min3A_1429 = arith.minsi %broadcast_in_dim3A_1423, %select_n3A_1428 : vector<16xi32>
      %eq3A_1430 = vector.broadcast %reduce_max3A_1421 : f32 to vector<16xf32>
      %eq3A_1431 = arith.cmpf oeq, %select_n3A_1407, %eq3A_1430 : vector<16xf32>
      %jit3A_1432 = arith.constant 1048576 : i32
      %broadcast_in_dim3A_1433 = vector.broadcast %jit3A_1432 : i32 to vector<16xi32>
      %select_n3A_1434 = arith.select %eq3A_1431, %select_n3A_1295, %broadcast_in_dim3A_1433 : vector<16xi1>, vector<16xi32>
      %min3A_1435 = arith.minsi %min3A_1429, %select_n3A_1434 : vector<16xi32>
      %eq3A_1436 = vector.broadcast %reduce_max3A_1421 : f32 to vector<16xf32>
      %eq3A_1437 = arith.cmpf oeq, %select_n3A_1415, %eq3A_1436 : vector<16xf32>
      %jit3A_1438 = arith.constant 1048576 : i32
      %broadcast_in_dim3A_1439 = vector.broadcast %jit3A_1438 : i32 to vector<16xi32>
      %select_n3A_1440 = arith.select %eq3A_1437, %select_n3A_1299, %broadcast_in_dim3A_1439 : vector<16xi1>, vector<16xi32>
      %min3A_1441 = arith.minsi %min3A_1435, %select_n3A_1440 : vector<16xi32>
      %reduce_min3A_1442 = arith.constant true
      %reduce_min3A_1443 = vector.broadcast %reduce_min3A_1442 : i1 to vector<16xi1>
      %reduce_min3A_1444 = arith.constant -2147483648 : i32
      %reduce_min3A_1445 = vector.broadcast %reduce_min3A_1444 : i32 to vector<16xi32>
      %reduce_min3A_1446 = arith.xori %min3A_1441, %reduce_min3A_1445 : vector<16xi32>
      %reduce_min3A_1447 = tpu.scan <min>, %reduce_min3A_1446 masked %reduce_min3A_1443 : vector<16xi32>, vector<16xi1> -> vector<16xi32>
      %reduce_min3A_1448 = arith.xori %reduce_min3A_1447, %reduce_min3A_1445 : vector<16xi32>
      %reduce_min3A_1449 = vector.extract %reduce_min3A_1448[15] : i32 from vector<16xi32>
      %eq3A_1450 = vector.broadcast %reduce_max3A_1421 : f32 to vector<16xf32>
      %eq3A_1451 = arith.cmpf oeq, %select_n3A_1399, %eq3A_1450 : vector<16xf32>
      %eq3A_1452 = vector.broadcast %reduce_min3A_1449 : i32 to vector<16xi32>
      %eq3A_1453 = arith.cmpi eq, %select_n3A_1291, %eq3A_1452 : vector<16xi32>
      %and3A_1454 = arith.andi %eq3A_1451, %eq3A_1453 : vector<16xi1>
      %jit3A_1455 = arith.constant 0xFF800000 : f32
      %broadcast_in_dim3A_1456 = vector.broadcast %jit3A_1455 : f32 to vector<16xf32>
      %select_n3A_1457 = arith.select %and3A_1454, %broadcast_in_dim3A_1456, %select_n3A_1399 : vector<16xi1>, vector<16xf32>
      %eq3A_1458 = vector.broadcast %reduce_max3A_1421 : f32 to vector<16xf32>
      %eq3A_1459 = arith.cmpf oeq, %select_n3A_1407, %eq3A_1458 : vector<16xf32>
      %eq3A_1460 = vector.broadcast %reduce_min3A_1449 : i32 to vector<16xi32>
      %eq3A_1461 = arith.cmpi eq, %select_n3A_1295, %eq3A_1460 : vector<16xi32>
      %and3A_1462 = arith.andi %eq3A_1459, %eq3A_1461 : vector<16xi1>
      %jit3A_1463 = arith.constant 0xFF800000 : f32
      %broadcast_in_dim3A_1464 = vector.broadcast %jit3A_1463 : f32 to vector<16xf32>
      %select_n3A_1465 = arith.select %and3A_1462, %broadcast_in_dim3A_1464, %select_n3A_1407 : vector<16xi1>, vector<16xf32>
      %eq3A_1466 = vector.broadcast %reduce_max3A_1421 : f32 to vector<16xf32>
      %eq3A_1467 = arith.cmpf oeq, %select_n3A_1415, %eq3A_1466 : vector<16xf32>
      %eq3A_1468 = vector.broadcast %reduce_min3A_1449 : i32 to vector<16xi32>
      %eq3A_1469 = arith.cmpi eq, %select_n3A_1299, %eq3A_1468 : vector<16xi32>
      %and3A_1470 = arith.andi %eq3A_1467, %eq3A_1469 : vector<16xi1>
      %jit3A_1471 = arith.constant 0xFF800000 : f32
      %broadcast_in_dim3A_1472 = vector.broadcast %jit3A_1471 : f32 to vector<16xf32>
      %select_n3A_1473 = arith.select %and3A_1470, %broadcast_in_dim3A_1472, %select_n3A_1415 : vector<16xi1>, vector<16xf32>
      %reduce_sum3A_1474 = arith.constant true
      %reduce_sum3A_1475 = vector.broadcast %reduce_sum3A_1474 : i1 to vector<16xi1>
      %reduce_sum3A_1476 = tpu.scan <sum>, %add3A_1280 masked %reduce_sum3A_1475 : vector<16xf32>, vector<16xi1> -> vector<16xf32>
      %reduce_sum3A_1477 = vector.extract %reduce_sum3A_1476[15] : f32 from vector<16xf32>
      %lt3A_1478 = arith.constant 3 : i32
      %lt3A_1479 = vector.broadcast %lt3A_1478 : i32 to vector<16xi32>
      %lt3A_1480 = arith.cmpi slt, %iota3A, %lt3A_1479 : vector<16xi32>
      %lt3A_1481 = arith.constant 6 : i32
      %lt3A_1482 = vector.broadcast %lt3A_1481 : i32 to vector<16xi32>
      %lt3A_1483 = arith.cmpi slt, %iota3A, %lt3A_1482 : vector<16xi32>
      %lt3A_1484 = arith.constant 9 : i32
      %lt3A_1485 = vector.broadcast %lt3A_1484 : i32 to vector<16xi32>
      %lt3A_1486 = arith.cmpi slt, %iota3A, %lt3A_1485 : vector<16xi32>
      %jit3A_1487 = arith.constant 2 : i32
      %jit3A_1488 = arith.constant 3 : i32
      %broadcast_in_dim3A_1489 = vector.broadcast %jit3A_1487 : i32 to vector<16xi32>
      %broadcast_in_dim3A_1490 = vector.broadcast %jit3A_1488 : i32 to vector<16xi32>
      %select_n3A_1491 = arith.select %lt3A_1486, %broadcast_in_dim3A_1489, %broadcast_in_dim3A_1490 : vector<16xi1>, vector<16xi32>
      %jit3A_1492 = arith.constant 1 : i32
      %broadcast_in_dim3A_1493 = vector.broadcast %jit3A_1492 : i32 to vector<16xi32>
      %select_n3A_1494 = arith.select %lt3A_1483, %broadcast_in_dim3A_1493, %select_n3A_1491 : vector<16xi1>, vector<16xi32>
      %jit3A_1495 = arith.constant 0 : i32
      %broadcast_in_dim3A_1496 = vector.broadcast %jit3A_1495 : i32 to vector<16xi32>
      %select_n3A_1497 = arith.select %lt3A_1480, %broadcast_in_dim3A_1496, %select_n3A_1494 : vector<16xi1>, vector<16xi32>
      %eq3A_1498 = arith.constant 0 : i32
      %eq3A_1499 = vector.broadcast %eq3A_1498 : i32 to vector<16xi32>
      %eq3A_1500 = arith.cmpi eq, %select_n3A_1497, %eq3A_1499 : vector<16xi32>
      %eq3A_1501 = arith.constant 1 : i32
      %eq3A_1502 = vector.broadcast %eq3A_1501 : i32 to vector<16xi32>
      %eq3A_1503 = arith.cmpi eq, %select_n3A_1497, %eq3A_1502 : vector<16xi32>
      %eq3A_1504 = arith.constant 2 : i32
      %eq3A_1505 = vector.broadcast %eq3A_1504 : i32 to vector<16xi32>
      %eq3A_1506 = arith.cmpi eq, %select_n3A_1497, %eq3A_1505 : vector<16xi32>
      %broadcast_in_dim3A_1507 = vector.broadcast %reduce_max3A_934 : f32 to vector<16xf32>
      %broadcast_in_dim3A_1508 = vector.broadcast %reduce_max3A_1305 : f32 to vector<16xf32>
      %select_n3A_1509 = arith.select %eq3A_1506, %broadcast_in_dim3A_1507, %broadcast_in_dim3A_1508 : vector<16xi1>, vector<16xf32>
      %broadcast_in_dim3A_1510 = vector.broadcast %reduce_max3A_563 : f32 to vector<16xf32>
      %select_n3A_1511 = arith.select %eq3A_1503, %broadcast_in_dim3A_1510, %select_n3A_1509 : vector<16xi1>, vector<16xf32>
      %broadcast_in_dim3A_1512 = vector.broadcast %reduce_max3A_197 : f32 to vector<16xf32>
      %select_n3A_1513 = arith.select %eq3A_1500, %broadcast_in_dim3A_1512, %select_n3A_1511 : vector<16xi1>, vector<16xf32>
      %eq3A_1514 = arith.constant 0 : i32
      %eq3A_1515 = vector.broadcast %eq3A_1514 : i32 to vector<16xi32>
      %eq3A_1516 = arith.cmpi eq, %select_n3A_1497, %eq3A_1515 : vector<16xi32>
      %eq3A_1517 = arith.constant 1 : i32
      %eq3A_1518 = vector.broadcast %eq3A_1517 : i32 to vector<16xi32>
      %eq3A_1519 = arith.cmpi eq, %select_n3A_1497, %eq3A_1518 : vector<16xi32>
      %eq3A_1520 = arith.constant 2 : i32
      %eq3A_1521 = vector.broadcast %eq3A_1520 : i32 to vector<16xi32>
      %eq3A_1522 = arith.cmpi eq, %select_n3A_1497, %eq3A_1521 : vector<16xi32>
      %broadcast_in_dim3A_1523 = vector.broadcast %reduce_sum3A_1106 : f32 to vector<16xf32>
      %broadcast_in_dim3A_1524 = vector.broadcast %reduce_sum3A_1477 : f32 to vector<16xf32>
      %select_n3A_1525 = arith.select %eq3A_1522, %broadcast_in_dim3A_1523, %broadcast_in_dim3A_1524 : vector<16xi1>, vector<16xf32>
      %broadcast_in_dim3A_1526 = vector.broadcast %reduce_sum3A_735 : f32 to vector<16xf32>
      %select_n3A_1527 = arith.select %eq3A_1519, %broadcast_in_dim3A_1526, %select_n3A_1525 : vector<16xi1>, vector<16xf32>
      %broadcast_in_dim3A_1528 = vector.broadcast %reduce_sum3A_364 : f32 to vector<16xf32>
      %select_n3A_1529 = arith.select %eq3A_1516, %broadcast_in_dim3A_1528, %select_n3A_1527 : vector<16xi1>, vector<16xf32>
      %neg3A = arith.constant 0.000000e+00 : f32
      %neg3A_1530 = vector.broadcast %neg3A : f32 to vector<16xf32>
      %neg3A_1531 = arith.subf %neg3A_1530, %select_n3A_1513 : vector<16xf32>
      %exp3A_1532 = math.exp %neg3A_1531 : vector<16xf32>
      %mul3A_1533 = arith.mulf %select_n3A_1529, %exp3A_1532 : vector<16xf32>
      %broadcast_in_dim3A_1534 = arith.constant 0.000000e+00 : f32
      %broadcast_in_dim3A_1535 = vector.broadcast %broadcast_in_dim3A_1534 : f32 to vector<16xf32>
      %eq3A_1536 = arith.constant 0 : i32
      %eq3A_1537 = vector.broadcast %eq3A_1536 : i32 to vector<16xi32>
      %eq3A_1538 = arith.cmpi eq, %iota3A, %eq3A_1537 : vector<16xi32>
      %broadcast_in_dim3A_1539 = vector.broadcast %reduce_max3A_197 : f32 to vector<16xf32>
      %select_n3A_1540 = arith.select %eq3A_1538, %broadcast_in_dim3A_1539, %broadcast_in_dim3A_1535 : vector<16xi1>, vector<16xf32>
      %eq3A_1541 = arith.constant 1 : i32
      %eq3A_1542 = vector.broadcast %eq3A_1541 : i32 to vector<16xi32>
      %eq3A_1543 = arith.cmpi eq, %iota3A, %eq3A_1542 : vector<16xi32>
      %broadcast_in_dim3A_1544 = vector.broadcast %reduce_max3A_251 : f32 to vector<16xf32>
      %select_n3A_1545 = arith.select %eq3A_1543, %broadcast_in_dim3A_1544, %select_n3A_1540 : vector<16xi1>, vector<16xf32>
      %eq3A_1546 = arith.constant 2 : i32
      %eq3A_1547 = vector.broadcast %eq3A_1546 : i32 to vector<16xi32>
      %eq3A_1548 = arith.cmpi eq, %iota3A, %eq3A_1547 : vector<16xi32>
      %broadcast_in_dim3A_1549 = vector.broadcast %reduce_max3A_309 : f32 to vector<16xf32>
      %select_n3A_1550 = arith.select %eq3A_1548, %broadcast_in_dim3A_1549, %select_n3A_1545 : vector<16xi1>, vector<16xf32>
      %eq3A_1551 = arith.constant 3 : i32
      %eq3A_1552 = vector.broadcast %eq3A_1551 : i32 to vector<16xi32>
      %eq3A_1553 = arith.cmpi eq, %iota3A, %eq3A_1552 : vector<16xi32>
      %broadcast_in_dim3A_1554 = vector.broadcast %reduce_max3A_563 : f32 to vector<16xf32>
      %select_n3A_1555 = arith.select %eq3A_1553, %broadcast_in_dim3A_1554, %select_n3A_1550 : vector<16xi1>, vector<16xf32>
      %eq3A_1556 = arith.constant 4 : i32
      %eq3A_1557 = vector.broadcast %eq3A_1556 : i32 to vector<16xi32>
      %eq3A_1558 = arith.cmpi eq, %iota3A, %eq3A_1557 : vector<16xi32>
      %broadcast_in_dim3A_1559 = vector.broadcast %reduce_max3A_621 : f32 to vector<16xf32>
      %select_n3A_1560 = arith.select %eq3A_1558, %broadcast_in_dim3A_1559, %select_n3A_1555 : vector<16xi1>, vector<16xf32>
      %eq3A_1561 = arith.constant 5 : i32
      %eq3A_1562 = vector.broadcast %eq3A_1561 : i32 to vector<16xi32>
      %eq3A_1563 = arith.cmpi eq, %iota3A, %eq3A_1562 : vector<16xi32>
      %broadcast_in_dim3A_1564 = vector.broadcast %reduce_max3A_679 : f32 to vector<16xf32>
      %select_n3A_1565 = arith.select %eq3A_1563, %broadcast_in_dim3A_1564, %select_n3A_1560 : vector<16xi1>, vector<16xf32>
      %eq3A_1566 = arith.constant 6 : i32
      %eq3A_1567 = vector.broadcast %eq3A_1566 : i32 to vector<16xi32>
      %eq3A_1568 = arith.cmpi eq, %iota3A, %eq3A_1567 : vector<16xi32>
      %broadcast_in_dim3A_1569 = vector.broadcast %reduce_max3A_934 : f32 to vector<16xf32>
      %select_n3A_1570 = arith.select %eq3A_1568, %broadcast_in_dim3A_1569, %select_n3A_1565 : vector<16xi1>, vector<16xf32>
      %eq3A_1571 = arith.constant 7 : i32
      %eq3A_1572 = vector.broadcast %eq3A_1571 : i32 to vector<16xi32>
      %eq3A_1573 = arith.cmpi eq, %iota3A, %eq3A_1572 : vector<16xi32>
      %broadcast_in_dim3A_1574 = vector.broadcast %reduce_max3A_992 : f32 to vector<16xf32>
      %select_n3A_1575 = arith.select %eq3A_1573, %broadcast_in_dim3A_1574, %select_n3A_1570 : vector<16xi1>, vector<16xf32>
      %eq3A_1576 = arith.constant 8 : i32
      %eq3A_1577 = vector.broadcast %eq3A_1576 : i32 to vector<16xi32>
      %eq3A_1578 = arith.cmpi eq, %iota3A, %eq3A_1577 : vector<16xi32>
      %broadcast_in_dim3A_1579 = vector.broadcast %reduce_max3A_1050 : f32 to vector<16xf32>
      %select_n3A_1580 = arith.select %eq3A_1578, %broadcast_in_dim3A_1579, %select_n3A_1575 : vector<16xi1>, vector<16xf32>
      %eq3A_1581 = arith.constant 9 : i32
      %eq3A_1582 = vector.broadcast %eq3A_1581 : i32 to vector<16xi32>
      %eq3A_1583 = arith.cmpi eq, %iota3A, %eq3A_1582 : vector<16xi32>
      %broadcast_in_dim3A_1584 = vector.broadcast %reduce_max3A_1305 : f32 to vector<16xf32>
      %select_n3A_1585 = arith.select %eq3A_1583, %broadcast_in_dim3A_1584, %select_n3A_1580 : vector<16xi1>, vector<16xf32>
      %eq3A_1586 = arith.constant 10 : i32
      %eq3A_1587 = vector.broadcast %eq3A_1586 : i32 to vector<16xi32>
      %eq3A_1588 = arith.cmpi eq, %iota3A, %eq3A_1587 : vector<16xi32>
      %broadcast_in_dim3A_1589 = vector.broadcast %reduce_max3A_1363 : f32 to vector<16xf32>
      %select_n3A_1590 = arith.select %eq3A_1588, %broadcast_in_dim3A_1589, %select_n3A_1585 : vector<16xi1>, vector<16xf32>
      %eq3A_1591 = arith.constant 11 : i32
      %eq3A_1592 = vector.broadcast %eq3A_1591 : i32 to vector<16xi32>
      %eq3A_1593 = arith.cmpi eq, %iota3A, %eq3A_1592 : vector<16xi32>
      %broadcast_in_dim3A_1594 = vector.broadcast %reduce_max3A_1421 : f32 to vector<16xf32>
      %select_n3A_1595 = arith.select %eq3A_1593, %broadcast_in_dim3A_1594, %select_n3A_1590 : vector<16xi1>, vector<16xf32>
      %sub3A = arith.subf %select_n3A_1595, %select_n3A_1513 : vector<16xf32>
      %exp3A_1596 = math.exp %sub3A : vector<16xf32>
      %div3A = arith.divf %exp3A_1596, %mul3A_1533 : vector<16xf32>
      %add3A_1597 = arith.constant 2.22044605E-16 : f32
      %add3A_1598 = vector.broadcast %add3A_1597 : f32 to vector<16xf32>
      %add3A_1599 = arith.addf %div3A, %add3A_1598 : vector<16xf32>
      %bitcast_convert_type3A = tpu.bitcast %add3A_1599 : vector<16xf32> -> vector<16xi32>
      %shift_right_arithmetic3A = arith.constant 23 : i32
      %shift_right_arithmetic3A_1600 = vector.broadcast %shift_right_arithmetic3A : i32 to vector<16xi32>
      %shift_right_arithmetic3A_1601 = arith.shrsi %bitcast_convert_type3A, %shift_right_arithmetic3A_1600 : vector<16xi32>
      %sub3A_1602 = arith.constant 127 : i32
      %sub3A_1603 = vector.broadcast %sub3A_1602 : i32 to vector<16xi32>
      %sub3A_1604 = arith.subi %shift_right_arithmetic3A_1601, %sub3A_1603 : vector<16xi32>
      %and3A_1605 = arith.constant 8388607 : i32
      %and3A_1606 = vector.broadcast %and3A_1605 : i32 to vector<16xi32>
      %and3A_1607 = arith.andi %bitcast_convert_type3A, %and3A_1606 : vector<16xi32>
      %or3A = arith.constant 1065353216 : i32
      %or3A_1608 = vector.broadcast %or3A : i32 to vector<16xi32>
      %or3A_1609 = arith.ori %and3A_1607, %or3A_1608 : vector<16xi32>
      %bitcast_convert_type3A_1610 = tpu.bitcast %or3A_1609 : vector<16xi32> -> vector<16xf32>
      %gt3A_1611 = arith.constant 1.41421354 : f32
      %gt3A_1612 = vector.broadcast %gt3A_1611 : f32 to vector<16xf32>
      %gt3A_1613 = arith.cmpf ogt, %bitcast_convert_type3A_1610, %gt3A_1612 : vector<16xf32>
      %mul3A_1614 = arith.constant 5.000000e-01 : f32
      %mul3A_1615 = vector.broadcast %mul3A_1614 : f32 to vector<16xf32>
      %mul3A_1616 = arith.mulf %bitcast_convert_type3A_1610, %mul3A_1615 : vector<16xf32>
      %select_n3A_1617 = arith.select %gt3A_1613, %mul3A_1616, %bitcast_convert_type3A_1610 : vector<16xi1>, vector<16xf32>
      %add3A_1618 = arith.constant 1 : i32
      %add3A_1619 = vector.broadcast %add3A_1618 : i32 to vector<16xi32>
      %add3A_1620 = arith.addi %sub3A_1604, %add3A_1619 : vector<16xi32>
      %select_n3A_1621 = arith.select %gt3A_1613, %add3A_1620, %sub3A_1604 : vector<16xi1>, vector<16xi32>
      %sub3A_1622 = arith.constant 1.000000e+00 : f32
      %sub3A_1623 = vector.broadcast %sub3A_1622 : f32 to vector<16xf32>
      %sub3A_1624 = arith.subf %select_n3A_1617, %sub3A_1623 : vector<16xf32>
      %add3A_1625 = arith.constant 1.000000e+00 : f32
      %add3A_1626 = vector.broadcast %add3A_1625 : f32 to vector<16xf32>
      %add3A_1627 = arith.addf %select_n3A_1617, %add3A_1626 : vector<16xf32>
      %div3A_1628 = arith.divf %sub3A_1624, %add3A_1627 : vector<16xf32>
      %mul3A_1629 = arith.mulf %div3A_1628, %div3A_1628 : vector<16xf32>
      %mul3A_1630 = arith.constant 0.111111112 : f32
      %mul3A_1631 = vector.broadcast %mul3A_1630 : f32 to vector<16xf32>
      %mul3A_1632 = arith.mulf %mul3A_1629, %mul3A_1631 : vector<16xf32>
      %add3A_1633 = arith.constant 0.142857149 : f32
      %add3A_1634 = vector.broadcast %add3A_1633 : f32 to vector<16xf32>
      %add3A_1635 = arith.addf %add3A_1634, %mul3A_1632 : vector<16xf32>
      %mul3A_1636 = arith.mulf %mul3A_1629, %add3A_1635 : vector<16xf32>
      %add3A_1637 = arith.constant 2.000000e-01 : f32
      %add3A_1638 = vector.broadcast %add3A_1637 : f32 to vector<16xf32>
      %add3A_1639 = arith.addf %add3A_1638, %mul3A_1636 : vector<16xf32>
      %mul3A_1640 = arith.mulf %mul3A_1629, %add3A_1639 : vector<16xf32>
      %add3A_1641 = arith.constant 0.333333343 : f32
      %add3A_1642 = vector.broadcast %add3A_1641 : f32 to vector<16xf32>
      %add3A_1643 = arith.addf %add3A_1642, %mul3A_1640 : vector<16xf32>
      %mul3A_1644 = arith.mulf %mul3A_1629, %add3A_1643 : vector<16xf32>
      %add3A_1645 = arith.constant 1.000000e+00 : f32
      %add3A_1646 = vector.broadcast %add3A_1645 : f32 to vector<16xf32>
      %add3A_1647 = arith.addf %add3A_1646, %mul3A_1644 : vector<16xf32>
      %mul3A_1648 = arith.constant 2.000000e+00 : f32
      %mul3A_1649 = vector.broadcast %mul3A_1648 : f32 to vector<16xf32>
      %mul3A_1650 = arith.mulf %mul3A_1649, %div3A_1628 : vector<16xf32>
      %mul3A_1651 = arith.mulf %mul3A_1650, %add3A_1647 : vector<16xf32>
      %convert_element_type3A_1652 = arith.sitofp %select_n3A_1621 : vector<16xi32> to vector<16xf32>
      %mul3A_1653 = arith.constant -2.12194442E-4 : f32
      %mul3A_1654 = vector.broadcast %mul3A_1653 : f32 to vector<16xf32>
      %mul3A_1655 = arith.mulf %convert_element_type3A_1652, %mul3A_1654 : vector<16xf32>
      %add3A_1656 = arith.addf %mul3A_1651, %mul3A_1655 : vector<16xf32>
      %mul3A_1657 = arith.constant 0.693359375 : f32
      %mul3A_1658 = vector.broadcast %mul3A_1657 : f32 to vector<16xf32>
      %mul3A_1659 = arith.mulf %convert_element_type3A_1652, %mul3A_1658 : vector<16xf32>
      %add3A_1660 = arith.addf %add3A_1656, %mul3A_1659 : vector<16xf32>
      %eq3A_1661 = arith.constant 0 : i32
      %eq3A_1662 = vector.broadcast %eq3A_1661 : i32 to vector<16xi32>
      %eq3A_1663 = arith.cmpi eq, %iota3A, %eq3A_1662 : vector<16xi32>
      %jit3A_1664 = arith.constant 0.000000e+00 : f32
      %broadcast_in_dim3A_1665 = vector.broadcast %jit3A_1664 : f32 to vector<16xf32>
      %select_n3A_1666 = arith.select %eq3A_1663, %add3A_1660, %broadcast_in_dim3A_1665 : vector<16xi1>, vector<16xf32>
      %reduce_sum3A_1667 = arith.constant true
      %reduce_sum3A_1668 = vector.broadcast %reduce_sum3A_1667 : i1 to vector<16xi1>
      %reduce_sum3A_1669 = tpu.scan <sum>, %select_n3A_1666 masked %reduce_sum3A_1668 : vector<16xf32>, vector<16xi1> -> vector<16xf32>
      %reduce_sum3A_1670 = vector.extract %reduce_sum3A_1669[15] : f32 from vector<16xf32>
      %eq3A_1671 = arith.constant 1 : i32
      %eq3A_1672 = vector.broadcast %eq3A_1671 : i32 to vector<16xi32>
      %eq3A_1673 = arith.cmpi eq, %iota3A, %eq3A_1672 : vector<16xi32>
      %jit3A_1674 = arith.constant 0.000000e+00 : f32
      %broadcast_in_dim3A_1675 = vector.broadcast %jit3A_1674 : f32 to vector<16xf32>
      %select_n3A_1676 = arith.select %eq3A_1673, %add3A_1660, %broadcast_in_dim3A_1675 : vector<16xi1>, vector<16xf32>
      %reduce_sum3A_1677 = arith.constant true
      %reduce_sum3A_1678 = vector.broadcast %reduce_sum3A_1677 : i1 to vector<16xi1>
      %reduce_sum3A_1679 = tpu.scan <sum>, %select_n3A_1676 masked %reduce_sum3A_1678 : vector<16xf32>, vector<16xi1> -> vector<16xf32>
      %reduce_sum3A_1680 = vector.extract %reduce_sum3A_1679[15] : f32 from vector<16xf32>
      %eq3A_1681 = arith.constant 2 : i32
      %eq3A_1682 = vector.broadcast %eq3A_1681 : i32 to vector<16xi32>
      %eq3A_1683 = arith.cmpi eq, %iota3A, %eq3A_1682 : vector<16xi32>
      %jit3A_1684 = arith.constant 0.000000e+00 : f32
      %broadcast_in_dim3A_1685 = vector.broadcast %jit3A_1684 : f32 to vector<16xf32>
      %select_n3A_1686 = arith.select %eq3A_1683, %add3A_1660, %broadcast_in_dim3A_1685 : vector<16xi1>, vector<16xf32>
      %reduce_sum3A_1687 = arith.constant true
      %reduce_sum3A_1688 = vector.broadcast %reduce_sum3A_1687 : i1 to vector<16xi1>
      %reduce_sum3A_1689 = tpu.scan <sum>, %select_n3A_1686 masked %reduce_sum3A_1688 : vector<16xf32>, vector<16xi1> -> vector<16xf32>
      %reduce_sum3A_1690 = vector.extract %reduce_sum3A_1689[15] : f32 from vector<16xf32>
      %eq3A_1691 = arith.constant 3 : i32
      %eq3A_1692 = vector.broadcast %eq3A_1691 : i32 to vector<16xi32>
      %eq3A_1693 = arith.cmpi eq, %iota3A, %eq3A_1692 : vector<16xi32>
      %jit3A_1694 = arith.constant 0.000000e+00 : f32
      %broadcast_in_dim3A_1695 = vector.broadcast %jit3A_1694 : f32 to vector<16xf32>
      %select_n3A_1696 = arith.select %eq3A_1693, %add3A_1660, %broadcast_in_dim3A_1695 : vector<16xi1>, vector<16xf32>
      %reduce_sum3A_1697 = arith.constant true
      %reduce_sum3A_1698 = vector.broadcast %reduce_sum3A_1697 : i1 to vector<16xi1>
      %reduce_sum3A_1699 = tpu.scan <sum>, %select_n3A_1696 masked %reduce_sum3A_1698 : vector<16xf32>, vector<16xi1> -> vector<16xf32>
      %reduce_sum3A_1700 = vector.extract %reduce_sum3A_1699[15] : f32 from vector<16xf32>
      %eq3A_1701 = arith.constant 4 : i32
      %eq3A_1702 = vector.broadcast %eq3A_1701 : i32 to vector<16xi32>
      %eq3A_1703 = arith.cmpi eq, %iota3A, %eq3A_1702 : vector<16xi32>
      %jit3A_1704 = arith.constant 0.000000e+00 : f32
      %broadcast_in_dim3A_1705 = vector.broadcast %jit3A_1704 : f32 to vector<16xf32>
      %select_n3A_1706 = arith.select %eq3A_1703, %add3A_1660, %broadcast_in_dim3A_1705 : vector<16xi1>, vector<16xf32>
      %reduce_sum3A_1707 = arith.constant true
      %reduce_sum3A_1708 = vector.broadcast %reduce_sum3A_1707 : i1 to vector<16xi1>
      %reduce_sum3A_1709 = tpu.scan <sum>, %select_n3A_1706 masked %reduce_sum3A_1708 : vector<16xf32>, vector<16xi1> -> vector<16xf32>
      %reduce_sum3A_1710 = vector.extract %reduce_sum3A_1709[15] : f32 from vector<16xf32>
      %eq3A_1711 = arith.constant 5 : i32
      %eq3A_1712 = vector.broadcast %eq3A_1711 : i32 to vector<16xi32>
      %eq3A_1713 = arith.cmpi eq, %iota3A, %eq3A_1712 : vector<16xi32>
      %jit3A_1714 = arith.constant 0.000000e+00 : f32
      %broadcast_in_dim3A_1715 = vector.broadcast %jit3A_1714 : f32 to vector<16xf32>
      %select_n3A_1716 = arith.select %eq3A_1713, %add3A_1660, %broadcast_in_dim3A_1715 : vector<16xi1>, vector<16xf32>
      %reduce_sum3A_1717 = arith.constant true
      %reduce_sum3A_1718 = vector.broadcast %reduce_sum3A_1717 : i1 to vector<16xi1>
      %reduce_sum3A_1719 = tpu.scan <sum>, %select_n3A_1716 masked %reduce_sum3A_1718 : vector<16xf32>, vector<16xi1> -> vector<16xf32>
      %reduce_sum3A_1720 = vector.extract %reduce_sum3A_1719[15] : f32 from vector<16xf32>
      %eq3A_1721 = arith.constant 6 : i32
      %eq3A_1722 = vector.broadcast %eq3A_1721 : i32 to vector<16xi32>
      %eq3A_1723 = arith.cmpi eq, %iota3A, %eq3A_1722 : vector<16xi32>
      %jit3A_1724 = arith.constant 0.000000e+00 : f32
      %broadcast_in_dim3A_1725 = vector.broadcast %jit3A_1724 : f32 to vector<16xf32>
      %select_n3A_1726 = arith.select %eq3A_1723, %add3A_1660, %broadcast_in_dim3A_1725 : vector<16xi1>, vector<16xf32>
      %reduce_sum3A_1727 = arith.constant true
      %reduce_sum3A_1728 = vector.broadcast %reduce_sum3A_1727 : i1 to vector<16xi1>
      %reduce_sum3A_1729 = tpu.scan <sum>, %select_n3A_1726 masked %reduce_sum3A_1728 : vector<16xf32>, vector<16xi1> -> vector<16xf32>
      %reduce_sum3A_1730 = vector.extract %reduce_sum3A_1729[15] : f32 from vector<16xf32>
      %eq3A_1731 = arith.constant 7 : i32
      %eq3A_1732 = vector.broadcast %eq3A_1731 : i32 to vector<16xi32>
      %eq3A_1733 = arith.cmpi eq, %iota3A, %eq3A_1732 : vector<16xi32>
      %jit3A_1734 = arith.constant 0.000000e+00 : f32
      %broadcast_in_dim3A_1735 = vector.broadcast %jit3A_1734 : f32 to vector<16xf32>
      %select_n3A_1736 = arith.select %eq3A_1733, %add3A_1660, %broadcast_in_dim3A_1735 : vector<16xi1>, vector<16xf32>
      %reduce_sum3A_1737 = arith.constant true
      %reduce_sum3A_1738 = vector.broadcast %reduce_sum3A_1737 : i1 to vector<16xi1>
      %reduce_sum3A_1739 = tpu.scan <sum>, %select_n3A_1736 masked %reduce_sum3A_1738 : vector<16xf32>, vector<16xi1> -> vector<16xf32>
      %reduce_sum3A_1740 = vector.extract %reduce_sum3A_1739[15] : f32 from vector<16xf32>
      %eq3A_1741 = arith.constant 8 : i32
      %eq3A_1742 = vector.broadcast %eq3A_1741 : i32 to vector<16xi32>
      %eq3A_1743 = arith.cmpi eq, %iota3A, %eq3A_1742 : vector<16xi32>
      %jit3A_1744 = arith.constant 0.000000e+00 : f32
      %broadcast_in_dim3A_1745 = vector.broadcast %jit3A_1744 : f32 to vector<16xf32>
      %select_n3A_1746 = arith.select %eq3A_1743, %add3A_1660, %broadcast_in_dim3A_1745 : vector<16xi1>, vector<16xf32>
      %reduce_sum3A_1747 = arith.constant true
      %reduce_sum3A_1748 = vector.broadcast %reduce_sum3A_1747 : i1 to vector<16xi1>
      %reduce_sum3A_1749 = tpu.scan <sum>, %select_n3A_1746 masked %reduce_sum3A_1748 : vector<16xf32>, vector<16xi1> -> vector<16xf32>
      %reduce_sum3A_1750 = vector.extract %reduce_sum3A_1749[15] : f32 from vector<16xf32>
      %eq3A_1751 = arith.constant 9 : i32
      %eq3A_1752 = vector.broadcast %eq3A_1751 : i32 to vector<16xi32>
      %eq3A_1753 = arith.cmpi eq, %iota3A, %eq3A_1752 : vector<16xi32>
      %jit3A_1754 = arith.constant 0.000000e+00 : f32
      %broadcast_in_dim3A_1755 = vector.broadcast %jit3A_1754 : f32 to vector<16xf32>
      %select_n3A_1756 = arith.select %eq3A_1753, %add3A_1660, %broadcast_in_dim3A_1755 : vector<16xi1>, vector<16xf32>
      %reduce_sum3A_1757 = arith.constant true
      %reduce_sum3A_1758 = vector.broadcast %reduce_sum3A_1757 : i1 to vector<16xi1>
      %reduce_sum3A_1759 = tpu.scan <sum>, %select_n3A_1756 masked %reduce_sum3A_1758 : vector<16xf32>, vector<16xi1> -> vector<16xf32>
      %reduce_sum3A_1760 = vector.extract %reduce_sum3A_1759[15] : f32 from vector<16xf32>
      %eq3A_1761 = arith.constant 10 : i32
      %eq3A_1762 = vector.broadcast %eq3A_1761 : i32 to vector<16xi32>
      %eq3A_1763 = arith.cmpi eq, %iota3A, %eq3A_1762 : vector<16xi32>
      %jit3A_1764 = arith.constant 0.000000e+00 : f32
      %broadcast_in_dim3A_1765 = vector.broadcast %jit3A_1764 : f32 to vector<16xf32>
      %select_n3A_1766 = arith.select %eq3A_1763, %add3A_1660, %broadcast_in_dim3A_1765 : vector<16xi1>, vector<16xf32>
      %reduce_sum3A_1767 = arith.constant true
      %reduce_sum3A_1768 = vector.broadcast %reduce_sum3A_1767 : i1 to vector<16xi1>
      %reduce_sum3A_1769 = tpu.scan <sum>, %select_n3A_1766 masked %reduce_sum3A_1768 : vector<16xf32>, vector<16xi1> -> vector<16xf32>
      %reduce_sum3A_1770 = vector.extract %reduce_sum3A_1769[15] : f32 from vector<16xf32>
      %eq3A_1771 = arith.constant 11 : i32
      %eq3A_1772 = vector.broadcast %eq3A_1771 : i32 to vector<16xi32>
      %eq3A_1773 = arith.cmpi eq, %iota3A, %eq3A_1772 : vector<16xi32>
      %jit3A_1774 = arith.constant 0.000000e+00 : f32
      %broadcast_in_dim3A_1775 = vector.broadcast %jit3A_1774 : f32 to vector<16xf32>
      %select_n3A_1776 = arith.select %eq3A_1773, %add3A_1660, %broadcast_in_dim3A_1775 : vector<16xi1>, vector<16xf32>
      %reduce_sum3A_1777 = arith.constant true
      %reduce_sum3A_1778 = vector.broadcast %reduce_sum3A_1777 : i1 to vector<16xi1>
      %reduce_sum3A_1779 = tpu.scan <sum>, %select_n3A_1776 masked %reduce_sum3A_1778 : vector<16xf32>, vector<16xi1> -> vector<16xf32>
      %reduce_sum3A_1780 = vector.extract %reduce_sum3A_1779[15] : f32 from vector<16xf32>
      %add3A_1781 = arith.addf %reduce_sum3A_1670, %reduce_sum3A_1700 : f32
      %add3A_1782 = arith.addf %reduce_sum3A_1670, %reduce_sum3A_1710 : f32
      %add3A_1783 = arith.addf %reduce_sum3A_1670, %reduce_sum3A_1720 : f32
      %add3A_1784 = arith.addf %reduce_sum3A_1680, %reduce_sum3A_1700 : f32
      %add3A_1785 = arith.addf %reduce_sum3A_1680, %reduce_sum3A_1710 : f32
      %add3A_1786 = arith.addf %reduce_sum3A_1680, %reduce_sum3A_1720 : f32
      %add3A_1787 = arith.addf %reduce_sum3A_1690, %reduce_sum3A_1700 : f32
      %add3A_1788 = arith.addf %reduce_sum3A_1690, %reduce_sum3A_1710 : f32
      %add3A_1789 = arith.addf %reduce_sum3A_1690, %reduce_sum3A_1720 : f32
      %max3A_1790 = arith.maximumf %add3A_1781, %add3A_1782 : f32
      %max3A_1791 = arith.maximumf %max3A_1790, %add3A_1783 : f32
      %max3A_1792 = arith.maximumf %max3A_1791, %add3A_1784 : f32
      %max3A_1793 = arith.maximumf %max3A_1792, %add3A_1785 : f32
      %max3A_1794 = arith.maximumf %max3A_1793, %add3A_1786 : f32
      %max3A_1795 = arith.maximumf %max3A_1794, %add3A_1787 : f32
      %max3A_1796 = arith.maximumf %max3A_1795, %add3A_1788 : f32
      %max3A_1797 = arith.maximumf %max3A_1796, %add3A_1789 : f32
      %eq3A_1798 = arith.cmpf oeq, %add3A_1789, %max3A_1797 : f32
      %jit3A_1799 = arith.constant 2 : i32
      %jit3A_1800 = arith.constant 2 : i32
      %select_n3A_1801 = arith.select %eq3A_1798, %jit3A_1799, %jit3A_1800 : i32
      %eq3A_1802 = arith.cmpf oeq, %add3A_1789, %max3A_1797 : f32
      %jit3A_1803 = arith.constant 2 : i32
      %jit3A_1804 = arith.constant 2 : i32
      %select_n3A_1805 = arith.select %eq3A_1802, %jit3A_1803, %jit3A_1804 : i32
      %eq3A_1806 = arith.cmpf oeq, %add3A_1788, %max3A_1797 : f32
      %jit3A_1807 = arith.constant 2 : i32
      %select_n3A_1808 = arith.select %eq3A_1806, %jit3A_1807, %select_n3A_1801 : i32
      %eq3A_1809 = arith.cmpf oeq, %add3A_1788, %max3A_1797 : f32
      %jit3A_1810 = arith.constant 1 : i32
      %select_n3A_1811 = arith.select %eq3A_1809, %jit3A_1810, %select_n3A_1805 : i32
      %eq3A_1812 = arith.cmpf oeq, %add3A_1787, %max3A_1797 : f32
      %jit3A_1813 = arith.constant 2 : i32
      %select_n3A_1814 = arith.select %eq3A_1812, %jit3A_1813, %select_n3A_1808 : i32
      %eq3A_1815 = arith.cmpf oeq, %add3A_1787, %max3A_1797 : f32
      %jit3A_1816 = arith.constant 0 : i32
      %select_n3A_1817 = arith.select %eq3A_1815, %jit3A_1816, %select_n3A_1811 : i32
      %eq3A_1818 = arith.cmpf oeq, %add3A_1786, %max3A_1797 : f32
      %jit3A_1819 = arith.constant 1 : i32
      %select_n3A_1820 = arith.select %eq3A_1818, %jit3A_1819, %select_n3A_1814 : i32
      %eq3A_1821 = arith.cmpf oeq, %add3A_1786, %max3A_1797 : f32
      %jit3A_1822 = arith.constant 2 : i32
      %select_n3A_1823 = arith.select %eq3A_1821, %jit3A_1822, %select_n3A_1817 : i32
      %eq3A_1824 = arith.cmpf oeq, %add3A_1785, %max3A_1797 : f32
      %jit3A_1825 = arith.constant 1 : i32
      %select_n3A_1826 = arith.select %eq3A_1824, %jit3A_1825, %select_n3A_1820 : i32
      %eq3A_1827 = arith.cmpf oeq, %add3A_1785, %max3A_1797 : f32
      %jit3A_1828 = arith.constant 1 : i32
      %select_n3A_1829 = arith.select %eq3A_1827, %jit3A_1828, %select_n3A_1823 : i32
      %eq3A_1830 = arith.cmpf oeq, %add3A_1784, %max3A_1797 : f32
      %jit3A_1831 = arith.constant 1 : i32
      %select_n3A_1832 = arith.select %eq3A_1830, %jit3A_1831, %select_n3A_1826 : i32
      %eq3A_1833 = arith.cmpf oeq, %add3A_1784, %max3A_1797 : f32
      %jit3A_1834 = arith.constant 0 : i32
      %select_n3A_1835 = arith.select %eq3A_1833, %jit3A_1834, %select_n3A_1829 : i32
      %eq3A_1836 = arith.cmpf oeq, %add3A_1783, %max3A_1797 : f32
      %jit3A_1837 = arith.constant 0 : i32
      %select_n3A_1838 = arith.select %eq3A_1836, %jit3A_1837, %select_n3A_1832 : i32
      %eq3A_1839 = arith.cmpf oeq, %add3A_1783, %max3A_1797 : f32
      %jit3A_1840 = arith.constant 2 : i32
      %select_n3A_1841 = arith.select %eq3A_1839, %jit3A_1840, %select_n3A_1835 : i32
      %eq3A_1842 = arith.cmpf oeq, %add3A_1782, %max3A_1797 : f32
      %jit3A_1843 = arith.constant 0 : i32
      %select_n3A_1844 = arith.select %eq3A_1842, %jit3A_1843, %select_n3A_1838 : i32
      %eq3A_1845 = arith.cmpf oeq, %add3A_1782, %max3A_1797 : f32
      %jit3A_1846 = arith.constant 1 : i32
      %select_n3A_1847 = arith.select %eq3A_1845, %jit3A_1846, %select_n3A_1841 : i32
      %eq3A_1848 = arith.cmpf oeq, %add3A_1781, %max3A_1797 : f32
      %jit3A_1849 = arith.constant 0 : i32
      %select_n3A_1850 = arith.select %eq3A_1848, %jit3A_1849, %select_n3A_1844 : i32
      %eq3A_1851 = arith.cmpf oeq, %add3A_1781, %max3A_1797 : f32
      %jit3A_1852 = arith.constant 0 : i32
      %select_n3A_1853 = arith.select %eq3A_1851, %jit3A_1852, %select_n3A_1847 : i32
      %eq3A_1854 = arith.constant 0 : i32
      %eq3A_1855 = arith.cmpi eq, %select_n3A_1853, %eq3A_1854 : i32
      %eq3A_1856 = arith.constant 1 : i32
      %eq3A_1857 = arith.cmpi eq, %select_n3A_1853, %eq3A_1856 : i32
      %select_n3A_1858 = arith.select %eq3A_1857, %reduce_min3A_649, %reduce_min3A_707 : i32
      %select_n3A_1859 = arith.select %eq3A_1855, %reduce_min3A_591, %select_n3A_1858 : i32
      %eq3A_1860 = arith.constant 0 : i32
      %eq3A_1861 = arith.cmpi eq, %select_n3A_1850, %eq3A_1860 : i32
      %eq3A_1862 = arith.constant 1 : i32
      %eq3A_1863 = arith.cmpi eq, %select_n3A_1850, %eq3A_1862 : i32
      %select_n3A_1864 = arith.select %eq3A_1863, %reduce_min3A_279, %reduce_min3A_337 : i32
      %select_n3A_1865 = arith.select %eq3A_1861, %reduce_min3A_222, %select_n3A_1864 : i32
      %eq3A_1866 = arith.constant 0 : i32
      %eq3A_1867 = arith.cmpi eq, %select_n3A_1850, %eq3A_1866 : i32
      %eq3A_1868 = arith.constant 1 : i32
      %eq3A_1869 = arith.cmpi eq, %select_n3A_1850, %eq3A_1868 : i32
      %jit3A_1870 = arith.constant 0 : i32
      %jit3A_1871 = arith.constant 0 : i32
      %select_n3A_1872 = arith.select %eq3A_1869, %jit3A_1870, %jit3A_1871 : i32
      %jit3A_1873 = arith.constant 0 : i32
      %select_n3A_1874 = arith.select %eq3A_1867, %jit3A_1873, %select_n3A_1872 : i32
      %eq3A_1875 = arith.constant 0 : i32
      %eq3A_1876 = arith.cmpi eq, %select_n3A_1850, %eq3A_1875 : i32
      %eq3A_1877 = arith.constant 1 : i32
      %eq3A_1878 = arith.cmpi eq, %select_n3A_1850, %eq3A_1877 : i32
      %jit3A_1879 = arith.constant 0 : i32
      %jit3A_1880 = arith.constant 0 : i32
      %select_n3A_1881 = arith.select %eq3A_1878, %jit3A_1879, %jit3A_1880 : i32
      %jit3A_1882 = arith.constant 0 : i32
      %select_n3A_1883 = arith.select %eq3A_1876, %jit3A_1882, %select_n3A_1881 : i32
      %eq3A_1884 = arith.constant 0 : i32
      %eq3A_1885 = arith.cmpi eq, %select_n3A_1850, %eq3A_1884 : i32
      %eq3A_1886 = arith.constant 1 : i32
      %eq3A_1887 = arith.cmpi eq, %select_n3A_1850, %eq3A_1886 : i32
      %jit3A_1888 = arith.constant 0 : i32
      %jit3A_1889 = arith.constant 0 : i32
      %select_n3A_1890 = arith.select %eq3A_1887, %jit3A_1888, %jit3A_1889 : i32
      %jit3A_1891 = arith.constant 0 : i32
      %select_n3A_1892 = arith.select %eq3A_1885, %jit3A_1891, %select_n3A_1890 : i32
      %mul3A_1893 = arith.constant 3 : i32
      %mul3A_1894 = arith.muli %select_n3A_1850, %mul3A_1893 : i32
      %add3A_1895 = arith.addi %mul3A_1894, %select_n3A_1853 : i32
      %eq3A_1896 = arith.constant 0 : i32
      %eq3A_1897 = arith.cmpi eq, %add3A_1895, %eq3A_1896 : i32
      %jit3A_1898 = arith.constant 0xFF800000 : f32
      %select_n3A_1899 = arith.select %eq3A_1897, %jit3A_1898, %add3A_1781 : f32
      %eq3A_1900 = arith.constant 1 : i32
      %eq3A_1901 = arith.cmpi eq, %add3A_1895, %eq3A_1900 : i32
      %jit3A_1902 = arith.constant 0xFF800000 : f32
      %select_n3A_1903 = arith.select %eq3A_1901, %jit3A_1902, %add3A_1782 : f32
      %eq3A_1904 = arith.constant 2 : i32
      %eq3A_1905 = arith.cmpi eq, %add3A_1895, %eq3A_1904 : i32
      %jit3A_1906 = arith.constant 0xFF800000 : f32
      %select_n3A_1907 = arith.select %eq3A_1905, %jit3A_1906, %add3A_1783 : f32
      %eq3A_1908 = arith.constant 3 : i32
      %eq3A_1909 = arith.cmpi eq, %add3A_1895, %eq3A_1908 : i32
      %jit3A_1910 = arith.constant 0xFF800000 : f32
      %select_n3A_1911 = arith.select %eq3A_1909, %jit3A_1910, %add3A_1784 : f32
      %eq3A_1912 = arith.constant 4 : i32
      %eq3A_1913 = arith.cmpi eq, %add3A_1895, %eq3A_1912 : i32
      %jit3A_1914 = arith.constant 0xFF800000 : f32
      %select_n3A_1915 = arith.select %eq3A_1913, %jit3A_1914, %add3A_1785 : f32
      %eq3A_1916 = arith.constant 5 : i32
      %eq3A_1917 = arith.cmpi eq, %add3A_1895, %eq3A_1916 : i32
      %jit3A_1918 = arith.constant 0xFF800000 : f32
      %select_n3A_1919 = arith.select %eq3A_1917, %jit3A_1918, %add3A_1786 : f32
      %eq3A_1920 = arith.constant 6 : i32
      %eq3A_1921 = arith.cmpi eq, %add3A_1895, %eq3A_1920 : i32
      %jit3A_1922 = arith.constant 0xFF800000 : f32
      %select_n3A_1923 = arith.select %eq3A_1921, %jit3A_1922, %add3A_1787 : f32
      %eq3A_1924 = arith.constant 7 : i32
      %eq3A_1925 = arith.cmpi eq, %add3A_1895, %eq3A_1924 : i32
      %jit3A_1926 = arith.constant 0xFF800000 : f32
      %select_n3A_1927 = arith.select %eq3A_1925, %jit3A_1926, %add3A_1788 : f32
      %eq3A_1928 = arith.constant 8 : i32
      %eq3A_1929 = arith.cmpi eq, %add3A_1895, %eq3A_1928 : i32
      %jit3A_1930 = arith.constant 0xFF800000 : f32
      %select_n3A_1931 = arith.select %eq3A_1929, %jit3A_1930, %add3A_1789 : f32
      %max3A_1932 = arith.maximumf %select_n3A_1899, %select_n3A_1903 : f32
      %max3A_1933 = arith.maximumf %max3A_1932, %select_n3A_1907 : f32
      %max3A_1934 = arith.maximumf %max3A_1933, %select_n3A_1911 : f32
      %max3A_1935 = arith.maximumf %max3A_1934, %select_n3A_1915 : f32
      %max3A_1936 = arith.maximumf %max3A_1935, %select_n3A_1919 : f32
      %max3A_1937 = arith.maximumf %max3A_1936, %select_n3A_1923 : f32
      %max3A_1938 = arith.maximumf %max3A_1937, %select_n3A_1927 : f32
      %max3A_1939 = arith.maximumf %max3A_1938, %select_n3A_1931 : f32
      %eq3A_1940 = arith.cmpf oeq, %select_n3A_1931, %max3A_1939 : f32
      %jit3A_1941 = arith.constant 2 : i32
      %jit3A_1942 = arith.constant 2 : i32
      %select_n3A_1943 = arith.select %eq3A_1940, %jit3A_1941, %jit3A_1942 : i32
      %eq3A_1944 = arith.cmpf oeq, %select_n3A_1931, %max3A_1939 : f32
      %jit3A_1945 = arith.constant 2 : i32
      %jit3A_1946 = arith.constant 2 : i32
      %select_n3A_1947 = arith.select %eq3A_1944, %jit3A_1945, %jit3A_1946 : i32
      %eq3A_1948 = arith.cmpf oeq, %select_n3A_1927, %max3A_1939 : f32
      %jit3A_1949 = arith.constant 2 : i32
      %select_n3A_1950 = arith.select %eq3A_1948, %jit3A_1949, %select_n3A_1943 : i32
      %eq3A_1951 = arith.cmpf oeq, %select_n3A_1927, %max3A_1939 : f32
      %jit3A_1952 = arith.constant 1 : i32
      %select_n3A_1953 = arith.select %eq3A_1951, %jit3A_1952, %select_n3A_1947 : i32
      %eq3A_1954 = arith.cmpf oeq, %select_n3A_1923, %max3A_1939 : f32
      %jit3A_1955 = arith.constant 2 : i32
      %select_n3A_1956 = arith.select %eq3A_1954, %jit3A_1955, %select_n3A_1950 : i32
      %eq3A_1957 = arith.cmpf oeq, %select_n3A_1923, %max3A_1939 : f32
      %jit3A_1958 = arith.constant 0 : i32
      %select_n3A_1959 = arith.select %eq3A_1957, %jit3A_1958, %select_n3A_1953 : i32
      %eq3A_1960 = arith.cmpf oeq, %select_n3A_1919, %max3A_1939 : f32
      %jit3A_1961 = arith.constant 1 : i32
      %select_n3A_1962 = arith.select %eq3A_1960, %jit3A_1961, %select_n3A_1956 : i32
      %eq3A_1963 = arith.cmpf oeq, %select_n3A_1919, %max3A_1939 : f32
      %jit3A_1964 = arith.constant 2 : i32
      %select_n3A_1965 = arith.select %eq3A_1963, %jit3A_1964, %select_n3A_1959 : i32
      %eq3A_1966 = arith.cmpf oeq, %select_n3A_1915, %max3A_1939 : f32
      %jit3A_1967 = arith.constant 1 : i32
      %select_n3A_1968 = arith.select %eq3A_1966, %jit3A_1967, %select_n3A_1962 : i32
      %eq3A_1969 = arith.cmpf oeq, %select_n3A_1915, %max3A_1939 : f32
      %jit3A_1970 = arith.constant 1 : i32
      %select_n3A_1971 = arith.select %eq3A_1969, %jit3A_1970, %select_n3A_1965 : i32
      %eq3A_1972 = arith.cmpf oeq, %select_n3A_1911, %max3A_1939 : f32
      %jit3A_1973 = arith.constant 1 : i32
      %select_n3A_1974 = arith.select %eq3A_1972, %jit3A_1973, %select_n3A_1968 : i32
      %eq3A_1975 = arith.cmpf oeq, %select_n3A_1911, %max3A_1939 : f32
      %jit3A_1976 = arith.constant 0 : i32
      %select_n3A_1977 = arith.select %eq3A_1975, %jit3A_1976, %select_n3A_1971 : i32
      %eq3A_1978 = arith.cmpf oeq, %select_n3A_1907, %max3A_1939 : f32
      %jit3A_1979 = arith.constant 0 : i32
      %select_n3A_1980 = arith.select %eq3A_1978, %jit3A_1979, %select_n3A_1974 : i32
      %eq3A_1981 = arith.cmpf oeq, %select_n3A_1907, %max3A_1939 : f32
      %jit3A_1982 = arith.constant 2 : i32
      %select_n3A_1983 = arith.select %eq3A_1981, %jit3A_1982, %select_n3A_1977 : i32
      %eq3A_1984 = arith.cmpf oeq, %select_n3A_1903, %max3A_1939 : f32
      %jit3A_1985 = arith.constant 0 : i32
      %select_n3A_1986 = arith.select %eq3A_1984, %jit3A_1985, %select_n3A_1980 : i32
      %eq3A_1987 = arith.cmpf oeq, %select_n3A_1903, %max3A_1939 : f32
      %jit3A_1988 = arith.constant 1 : i32
      %select_n3A_1989 = arith.select %eq3A_1987, %jit3A_1988, %select_n3A_1983 : i32
      %eq3A_1990 = arith.cmpf oeq, %select_n3A_1899, %max3A_1939 : f32
      %jit3A_1991 = arith.constant 0 : i32
      %select_n3A_1992 = arith.select %eq3A_1990, %jit3A_1991, %select_n3A_1986 : i32
      %eq3A_1993 = arith.cmpf oeq, %select_n3A_1899, %max3A_1939 : f32
      %jit3A_1994 = arith.constant 0 : i32
      %select_n3A_1995 = arith.select %eq3A_1993, %jit3A_1994, %select_n3A_1989 : i32
      %eq3A_1996 = arith.constant 0 : i32
      %eq3A_1997 = arith.cmpi eq, %select_n3A_1995, %eq3A_1996 : i32
      %eq3A_1998 = arith.constant 1 : i32
      %eq3A_1999 = arith.cmpi eq, %select_n3A_1995, %eq3A_1998 : i32
      %select_n3A_2000 = arith.select %eq3A_1999, %reduce_min3A_649, %reduce_min3A_707 : i32
      %select_n3A_2001 = arith.select %eq3A_1997, %reduce_min3A_591, %select_n3A_2000 : i32
      %eq3A_2002 = arith.constant 0 : i32
      %eq3A_2003 = arith.cmpi eq, %select_n3A_1992, %eq3A_2002 : i32
      %eq3A_2004 = arith.constant 1 : i32
      %eq3A_2005 = arith.cmpi eq, %select_n3A_1992, %eq3A_2004 : i32
      %select_n3A_2006 = arith.select %eq3A_2005, %reduce_min3A_279, %reduce_min3A_337 : i32
      %select_n3A_2007 = arith.select %eq3A_2003, %reduce_min3A_222, %select_n3A_2006 : i32
      %eq3A_2008 = arith.constant 0 : i32
      %eq3A_2009 = arith.cmpi eq, %select_n3A_1992, %eq3A_2008 : i32
      %eq3A_2010 = arith.constant 1 : i32
      %eq3A_2011 = arith.cmpi eq, %select_n3A_1992, %eq3A_2010 : i32
      %jit3A_2012 = arith.constant 0 : i32
      %jit3A_2013 = arith.constant 0 : i32
      %select_n3A_2014 = arith.select %eq3A_2011, %jit3A_2012, %jit3A_2013 : i32
      %jit3A_2015 = arith.constant 0 : i32
      %select_n3A_2016 = arith.select %eq3A_2009, %jit3A_2015, %select_n3A_2014 : i32
      %eq3A_2017 = arith.constant 0 : i32
      %eq3A_2018 = arith.cmpi eq, %select_n3A_1992, %eq3A_2017 : i32
      %eq3A_2019 = arith.constant 1 : i32
      %eq3A_2020 = arith.cmpi eq, %select_n3A_1992, %eq3A_2019 : i32
      %jit3A_2021 = arith.constant 0 : i32
      %jit3A_2022 = arith.constant 0 : i32
      %select_n3A_2023 = arith.select %eq3A_2020, %jit3A_2021, %jit3A_2022 : i32
      %jit3A_2024 = arith.constant 0 : i32
      %select_n3A_2025 = arith.select %eq3A_2018, %jit3A_2024, %select_n3A_2023 : i32
      %eq3A_2026 = arith.constant 0 : i32
      %eq3A_2027 = arith.cmpi eq, %select_n3A_1992, %eq3A_2026 : i32
      %eq3A_2028 = arith.constant 1 : i32
      %eq3A_2029 = arith.cmpi eq, %select_n3A_1992, %eq3A_2028 : i32
      %jit3A_2030 = arith.constant 0 : i32
      %jit3A_2031 = arith.constant 0 : i32
      %select_n3A_2032 = arith.select %eq3A_2029, %jit3A_2030, %jit3A_2031 : i32
      %jit3A_2033 = arith.constant 0 : i32
      %select_n3A_2034 = arith.select %eq3A_2027, %jit3A_2033, %select_n3A_2032 : i32
      %mul3A_2035 = arith.constant 3 : i32
      %mul3A_2036 = arith.muli %select_n3A_1992, %mul3A_2035 : i32
      %add3A_2037 = arith.addi %mul3A_2036, %select_n3A_1995 : i32
      %eq3A_2038 = arith.constant 0 : i32
      %eq3A_2039 = arith.cmpi eq, %add3A_2037, %eq3A_2038 : i32
      %jit3A_2040 = arith.constant 0xFF800000 : f32
      %select_n3A_2041 = arith.select %eq3A_2039, %jit3A_2040, %select_n3A_1899 : f32
      %eq3A_2042 = arith.constant 1 : i32
      %eq3A_2043 = arith.cmpi eq, %add3A_2037, %eq3A_2042 : i32
      %jit3A_2044 = arith.constant 0xFF800000 : f32
      %select_n3A_2045 = arith.select %eq3A_2043, %jit3A_2044, %select_n3A_1903 : f32
      %eq3A_2046 = arith.constant 2 : i32
      %eq3A_2047 = arith.cmpi eq, %add3A_2037, %eq3A_2046 : i32
      %jit3A_2048 = arith.constant 0xFF800000 : f32
      %select_n3A_2049 = arith.select %eq3A_2047, %jit3A_2048, %select_n3A_1907 : f32
      %eq3A_2050 = arith.constant 3 : i32
      %eq3A_2051 = arith.cmpi eq, %add3A_2037, %eq3A_2050 : i32
      %jit3A_2052 = arith.constant 0xFF800000 : f32
      %select_n3A_2053 = arith.select %eq3A_2051, %jit3A_2052, %select_n3A_1911 : f32
      %eq3A_2054 = arith.constant 4 : i32
      %eq3A_2055 = arith.cmpi eq, %add3A_2037, %eq3A_2054 : i32
      %jit3A_2056 = arith.constant 0xFF800000 : f32
      %select_n3A_2057 = arith.select %eq3A_2055, %jit3A_2056, %select_n3A_1915 : f32
      %eq3A_2058 = arith.constant 5 : i32
      %eq3A_2059 = arith.cmpi eq, %add3A_2037, %eq3A_2058 : i32
      %jit3A_2060 = arith.constant 0xFF800000 : f32
      %select_n3A_2061 = arith.select %eq3A_2059, %jit3A_2060, %select_n3A_1919 : f32
      %eq3A_2062 = arith.constant 6 : i32
      %eq3A_2063 = arith.cmpi eq, %add3A_2037, %eq3A_2062 : i32
      %jit3A_2064 = arith.constant 0xFF800000 : f32
      %select_n3A_2065 = arith.select %eq3A_2063, %jit3A_2064, %select_n3A_1923 : f32
      %eq3A_2066 = arith.constant 7 : i32
      %eq3A_2067 = arith.cmpi eq, %add3A_2037, %eq3A_2066 : i32
      %jit3A_2068 = arith.constant 0xFF800000 : f32
      %select_n3A_2069 = arith.select %eq3A_2067, %jit3A_2068, %select_n3A_1927 : f32
      %eq3A_2070 = arith.constant 8 : i32
      %eq3A_2071 = arith.cmpi eq, %add3A_2037, %eq3A_2070 : i32
      %jit3A_2072 = arith.constant 0xFF800000 : f32
      %select_n3A_2073 = arith.select %eq3A_2071, %jit3A_2072, %select_n3A_1931 : f32
      %max3A_2074 = arith.maximumf %select_n3A_2041, %select_n3A_2045 : f32
      %max3A_2075 = arith.maximumf %max3A_2074, %select_n3A_2049 : f32
      %max3A_2076 = arith.maximumf %max3A_2075, %select_n3A_2053 : f32
      %max3A_2077 = arith.maximumf %max3A_2076, %select_n3A_2057 : f32
      %max3A_2078 = arith.maximumf %max3A_2077, %select_n3A_2061 : f32
      %max3A_2079 = arith.maximumf %max3A_2078, %select_n3A_2065 : f32
      %max3A_2080 = arith.maximumf %max3A_2079, %select_n3A_2069 : f32
      %max3A_2081 = arith.maximumf %max3A_2080, %select_n3A_2073 : f32
      %eq3A_2082 = arith.cmpf oeq, %select_n3A_2073, %max3A_2081 : f32
      %jit3A_2083 = arith.constant 2 : i32
      %jit3A_2084 = arith.constant 2 : i32
      %select_n3A_2085 = arith.select %eq3A_2082, %jit3A_2083, %jit3A_2084 : i32
      %eq3A_2086 = arith.cmpf oeq, %select_n3A_2073, %max3A_2081 : f32
      %jit3A_2087 = arith.constant 2 : i32
      %jit3A_2088 = arith.constant 2 : i32
      %select_n3A_2089 = arith.select %eq3A_2086, %jit3A_2087, %jit3A_2088 : i32
      %eq3A_2090 = arith.cmpf oeq, %select_n3A_2069, %max3A_2081 : f32
      %jit3A_2091 = arith.constant 2 : i32
      %select_n3A_2092 = arith.select %eq3A_2090, %jit3A_2091, %select_n3A_2085 : i32
      %eq3A_2093 = arith.cmpf oeq, %select_n3A_2069, %max3A_2081 : f32
      %jit3A_2094 = arith.constant 1 : i32
      %select_n3A_2095 = arith.select %eq3A_2093, %jit3A_2094, %select_n3A_2089 : i32
      %eq3A_2096 = arith.cmpf oeq, %select_n3A_2065, %max3A_2081 : f32
      %jit3A_2097 = arith.constant 2 : i32
      %select_n3A_2098 = arith.select %eq3A_2096, %jit3A_2097, %select_n3A_2092 : i32
      %eq3A_2099 = arith.cmpf oeq, %select_n3A_2065, %max3A_2081 : f32
      %jit3A_2100 = arith.constant 0 : i32
      %select_n3A_2101 = arith.select %eq3A_2099, %jit3A_2100, %select_n3A_2095 : i32
      %eq3A_2102 = arith.cmpf oeq, %select_n3A_2061, %max3A_2081 : f32
      %jit3A_2103 = arith.constant 1 : i32
      %select_n3A_2104 = arith.select %eq3A_2102, %jit3A_2103, %select_n3A_2098 : i32
      %eq3A_2105 = arith.cmpf oeq, %select_n3A_2061, %max3A_2081 : f32
      %jit3A_2106 = arith.constant 2 : i32
      %select_n3A_2107 = arith.select %eq3A_2105, %jit3A_2106, %select_n3A_2101 : i32
      %eq3A_2108 = arith.cmpf oeq, %select_n3A_2057, %max3A_2081 : f32
      %jit3A_2109 = arith.constant 1 : i32
      %select_n3A_2110 = arith.select %eq3A_2108, %jit3A_2109, %select_n3A_2104 : i32
      %eq3A_2111 = arith.cmpf oeq, %select_n3A_2057, %max3A_2081 : f32
      %jit3A_2112 = arith.constant 1 : i32
      %select_n3A_2113 = arith.select %eq3A_2111, %jit3A_2112, %select_n3A_2107 : i32
      %eq3A_2114 = arith.cmpf oeq, %select_n3A_2053, %max3A_2081 : f32
      %jit3A_2115 = arith.constant 1 : i32
      %select_n3A_2116 = arith.select %eq3A_2114, %jit3A_2115, %select_n3A_2110 : i32
      %eq3A_2117 = arith.cmpf oeq, %select_n3A_2053, %max3A_2081 : f32
      %jit3A_2118 = arith.constant 0 : i32
      %select_n3A_2119 = arith.select %eq3A_2117, %jit3A_2118, %select_n3A_2113 : i32
      %eq3A_2120 = arith.cmpf oeq, %select_n3A_2049, %max3A_2081 : f32
      %jit3A_2121 = arith.constant 0 : i32
      %select_n3A_2122 = arith.select %eq3A_2120, %jit3A_2121, %select_n3A_2116 : i32
      %eq3A_2123 = arith.cmpf oeq, %select_n3A_2049, %max3A_2081 : f32
      %jit3A_2124 = arith.constant 2 : i32
      %select_n3A_2125 = arith.select %eq3A_2123, %jit3A_2124, %select_n3A_2119 : i32
      %eq3A_2126 = arith.cmpf oeq, %select_n3A_2045, %max3A_2081 : f32
      %jit3A_2127 = arith.constant 0 : i32
      %select_n3A_2128 = arith.select %eq3A_2126, %jit3A_2127, %select_n3A_2122 : i32
      %eq3A_2129 = arith.cmpf oeq, %select_n3A_2045, %max3A_2081 : f32
      %jit3A_2130 = arith.constant 1 : i32
      %select_n3A_2131 = arith.select %eq3A_2129, %jit3A_2130, %select_n3A_2125 : i32
      %eq3A_2132 = arith.cmpf oeq, %select_n3A_2041, %max3A_2081 : f32
      %jit3A_2133 = arith.constant 0 : i32
      %select_n3A_2134 = arith.select %eq3A_2132, %jit3A_2133, %select_n3A_2128 : i32
      %eq3A_2135 = arith.cmpf oeq, %select_n3A_2041, %max3A_2081 : f32
      %jit3A_2136 = arith.constant 0 : i32
      %select_n3A_2137 = arith.select %eq3A_2135, %jit3A_2136, %select_n3A_2131 : i32
      %eq3A_2138 = arith.constant 0 : i32
      %eq3A_2139 = arith.cmpi eq, %select_n3A_2137, %eq3A_2138 : i32
      %eq3A_2140 = arith.constant 1 : i32
      %eq3A_2141 = arith.cmpi eq, %select_n3A_2137, %eq3A_2140 : i32
      %select_n3A_2142 = arith.select %eq3A_2141, %reduce_min3A_649, %reduce_min3A_707 : i32
      %select_n3A_2143 = arith.select %eq3A_2139, %reduce_min3A_591, %select_n3A_2142 : i32
      %eq3A_2144 = arith.constant 0 : i32
      %eq3A_2145 = arith.cmpi eq, %select_n3A_2134, %eq3A_2144 : i32
      %eq3A_2146 = arith.constant 1 : i32
      %eq3A_2147 = arith.cmpi eq, %select_n3A_2134, %eq3A_2146 : i32
      %select_n3A_2148 = arith.select %eq3A_2147, %reduce_min3A_279, %reduce_min3A_337 : i32
      %select_n3A_2149 = arith.select %eq3A_2145, %reduce_min3A_222, %select_n3A_2148 : i32
      %eq3A_2150 = arith.constant 0 : i32
      %eq3A_2151 = arith.cmpi eq, %select_n3A_2134, %eq3A_2150 : i32
      %eq3A_2152 = arith.constant 1 : i32
      %eq3A_2153 = arith.cmpi eq, %select_n3A_2134, %eq3A_2152 : i32
      %jit3A_2154 = arith.constant 0 : i32
      %jit3A_2155 = arith.constant 0 : i32
      %select_n3A_2156 = arith.select %eq3A_2153, %jit3A_2154, %jit3A_2155 : i32
      %jit3A_2157 = arith.constant 0 : i32
      %select_n3A_2158 = arith.select %eq3A_2151, %jit3A_2157, %select_n3A_2156 : i32
      %eq3A_2159 = arith.constant 0 : i32
      %eq3A_2160 = arith.cmpi eq, %select_n3A_2134, %eq3A_2159 : i32
      %eq3A_2161 = arith.constant 1 : i32
      %eq3A_2162 = arith.cmpi eq, %select_n3A_2134, %eq3A_2161 : i32
      %jit3A_2163 = arith.constant 0 : i32
      %jit3A_2164 = arith.constant 0 : i32
      %select_n3A_2165 = arith.select %eq3A_2162, %jit3A_2163, %jit3A_2164 : i32
      %jit3A_2166 = arith.constant 0 : i32
      %select_n3A_2167 = arith.select %eq3A_2160, %jit3A_2166, %select_n3A_2165 : i32
      %eq3A_2168 = arith.constant 0 : i32
      %eq3A_2169 = arith.cmpi eq, %select_n3A_2134, %eq3A_2168 : i32
      %eq3A_2170 = arith.constant 1 : i32
      %eq3A_2171 = arith.cmpi eq, %select_n3A_2134, %eq3A_2170 : i32
      %jit3A_2172 = arith.constant 0 : i32
      %jit3A_2173 = arith.constant 0 : i32
      %select_n3A_2174 = arith.select %eq3A_2171, %jit3A_2172, %jit3A_2173 : i32
      %jit3A_2175 = arith.constant 0 : i32
      %select_n3A_2176 = arith.select %eq3A_2169, %jit3A_2175, %select_n3A_2174 : i32
      %mul3A_2177 = arith.constant 3 : i32
      %mul3A_2178 = arith.muli %select_n3A_2134, %mul3A_2177 : i32
      %add3A_2179 = arith.addi %mul3A_2178, %select_n3A_2137 : i32
      %eq3A_2180 = arith.constant 0 : i32
      %eq3A_2181 = arith.cmpi eq, %add3A_2179, %eq3A_2180 : i32
      %jit3A_2182 = arith.constant 0xFF800000 : f32
      %select_n3A_2183 = arith.select %eq3A_2181, %jit3A_2182, %select_n3A_2041 : f32
      %eq3A_2184 = arith.constant 1 : i32
      %eq3A_2185 = arith.cmpi eq, %add3A_2179, %eq3A_2184 : i32
      %jit3A_2186 = arith.constant 0xFF800000 : f32
      %select_n3A_2187 = arith.select %eq3A_2185, %jit3A_2186, %select_n3A_2045 : f32
      %eq3A_2188 = arith.constant 2 : i32
      %eq3A_2189 = arith.cmpi eq, %add3A_2179, %eq3A_2188 : i32
      %jit3A_2190 = arith.constant 0xFF800000 : f32
      %select_n3A_2191 = arith.select %eq3A_2189, %jit3A_2190, %select_n3A_2049 : f32
      %eq3A_2192 = arith.constant 3 : i32
      %eq3A_2193 = arith.cmpi eq, %add3A_2179, %eq3A_2192 : i32
      %jit3A_2194 = arith.constant 0xFF800000 : f32
      %select_n3A_2195 = arith.select %eq3A_2193, %jit3A_2194, %select_n3A_2053 : f32
      %eq3A_2196 = arith.constant 4 : i32
      %eq3A_2197 = arith.cmpi eq, %add3A_2179, %eq3A_2196 : i32
      %jit3A_2198 = arith.constant 0xFF800000 : f32
      %select_n3A_2199 = arith.select %eq3A_2197, %jit3A_2198, %select_n3A_2057 : f32
      %eq3A_2200 = arith.constant 5 : i32
      %eq3A_2201 = arith.cmpi eq, %add3A_2179, %eq3A_2200 : i32
      %jit3A_2202 = arith.constant 0xFF800000 : f32
      %select_n3A_2203 = arith.select %eq3A_2201, %jit3A_2202, %select_n3A_2061 : f32
      %eq3A_2204 = arith.constant 6 : i32
      %eq3A_2205 = arith.cmpi eq, %add3A_2179, %eq3A_2204 : i32
      %jit3A_2206 = arith.constant 0xFF800000 : f32
      %select_n3A_2207 = arith.select %eq3A_2205, %jit3A_2206, %select_n3A_2065 : f32
      %eq3A_2208 = arith.constant 7 : i32
      %eq3A_2209 = arith.cmpi eq, %add3A_2179, %eq3A_2208 : i32
      %jit3A_2210 = arith.constant 0xFF800000 : f32
      %select_n3A_2211 = arith.select %eq3A_2209, %jit3A_2210, %select_n3A_2069 : f32
      %eq3A_2212 = arith.constant 8 : i32
      %eq3A_2213 = arith.cmpi eq, %add3A_2179, %eq3A_2212 : i32
      %jit3A_2214 = arith.constant 0xFF800000 : f32
      %select_n3A_2215 = arith.select %eq3A_2213, %jit3A_2214, %select_n3A_2073 : f32
      %add3A_2216 = arith.addf %max3A_1797, %reduce_sum3A_1730 : f32
      %add3A_2217 = arith.addf %max3A_1797, %reduce_sum3A_1740 : f32
      %add3A_2218 = arith.addf %max3A_1797, %reduce_sum3A_1750 : f32
      %add3A_2219 = arith.addf %max3A_1939, %reduce_sum3A_1730 : f32
      %add3A_2220 = arith.addf %max3A_1939, %reduce_sum3A_1740 : f32
      %add3A_2221 = arith.addf %max3A_1939, %reduce_sum3A_1750 : f32
      %add3A_2222 = arith.addf %max3A_2081, %reduce_sum3A_1730 : f32
      %add3A_2223 = arith.addf %max3A_2081, %reduce_sum3A_1740 : f32
      %add3A_2224 = arith.addf %max3A_2081, %reduce_sum3A_1750 : f32
      %max3A_2225 = arith.maximumf %add3A_2216, %add3A_2217 : f32
      %max3A_2226 = arith.maximumf %max3A_2225, %add3A_2218 : f32
      %max3A_2227 = arith.maximumf %max3A_2226, %add3A_2219 : f32
      %max3A_2228 = arith.maximumf %max3A_2227, %add3A_2220 : f32
      %max3A_2229 = arith.maximumf %max3A_2228, %add3A_2221 : f32
      %max3A_2230 = arith.maximumf %max3A_2229, %add3A_2222 : f32
      %max3A_2231 = arith.maximumf %max3A_2230, %add3A_2223 : f32
      %max3A_2232 = arith.maximumf %max3A_2231, %add3A_2224 : f32
      %eq3A_2233 = arith.cmpf oeq, %add3A_2224, %max3A_2232 : f32
      %jit3A_2234 = arith.constant 2 : i32
      %jit3A_2235 = arith.constant 2 : i32
      %select_n3A_2236 = arith.select %eq3A_2233, %jit3A_2234, %jit3A_2235 : i32
      %eq3A_2237 = arith.cmpf oeq, %add3A_2224, %max3A_2232 : f32
      %jit3A_2238 = arith.constant 2 : i32
      %jit3A_2239 = arith.constant 2 : i32
      %select_n3A_2240 = arith.select %eq3A_2237, %jit3A_2238, %jit3A_2239 : i32
      %eq3A_2241 = arith.cmpf oeq, %add3A_2223, %max3A_2232 : f32
      %jit3A_2242 = arith.constant 2 : i32
      %select_n3A_2243 = arith.select %eq3A_2241, %jit3A_2242, %select_n3A_2236 : i32
      %eq3A_2244 = arith.cmpf oeq, %add3A_2223, %max3A_2232 : f32
      %jit3A_2245 = arith.constant 1 : i32
      %select_n3A_2246 = arith.select %eq3A_2244, %jit3A_2245, %select_n3A_2240 : i32
      %eq3A_2247 = arith.cmpf oeq, %add3A_2222, %max3A_2232 : f32
      %jit3A_2248 = arith.constant 2 : i32
      %select_n3A_2249 = arith.select %eq3A_2247, %jit3A_2248, %select_n3A_2243 : i32
      %eq3A_2250 = arith.cmpf oeq, %add3A_2222, %max3A_2232 : f32
      %jit3A_2251 = arith.constant 0 : i32
      %select_n3A_2252 = arith.select %eq3A_2250, %jit3A_2251, %select_n3A_2246 : i32
      %eq3A_2253 = arith.cmpf oeq, %add3A_2221, %max3A_2232 : f32
      %jit3A_2254 = arith.constant 1 : i32
      %select_n3A_2255 = arith.select %eq3A_2253, %jit3A_2254, %select_n3A_2249 : i32
      %eq3A_2256 = arith.cmpf oeq, %add3A_2221, %max3A_2232 : f32
      %jit3A_2257 = arith.constant 2 : i32
      %select_n3A_2258 = arith.select %eq3A_2256, %jit3A_2257, %select_n3A_2252 : i32
      %eq3A_2259 = arith.cmpf oeq, %add3A_2220, %max3A_2232 : f32
      %jit3A_2260 = arith.constant 1 : i32
      %select_n3A_2261 = arith.select %eq3A_2259, %jit3A_2260, %select_n3A_2255 : i32
      %eq3A_2262 = arith.cmpf oeq, %add3A_2220, %max3A_2232 : f32
      %jit3A_2263 = arith.constant 1 : i32
      %select_n3A_2264 = arith.select %eq3A_2262, %jit3A_2263, %select_n3A_2258 : i32
      %eq3A_2265 = arith.cmpf oeq, %add3A_2219, %max3A_2232 : f32
      %jit3A_2266 = arith.constant 1 : i32
      %select_n3A_2267 = arith.select %eq3A_2265, %jit3A_2266, %select_n3A_2261 : i32
      %eq3A_2268 = arith.cmpf oeq, %add3A_2219, %max3A_2232 : f32
      %jit3A_2269 = arith.constant 0 : i32
      %select_n3A_2270 = arith.select %eq3A_2268, %jit3A_2269, %select_n3A_2264 : i32
      %eq3A_2271 = arith.cmpf oeq, %add3A_2218, %max3A_2232 : f32
      %jit3A_2272 = arith.constant 0 : i32
      %select_n3A_2273 = arith.select %eq3A_2271, %jit3A_2272, %select_n3A_2267 : i32
      %eq3A_2274 = arith.cmpf oeq, %add3A_2218, %max3A_2232 : f32
      %jit3A_2275 = arith.constant 2 : i32
      %select_n3A_2276 = arith.select %eq3A_2274, %jit3A_2275, %select_n3A_2270 : i32
      %eq3A_2277 = arith.cmpf oeq, %add3A_2217, %max3A_2232 : f32
      %jit3A_2278 = arith.constant 0 : i32
      %select_n3A_2279 = arith.select %eq3A_2277, %jit3A_2278, %select_n3A_2273 : i32
      %eq3A_2280 = arith.cmpf oeq, %add3A_2217, %max3A_2232 : f32
      %jit3A_2281 = arith.constant 1 : i32
      %select_n3A_2282 = arith.select %eq3A_2280, %jit3A_2281, %select_n3A_2276 : i32
      %eq3A_2283 = arith.cmpf oeq, %add3A_2216, %max3A_2232 : f32
      %jit3A_2284 = arith.constant 0 : i32
      %select_n3A_2285 = arith.select %eq3A_2283, %jit3A_2284, %select_n3A_2279 : i32
      %eq3A_2286 = arith.cmpf oeq, %add3A_2216, %max3A_2232 : f32
      %jit3A_2287 = arith.constant 0 : i32
      %select_n3A_2288 = arith.select %eq3A_2286, %jit3A_2287, %select_n3A_2282 : i32
      %eq3A_2289 = arith.constant 0 : i32
      %eq3A_2290 = arith.cmpi eq, %select_n3A_2288, %eq3A_2289 : i32
      %eq3A_2291 = arith.constant 1 : i32
      %eq3A_2292 = arith.cmpi eq, %select_n3A_2288, %eq3A_2291 : i32
      %select_n3A_2293 = arith.select %eq3A_2292, %reduce_min3A_1020, %reduce_min3A_1078 : i32
      %select_n3A_2294 = arith.select %eq3A_2290, %reduce_min3A_962, %select_n3A_2293 : i32
      %eq3A_2295 = arith.constant 0 : i32
      %eq3A_2296 = arith.cmpi eq, %select_n3A_2285, %eq3A_2295 : i32
      %eq3A_2297 = arith.constant 1 : i32
      %eq3A_2298 = arith.cmpi eq, %select_n3A_2285, %eq3A_2297 : i32
      %select_n3A_2299 = arith.select %eq3A_2298, %select_n3A_2007, %select_n3A_2149 : i32
      %select_n3A_2300 = arith.select %eq3A_2296, %select_n3A_1865, %select_n3A_2299 : i32
      %eq3A_2301 = arith.constant 0 : i32
      %eq3A_2302 = arith.cmpi eq, %select_n3A_2285, %eq3A_2301 : i32
      %eq3A_2303 = arith.constant 1 : i32
      %eq3A_2304 = arith.cmpi eq, %select_n3A_2285, %eq3A_2303 : i32
      %select_n3A_2305 = arith.select %eq3A_2304, %select_n3A_2001, %select_n3A_2143 : i32
      %select_n3A_2306 = arith.select %eq3A_2302, %select_n3A_1859, %select_n3A_2305 : i32
      %eq3A_2307 = arith.constant 0 : i32
      %eq3A_2308 = arith.cmpi eq, %select_n3A_2285, %eq3A_2307 : i32
      %eq3A_2309 = arith.constant 1 : i32
      %eq3A_2310 = arith.cmpi eq, %select_n3A_2285, %eq3A_2309 : i32
      %select_n3A_2311 = arith.select %eq3A_2310, %select_n3A_2025, %select_n3A_2167 : i32
      %select_n3A_2312 = arith.select %eq3A_2308, %select_n3A_1883, %select_n3A_2311 : i32
      %eq3A_2313 = arith.constant 0 : i32
      %eq3A_2314 = arith.cmpi eq, %select_n3A_2285, %eq3A_2313 : i32
      %eq3A_2315 = arith.constant 1 : i32
      %eq3A_2316 = arith.cmpi eq, %select_n3A_2285, %eq3A_2315 : i32
      %select_n3A_2317 = arith.select %eq3A_2316, %select_n3A_2034, %select_n3A_2176 : i32
      %select_n3A_2318 = arith.select %eq3A_2314, %select_n3A_1892, %select_n3A_2317 : i32
      %mul3A_2319 = arith.constant 3 : i32
      %mul3A_2320 = arith.muli %select_n3A_2285, %mul3A_2319 : i32
      %add3A_2321 = arith.addi %mul3A_2320, %select_n3A_2288 : i32
      %eq3A_2322 = arith.constant 0 : i32
      %eq3A_2323 = arith.cmpi eq, %add3A_2321, %eq3A_2322 : i32
      %jit3A_2324 = arith.constant 0xFF800000 : f32
      %select_n3A_2325 = arith.select %eq3A_2323, %jit3A_2324, %add3A_2216 : f32
      %eq3A_2326 = arith.constant 1 : i32
      %eq3A_2327 = arith.cmpi eq, %add3A_2321, %eq3A_2326 : i32
      %jit3A_2328 = arith.constant 0xFF800000 : f32
      %select_n3A_2329 = arith.select %eq3A_2327, %jit3A_2328, %add3A_2217 : f32
      %eq3A_2330 = arith.constant 2 : i32
      %eq3A_2331 = arith.cmpi eq, %add3A_2321, %eq3A_2330 : i32
      %jit3A_2332 = arith.constant 0xFF800000 : f32
      %select_n3A_2333 = arith.select %eq3A_2331, %jit3A_2332, %add3A_2218 : f32
      %eq3A_2334 = arith.constant 3 : i32
      %eq3A_2335 = arith.cmpi eq, %add3A_2321, %eq3A_2334 : i32
      %jit3A_2336 = arith.constant 0xFF800000 : f32
      %select_n3A_2337 = arith.select %eq3A_2335, %jit3A_2336, %add3A_2219 : f32
      %eq3A_2338 = arith.constant 4 : i32
      %eq3A_2339 = arith.cmpi eq, %add3A_2321, %eq3A_2338 : i32
      %jit3A_2340 = arith.constant 0xFF800000 : f32
      %select_n3A_2341 = arith.select %eq3A_2339, %jit3A_2340, %add3A_2220 : f32
      %eq3A_2342 = arith.constant 5 : i32
      %eq3A_2343 = arith.cmpi eq, %add3A_2321, %eq3A_2342 : i32
      %jit3A_2344 = arith.constant 0xFF800000 : f32
      %select_n3A_2345 = arith.select %eq3A_2343, %jit3A_2344, %add3A_2221 : f32
      %eq3A_2346 = arith.constant 6 : i32
      %eq3A_2347 = arith.cmpi eq, %add3A_2321, %eq3A_2346 : i32
      %jit3A_2348 = arith.constant 0xFF800000 : f32
      %select_n3A_2349 = arith.select %eq3A_2347, %jit3A_2348, %add3A_2222 : f32
      %eq3A_2350 = arith.constant 7 : i32
      %eq3A_2351 = arith.cmpi eq, %add3A_2321, %eq3A_2350 : i32
      %jit3A_2352 = arith.constant 0xFF800000 : f32
      %select_n3A_2353 = arith.select %eq3A_2351, %jit3A_2352, %add3A_2223 : f32
      %eq3A_2354 = arith.constant 8 : i32
      %eq3A_2355 = arith.cmpi eq, %add3A_2321, %eq3A_2354 : i32
      %jit3A_2356 = arith.constant 0xFF800000 : f32
      %select_n3A_2357 = arith.select %eq3A_2355, %jit3A_2356, %add3A_2224 : f32
      %max3A_2358 = arith.maximumf %select_n3A_2325, %select_n3A_2329 : f32
      %max3A_2359 = arith.maximumf %max3A_2358, %select_n3A_2333 : f32
      %max3A_2360 = arith.maximumf %max3A_2359, %select_n3A_2337 : f32
      %max3A_2361 = arith.maximumf %max3A_2360, %select_n3A_2341 : f32
      %max3A_2362 = arith.maximumf %max3A_2361, %select_n3A_2345 : f32
      %max3A_2363 = arith.maximumf %max3A_2362, %select_n3A_2349 : f32
      %max3A_2364 = arith.maximumf %max3A_2363, %select_n3A_2353 : f32
      %max3A_2365 = arith.maximumf %max3A_2364, %select_n3A_2357 : f32
      %eq3A_2366 = arith.cmpf oeq, %select_n3A_2357, %max3A_2365 : f32
      %jit3A_2367 = arith.constant 2 : i32
      %jit3A_2368 = arith.constant 2 : i32
      %select_n3A_2369 = arith.select %eq3A_2366, %jit3A_2367, %jit3A_2368 : i32
      %eq3A_2370 = arith.cmpf oeq, %select_n3A_2357, %max3A_2365 : f32
      %jit3A_2371 = arith.constant 2 : i32
      %jit3A_2372 = arith.constant 2 : i32
      %select_n3A_2373 = arith.select %eq3A_2370, %jit3A_2371, %jit3A_2372 : i32
      %eq3A_2374 = arith.cmpf oeq, %select_n3A_2353, %max3A_2365 : f32
      %jit3A_2375 = arith.constant 2 : i32
      %select_n3A_2376 = arith.select %eq3A_2374, %jit3A_2375, %select_n3A_2369 : i32
      %eq3A_2377 = arith.cmpf oeq, %select_n3A_2353, %max3A_2365 : f32
      %jit3A_2378 = arith.constant 1 : i32
      %select_n3A_2379 = arith.select %eq3A_2377, %jit3A_2378, %select_n3A_2373 : i32
      %eq3A_2380 = arith.cmpf oeq, %select_n3A_2349, %max3A_2365 : f32
      %jit3A_2381 = arith.constant 2 : i32
      %select_n3A_2382 = arith.select %eq3A_2380, %jit3A_2381, %select_n3A_2376 : i32
      %eq3A_2383 = arith.cmpf oeq, %select_n3A_2349, %max3A_2365 : f32
      %jit3A_2384 = arith.constant 0 : i32
      %select_n3A_2385 = arith.select %eq3A_2383, %jit3A_2384, %select_n3A_2379 : i32
      %eq3A_2386 = arith.cmpf oeq, %select_n3A_2345, %max3A_2365 : f32
      %jit3A_2387 = arith.constant 1 : i32
      %select_n3A_2388 = arith.select %eq3A_2386, %jit3A_2387, %select_n3A_2382 : i32
      %eq3A_2389 = arith.cmpf oeq, %select_n3A_2345, %max3A_2365 : f32
      %jit3A_2390 = arith.constant 2 : i32
      %select_n3A_2391 = arith.select %eq3A_2389, %jit3A_2390, %select_n3A_2385 : i32
      %eq3A_2392 = arith.cmpf oeq, %select_n3A_2341, %max3A_2365 : f32
      %jit3A_2393 = arith.constant 1 : i32
      %select_n3A_2394 = arith.select %eq3A_2392, %jit3A_2393, %select_n3A_2388 : i32
      %eq3A_2395 = arith.cmpf oeq, %select_n3A_2341, %max3A_2365 : f32
      %jit3A_2396 = arith.constant 1 : i32
      %select_n3A_2397 = arith.select %eq3A_2395, %jit3A_2396, %select_n3A_2391 : i32
      %eq3A_2398 = arith.cmpf oeq, %select_n3A_2337, %max3A_2365 : f32
      %jit3A_2399 = arith.constant 1 : i32
      %select_n3A_2400 = arith.select %eq3A_2398, %jit3A_2399, %select_n3A_2394 : i32
      %eq3A_2401 = arith.cmpf oeq, %select_n3A_2337, %max3A_2365 : f32
      %jit3A_2402 = arith.constant 0 : i32
      %select_n3A_2403 = arith.select %eq3A_2401, %jit3A_2402, %select_n3A_2397 : i32
      %eq3A_2404 = arith.cmpf oeq, %select_n3A_2333, %max3A_2365 : f32
      %jit3A_2405 = arith.constant 0 : i32
      %select_n3A_2406 = arith.select %eq3A_2404, %jit3A_2405, %select_n3A_2400 : i32
      %eq3A_2407 = arith.cmpf oeq, %select_n3A_2333, %max3A_2365 : f32
      %jit3A_2408 = arith.constant 2 : i32
      %select_n3A_2409 = arith.select %eq3A_2407, %jit3A_2408, %select_n3A_2403 : i32
      %eq3A_2410 = arith.cmpf oeq, %select_n3A_2329, %max3A_2365 : f32
      %jit3A_2411 = arith.constant 0 : i32
      %select_n3A_2412 = arith.select %eq3A_2410, %jit3A_2411, %select_n3A_2406 : i32
      %eq3A_2413 = arith.cmpf oeq, %select_n3A_2329, %max3A_2365 : f32
      %jit3A_2414 = arith.constant 1 : i32
      %select_n3A_2415 = arith.select %eq3A_2413, %jit3A_2414, %select_n3A_2409 : i32
      %eq3A_2416 = arith.cmpf oeq, %select_n3A_2325, %max3A_2365 : f32
      %jit3A_2417 = arith.constant 0 : i32
      %select_n3A_2418 = arith.select %eq3A_2416, %jit3A_2417, %select_n3A_2412 : i32
      %eq3A_2419 = arith.cmpf oeq, %select_n3A_2325, %max3A_2365 : f32
      %jit3A_2420 = arith.constant 0 : i32
      %select_n3A_2421 = arith.select %eq3A_2419, %jit3A_2420, %select_n3A_2415 : i32
      %eq3A_2422 = arith.constant 0 : i32
      %eq3A_2423 = arith.cmpi eq, %select_n3A_2421, %eq3A_2422 : i32
      %eq3A_2424 = arith.constant 1 : i32
      %eq3A_2425 = arith.cmpi eq, %select_n3A_2421, %eq3A_2424 : i32
      %select_n3A_2426 = arith.select %eq3A_2425, %reduce_min3A_1020, %reduce_min3A_1078 : i32
      %select_n3A_2427 = arith.select %eq3A_2423, %reduce_min3A_962, %select_n3A_2426 : i32
      %eq3A_2428 = arith.constant 0 : i32
      %eq3A_2429 = arith.cmpi eq, %select_n3A_2418, %eq3A_2428 : i32
      %eq3A_2430 = arith.constant 1 : i32
      %eq3A_2431 = arith.cmpi eq, %select_n3A_2418, %eq3A_2430 : i32
      %select_n3A_2432 = arith.select %eq3A_2431, %select_n3A_2007, %select_n3A_2149 : i32
      %select_n3A_2433 = arith.select %eq3A_2429, %select_n3A_1865, %select_n3A_2432 : i32
      %eq3A_2434 = arith.constant 0 : i32
      %eq3A_2435 = arith.cmpi eq, %select_n3A_2418, %eq3A_2434 : i32
      %eq3A_2436 = arith.constant 1 : i32
      %eq3A_2437 = arith.cmpi eq, %select_n3A_2418, %eq3A_2436 : i32
      %select_n3A_2438 = arith.select %eq3A_2437, %select_n3A_2001, %select_n3A_2143 : i32
      %select_n3A_2439 = arith.select %eq3A_2435, %select_n3A_1859, %select_n3A_2438 : i32
      %eq3A_2440 = arith.constant 0 : i32
      %eq3A_2441 = arith.cmpi eq, %select_n3A_2418, %eq3A_2440 : i32
      %eq3A_2442 = arith.constant 1 : i32
      %eq3A_2443 = arith.cmpi eq, %select_n3A_2418, %eq3A_2442 : i32
      %select_n3A_2444 = arith.select %eq3A_2443, %select_n3A_2025, %select_n3A_2167 : i32
      %select_n3A_2445 = arith.select %eq3A_2441, %select_n3A_1883, %select_n3A_2444 : i32
      %eq3A_2446 = arith.constant 0 : i32
      %eq3A_2447 = arith.cmpi eq, %select_n3A_2418, %eq3A_2446 : i32
      %eq3A_2448 = arith.constant 1 : i32
      %eq3A_2449 = arith.cmpi eq, %select_n3A_2418, %eq3A_2448 : i32
      %select_n3A_2450 = arith.select %eq3A_2449, %select_n3A_2034, %select_n3A_2176 : i32
      %select_n3A_2451 = arith.select %eq3A_2447, %select_n3A_1892, %select_n3A_2450 : i32
      %mul3A_2452 = arith.constant 3 : i32
      %mul3A_2453 = arith.muli %select_n3A_2418, %mul3A_2452 : i32
      %add3A_2454 = arith.addi %mul3A_2453, %select_n3A_2421 : i32
      %eq3A_2455 = arith.constant 0 : i32
      %eq3A_2456 = arith.cmpi eq, %add3A_2454, %eq3A_2455 : i32
      %jit3A_2457 = arith.constant 0xFF800000 : f32
      %select_n3A_2458 = arith.select %eq3A_2456, %jit3A_2457, %select_n3A_2325 : f32
      %eq3A_2459 = arith.constant 1 : i32
      %eq3A_2460 = arith.cmpi eq, %add3A_2454, %eq3A_2459 : i32
      %jit3A_2461 = arith.constant 0xFF800000 : f32
      %select_n3A_2462 = arith.select %eq3A_2460, %jit3A_2461, %select_n3A_2329 : f32
      %eq3A_2463 = arith.constant 2 : i32
      %eq3A_2464 = arith.cmpi eq, %add3A_2454, %eq3A_2463 : i32
      %jit3A_2465 = arith.constant 0xFF800000 : f32
      %select_n3A_2466 = arith.select %eq3A_2464, %jit3A_2465, %select_n3A_2333 : f32
      %eq3A_2467 = arith.constant 3 : i32
      %eq3A_2468 = arith.cmpi eq, %add3A_2454, %eq3A_2467 : i32
      %jit3A_2469 = arith.constant 0xFF800000 : f32
      %select_n3A_2470 = arith.select %eq3A_2468, %jit3A_2469, %select_n3A_2337 : f32
      %eq3A_2471 = arith.constant 4 : i32
      %eq3A_2472 = arith.cmpi eq, %add3A_2454, %eq3A_2471 : i32
      %jit3A_2473 = arith.constant 0xFF800000 : f32
      %select_n3A_2474 = arith.select %eq3A_2472, %jit3A_2473, %select_n3A_2341 : f32
      %eq3A_2475 = arith.constant 5 : i32
      %eq3A_2476 = arith.cmpi eq, %add3A_2454, %eq3A_2475 : i32
      %jit3A_2477 = arith.constant 0xFF800000 : f32
      %select_n3A_2478 = arith.select %eq3A_2476, %jit3A_2477, %select_n3A_2345 : f32
      %eq3A_2479 = arith.constant 6 : i32
      %eq3A_2480 = arith.cmpi eq, %add3A_2454, %eq3A_2479 : i32
      %jit3A_2481 = arith.constant 0xFF800000 : f32
      %select_n3A_2482 = arith.select %eq3A_2480, %jit3A_2481, %select_n3A_2349 : f32
      %eq3A_2483 = arith.constant 7 : i32
      %eq3A_2484 = arith.cmpi eq, %add3A_2454, %eq3A_2483 : i32
      %jit3A_2485 = arith.constant 0xFF800000 : f32
      %select_n3A_2486 = arith.select %eq3A_2484, %jit3A_2485, %select_n3A_2353 : f32
      %eq3A_2487 = arith.constant 8 : i32
      %eq3A_2488 = arith.cmpi eq, %add3A_2454, %eq3A_2487 : i32
      %jit3A_2489 = arith.constant 0xFF800000 : f32
      %select_n3A_2490 = arith.select %eq3A_2488, %jit3A_2489, %select_n3A_2357 : f32
      %max3A_2491 = arith.maximumf %select_n3A_2458, %select_n3A_2462 : f32
      %max3A_2492 = arith.maximumf %max3A_2491, %select_n3A_2466 : f32
      %max3A_2493 = arith.maximumf %max3A_2492, %select_n3A_2470 : f32
      %max3A_2494 = arith.maximumf %max3A_2493, %select_n3A_2474 : f32
      %max3A_2495 = arith.maximumf %max3A_2494, %select_n3A_2478 : f32
      %max3A_2496 = arith.maximumf %max3A_2495, %select_n3A_2482 : f32
      %max3A_2497 = arith.maximumf %max3A_2496, %select_n3A_2486 : f32
      %max3A_2498 = arith.maximumf %max3A_2497, %select_n3A_2490 : f32
      %eq3A_2499 = arith.cmpf oeq, %select_n3A_2490, %max3A_2498 : f32
      %jit3A_2500 = arith.constant 2 : i32
      %jit3A_2501 = arith.constant 2 : i32
      %select_n3A_2502 = arith.select %eq3A_2499, %jit3A_2500, %jit3A_2501 : i32
      %eq3A_2503 = arith.cmpf oeq, %select_n3A_2490, %max3A_2498 : f32
      %jit3A_2504 = arith.constant 2 : i32
      %jit3A_2505 = arith.constant 2 : i32
      %select_n3A_2506 = arith.select %eq3A_2503, %jit3A_2504, %jit3A_2505 : i32
      %eq3A_2507 = arith.cmpf oeq, %select_n3A_2486, %max3A_2498 : f32
      %jit3A_2508 = arith.constant 2 : i32
      %select_n3A_2509 = arith.select %eq3A_2507, %jit3A_2508, %select_n3A_2502 : i32
      %eq3A_2510 = arith.cmpf oeq, %select_n3A_2486, %max3A_2498 : f32
      %jit3A_2511 = arith.constant 1 : i32
      %select_n3A_2512 = arith.select %eq3A_2510, %jit3A_2511, %select_n3A_2506 : i32
      %eq3A_2513 = arith.cmpf oeq, %select_n3A_2482, %max3A_2498 : f32
      %jit3A_2514 = arith.constant 2 : i32
      %select_n3A_2515 = arith.select %eq3A_2513, %jit3A_2514, %select_n3A_2509 : i32
      %eq3A_2516 = arith.cmpf oeq, %select_n3A_2482, %max3A_2498 : f32
      %jit3A_2517 = arith.constant 0 : i32
      %select_n3A_2518 = arith.select %eq3A_2516, %jit3A_2517, %select_n3A_2512 : i32
      %eq3A_2519 = arith.cmpf oeq, %select_n3A_2478, %max3A_2498 : f32
      %jit3A_2520 = arith.constant 1 : i32
      %select_n3A_2521 = arith.select %eq3A_2519, %jit3A_2520, %select_n3A_2515 : i32
      %eq3A_2522 = arith.cmpf oeq, %select_n3A_2478, %max3A_2498 : f32
      %jit3A_2523 = arith.constant 2 : i32
      %select_n3A_2524 = arith.select %eq3A_2522, %jit3A_2523, %select_n3A_2518 : i32
      %eq3A_2525 = arith.cmpf oeq, %select_n3A_2474, %max3A_2498 : f32
      %jit3A_2526 = arith.constant 1 : i32
      %select_n3A_2527 = arith.select %eq3A_2525, %jit3A_2526, %select_n3A_2521 : i32
      %eq3A_2528 = arith.cmpf oeq, %select_n3A_2474, %max3A_2498 : f32
      %jit3A_2529 = arith.constant 1 : i32
      %select_n3A_2530 = arith.select %eq3A_2528, %jit3A_2529, %select_n3A_2524 : i32
      %eq3A_2531 = arith.cmpf oeq, %select_n3A_2470, %max3A_2498 : f32
      %jit3A_2532 = arith.constant 1 : i32
      %select_n3A_2533 = arith.select %eq3A_2531, %jit3A_2532, %select_n3A_2527 : i32
      %eq3A_2534 = arith.cmpf oeq, %select_n3A_2470, %max3A_2498 : f32
      %jit3A_2535 = arith.constant 0 : i32
      %select_n3A_2536 = arith.select %eq3A_2534, %jit3A_2535, %select_n3A_2530 : i32
      %eq3A_2537 = arith.cmpf oeq, %select_n3A_2466, %max3A_2498 : f32
      %jit3A_2538 = arith.constant 0 : i32
      %select_n3A_2539 = arith.select %eq3A_2537, %jit3A_2538, %select_n3A_2533 : i32
      %eq3A_2540 = arith.cmpf oeq, %select_n3A_2466, %max3A_2498 : f32
      %jit3A_2541 = arith.constant 2 : i32
      %select_n3A_2542 = arith.select %eq3A_2540, %jit3A_2541, %select_n3A_2536 : i32
      %eq3A_2543 = arith.cmpf oeq, %select_n3A_2462, %max3A_2498 : f32
      %jit3A_2544 = arith.constant 0 : i32
      %select_n3A_2545 = arith.select %eq3A_2543, %jit3A_2544, %select_n3A_2539 : i32
      %eq3A_2546 = arith.cmpf oeq, %select_n3A_2462, %max3A_2498 : f32
      %jit3A_2547 = arith.constant 1 : i32
      %select_n3A_2548 = arith.select %eq3A_2546, %jit3A_2547, %select_n3A_2542 : i32
      %eq3A_2549 = arith.cmpf oeq, %select_n3A_2458, %max3A_2498 : f32
      %jit3A_2550 = arith.constant 0 : i32
      %select_n3A_2551 = arith.select %eq3A_2549, %jit3A_2550, %select_n3A_2545 : i32
      %eq3A_2552 = arith.cmpf oeq, %select_n3A_2458, %max3A_2498 : f32
      %jit3A_2553 = arith.constant 0 : i32
      %select_n3A_2554 = arith.select %eq3A_2552, %jit3A_2553, %select_n3A_2548 : i32
      %eq3A_2555 = arith.constant 0 : i32
      %eq3A_2556 = arith.cmpi eq, %select_n3A_2554, %eq3A_2555 : i32
      %eq3A_2557 = arith.constant 1 : i32
      %eq3A_2558 = arith.cmpi eq, %select_n3A_2554, %eq3A_2557 : i32
      %select_n3A_2559 = arith.select %eq3A_2558, %reduce_min3A_1020, %reduce_min3A_1078 : i32
      %select_n3A_2560 = arith.select %eq3A_2556, %reduce_min3A_962, %select_n3A_2559 : i32
      %eq3A_2561 = arith.constant 0 : i32
      %eq3A_2562 = arith.cmpi eq, %select_n3A_2551, %eq3A_2561 : i32
      %eq3A_2563 = arith.constant 1 : i32
      %eq3A_2564 = arith.cmpi eq, %select_n3A_2551, %eq3A_2563 : i32
      %select_n3A_2565 = arith.select %eq3A_2564, %select_n3A_2007, %select_n3A_2149 : i32
      %select_n3A_2566 = arith.select %eq3A_2562, %select_n3A_1865, %select_n3A_2565 : i32
      %eq3A_2567 = arith.constant 0 : i32
      %eq3A_2568 = arith.cmpi eq, %select_n3A_2551, %eq3A_2567 : i32
      %eq3A_2569 = arith.constant 1 : i32
      %eq3A_2570 = arith.cmpi eq, %select_n3A_2551, %eq3A_2569 : i32
      %select_n3A_2571 = arith.select %eq3A_2570, %select_n3A_2001, %select_n3A_2143 : i32
      %select_n3A_2572 = arith.select %eq3A_2568, %select_n3A_1859, %select_n3A_2571 : i32
      %eq3A_2573 = arith.constant 0 : i32
      %eq3A_2574 = arith.cmpi eq, %select_n3A_2551, %eq3A_2573 : i32
      %eq3A_2575 = arith.constant 1 : i32
      %eq3A_2576 = arith.cmpi eq, %select_n3A_2551, %eq3A_2575 : i32
      %select_n3A_2577 = arith.select %eq3A_2576, %select_n3A_2025, %select_n3A_2167 : i32
      %select_n3A_2578 = arith.select %eq3A_2574, %select_n3A_1883, %select_n3A_2577 : i32
      %eq3A_2579 = arith.constant 0 : i32
      %eq3A_2580 = arith.cmpi eq, %select_n3A_2551, %eq3A_2579 : i32
      %eq3A_2581 = arith.constant 1 : i32
      %eq3A_2582 = arith.cmpi eq, %select_n3A_2551, %eq3A_2581 : i32
      %select_n3A_2583 = arith.select %eq3A_2582, %select_n3A_2034, %select_n3A_2176 : i32
      %select_n3A_2584 = arith.select %eq3A_2580, %select_n3A_1892, %select_n3A_2583 : i32
      %mul3A_2585 = arith.constant 3 : i32
      %mul3A_2586 = arith.muli %select_n3A_2551, %mul3A_2585 : i32
      %add3A_2587 = arith.addi %mul3A_2586, %select_n3A_2554 : i32
      %eq3A_2588 = arith.constant 0 : i32
      %eq3A_2589 = arith.cmpi eq, %add3A_2587, %eq3A_2588 : i32
      %jit3A_2590 = arith.constant 0xFF800000 : f32
      %select_n3A_2591 = arith.select %eq3A_2589, %jit3A_2590, %select_n3A_2458 : f32
      %eq3A_2592 = arith.constant 1 : i32
      %eq3A_2593 = arith.cmpi eq, %add3A_2587, %eq3A_2592 : i32
      %jit3A_2594 = arith.constant 0xFF800000 : f32
      %select_n3A_2595 = arith.select %eq3A_2593, %jit3A_2594, %select_n3A_2462 : f32
      %eq3A_2596 = arith.constant 2 : i32
      %eq3A_2597 = arith.cmpi eq, %add3A_2587, %eq3A_2596 : i32
      %jit3A_2598 = arith.constant 0xFF800000 : f32
      %select_n3A_2599 = arith.select %eq3A_2597, %jit3A_2598, %select_n3A_2466 : f32
      %eq3A_2600 = arith.constant 3 : i32
      %eq3A_2601 = arith.cmpi eq, %add3A_2587, %eq3A_2600 : i32
      %jit3A_2602 = arith.constant 0xFF800000 : f32
      %select_n3A_2603 = arith.select %eq3A_2601, %jit3A_2602, %select_n3A_2470 : f32
      %eq3A_2604 = arith.constant 4 : i32
      %eq3A_2605 = arith.cmpi eq, %add3A_2587, %eq3A_2604 : i32
      %jit3A_2606 = arith.constant 0xFF800000 : f32
      %select_n3A_2607 = arith.select %eq3A_2605, %jit3A_2606, %select_n3A_2474 : f32
      %eq3A_2608 = arith.constant 5 : i32
      %eq3A_2609 = arith.cmpi eq, %add3A_2587, %eq3A_2608 : i32
      %jit3A_2610 = arith.constant 0xFF800000 : f32
      %select_n3A_2611 = arith.select %eq3A_2609, %jit3A_2610, %select_n3A_2478 : f32
      %eq3A_2612 = arith.constant 6 : i32
      %eq3A_2613 = arith.cmpi eq, %add3A_2587, %eq3A_2612 : i32
      %jit3A_2614 = arith.constant 0xFF800000 : f32
      %select_n3A_2615 = arith.select %eq3A_2613, %jit3A_2614, %select_n3A_2482 : f32
      %eq3A_2616 = arith.constant 7 : i32
      %eq3A_2617 = arith.cmpi eq, %add3A_2587, %eq3A_2616 : i32
      %jit3A_2618 = arith.constant 0xFF800000 : f32
      %select_n3A_2619 = arith.select %eq3A_2617, %jit3A_2618, %select_n3A_2486 : f32
      %eq3A_2620 = arith.constant 8 : i32
      %eq3A_2621 = arith.cmpi eq, %add3A_2587, %eq3A_2620 : i32
      %jit3A_2622 = arith.constant 0xFF800000 : f32
      %select_n3A_2623 = arith.select %eq3A_2621, %jit3A_2622, %select_n3A_2490 : f32
      %add3A_2624 = arith.addf %max3A_2232, %reduce_sum3A_1760 : f32
      %add3A_2625 = arith.addf %max3A_2232, %reduce_sum3A_1770 : f32
      %add3A_2626 = arith.addf %max3A_2232, %reduce_sum3A_1780 : f32
      %add3A_2627 = arith.addf %max3A_2365, %reduce_sum3A_1760 : f32
      %add3A_2628 = arith.addf %max3A_2365, %reduce_sum3A_1770 : f32
      %add3A_2629 = arith.addf %max3A_2365, %reduce_sum3A_1780 : f32
      %add3A_2630 = arith.addf %max3A_2498, %reduce_sum3A_1760 : f32
      %add3A_2631 = arith.addf %max3A_2498, %reduce_sum3A_1770 : f32
      %add3A_2632 = arith.addf %max3A_2498, %reduce_sum3A_1780 : f32
      %max3A_2633 = arith.maximumf %add3A_2624, %add3A_2625 : f32
      %max3A_2634 = arith.maximumf %max3A_2633, %add3A_2626 : f32
      %max3A_2635 = arith.maximumf %max3A_2634, %add3A_2627 : f32
      %max3A_2636 = arith.maximumf %max3A_2635, %add3A_2628 : f32
      %max3A_2637 = arith.maximumf %max3A_2636, %add3A_2629 : f32
      %max3A_2638 = arith.maximumf %max3A_2637, %add3A_2630 : f32
      %max3A_2639 = arith.maximumf %max3A_2638, %add3A_2631 : f32
      %max3A_2640 = arith.maximumf %max3A_2639, %add3A_2632 : f32
      %eq3A_2641 = arith.cmpf oeq, %add3A_2632, %max3A_2640 : f32
      %jit3A_2642 = arith.constant 2 : i32
      %jit3A_2643 = arith.constant 2 : i32
      %select_n3A_2644 = arith.select %eq3A_2641, %jit3A_2642, %jit3A_2643 : i32
      %eq3A_2645 = arith.cmpf oeq, %add3A_2632, %max3A_2640 : f32
      %jit3A_2646 = arith.constant 2 : i32
      %jit3A_2647 = arith.constant 2 : i32
      %select_n3A_2648 = arith.select %eq3A_2645, %jit3A_2646, %jit3A_2647 : i32
      %eq3A_2649 = arith.cmpf oeq, %add3A_2631, %max3A_2640 : f32
      %jit3A_2650 = arith.constant 2 : i32
      %select_n3A_2651 = arith.select %eq3A_2649, %jit3A_2650, %select_n3A_2644 : i32
      %eq3A_2652 = arith.cmpf oeq, %add3A_2631, %max3A_2640 : f32
      %jit3A_2653 = arith.constant 1 : i32
      %select_n3A_2654 = arith.select %eq3A_2652, %jit3A_2653, %select_n3A_2648 : i32
      %eq3A_2655 = arith.cmpf oeq, %add3A_2630, %max3A_2640 : f32
      %jit3A_2656 = arith.constant 2 : i32
      %select_n3A_2657 = arith.select %eq3A_2655, %jit3A_2656, %select_n3A_2651 : i32
      %eq3A_2658 = arith.cmpf oeq, %add3A_2630, %max3A_2640 : f32
      %jit3A_2659 = arith.constant 0 : i32
      %select_n3A_2660 = arith.select %eq3A_2658, %jit3A_2659, %select_n3A_2654 : i32
      %eq3A_2661 = arith.cmpf oeq, %add3A_2629, %max3A_2640 : f32
      %jit3A_2662 = arith.constant 1 : i32
      %select_n3A_2663 = arith.select %eq3A_2661, %jit3A_2662, %select_n3A_2657 : i32
      %eq3A_2664 = arith.cmpf oeq, %add3A_2629, %max3A_2640 : f32
      %jit3A_2665 = arith.constant 2 : i32
      %select_n3A_2666 = arith.select %eq3A_2664, %jit3A_2665, %select_n3A_2660 : i32
      %eq3A_2667 = arith.cmpf oeq, %add3A_2628, %max3A_2640 : f32
      %jit3A_2668 = arith.constant 1 : i32
      %select_n3A_2669 = arith.select %eq3A_2667, %jit3A_2668, %select_n3A_2663 : i32
      %eq3A_2670 = arith.cmpf oeq, %add3A_2628, %max3A_2640 : f32
      %jit3A_2671 = arith.constant 1 : i32
      %select_n3A_2672 = arith.select %eq3A_2670, %jit3A_2671, %select_n3A_2666 : i32
      %eq3A_2673 = arith.cmpf oeq, %add3A_2627, %max3A_2640 : f32
      %jit3A_2674 = arith.constant 1 : i32
      %select_n3A_2675 = arith.select %eq3A_2673, %jit3A_2674, %select_n3A_2669 : i32
      %eq3A_2676 = arith.cmpf oeq, %add3A_2627, %max3A_2640 : f32
      %jit3A_2677 = arith.constant 0 : i32
      %select_n3A_2678 = arith.select %eq3A_2676, %jit3A_2677, %select_n3A_2672 : i32
      %eq3A_2679 = arith.cmpf oeq, %add3A_2626, %max3A_2640 : f32
      %jit3A_2680 = arith.constant 0 : i32
      %select_n3A_2681 = arith.select %eq3A_2679, %jit3A_2680, %select_n3A_2675 : i32
      %eq3A_2682 = arith.cmpf oeq, %add3A_2626, %max3A_2640 : f32
      %jit3A_2683 = arith.constant 2 : i32
      %select_n3A_2684 = arith.select %eq3A_2682, %jit3A_2683, %select_n3A_2678 : i32
      %eq3A_2685 = arith.cmpf oeq, %add3A_2625, %max3A_2640 : f32
      %jit3A_2686 = arith.constant 0 : i32
      %select_n3A_2687 = arith.select %eq3A_2685, %jit3A_2686, %select_n3A_2681 : i32
      %eq3A_2688 = arith.cmpf oeq, %add3A_2625, %max3A_2640 : f32
      %jit3A_2689 = arith.constant 1 : i32
      %select_n3A_2690 = arith.select %eq3A_2688, %jit3A_2689, %select_n3A_2684 : i32
      %eq3A_2691 = arith.cmpf oeq, %add3A_2624, %max3A_2640 : f32
      %jit3A_2692 = arith.constant 0 : i32
      %select_n3A_2693 = arith.select %eq3A_2691, %jit3A_2692, %select_n3A_2687 : i32
      %eq3A_2694 = arith.cmpf oeq, %add3A_2624, %max3A_2640 : f32
      %jit3A_2695 = arith.constant 0 : i32
      %select_n3A_2696 = arith.select %eq3A_2694, %jit3A_2695, %select_n3A_2690 : i32
      %eq3A_2697 = arith.constant 0 : i32
      %eq3A_2698 = arith.cmpi eq, %select_n3A_2696, %eq3A_2697 : i32
      %eq3A_2699 = arith.constant 1 : i32
      %eq3A_2700 = arith.cmpi eq, %select_n3A_2696, %eq3A_2699 : i32
      %select_n3A_2701 = arith.select %eq3A_2700, %reduce_min3A_1391, %reduce_min3A_1449 : i32
      %select_n3A_2702 = arith.select %eq3A_2698, %reduce_min3A_1333, %select_n3A_2701 : i32
      %eq3A_2703 = arith.constant 0 : i32
      %eq3A_2704 = arith.cmpi eq, %select_n3A_2693, %eq3A_2703 : i32
      %eq3A_2705 = arith.constant 1 : i32
      %eq3A_2706 = arith.cmpi eq, %select_n3A_2693, %eq3A_2705 : i32
      %select_n3A_2707 = arith.select %eq3A_2706, %select_n3A_2433, %select_n3A_2566 : i32
      %select_n3A_2708 = arith.select %eq3A_2704, %select_n3A_2300, %select_n3A_2707 : i32
      %eq3A_2709 = arith.constant 0 : i32
      %eq3A_2710 = arith.cmpi eq, %select_n3A_2693, %eq3A_2709 : i32
      %eq3A_2711 = arith.constant 1 : i32
      %eq3A_2712 = arith.cmpi eq, %select_n3A_2693, %eq3A_2711 : i32
      %select_n3A_2713 = arith.select %eq3A_2712, %select_n3A_2439, %select_n3A_2572 : i32
      %select_n3A_2714 = arith.select %eq3A_2710, %select_n3A_2306, %select_n3A_2713 : i32
      %eq3A_2715 = arith.constant 0 : i32
      %eq3A_2716 = arith.cmpi eq, %select_n3A_2693, %eq3A_2715 : i32
      %eq3A_2717 = arith.constant 1 : i32
      %eq3A_2718 = arith.cmpi eq, %select_n3A_2693, %eq3A_2717 : i32
      %select_n3A_2719 = arith.select %eq3A_2718, %select_n3A_2427, %select_n3A_2560 : i32
      %select_n3A_2720 = arith.select %eq3A_2716, %select_n3A_2294, %select_n3A_2719 : i32
      %eq3A_2721 = arith.constant 0 : i32
      %eq3A_2722 = arith.cmpi eq, %select_n3A_2693, %eq3A_2721 : i32
      %eq3A_2723 = arith.constant 1 : i32
      %eq3A_2724 = arith.cmpi eq, %select_n3A_2693, %eq3A_2723 : i32
      %select_n3A_2725 = arith.select %eq3A_2724, %select_n3A_2451, %select_n3A_2584 : i32
      %select_n3A_2726 = arith.select %eq3A_2722, %select_n3A_2318, %select_n3A_2725 : i32
      %mul3A_2727 = arith.constant 3 : i32
      %mul3A_2728 = arith.muli %select_n3A_2693, %mul3A_2727 : i32
      %add3A_2729 = arith.addi %mul3A_2728, %select_n3A_2696 : i32
      %eq3A_2730 = arith.constant 0 : i32
      %eq3A_2731 = arith.cmpi eq, %add3A_2729, %eq3A_2730 : i32
      %jit3A_2732 = arith.constant 0xFF800000 : f32
      %select_n3A_2733 = arith.select %eq3A_2731, %jit3A_2732, %add3A_2624 : f32
      %eq3A_2734 = arith.constant 1 : i32
      %eq3A_2735 = arith.cmpi eq, %add3A_2729, %eq3A_2734 : i32
      %jit3A_2736 = arith.constant 0xFF800000 : f32
      %select_n3A_2737 = arith.select %eq3A_2735, %jit3A_2736, %add3A_2625 : f32
      %eq3A_2738 = arith.constant 2 : i32
      %eq3A_2739 = arith.cmpi eq, %add3A_2729, %eq3A_2738 : i32
      %jit3A_2740 = arith.constant 0xFF800000 : f32
      %select_n3A_2741 = arith.select %eq3A_2739, %jit3A_2740, %add3A_2626 : f32
      %eq3A_2742 = arith.constant 3 : i32
      %eq3A_2743 = arith.cmpi eq, %add3A_2729, %eq3A_2742 : i32
      %jit3A_2744 = arith.constant 0xFF800000 : f32
      %select_n3A_2745 = arith.select %eq3A_2743, %jit3A_2744, %add3A_2627 : f32
      %eq3A_2746 = arith.constant 4 : i32
      %eq3A_2747 = arith.cmpi eq, %add3A_2729, %eq3A_2746 : i32
      %jit3A_2748 = arith.constant 0xFF800000 : f32
      %select_n3A_2749 = arith.select %eq3A_2747, %jit3A_2748, %add3A_2628 : f32
      %eq3A_2750 = arith.constant 5 : i32
      %eq3A_2751 = arith.cmpi eq, %add3A_2729, %eq3A_2750 : i32
      %jit3A_2752 = arith.constant 0xFF800000 : f32
      %select_n3A_2753 = arith.select %eq3A_2751, %jit3A_2752, %add3A_2629 : f32
      %eq3A_2754 = arith.constant 6 : i32
      %eq3A_2755 = arith.cmpi eq, %add3A_2729, %eq3A_2754 : i32
      %jit3A_2756 = arith.constant 0xFF800000 : f32
      %select_n3A_2757 = arith.select %eq3A_2755, %jit3A_2756, %add3A_2630 : f32
      %eq3A_2758 = arith.constant 7 : i32
      %eq3A_2759 = arith.cmpi eq, %add3A_2729, %eq3A_2758 : i32
      %jit3A_2760 = arith.constant 0xFF800000 : f32
      %select_n3A_2761 = arith.select %eq3A_2759, %jit3A_2760, %add3A_2631 : f32
      %eq3A_2762 = arith.constant 8 : i32
      %eq3A_2763 = arith.cmpi eq, %add3A_2729, %eq3A_2762 : i32
      %jit3A_2764 = arith.constant 0xFF800000 : f32
      %select_n3A_2765 = arith.select %eq3A_2763, %jit3A_2764, %add3A_2632 : f32
      %max3A_2766 = arith.maximumf %select_n3A_2733, %select_n3A_2737 : f32
      %max3A_2767 = arith.maximumf %max3A_2766, %select_n3A_2741 : f32
      %max3A_2768 = arith.maximumf %max3A_2767, %select_n3A_2745 : f32
      %max3A_2769 = arith.maximumf %max3A_2768, %select_n3A_2749 : f32
      %max3A_2770 = arith.maximumf %max3A_2769, %select_n3A_2753 : f32
      %max3A_2771 = arith.maximumf %max3A_2770, %select_n3A_2757 : f32
      %max3A_2772 = arith.maximumf %max3A_2771, %select_n3A_2761 : f32
      %max3A_2773 = arith.maximumf %max3A_2772, %select_n3A_2765 : f32
      %eq3A_2774 = arith.cmpf oeq, %select_n3A_2765, %max3A_2773 : f32
      %jit3A_2775 = arith.constant 2 : i32
      %jit3A_2776 = arith.constant 2 : i32
      %select_n3A_2777 = arith.select %eq3A_2774, %jit3A_2775, %jit3A_2776 : i32
      %eq3A_2778 = arith.cmpf oeq, %select_n3A_2765, %max3A_2773 : f32
      %jit3A_2779 = arith.constant 2 : i32
      %jit3A_2780 = arith.constant 2 : i32
      %select_n3A_2781 = arith.select %eq3A_2778, %jit3A_2779, %jit3A_2780 : i32
      %eq3A_2782 = arith.cmpf oeq, %select_n3A_2761, %max3A_2773 : f32
      %jit3A_2783 = arith.constant 2 : i32
      %select_n3A_2784 = arith.select %eq3A_2782, %jit3A_2783, %select_n3A_2777 : i32
      %eq3A_2785 = arith.cmpf oeq, %select_n3A_2761, %max3A_2773 : f32
      %jit3A_2786 = arith.constant 1 : i32
      %select_n3A_2787 = arith.select %eq3A_2785, %jit3A_2786, %select_n3A_2781 : i32
      %eq3A_2788 = arith.cmpf oeq, %select_n3A_2757, %max3A_2773 : f32
      %jit3A_2789 = arith.constant 2 : i32
      %select_n3A_2790 = arith.select %eq3A_2788, %jit3A_2789, %select_n3A_2784 : i32
      %eq3A_2791 = arith.cmpf oeq, %select_n3A_2757, %max3A_2773 : f32
      %jit3A_2792 = arith.constant 0 : i32
      %select_n3A_2793 = arith.select %eq3A_2791, %jit3A_2792, %select_n3A_2787 : i32
      %eq3A_2794 = arith.cmpf oeq, %select_n3A_2753, %max3A_2773 : f32
      %jit3A_2795 = arith.constant 1 : i32
      %select_n3A_2796 = arith.select %eq3A_2794, %jit3A_2795, %select_n3A_2790 : i32
      %eq3A_2797 = arith.cmpf oeq, %select_n3A_2753, %max3A_2773 : f32
      %jit3A_2798 = arith.constant 2 : i32
      %select_n3A_2799 = arith.select %eq3A_2797, %jit3A_2798, %select_n3A_2793 : i32
      %eq3A_2800 = arith.cmpf oeq, %select_n3A_2749, %max3A_2773 : f32
      %jit3A_2801 = arith.constant 1 : i32
      %select_n3A_2802 = arith.select %eq3A_2800, %jit3A_2801, %select_n3A_2796 : i32
      %eq3A_2803 = arith.cmpf oeq, %select_n3A_2749, %max3A_2773 : f32
      %jit3A_2804 = arith.constant 1 : i32
      %select_n3A_2805 = arith.select %eq3A_2803, %jit3A_2804, %select_n3A_2799 : i32
      %eq3A_2806 = arith.cmpf oeq, %select_n3A_2745, %max3A_2773 : f32
      %jit3A_2807 = arith.constant 1 : i32
      %select_n3A_2808 = arith.select %eq3A_2806, %jit3A_2807, %select_n3A_2802 : i32
      %eq3A_2809 = arith.cmpf oeq, %select_n3A_2745, %max3A_2773 : f32
      %jit3A_2810 = arith.constant 0 : i32
      %select_n3A_2811 = arith.select %eq3A_2809, %jit3A_2810, %select_n3A_2805 : i32
      %eq3A_2812 = arith.cmpf oeq, %select_n3A_2741, %max3A_2773 : f32
      %jit3A_2813 = arith.constant 0 : i32
      %select_n3A_2814 = arith.select %eq3A_2812, %jit3A_2813, %select_n3A_2808 : i32
      %eq3A_2815 = arith.cmpf oeq, %select_n3A_2741, %max3A_2773 : f32
      %jit3A_2816 = arith.constant 2 : i32
      %select_n3A_2817 = arith.select %eq3A_2815, %jit3A_2816, %select_n3A_2811 : i32
      %eq3A_2818 = arith.cmpf oeq, %select_n3A_2737, %max3A_2773 : f32
      %jit3A_2819 = arith.constant 0 : i32
      %select_n3A_2820 = arith.select %eq3A_2818, %jit3A_2819, %select_n3A_2814 : i32
      %eq3A_2821 = arith.cmpf oeq, %select_n3A_2737, %max3A_2773 : f32
      %jit3A_2822 = arith.constant 1 : i32
      %select_n3A_2823 = arith.select %eq3A_2821, %jit3A_2822, %select_n3A_2817 : i32
      %eq3A_2824 = arith.cmpf oeq, %select_n3A_2733, %max3A_2773 : f32
      %jit3A_2825 = arith.constant 0 : i32
      %select_n3A_2826 = arith.select %eq3A_2824, %jit3A_2825, %select_n3A_2820 : i32
      %eq3A_2827 = arith.cmpf oeq, %select_n3A_2733, %max3A_2773 : f32
      %jit3A_2828 = arith.constant 0 : i32
      %select_n3A_2829 = arith.select %eq3A_2827, %jit3A_2828, %select_n3A_2823 : i32
      %eq3A_2830 = arith.constant 0 : i32
      %eq3A_2831 = arith.cmpi eq, %select_n3A_2829, %eq3A_2830 : i32
      %eq3A_2832 = arith.constant 1 : i32
      %eq3A_2833 = arith.cmpi eq, %select_n3A_2829, %eq3A_2832 : i32
      %select_n3A_2834 = arith.select %eq3A_2833, %reduce_min3A_1391, %reduce_min3A_1449 : i32
      %select_n3A_2835 = arith.select %eq3A_2831, %reduce_min3A_1333, %select_n3A_2834 : i32
      %eq3A_2836 = arith.constant 0 : i32
      %eq3A_2837 = arith.cmpi eq, %select_n3A_2826, %eq3A_2836 : i32
      %eq3A_2838 = arith.constant 1 : i32
      %eq3A_2839 = arith.cmpi eq, %select_n3A_2826, %eq3A_2838 : i32
      %select_n3A_2840 = arith.select %eq3A_2839, %select_n3A_2433, %select_n3A_2566 : i32
      %select_n3A_2841 = arith.select %eq3A_2837, %select_n3A_2300, %select_n3A_2840 : i32
      %eq3A_2842 = arith.constant 0 : i32
      %eq3A_2843 = arith.cmpi eq, %select_n3A_2826, %eq3A_2842 : i32
      %eq3A_2844 = arith.constant 1 : i32
      %eq3A_2845 = arith.cmpi eq, %select_n3A_2826, %eq3A_2844 : i32
      %select_n3A_2846 = arith.select %eq3A_2845, %select_n3A_2439, %select_n3A_2572 : i32
      %select_n3A_2847 = arith.select %eq3A_2843, %select_n3A_2306, %select_n3A_2846 : i32
      %eq3A_2848 = arith.constant 0 : i32
      %eq3A_2849 = arith.cmpi eq, %select_n3A_2826, %eq3A_2848 : i32
      %eq3A_2850 = arith.constant 1 : i32
      %eq3A_2851 = arith.cmpi eq, %select_n3A_2826, %eq3A_2850 : i32
      %select_n3A_2852 = arith.select %eq3A_2851, %select_n3A_2427, %select_n3A_2560 : i32
      %select_n3A_2853 = arith.select %eq3A_2849, %select_n3A_2294, %select_n3A_2852 : i32
      %eq3A_2854 = arith.constant 0 : i32
      %eq3A_2855 = arith.cmpi eq, %select_n3A_2826, %eq3A_2854 : i32
      %eq3A_2856 = arith.constant 1 : i32
      %eq3A_2857 = arith.cmpi eq, %select_n3A_2826, %eq3A_2856 : i32
      %select_n3A_2858 = arith.select %eq3A_2857, %select_n3A_2451, %select_n3A_2584 : i32
      %select_n3A_2859 = arith.select %eq3A_2855, %select_n3A_2318, %select_n3A_2858 : i32
      %mul3A_2860 = arith.constant 3 : i32
      %mul3A_2861 = arith.muli %select_n3A_2826, %mul3A_2860 : i32
      %add3A_2862 = arith.addi %mul3A_2861, %select_n3A_2829 : i32
      %eq3A_2863 = arith.constant 0 : i32
      %eq3A_2864 = arith.cmpi eq, %add3A_2862, %eq3A_2863 : i32
      %jit3A_2865 = arith.constant 0xFF800000 : f32
      %select_n3A_2866 = arith.select %eq3A_2864, %jit3A_2865, %select_n3A_2733 : f32
      %eq3A_2867 = arith.constant 1 : i32
      %eq3A_2868 = arith.cmpi eq, %add3A_2862, %eq3A_2867 : i32
      %jit3A_2869 = arith.constant 0xFF800000 : f32
      %select_n3A_2870 = arith.select %eq3A_2868, %jit3A_2869, %select_n3A_2737 : f32
      %eq3A_2871 = arith.constant 2 : i32
      %eq3A_2872 = arith.cmpi eq, %add3A_2862, %eq3A_2871 : i32
      %jit3A_2873 = arith.constant 0xFF800000 : f32
      %select_n3A_2874 = arith.select %eq3A_2872, %jit3A_2873, %select_n3A_2741 : f32
      %eq3A_2875 = arith.constant 3 : i32
      %eq3A_2876 = arith.cmpi eq, %add3A_2862, %eq3A_2875 : i32
      %jit3A_2877 = arith.constant 0xFF800000 : f32
      %select_n3A_2878 = arith.select %eq3A_2876, %jit3A_2877, %select_n3A_2745 : f32
      %eq3A_2879 = arith.constant 4 : i32
      %eq3A_2880 = arith.cmpi eq, %add3A_2862, %eq3A_2879 : i32
      %jit3A_2881 = arith.constant 0xFF800000 : f32
      %select_n3A_2882 = arith.select %eq3A_2880, %jit3A_2881, %select_n3A_2749 : f32
      %eq3A_2883 = arith.constant 5 : i32
      %eq3A_2884 = arith.cmpi eq, %add3A_2862, %eq3A_2883 : i32
      %jit3A_2885 = arith.constant 0xFF800000 : f32
      %select_n3A_2886 = arith.select %eq3A_2884, %jit3A_2885, %select_n3A_2753 : f32
      %eq3A_2887 = arith.constant 6 : i32
      %eq3A_2888 = arith.cmpi eq, %add3A_2862, %eq3A_2887 : i32
      %jit3A_2889 = arith.constant 0xFF800000 : f32
      %select_n3A_2890 = arith.select %eq3A_2888, %jit3A_2889, %select_n3A_2757 : f32
      %eq3A_2891 = arith.constant 7 : i32
      %eq3A_2892 = arith.cmpi eq, %add3A_2862, %eq3A_2891 : i32
      %jit3A_2893 = arith.constant 0xFF800000 : f32
      %select_n3A_2894 = arith.select %eq3A_2892, %jit3A_2893, %select_n3A_2761 : f32
      %eq3A_2895 = arith.constant 8 : i32
      %eq3A_2896 = arith.cmpi eq, %add3A_2862, %eq3A_2895 : i32
      %jit3A_2897 = arith.constant 0xFF800000 : f32
      %select_n3A_2898 = arith.select %eq3A_2896, %jit3A_2897, %select_n3A_2765 : f32
      %max3A_2899 = arith.maximumf %select_n3A_2866, %select_n3A_2870 : f32
      %max3A_2900 = arith.maximumf %max3A_2899, %select_n3A_2874 : f32
      %max3A_2901 = arith.maximumf %max3A_2900, %select_n3A_2878 : f32
      %max3A_2902 = arith.maximumf %max3A_2901, %select_n3A_2882 : f32
      %max3A_2903 = arith.maximumf %max3A_2902, %select_n3A_2886 : f32
      %max3A_2904 = arith.maximumf %max3A_2903, %select_n3A_2890 : f32
      %max3A_2905 = arith.maximumf %max3A_2904, %select_n3A_2894 : f32
      %max3A_2906 = arith.maximumf %max3A_2905, %select_n3A_2898 : f32
      %eq3A_2907 = arith.cmpf oeq, %select_n3A_2898, %max3A_2906 : f32
      %jit3A_2908 = arith.constant 2 : i32
      %jit3A_2909 = arith.constant 2 : i32
      %select_n3A_2910 = arith.select %eq3A_2907, %jit3A_2908, %jit3A_2909 : i32
      %eq3A_2911 = arith.cmpf oeq, %select_n3A_2898, %max3A_2906 : f32
      %jit3A_2912 = arith.constant 2 : i32
      %jit3A_2913 = arith.constant 2 : i32
      %select_n3A_2914 = arith.select %eq3A_2911, %jit3A_2912, %jit3A_2913 : i32
      %eq3A_2915 = arith.cmpf oeq, %select_n3A_2894, %max3A_2906 : f32
      %jit3A_2916 = arith.constant 2 : i32
      %select_n3A_2917 = arith.select %eq3A_2915, %jit3A_2916, %select_n3A_2910 : i32
      %eq3A_2918 = arith.cmpf oeq, %select_n3A_2894, %max3A_2906 : f32
      %jit3A_2919 = arith.constant 1 : i32
      %select_n3A_2920 = arith.select %eq3A_2918, %jit3A_2919, %select_n3A_2914 : i32
      %eq3A_2921 = arith.cmpf oeq, %select_n3A_2890, %max3A_2906 : f32
      %jit3A_2922 = arith.constant 2 : i32
      %select_n3A_2923 = arith.select %eq3A_2921, %jit3A_2922, %select_n3A_2917 : i32
      %eq3A_2924 = arith.cmpf oeq, %select_n3A_2890, %max3A_2906 : f32
      %jit3A_2925 = arith.constant 0 : i32
      %select_n3A_2926 = arith.select %eq3A_2924, %jit3A_2925, %select_n3A_2920 : i32
      %eq3A_2927 = arith.cmpf oeq, %select_n3A_2886, %max3A_2906 : f32
      %jit3A_2928 = arith.constant 1 : i32
      %select_n3A_2929 = arith.select %eq3A_2927, %jit3A_2928, %select_n3A_2923 : i32
      %eq3A_2930 = arith.cmpf oeq, %select_n3A_2886, %max3A_2906 : f32
      %jit3A_2931 = arith.constant 2 : i32
      %select_n3A_2932 = arith.select %eq3A_2930, %jit3A_2931, %select_n3A_2926 : i32
      %eq3A_2933 = arith.cmpf oeq, %select_n3A_2882, %max3A_2906 : f32
      %jit3A_2934 = arith.constant 1 : i32
      %select_n3A_2935 = arith.select %eq3A_2933, %jit3A_2934, %select_n3A_2929 : i32
      %eq3A_2936 = arith.cmpf oeq, %select_n3A_2882, %max3A_2906 : f32
      %jit3A_2937 = arith.constant 1 : i32
      %select_n3A_2938 = arith.select %eq3A_2936, %jit3A_2937, %select_n3A_2932 : i32
      %eq3A_2939 = arith.cmpf oeq, %select_n3A_2878, %max3A_2906 : f32
      %jit3A_2940 = arith.constant 1 : i32
      %select_n3A_2941 = arith.select %eq3A_2939, %jit3A_2940, %select_n3A_2935 : i32
      %eq3A_2942 = arith.cmpf oeq, %select_n3A_2878, %max3A_2906 : f32
      %jit3A_2943 = arith.constant 0 : i32
      %select_n3A_2944 = arith.select %eq3A_2942, %jit3A_2943, %select_n3A_2938 : i32
      %eq3A_2945 = arith.cmpf oeq, %select_n3A_2874, %max3A_2906 : f32
      %jit3A_2946 = arith.constant 0 : i32
      %select_n3A_2947 = arith.select %eq3A_2945, %jit3A_2946, %select_n3A_2941 : i32
      %eq3A_2948 = arith.cmpf oeq, %select_n3A_2874, %max3A_2906 : f32
      %jit3A_2949 = arith.constant 2 : i32
      %select_n3A_2950 = arith.select %eq3A_2948, %jit3A_2949, %select_n3A_2944 : i32
      %eq3A_2951 = arith.cmpf oeq, %select_n3A_2870, %max3A_2906 : f32
      %jit3A_2952 = arith.constant 0 : i32
      %select_n3A_2953 = arith.select %eq3A_2951, %jit3A_2952, %select_n3A_2947 : i32
      %eq3A_2954 = arith.cmpf oeq, %select_n3A_2870, %max3A_2906 : f32
      %jit3A_2955 = arith.constant 1 : i32
      %select_n3A_2956 = arith.select %eq3A_2954, %jit3A_2955, %select_n3A_2950 : i32
      %eq3A_2957 = arith.cmpf oeq, %select_n3A_2866, %max3A_2906 : f32
      %jit3A_2958 = arith.constant 0 : i32
      %select_n3A_2959 = arith.select %eq3A_2957, %jit3A_2958, %select_n3A_2953 : i32
      %eq3A_2960 = arith.cmpf oeq, %select_n3A_2866, %max3A_2906 : f32
      %jit3A_2961 = arith.constant 0 : i32
      %select_n3A_2962 = arith.select %eq3A_2960, %jit3A_2961, %select_n3A_2956 : i32
      %eq3A_2963 = arith.constant 0 : i32
      %eq3A_2964 = arith.cmpi eq, %select_n3A_2962, %eq3A_2963 : i32
      %eq3A_2965 = arith.constant 1 : i32
      %eq3A_2966 = arith.cmpi eq, %select_n3A_2962, %eq3A_2965 : i32
      %select_n3A_2967 = arith.select %eq3A_2966, %reduce_min3A_1391, %reduce_min3A_1449 : i32
      %select_n3A_2968 = arith.select %eq3A_2964, %reduce_min3A_1333, %select_n3A_2967 : i32
      %eq3A_2969 = arith.constant 0 : i32
      %eq3A_2970 = arith.cmpi eq, %select_n3A_2959, %eq3A_2969 : i32
      %eq3A_2971 = arith.constant 1 : i32
      %eq3A_2972 = arith.cmpi eq, %select_n3A_2959, %eq3A_2971 : i32
      %select_n3A_2973 = arith.select %eq3A_2972, %select_n3A_2433, %select_n3A_2566 : i32
      %select_n3A_2974 = arith.select %eq3A_2970, %select_n3A_2300, %select_n3A_2973 : i32
      %eq3A_2975 = arith.constant 0 : i32
      %eq3A_2976 = arith.cmpi eq, %select_n3A_2959, %eq3A_2975 : i32
      %eq3A_2977 = arith.constant 1 : i32
      %eq3A_2978 = arith.cmpi eq, %select_n3A_2959, %eq3A_2977 : i32
      %select_n3A_2979 = arith.select %eq3A_2978, %select_n3A_2439, %select_n3A_2572 : i32
      %select_n3A_2980 = arith.select %eq3A_2976, %select_n3A_2306, %select_n3A_2979 : i32
      %eq3A_2981 = arith.constant 0 : i32
      %eq3A_2982 = arith.cmpi eq, %select_n3A_2959, %eq3A_2981 : i32
      %eq3A_2983 = arith.constant 1 : i32
      %eq3A_2984 = arith.cmpi eq, %select_n3A_2959, %eq3A_2983 : i32
      %select_n3A_2985 = arith.select %eq3A_2984, %select_n3A_2427, %select_n3A_2560 : i32
      %select_n3A_2986 = arith.select %eq3A_2982, %select_n3A_2294, %select_n3A_2985 : i32
      %eq3A_2987 = arith.constant 0 : i32
      %eq3A_2988 = arith.cmpi eq, %select_n3A_2959, %eq3A_2987 : i32
      %eq3A_2989 = arith.constant 1 : i32
      %eq3A_2990 = arith.cmpi eq, %select_n3A_2959, %eq3A_2989 : i32
      %select_n3A_2991 = arith.select %eq3A_2990, %select_n3A_2451, %select_n3A_2584 : i32
      %select_n3A_2992 = arith.select %eq3A_2988, %select_n3A_2318, %select_n3A_2991 : i32
      %mul3A_2993 = arith.constant 3 : i32
      %mul3A_2994 = arith.muli %select_n3A_2959, %mul3A_2993 : i32
      %add3A_2995 = arith.addi %mul3A_2994, %select_n3A_2962 : i32
      %eq3A_2996 = arith.constant 0 : i32
      %eq3A_2997 = arith.cmpi eq, %add3A_2995, %eq3A_2996 : i32
      %jit3A_2998 = arith.constant 0xFF800000 : f32
      %select_n3A_2999 = arith.select %eq3A_2997, %jit3A_2998, %select_n3A_2866 : f32
      %eq3A_3000 = arith.constant 1 : i32
      %eq3A_3001 = arith.cmpi eq, %add3A_2995, %eq3A_3000 : i32
      %jit3A_3002 = arith.constant 0xFF800000 : f32
      %select_n3A_3003 = arith.select %eq3A_3001, %jit3A_3002, %select_n3A_2870 : f32
      %eq3A_3004 = arith.constant 2 : i32
      %eq3A_3005 = arith.cmpi eq, %add3A_2995, %eq3A_3004 : i32
      %jit3A_3006 = arith.constant 0xFF800000 : f32
      %select_n3A_3007 = arith.select %eq3A_3005, %jit3A_3006, %select_n3A_2874 : f32
      %eq3A_3008 = arith.constant 3 : i32
      %eq3A_3009 = arith.cmpi eq, %add3A_2995, %eq3A_3008 : i32
      %jit3A_3010 = arith.constant 0xFF800000 : f32
      %select_n3A_3011 = arith.select %eq3A_3009, %jit3A_3010, %select_n3A_2878 : f32
      %eq3A_3012 = arith.constant 4 : i32
      %eq3A_3013 = arith.cmpi eq, %add3A_2995, %eq3A_3012 : i32
      %jit3A_3014 = arith.constant 0xFF800000 : f32
      %select_n3A_3015 = arith.select %eq3A_3013, %jit3A_3014, %select_n3A_2882 : f32
      %eq3A_3016 = arith.constant 5 : i32
      %eq3A_3017 = arith.cmpi eq, %add3A_2995, %eq3A_3016 : i32
      %jit3A_3018 = arith.constant 0xFF800000 : f32
      %select_n3A_3019 = arith.select %eq3A_3017, %jit3A_3018, %select_n3A_2886 : f32
      %eq3A_3020 = arith.constant 6 : i32
      %eq3A_3021 = arith.cmpi eq, %add3A_2995, %eq3A_3020 : i32
      %jit3A_3022 = arith.constant 0xFF800000 : f32
      %select_n3A_3023 = arith.select %eq3A_3021, %jit3A_3022, %select_n3A_2890 : f32
      %eq3A_3024 = arith.constant 7 : i32
      %eq3A_3025 = arith.cmpi eq, %add3A_2995, %eq3A_3024 : i32
      %jit3A_3026 = arith.constant 0xFF800000 : f32
      %select_n3A_3027 = arith.select %eq3A_3025, %jit3A_3026, %select_n3A_2894 : f32
      %eq3A_3028 = arith.constant 8 : i32
      %eq3A_3029 = arith.cmpi eq, %add3A_2995, %eq3A_3028 : i32
      %jit3A_3030 = arith.constant 0xFF800000 : f32
      %select_n3A_3031 = arith.select %eq3A_3029, %jit3A_3030, %select_n3A_2898 : f32
      %broadcast_in_dim3A_3032 = arith.constant 0 : i32
      %broadcast_in_dim3A_3033 = vector.broadcast %broadcast_in_dim3A_3032 : i32 to vector<16xi32>
      %eq3A_3034 = arith.constant 0 : i32
      %eq3A_3035 = vector.broadcast %eq3A_3034 : i32 to vector<16xi32>
      %eq3A_3036 = arith.cmpi eq, %iota3A, %eq3A_3035 : vector<16xi32>
      %broadcast_in_dim3A_3037 = vector.broadcast %select_n3A_2708 : i32 to vector<16xi32>
      %select_n3A_3038 = arith.select %eq3A_3036, %broadcast_in_dim3A_3037, %broadcast_in_dim3A_3033 : vector<16xi1>, vector<16xi32>
      %eq3A_3039 = arith.constant 1 : i32
      %eq3A_3040 = vector.broadcast %eq3A_3039 : i32 to vector<16xi32>
      %eq3A_3041 = arith.cmpi eq, %iota3A, %eq3A_3040 : vector<16xi32>
      %broadcast_in_dim3A_3042 = vector.broadcast %select_n3A_2841 : i32 to vector<16xi32>
      %select_n3A_3043 = arith.select %eq3A_3041, %broadcast_in_dim3A_3042, %select_n3A_3038 : vector<16xi1>, vector<16xi32>
      %eq3A_3044 = arith.constant 2 : i32
      %eq3A_3045 = vector.broadcast %eq3A_3044 : i32 to vector<16xi32>
      %eq3A_3046 = arith.cmpi eq, %iota3A, %eq3A_3045 : vector<16xi32>
      %broadcast_in_dim3A_3047 = vector.broadcast %select_n3A_2974 : i32 to vector<16xi32>
      %select_n3A_3048 = arith.select %eq3A_3046, %broadcast_in_dim3A_3047, %select_n3A_3043 : vector<16xi1>, vector<16xi32>
      %eq3A_3049 = arith.constant 4 : i32
      %eq3A_3050 = vector.broadcast %eq3A_3049 : i32 to vector<16xi32>
      %eq3A_3051 = arith.cmpi eq, %iota3A, %eq3A_3050 : vector<16xi32>
      %broadcast_in_dim3A_3052 = vector.broadcast %select_n3A_2714 : i32 to vector<16xi32>
      %select_n3A_3053 = arith.select %eq3A_3051, %broadcast_in_dim3A_3052, %select_n3A_3048 : vector<16xi1>, vector<16xi32>
      %eq3A_3054 = arith.constant 5 : i32
      %eq3A_3055 = vector.broadcast %eq3A_3054 : i32 to vector<16xi32>
      %eq3A_3056 = arith.cmpi eq, %iota3A, %eq3A_3055 : vector<16xi32>
      %broadcast_in_dim3A_3057 = vector.broadcast %select_n3A_2847 : i32 to vector<16xi32>
      %select_n3A_3058 = arith.select %eq3A_3056, %broadcast_in_dim3A_3057, %select_n3A_3053 : vector<16xi1>, vector<16xi32>
      %eq3A_3059 = arith.constant 6 : i32
      %eq3A_3060 = vector.broadcast %eq3A_3059 : i32 to vector<16xi32>
      %eq3A_3061 = arith.cmpi eq, %iota3A, %eq3A_3060 : vector<16xi32>
      %broadcast_in_dim3A_3062 = vector.broadcast %select_n3A_2980 : i32 to vector<16xi32>
      %select_n3A_3063 = arith.select %eq3A_3061, %broadcast_in_dim3A_3062, %select_n3A_3058 : vector<16xi1>, vector<16xi32>
      %eq3A_3064 = arith.constant 8 : i32
      %eq3A_3065 = vector.broadcast %eq3A_3064 : i32 to vector<16xi32>
      %eq3A_3066 = arith.cmpi eq, %iota3A, %eq3A_3065 : vector<16xi32>
      %broadcast_in_dim3A_3067 = vector.broadcast %select_n3A_2720 : i32 to vector<16xi32>
      %select_n3A_3068 = arith.select %eq3A_3066, %broadcast_in_dim3A_3067, %select_n3A_3063 : vector<16xi1>, vector<16xi32>
      %eq3A_3069 = arith.constant 9 : i32
      %eq3A_3070 = vector.broadcast %eq3A_3069 : i32 to vector<16xi32>
      %eq3A_3071 = arith.cmpi eq, %iota3A, %eq3A_3070 : vector<16xi32>
      %broadcast_in_dim3A_3072 = vector.broadcast %select_n3A_2853 : i32 to vector<16xi32>
      %select_n3A_3073 = arith.select %eq3A_3071, %broadcast_in_dim3A_3072, %select_n3A_3068 : vector<16xi1>, vector<16xi32>
      %eq3A_3074 = arith.constant 10 : i32
      %eq3A_3075 = vector.broadcast %eq3A_3074 : i32 to vector<16xi32>
      %eq3A_3076 = arith.cmpi eq, %iota3A, %eq3A_3075 : vector<16xi32>
      %broadcast_in_dim3A_3077 = vector.broadcast %select_n3A_2986 : i32 to vector<16xi32>
      %select_n3A_3078 = arith.select %eq3A_3076, %broadcast_in_dim3A_3077, %select_n3A_3073 : vector<16xi1>, vector<16xi32>
      %eq3A_3079 = arith.constant 12 : i32
      %eq3A_3080 = vector.broadcast %eq3A_3079 : i32 to vector<16xi32>
      %eq3A_3081 = arith.cmpi eq, %iota3A, %eq3A_3080 : vector<16xi32>
      %broadcast_in_dim3A_3082 = vector.broadcast %select_n3A_2702 : i32 to vector<16xi32>
      %select_n3A_3083 = arith.select %eq3A_3081, %broadcast_in_dim3A_3082, %select_n3A_3078 : vector<16xi1>, vector<16xi32>
      %eq3A_3084 = arith.constant 13 : i32
      %eq3A_3085 = vector.broadcast %eq3A_3084 : i32 to vector<16xi32>
      %eq3A_3086 = arith.cmpi eq, %iota3A, %eq3A_3085 : vector<16xi32>
      %broadcast_in_dim3A_3087 = vector.broadcast %select_n3A_2835 : i32 to vector<16xi32>
      %select_n3A_3088 = arith.select %eq3A_3086, %broadcast_in_dim3A_3087, %select_n3A_3083 : vector<16xi1>, vector<16xi32>
      %eq3A_3089 = arith.constant 14 : i32
      %eq3A_3090 = vector.broadcast %eq3A_3089 : i32 to vector<16xi32>
      %eq3A_3091 = arith.cmpi eq, %iota3A, %eq3A_3090 : vector<16xi32>
      %broadcast_in_dim3A_3092 = vector.broadcast %select_n3A_2968 : i32 to vector<16xi32>
      %select_n3A_3093 = arith.select %eq3A_3091, %broadcast_in_dim3A_3092, %select_n3A_3088 : vector<16xi1>, vector<16xi32>
      %broadcast_in_dim3A_3094 = arith.constant 0.000000e+00 : f32
      %broadcast_in_dim3A_3095 = vector.broadcast %broadcast_in_dim3A_3094 : f32 to vector<16xf32>
      %eq3A_3096 = arith.constant 0 : i32
      %eq3A_3097 = vector.broadcast %eq3A_3096 : i32 to vector<16xi32>
      %eq3A_3098 = arith.cmpi eq, %iota3A, %eq3A_3097 : vector<16xi32>
      %broadcast_in_dim3A_3099 = vector.broadcast %max3A_2640 : f32 to vector<16xf32>
      %select_n3A_3100 = arith.select %eq3A_3098, %broadcast_in_dim3A_3099, %broadcast_in_dim3A_3095 : vector<16xi1>, vector<16xf32>
      %eq3A_3101 = arith.constant 1 : i32
      %eq3A_3102 = vector.broadcast %eq3A_3101 : i32 to vector<16xi32>
      %eq3A_3103 = arith.cmpi eq, %iota3A, %eq3A_3102 : vector<16xi32>
      %broadcast_in_dim3A_3104 = vector.broadcast %max3A_2773 : f32 to vector<16xf32>
      %select_n3A_3105 = arith.select %eq3A_3103, %broadcast_in_dim3A_3104, %select_n3A_3100 : vector<16xi1>, vector<16xf32>
      %eq3A_3106 = arith.constant 2 : i32
      %eq3A_3107 = vector.broadcast %eq3A_3106 : i32 to vector<16xi32>
      %eq3A_3108 = arith.cmpi eq, %iota3A, %eq3A_3107 : vector<16xi32>
      %broadcast_in_dim3A_3109 = vector.broadcast %max3A_2906 : f32 to vector<16xf32>
      %select_n3A_3110 = arith.select %eq3A_3108, %broadcast_in_dim3A_3109, %select_n3A_3105 : vector<16xi1>, vector<16xf32>
      %swap3A = arith.constant 0 : index
      %swap3A_3111 = tpu.vector_load %arg6[%swap3A] {strides = array<i32>} : memref<16xi32, #tpu.memory_space<vmem>>, vector<16xi32>,
      tpu.vector_store %arg6[%swap3A], %select_n3A_3093 {strides = array<i32>} : memref<16xi32, #tpu.memory_space<vmem>>, vector<16xi32>,
      %swap3A_3112 = arith.constant 0 : index
      %swap3A_3113 = tpu.vector_load %arg7[%swap3A_3112] {strides = array<i32>} : memref<16xf32, #tpu.memory_space<vmem>>, vector<16xf32>,
      tpu.vector_store %arg7[%swap3A_3112], %select_n3A_3110 {strides = array<i32>} : memref<16xf32, #tpu.memory_space<vmem>>, vector<16xf32>,
      "tpu.region"() ({
        %run_scoped3A = tpu.sem_alloc : memref<!tpu.dma_semaphore, #tpu.memory_space<semaphore_mem>>
        %dma_start3A = arith.constant 0 : i32
        %dma_start3A_3114 = tpu.memref_slice %arg3[%add3A, %dma_start3A] : memref<8x16xi32, #tpu.memory_space<hbm>> -> memref<1x16xi32, #tpu.memory_space<hbm>>
        %dma_start3A_3115 = tpu.memref_squeeze %dma_start3A_3114 : memref<1x16xi32, #tpu.memory_space<hbm>> -> memref<16xi32, #tpu.memory_space<hbm>>
        %dma_start3A_3116 = arith.constant 0 : i32
        %dma_start3A_3117 = tpu.memref_slice %arg3[%add3A, %dma_start3A_3116] : memref<8x16xi32, #tpu.memory_space<hbm>> -> memref<1x16xi32, #tpu.memory_space<hbm>>
        %dma_start3A_3118 = tpu.memref_squeeze %dma_start3A_3117 : memref<1x16xi32, #tpu.memory_space<hbm>> -> memref<16xi32, #tpu.memory_space<hbm>>
        tpu.enqueue_dma source(%arg6 : memref<16xi32, #tpu.memory_space<vmem>>) target(%dma_start3A_3118 : memref<16xi32, #tpu.memory_space<hbm>>) target_semaphore(%run_scoped3A : memref<!tpu.dma_semaphore, #tpu.memory_space<semaphore_mem>>)
        %dma_wait3A = arith.constant 0 : i32
        %dma_wait3A_3119 = tpu.memref_slice %arg3[%add3A, %dma_wait3A] : memref<8x16xi32, #tpu.memory_space<hbm>> -> memref<1x16xi32, #tpu.memory_space<hbm>>
        %dma_wait3A_3120 = tpu.memref_squeeze %dma_wait3A_3119 : memref<1x16xi32, #tpu.memory_space<hbm>> -> memref<16xi32, #tpu.memory_space<hbm>>
        %dma_wait3A_3121 = arith.constant 0 : i32
        %dma_wait3A_3122 = tpu.memref_slice %arg3[%add3A, %dma_wait3A_3121] : memref<8x16xi32, #tpu.memory_space<hbm>> -> memref<1x16xi32, #tpu.memory_space<hbm>>
        %dma_wait3A_3123 = tpu.memref_squeeze %dma_wait3A_3122 : memref<1x16xi32, #tpu.memory_space<hbm>> -> memref<16xi32, #tpu.memory_space<hbm>>
        tpu.wait_dma2 semaphore(%run_scoped3A : memref<!tpu.dma_semaphore, #tpu.memory_space<semaphore_mem>>) src(%arg6 : memref<16xi32, #tpu.memory_space<vmem>>) dst(%dma_wait3A_3123 : memref<16xi32, #tpu.memory_space<hbm>>)
        tpu.yield
      }) : () -> ()
      "tpu.region"() ({
        %run_scoped3A = tpu.sem_alloc : memref<!tpu.dma_semaphore, #tpu.memory_space<semaphore_mem>>
        %dma_start3A = arith.constant 0 : i32
        %dma_start3A_3114 = tpu.memref_slice %arg4[%add3A, %dma_start3A] : memref<8x16xf32, #tpu.memory_space<hbm>> -> memref<1x16xf32, #tpu.memory_space<hbm>>
        %dma_start3A_3115 = tpu.memref_squeeze %dma_start3A_3114 : memref<1x16xf32, #tpu.memory_space<hbm>> -> memref<16xf32, #tpu.memory_space<hbm>>
        %dma_start3A_3116 = arith.constant 0 : i32
        %dma_start3A_3117 = tpu.memref_slice %arg4[%add3A, %dma_start3A_3116] : memref<8x16xf32, #tpu.memory_space<hbm>> -> memref<1x16xf32, #tpu.memory_space<hbm>>
        %dma_start3A_3118 = tpu.memref_squeeze %dma_start3A_3117 : memref<1x16xf32, #tpu.memory_space<hbm>> -> memref<16xf32, #tpu.memory_space<hbm>>
        tpu.enqueue_dma source(%arg7 : memref<16xf32, #tpu.memory_space<vmem>>) target(%dma_start3A_3118 : memref<16xf32, #tpu.memory_space<hbm>>) target_semaphore(%run_scoped3A : memref<!tpu.dma_semaphore, #tpu.memory_space<semaphore_mem>>)
        %dma_wait3A = arith.constant 0 : i32
        %dma_wait3A_3119 = tpu.memref_slice %arg4[%add3A, %dma_wait3A] : memref<8x16xf32, #tpu.memory_space<hbm>> -> memref<1x16xf32, #tpu.memory_space<hbm>>
        %dma_wait3A_3120 = tpu.memref_squeeze %dma_wait3A_3119 : memref<1x16xf32, #tpu.memory_space<hbm>> -> memref<16xf32, #tpu.memory_space<hbm>>
        %dma_wait3A_3121 = arith.constant 0 : i32
        %dma_wait3A_3122 = tpu.memref_slice %arg4[%add3A, %dma_wait3A_3121] : memref<8x16xf32, #tpu.memory_space<hbm>> -> memref<1x16xf32, #tpu.memory_space<hbm>>
        %dma_wait3A_3123 = tpu.memref_squeeze %dma_wait3A_3122 : memref<1x16xf32, #tpu.memory_space<hbm>> -> memref<16xf32, #tpu.memory_space<hbm>>
        tpu.wait_dma2 semaphore(%run_scoped3A : memref<!tpu.dma_semaphore, #tpu.memory_space<semaphore_mem>>) src(%arg7 : memref<16xf32, #tpu.memory_space<vmem>>) dst(%dma_wait3A_3123 : memref<16xf32, #tpu.memory_space<hbm>>)
        tpu.yield
      }) : () -> ()
    } else {
    }
    return
  }
}

</mosaic_0001>

<sc_bundles>
// kernel: kernel.3.cloned.1.call-start
scs
__scs_entry_jumppad:
0x0: {  	(pc) =	sbr.rel $0x88, $3  }
0x1: {  	(tag) =	ssettag $0x0;
	lr =	simm.s32 $0x1  }
0x2: {  	[smem:$0x3FA0] =	sst lr;
	_ =	strace $0xD0000000  }
0x3: {  	_ = 	snop  }
0x4: {  	_ = 	snop  }
0x5: {  	_ = 	snop  }
0x6: {  	_ = 	snop  }
0x7: {  	_ = 	snop  }
__scs_overlays_trampoline_lowered:
0x8: {  	[smem:$0x3FAF] =	sst s0  }
0x9: {  	[smem:$0x3FB0] =	sst s1  }
0xa: {  	[smem:$0x3FB1] =	sst s2  }
0xb: {  	[smem:$0x3FB2] =	sst s3  }
0xc: {  	[smem:$0x3FB3] =	sst s4  }
0xd: {  	[smem:$0x3FB4] =	sst s5  }
0xe: {  	[smem:$0x3FB5] =	sst s6  }
0xf: {  	[smem:$0x3FB6] =	sst s7  }
0x10: {  	[smem:$0x3FB7] =	sst s8  }
0x11: {  	[smem:$0x3FB8] =	sst s9;
	s0 =	simm.s32 @!p0 $0x0  }
0x12: {  	s1 =	sld [smem:$0x3F9E];
	s0 =	simm.s32 @p0 $0x1  }
0x13: {  	[smem:$0x3FB9] =	sst s0;
	s0 =	simm.s32 @!p1 $0x0  }
0x14: {  	s2 =	sld [smem:$0x3F9D];
	s0 =	simm.s32 @p1 $0x1  }
0x15: {  	[smem:$0x3FBA] =	sst s0;
	s0 =	simm.s32 @!p2 $0x0  }
0x16: {  	s3 =	sld [smem:$0x3FDB];
	s0 =	simm.s32 @p2 $0x1  }
0x17: {  	s4 =	simm.s32 $0x1BF5;
	[smem:$0x3FBC] =	sst s0  }
0x18: {  	s0 =	sld [smem:$0x3F9F];
	_ =	swait.ge [sflag:s4], $0x0  }
0x19: {  	s7 =	sld [smem:$0x3FA0]  }
0x1a: {  	s8 =	sadd.s32 $0xFFFFE003, lr  }
0x1b: {  	s9 =	sadd.s32 $0xFFFFFEF7, lr;
	s5 =	simm.s32 $0xFFFFFFFF;
	p2 =	slt.u32 s8, $0xFFFFF086  }
0x1c: {  	p1 =	slt.u32 s9, $0xF7A;
	s5 =	simm.s32 @!p2 $0x0  }
0x1d: {  	s5 =	simm.s32 @p1 $0x1;
	p0 =	seq.s32 s7, s2  }
0x1e: {  	s7 =	smul.u32 @!p0 $0xF7A, s2;
	p2 =	seq.s32 @!p0 s5, $0x0  }
0x1f: {  	s9 =	smul.u32 $0xF7A, s1;
	s8 =	simm.s32 @!p0 $0x1BF5;
	p2 =	por !p2, p0  }
0x20: {  	[sflag:s8] =	ssyncset.s32 @!p0 $0xFFFFF086;
	s6 =	sadd.s32 @!p0 s3, s7;
	s7 =	simm.s32 @!p0 $0x108  }
0x21: {  	s3 =	sadd.s32 s3, s9;
	s6 =	sadd.s32 @!p0 $0x88, s6;
	s7 =	simm.s32 @p2 $0x1082  }
0x22: {  	[simem:s7], [sflag:s8] =	dma.local @!p0 [hbm:s6], $0xF7A  }
0x23: {  	s9 =	sor.u32 $0xD0000000, s2;
	s6 =	simm.s32 $0x108;
	_ =	swait.ge @!p0 [sflag:s8], $0x0  }
0x24: {  	s3 =	sadd.s32 $0x88, s3;
	s6 =	simm.s32 @!p1 $0x1082;
	[sflag:s4] =	ssyncset.s32 $0xFFFFF086  }
0x25: {  	[simem:s6], [sflag:s4] =	dma.local [hbm:s3], $0xF7A  }
0x26: {  	[smem:$0x3FA0] =	sst s1;
	(tag) =	ssettag s2;
	_ =	strace s9  }
0x27: {  	s1 =	sld [smem:$0x3FB0]  }
0x28: {  	s2 =	sld [smem:$0x3FB1]  }
0x29: {  	s4 =	sld [smem:$0x3FB3]  }
0x2a: {  	p0 =	seq.s32 s5, $0x0;
	s5 =	sld [smem:$0x3FB4]  }
0x2b: {  	s6 =	sld [smem:$0x3FB5]  }
0x2c: {  	s7 =	sld [smem:$0x3FB6]  }
0x2d: {  	s3 =	simm.s32 $0x108;
	s8 =	sld [smem:$0x3FB7]  }
0x2e: {  	s3 =	simm.s32 @!p0 $0x1082;
	s9 =	sld [smem:$0x3FB8]  }
0x2f: {  	lr =	sadd.s32 s0, s3;
	s0 =	sld [smem:$0x3FAF]  }
0x30: {  	s3 =	sld [smem:$0x3FB2]  }
0x31: {  	[smem:$0x3FBB] =	sst s10  }
0x32: {  	s10 =	sld [smem:$0x3FB9];
	_ =	sdelay $0x3  }
0x33: {  	p0 =	seq.s32 s10, $0x1;
	s10 =	sld [smem:$0x3FBB];
	_ =	sdelay $0x3  }
0x34: {  	[smem:$0x3FBB] =	sst s10  }
0x35: {  	s10 =	sld [smem:$0x3FBA];
	_ =	sdelay $0x3  }
0x36: {  	p1 =	seq.s32 s10, $0x1;
	s10 =	sld [smem:$0x3FBB];
	_ =	sdelay $0x3  }
0x37: {  	[smem:$0x3FBB] =	sst s10  }
0x38: {  	s10 =	sld [smem:$0x3FBC]  }
0x39: {  	_ = 	snop;
	(pc) =	sbr.ind lr, $3  }
0x3a: {  	_ = 	snop  }
0x3b: {  	_ = 	snop  }
0x3c: {  	p2 =	seq.s32 s10, $0x1;
	s10 =	sld [smem:$0x3FBB]  }
0x3d: {  	_ =	shalt  }
0x3e: {  	_ =	shalt  }
0x3f: {  	_ =	shalt  }
0x40: {  	_ =	shalt  }
0x41: {  	_ =	shalt  }
0x42: {  	_ =	shalt  }
0x43: {  	_ =	shalt  }
0x44: {  	_ =	shalt  }
0x45: {  	_ =	shalt  }
0x46: {  	_ =	shalt  }
0x47: {  	_ =	shalt  }
0x48: {  	_ =	shalt  }
0x49: {  	_ =	shalt  }
0x4a: {  	_ =	shalt  }
0x4b: {  	_ =	shalt  }
0x4c: {  	_ =	shalt  }
0x4d: {  	_ =	shalt  }
0x4e: {  	_ =	shalt  }
0x4f: {  	_ =	shalt  }
0x50: {  	_ =	shalt  }
0x51: {  	_ =	shalt  }
0x52: {  	_ =	shalt  }
0x53: {  	_ =	shalt  }
0x54: {  	_ =	shalt  }
0x55: {  	_ =	shalt  }
0x56: {  	_ =	shalt  }
0x57: {  	_ =	shalt  }
0x58: {  	_ =	shalt  }
0x59: {  	_ =	shalt  }
0x5a: {  	_ =	shalt  }
0x5b: {  	_ =	shalt  }
0x5c: {  	_ =	shalt  }
0x5d: {  	_ =	shalt  }
0x5e: {  	_ =	shalt  }
0x5f: {  	_ =	shalt  }
0x60: {  	_ =	shalt  }
0x61: {  	_ =	shalt  }
0x62: {  	_ =	shalt  }
0x63: {  	_ =	shalt  }
0x64: {  	_ =	shalt  }
0x65: {  	_ =	shalt  }
0x66: {  	_ =	shalt  }
0x67: {  	_ =	shalt  }
0x68: {  	_ =	shalt  }
0x69: {  	_ =	shalt  }
0x6a: {  	_ =	shalt  }
0x6b: {  	_ =	shalt  }
0x6c: {  	_ =	shalt  }
0x6d: {  	_ =	shalt  }
0x6e: {  	_ =	shalt  }
0x6f: {  	_ =	shalt  }
0x70: {  	_ =	shalt  }
0x71: {  	_ =	shalt  }
0x72: {  	_ =	shalt  }
0x73: {  	_ =	shalt  }
0x74: {  	_ =	shalt  }
0x75: {  	_ =	shalt  }
0x76: {  	_ =	shalt  }
0x77: {  	_ =	shalt  }
0x78: {  	_ =	shalt  }
0x79: {  	_ =	shalt  }
0x7a: {  	_ =	shalt  }
0x7b: {  	_ =	shalt  }
0x7c: {  	_ =	shalt  }
0x7d: {  	_ =	shalt  }
0x7e: {  	_ =	shalt  }
0x7f: {  	_ =	shalt  }
0x80: {  	_ =	shalt  }
0x81: {  	_ =	shalt  }
0x82: {  	_ =	shalt  }
0x83: {  	_ =	shalt  }
0x84: {  	_ =	shalt  }
0x85: {  	_ =	shalt  }
0x86: {  	_ =	shalt  }
0x87: {  	_ =	shalt  }
.Lfunc_end0:
.L_simem_size_0:
called_computation_lowered:
.L_overlay_start_0:
0x88: {  	s0 =	sld [smem:$0x3FD9]  }
0x89: {  	s1 =	sld [smem:$0x3FFE];
	_ =	sdelay $0x3  }
0x8a: {  	s0 =	sadd.s32 s1, s0  }
0x8b: {  	[smem:$0x3FC7] =	sst s0  }
0x8c: {  	_ = 	snop  }
0x8d: {  	s0 =	sld [smem:$0x3FD0];
	_ =	sdelay $0x2  }
0x8e: {  	s2 =	simm.s32 $0xA;
	s3 =	simm.s32 $0x10;
	s13 =	sld [smem:$0x3FC9]  }
0x8f: {  	[smem:s3], [sflag:s2] =	dma.local [hbm:s0], $0x1  }
0x90: {  	_ =	swait.eq [sflag:s2], $0x1  }
0x91: {  	[sflag:s2] =	ssyncset.done $0x0  }
0x92: {  	[sflag:s2] =	ssyncadd.s32 $0xFFFFFFFF  }
0x93: {  	s14 =	sld [smem:$0x10];
	(tm) =	ssettm $0x1  }
0x94: {  	s15 =	sld [smem:$0x3FFB];
	_ =	sdelay $0x3  }
0x95: {  	_ =	strace s15  }
0x96: {  	s2 =	sld [smem:$0x3FFC];
	_ =	sdelay $0x3  }
0x97: {  	_ =	strace s2  }
0x98: {  	s2 =	sld [smem:$0x3FFD];
	_ =	sdelay $0x3  }
0x99: {  	_ =	strace s2  }
0x9a: {  	_ =	strace $0x8FFFFFFF  }
0x9b: {  	s16 =	sld [smem:$0x3FDB];
	_ =	sdelay $0x1  }
0x9c: {  	s17 =	simm.s32 $_scs_section_size  }
0x9d: {  	s4 =	simm.s32 $_size__tile_overlayer_lowered;
	s5 =	simm.s32 $_tile_overlayer_lowered  }
0x9e: {  	s20 =	simm.s32 $0x1BFF;
	s19 =	sshll.u32 s5, $0x1;
	s2 =	sadd.s32 s17, s16  }
0x9f: {  	s6 =	simm.s32 $0x0;
	s18 =	sshll.u32 s4, $0x1;
	s4 =	sadd.s32 s19, s2  }
0xa0: {  	[timem:s6], [sflag:s20] =	dma.local [hbm:s4], s18  }
0xa1: {  	_ =	swait.ge [sflag:s20], s18  }
0xa2: {  	s3 =	ssub.s32 $0x0, s18;
	[sflag:s20] =	ssyncset.done $0x0  }
0xa3: {  	[sflag:s20] =	ssyncadd.s32 s3;
	_ =	sdelay $0x1  }
0xa4: {  	s21 =	simm.s32 $0x1B8B  }
0xa5: {  	_ =	swait.ge [sflag:s21], $0x1  }
0xa6: {  	[sflag:s21] =	ssyncset.done $0x0  }
0xa7: {  	s23 =	simm.s32 $0x1B8E;
	s22 =	sld [smem:$0x3FFE];
	[sflag:s21] =	ssyncadd.s32 $0xFFFFFFFF  }
0xa8: {  	s24 =	simm.s32 $execute0_lowered;
	[smem:$0x3FD2] =	sst s23  }
0xa9: {  	s4 =	sshll.u32 s24, $0x1;
	_ =	strace $0x80000046;
	[dreg:$0x1] =	wrdreg $0xFFFFFFFF  }
0xaa: {  	s25 =	simm.s32 $_size_execute0_lowered;
	s2 =	sadd.s32 s2, s4;
	[dreg:$0x0] =	wrdreg $0x0  }
0xab: {  	s4 =	sshll.u32 s25, $0x1;
	[dreg:$0x2] =	wrdreg s2  }
0xac: {  	[dreg:$0x3] =	wrdreg s4  }
0xad: {  	[dreg:$0x4] =	wrdreg $0xC0  }
0xae: {  	_ =	task [dreg:s6], $0x5FFFF  }
0xaf: {  	[dreg:$0x1] =	wrdreg $0xFFFFFFFF  }
0xb0: {  	[dreg:$0x0] =	wrdreg $0x60  }
0xb1: {  	[dreg:$0x2] =	wrdreg s13  }
0xb2: {  	[dreg:$0x3] =	wrdreg s14  }
0xb3: {  	[dreg:$0x4] =	wrdreg s22  }
0xb4: {  	[dreg:$0x5] =	wrdreg $0x9  }
0xb5: {  	_ =	task.clear_ibuf [dreg:s6], $0x6FFFF;
	_ =	strace $0x90000046  }
0xb6: {  	s26 =	simm.s32 $0x9;
	_ =	strace $0x80000048  }
0xb7: {  	_ =	swait.ge [sflag:s26], $0x1  }
0xb8: {  	[sflag:s26] =	ssyncadd.s32 $0xFFFFFFFF  }
0xb9: {  	_ =	strace $0x90000048  }
0xba: {  	_ =	sfence  }
0xbb: {  	s28 =	sld [smem:$0x0];
	_ =	sdelay $0x1  }
0xbc: {  	s29 =	srdreg.scid  }
0xbd: {  	s30 =	sshll.u32 s29, $0xD;
	s31 =	sshrl.u32 s29, $0x2  }
0xbe: {  	s1 =	sand.u32 $0x1, s29;
	s2 =	sand.u32 $0x4000, s30;
	s0 =	sadd.s32 s31, s28  }
0xbf: {  	s1 =	sor.u32 s2, s1;
	s0 =	sshll.u32 s0, $0x11  }
0xc0: {  	s0 =	sor.u32 s0, s1  }
0xc1: {  	s0 =	sadd.s32 $0x8F2B, s0  }
0xc2: {  	[sflag:s0] =	ssyncadd.remote.s32 $0x1  }
0xc3: {  	_ =	sfence.sel $0xFFFF  }
0xc4: {  	[dreg:$0x0] =	wrdreg $0xFFFFFFFF;
	(pc) =	sbr.abs _section_cstart, $3  }
0xc5: {  	[dreg:$0x1] =	wrdreg $0xFFFFFFFF  }
0xc6: {  	_ =	task.clear_ibuf [dreg:s6], $0x2FFFF;
	_ =	strace $0x9FFFFFFF  }
0xc7: {  	(tm) =	ssettm $0x7FFFFFFF  }
tec
execute0_lowered:
.L_overlay_start_1:
0x0: {  	(tag) =	ssettag $0x1  }
0x1: {  	s1 =	stileid.u32  }
0x2: {  	p0 =	sgt.u32 s1, $0x7  }
.Ltmp0:
0x3: {  	s0 =	rddreg [dreg:$0x0];
	(pc) =	sbr.rel @p0 .LBB2_10-.Ltmp0, $4  }
0x4: {  	s2 =	rddreg [dreg:$0x1]  }
0x5: {  	s3 =	rddreg [dreg:$0x2];
	s4 =	simm.s32 $0x0  }
0x6: {  	[smem:$0x7FF] =	sst s4  }
0x7: {  	s5 =	rddreg [dreg:$0x3];
	_ =	strace $0x80000047  }
0x8: {  	s5 =	sshll.u32 s1, $0x9  }
0x9: {  	s26 =	simm.s32 $0x1;
	s0 =	sadd.s32 s0, s5  }
0xa: {  	[tilespmem:s4], [sflag:$0x1] =	stream.linear.gather [hbm4b:s0+s4], $0x1000, $0x38;
	[tilespmem:$0x1100] =	vst v63  }
0xb: {  	_ =	swait.ge [sflag:s26], $0x1000  }
0xc: {  	[sflag:s26] =	ssyncset.done $0x0  }
0xd: {  	s28 =	simm.s32 $0x40;
	[sflag:s26] =	ssyncadd.s32 $0xFFFFF000  }
0xe: {  	v0 =	vld [tilespmem:s28+$0xFFFFFFC0]  }
0xf: {  	v2 =	vld [tilespmem:s28+$0xFFFFFFF0]  }
0x10: {  	v5 =	vld [tilespmem:s28+$0xFFFFFFE0]  }
0x11: {  	v12 =	vld [tilespmem:s28+$0x20]  }
0x12: {  	v3 =	vimm.f32 $-Inf;
	v14 =	vld [tilespmem:s28+$0x0]  }
0x13: {  	v4 =	vlaneseq.u32;
	v6 =	vimm.s32 $0x100000;
	v7 =	vimm.f32 $0.0e+00  }
0x14: {  	v9 =	vadd.s32 $0x80, v4;
	v10 =	vadd.s32 $0x50, v4;
	v11 =	vadd.s32 $0x60, v4  }
0x15: {  	v13 =	vadd.s32 $0x20, v4;
	v15 =	vadd.s32 $0x30, v4;
	v8 =	vld [tilespmem:s28+$0xFFFFFFD0];
	v1 =	vmul.f32 $1.442695020e+00, v0  }
0x16: {  	v16 =	vadd.s32 $0x40, v4;
	v18 =	vmul.f32 $1.442695020e+00, v5;
	v20 =	vmul.f32 $1.442695020e+00, v2  }
0x17: {  	vm0 =	vgt.f32 v0, v3;
	v22 =	vmul.f32 $1.442695020e+00, v12;
	v23 =	vmul.f32 $1.442695020e+00, v14  }
0x18: {  	v0 =	vsel vm0, v0, v3;
	v17 =	vsel vm0, v4, v6;
	(erf) = vpow2.f32 v1  }
0x19: {  	v19 =	vld [tilespmem:s28+$0x10];
	v1 =	vadd.s32 $0x70, v4;
	v3 =	vsel vm0, v3, v0;
	v6 =	vsel vm0, v6, v17  }
0x1a: {  	v4 =	vadd.s32 $0x10, v4;
	vm1 =	vgt.f32 v8, v0;
	vm0 =	vgt.f32 v8, v3  }
0x1b: {  	(erf) = vpow2.f32 v18;
	v21 =	vsel vm0, v8, v3;
	v18 =	vsel vm0, v4, v6  }
0x1c: {  	(erf) = vpow2.f32 v20;
	v4 =	vsel vm1, v4, v17;
	v3 =	vsel vm0, v3, v21  }
0x1d: {  	v20 =	vsel vm1, v0, v21;
	(erf) = vpow2.f32 v23;
	v0 =	vsel vm1, v8, v0  }
0x1e: {  	v24 =	vld [tilespmem:s28+$0x30];
	v21 =	vmul.f32 $1.442695020e+00, v19;
	v8 =	vmul.f32 $1.442695020e+00, v8;
	v6 =	vsel vm0, v6, v18  }
0x1f: {  	vm2 =	vgt.f32 v5, v3;
	vm3 =	vgt.f32 v5, v20;
	vm4 =	vgt.f32 v5, v0  }
0x20: {  	v3 =	vsel vm2, v5, v3;
	(erf) = vpow2.f32 v21;
	v6 =	vsel vm2, v13, v6  }
0x21: {  	v57 =	vsel vm4, v13, v4;
	v3 =	vsel vm3, v20, v3;
	(erf) = vpow2.f32 v22;
	v23 =	vpop (erf)  }
0x22: {  	(erf) = vpow2.f32 v8;
	v7 =	vadd.f32 v23, v7;
	v23 =	vsel vm3, v5, v20  }
0x23: {  	v20 =	vmul.f32 $1.442695020e+00, v24;
	v5 =	vsel vm4, v5, v0;
	v0 =	vsel vm4, v0, v23  }
0x24: {  	vm2 =	vgt.f32 v2, v3;
	v8 =	vsel vm1, v17, v18;
	vm7 =	vgt.f32 v2, v0  }
0x25: {  	vm0 =	vgt.f32 v2, v5;
	(erf) = vpow2.f32 v20;
	v20 =	vsel vm7, v2, v0  }
0x26: {  	v13 =	vsel vm3, v13, v8;
	v6 =	vsel vm3, v8, v6;
	v8 =	vsel vm0, v5, v20  }
0x27: {  	v3 =	vsel vm2, v2, v3;
	v18 =	vpop (erf);
	vm1 =	vgt.f32 v14, v8  }
0x28: {  	v21 =	vpop (erf);
	v0 =	vsel vm7, v0, v3;
	v3 =	vsel vm1, v14, v8  }
0x29: {  	v58 =	vpop (erf);
	v2 =	vsel vm0, v2, v5  }
0x2a: {  	v4 =	vsel vm4, v4, v13;
	v6 =	vsel vm2, v15, v6;
	vm6 =	vgt.f32 v14, v2;
	v5 =	vpop (erf)  }
0x2b: {  	v22 =	vsel vm0, v15, v57;
	v20 =	vsel vm6, v14, v2;
	v2 =	vsel vm6, v2, v3;
	v3 =	vpop (erf)  }
0x2c: {  	v6 =	vsel vm7, v4, v6;
	v4 =	vsel vm7, v15, v4;
	vm8 =	vgt.f32 v14, v0;
	v23 =	vpop (erf)  }
0x2d: {  	v4 =	vsel vm0, v57, v4;
	v0 =	vsel vm8, v14, v0;
	v7 =	vadd.f32 v23, v7  }
0x2e: {  	v6 =	vsel vm8, v16, v6;
	v61 =	vsel vm6, v16, v22;
	vm5 =	vgt.f32 v19, v20  }
0x2f: {  	v0 =	vsel vm1, v8, v0;
	v62 =	vsel vm1, v16, v4;
	v7 =	vadd.f32 v18, v7  }
0x30: {  	v63 =	vsel vm1, v4, v6;
	v8 =	vsel vm5, v19, v20;
	vm13 =	vgt.f32 v19, v0  }
0x31: {  	v13 =	vsel vm6, v22, v62;
	vm2 =	vgt.f32 v19, v2;
	v7 =	vadd.f32 v21, v7  }
0x32: {  	vm3 =	vgt.f32 v12, v8;
	v0 =	vsel vm13, v19, v0;
	v23 =	vsel vm2, v19, v2  }
0x33: {  	v60 =	vsel vm3, v12, v8;
	v59 =	vsel vm5, v20, v23;
	v7 =	vadd.f32 v58, v7  }
0x34: {  	v0 =	vsel vm2, v2, v0;
	vm0 =	vgt.f32 v24, v60;
	vm14 =	vgt.f32 v12, v59  }
0x35: {  	vm15 =	vgt.f32 v12, v0;
	v2 =	vsel vm14, v12, v59;
	v5 =	vadd.f32 v5, v7  }
0x36: {  	v0 =	vsel vm15, v12, v0;
	v20 =	vsel vm0, v24, v60;
	v4 =	vsel vm3, v8, v2  }
0x37: {  	v8 =	vsel vm14, v59, v0;
	v7 =	vsel vm5, v10, v61;
	v2 =	vadd.f32 v3, v5  }
0x38: {  	vm1 =	vgt.f32 v24, v4;
	v6 =	vsel vm3, v11, v7;
	v3 =	vpop (erf);
	v5 =	vsel vm2, v10, v13  }
0x39: {  	s29 =	sshll.u32 s1, $0x4;
	v10 =	vsel vm13, v10, v63;
	v5 =	vsel vm5, v61, v5;
	v0 =	vadd.f32 v3, v2  }
0x3a: {  	s30 =	sadd.s32 s29, s3;
	s0 =	sadd.s32 s2, s29;
	v2 =	vsel vm2, v13, v10;
	v3 =	vsel vm14, v11, v5;
	v10 =	vsel vm1, v24, v4  }
0x3b: {  	s31 =	sadd.s32 $0xA00, s30;
	[dreg:$0x5] =	wrdreg s0;
	vm2 =	vgt.f32 v24, v8;
	v11 =	vsel vm15, v11, v2;
	v22 =	vsel vm0, v60, v10  }
0x3c: {  	s5 =	simm.s32 $0x240;
	s4 =	simm.s32 $0x0;
	[dreg:$0x4] =	wrdreg s31;
	v2 =	vsel vm3, v7, v3;
	v3 =	vsel vm14, v5, v11;
	v5 =	vsel vm2, v24, v8  }
.LBB2_2:
0x3d: {  	v10 =	vmov v9  }
0x3e: {  	s4 =	sadd.s32 $0x8, s4;
	v8 =	vsel vm0, v1, v6;
	v11 =	vsel vm1, v1, v2;
	v5 =	vsel vm1, v4, v5;
	v12 =	vmovc v9;
	v7 =	vld [tilespmem:s5+$0xFFFFFFC0]  }
0x3f: {  	v1 =	vsel vm2, v1, v3;
	p0 =	slt.u32 s4, $0x30;
	v11 =	vsel vm0, v6, v11;
	v4 =	vld [tilespmem:s5+$0x10]  }
0x40: {  	v9 =	vadd.s32 $0x80, v9;
	v14 =	vsel vm1, v2, v1;
	v13 =	vld [tilespmem:s5+$0xFFFFFFF0]  }
0x41: {  	v3 =	vadd.s32 $0x50, v12;
	v2 =	vadd.s32 $0x60, v12;
	v1 =	vadd.s32 $0x70, v12;
	v15 =	vld [tilespmem:s5+$0xFFFFFFD0]  }
0x42: {  	v16 =	vadd.s32 $0x20, v12;
	v18 =	vadd.s32 $0x30, v12;
	v6 =	vadd.s32 $0x40, v12;
	v17 =	vld [tilespmem:s5+$0xFFFFFFE0]  }
0x43: {  	v19 =	vmul.f32 $1.442695020e+00, v7;
	vm0 =	vgt.f32 v7, v20;
	vm1 =	vgt.f32 v7, v22  }
0x44: {  	vm2 =	vgt.f32 v7, v5;
	v21 =	vsel vm0, v12, v8;
	v23 =	vsel vm1, v7, v22  }
0x45: {  	v24 =	vsel vm2, v7, v5;
	v14 =	vsel vm2, v12, v14;
	v5 =	vld [tilespmem:s5+$0x20];
	(erf) = vpow2.f32 v19  }
0x46: {  	v19 =	vsel vm1, v22, v24;
	v14 =	vsel vm1, v11, v14;
	v22 =	vmul.f32 $1.442695020e+00, v13;
	v24 =	vld [tilespmem:s5+$0x0]  }
0x47: {  	v23 =	vsel vm0, v20, v23;
	v11 =	vsel vm1, v12, v11;
	v25 =	vmul.f32 $1.442695020e+00, v17  }
0x48: {  	v12 =	vadd.s32 $0x10, v12;
	vm2 =	vgt.f32 v15, v23;
	vm1 =	vgt.f32 v15, v19  }
0x49: {  	v26 =	vsel vm2, v15, v23;
	v14 =	vsel vm1, v12, v14;
	(erf) = vpow2.f32 v25  }
0x4a: {  	v20 =	vsel vm0, v7, v20;
	v7 =	vsel vm1, v15, v19;
	v19 =	vmul.f32 $1.442695020e+00, v5  }
0x4b: {  	v8 =	vsel vm0, v8, v11;
	v11 =	vmul.f32 $1.442695020e+00, v24;
	(erf) = vpow2.f32 v22  }
0x4c: {  	vm0 =	vgt.f32 v15, v20;
	v23 =	vsel vm2, v23, v7;
	v22 =	vsel vm2, v12, v8;
	v7 =	vld [tilespmem:s5+$0x30]  }
0x4d: {  	v25 =	vsel vm0, v20, v26;
	vm3 =	vgt.f32 v17, v23;
	(erf) = vpow2.f32 v11  }
0x4e: {  	vm1 =	vgt.f32 v17, v25;
	v11 =	vsel vm0, v15, v20;
	v20 =	vmul.f32 $1.442695020e+00, v4;
	v26 =	vpop (erf)  }
0x4f: {  	v23 =	vsel vm3, v17, v23;
	v0 =	vadd.f32 v26, v0;
	v26 =	vsel vm1, v17, v25  }
0x50: {  	v27 =	vmul.f32 $1.442695020e+00, v15;
	v8 =	vsel vm2, v8, v14;
	(erf) = vpow2.f32 v20  }
0x51: {  	v14 =	vsel vm1, v25, v23;
	v23 =	vmul.f32 $1.442695020e+00, v7;
	(erf) = vpow2.f32 v19  }
0x52: {  	v12 =	vsel vm0, v12, v21;
	vm2 =	vgt.f32 v17, v11;
	(erf) = vpow2.f32 v27;
	v15 =	vpop (erf)  }
0x53: {  	v8 =	vsel vm3, v16, v8;
	vm3 =	vgt.f32 v13, v14;
	(erf) = vpow2.f32 v23  }
0x54: {  	v17 =	vsel vm2, v17, v11;
	v11 =	vsel vm2, v11, v26;
	v19 =	vsel vm0, v21, v22;
	v20 =	vpop (erf)  }
0x55: {  	v21 =	vsel vm2, v16, v12;
	vm0 =	vgt.f32 v13, v17;
	vm5 =	vgt.f32 v13, v11  }
0x56: {  	v14 =	vsel vm3, v13, v14;
	v16 =	vsel vm1, v16, v19;
	v22 =	vsel vm5, v13, v11;
	v23 =	vpop (erf)  }
0x57: {  	v8 =	vsel vm1, v19, v8;
	v12 =	vsel vm2, v12, v16;
	v16 =	vsel vm0, v17, v22  }
0x58: {  	v13 =	vsel vm0, v13, v17;
	v11 =	vsel vm5, v11, v14;
	vm1 =	vgt.f32 v24, v16  }
0x59: {  	vm4 =	vgt.f32 v24, v13;
	vm8 =	vgt.f32 v24, v11;
	v22 =	vsel vm1, v24, v16;
	v17 =	vpop (erf)  }
0x5a: {  	v8 =	vsel vm3, v18, v8;
	v19 =	vsel vm4, v24, v13;
	v13 =	vsel vm4, v13, v22;
	v14 =	vpop (erf)  }
0x5b: {  	vm3 =	vgt.f32 v4, v19;
	v22 =	vsel vm0, v18, v21;
	vm2 =	vgt.f32 v4, v13;
	v25 =	vpop (erf)  }
0x5c: {  	v8 =	vsel vm5, v12, v8;
	v0 =	vadd.f32 v25, v0;
	v25 =	vsel vm2, v4, v13;
	v26 =	vpop (erf)  }
0x5d: {  	v12 =	vsel vm5, v18, v12;
	v11 =	vsel vm8, v24, v11;
	v18 =	vsel vm3, v19, v25  }
0x5e: {  	v11 =	vsel vm1, v16, v11;
	v0 =	vadd.f32 v15, v0;
	v15 =	vsel vm3, v4, v19  }
0x5f: {  	vm7 =	vgt.f32 v4, v11;
	vm6 =	vgt.f32 v5, v18;
	vm5 =	vgt.f32 v5, v15  }
0x60: {  	v8 =	vsel vm8, v6, v8;
	v0 =	vadd.f32 v20, v0;
	v16 =	vsel vm5, v5, v15  }
0x61: {  	v12 =	vsel vm0, v21, v12;
	v19 =	vsel vm4, v6, v22;
	v4 =	vsel vm7, v4, v11  }
0x62: {  	v6 =	vsel vm1, v6, v12;
	vm0 =	vgt.f32 v7, v16;
	v0 =	vadd.f32 v23, v0  }
0x63: {  	v11 =	vsel vm2, v13, v4;
	v4 =	vsel vm6, v5, v18;
	v20 =	vsel vm0, v7, v16  }
0x64: {  	v8 =	vsel vm1, v12, v8;
	v13 =	vsel vm4, v22, v6;
	v0 =	vadd.f32 v17, v0  }
0x65: {  	v12 =	vsel vm3, v3, v19;
	vm4 =	vgt.f32 v5, v11;
	v4 =	vsel vm5, v15, v4  }
0x66: {  	v6 =	vsel vm5, v2, v12;
	v5 =	vsel vm4, v5, v11;
	v0 =	vadd.f32 v14, v0  }
.Ltmp1:
0x67: {  	v11 =	vsel vm2, v3, v13;
	vm1 =	vgt.f32 v7, v4;
	v5 =	vsel vm6, v18, v5;
	(pc) =	sbr.rel @p0 .LBB2_2-.Ltmp1, $4  }
0x68: {  	v3 =	vsel vm7, v3, v8;
	v11 =	vsel vm3, v19, v11;
	v0 =	vadd.f32 v26, v0  }
0x69: {  	v3 =	vsel vm2, v13, v3;
	v13 =	vsel vm1, v7, v4;
	v8 =	vsel vm6, v2, v11  }
0x6a: {  	v3 =	vsel vm4, v2, v3;
	vm2 =	vgt.f32 v7, v5;
	v22 =	vsel vm0, v16, v13  }
0x6b: {  	s5 =	sadd.s32 $0x200, s5;
	v2 =	vsel vm5, v12, v8;
	v3 =	vsel vm6, v11, v3;
	v5 =	vsel vm2, v7, v5  }
0x6c: {  	s0 =	simm.s32 $0xF0  }
0x6d: {  	v8 =	vsel vm0, v1, v6;
	v7 =	vld [tilespmem:s0+$0xFFFFFF90]  }
0x6e: {  	[tilespmem:$0x1FFB0] =	vst v8;
	v8 =	vsel vm1, v1, v2;
	v1 =	vsel vm2, v1, v3;
	v3 =	vsel vm1, v4, v5;
	v4 =	vld [tilespmem:s0+$0xFFFFFFB0]  }
0x6f: {  	v17 =	vld [tilespmem:s0+$0xFFFFFFF0]  }
0x70: {  	v14 =	vld [tilespmem:s0+$0xFFFFFFD0];
	[tilespmem:$0x1FFC0] =	vst v3;
	v3 =	vsel vm0, v6, v8  }
0x71: {  	v28 =	vld [tilespmem:s0+$0xFFFFFFE0];
	v1 =	vsel vm1, v2, v1;
	v2 =	vimm.f32 $-Inf;
	[tilespmem:$0x1FFD0] =	vst v3;
	v3 =	vlaneseq.u32  }
0x72: {  	v6 =	vimm.s32 $0x100000;
	v18 =	vadd.s32 $0x80, v3;
	v13 =	vadd.s32 $0x50, v3  }
0x73: {  	[tilespmem:$0x1FFE0] =	vst v1;
	v1 =	vld [tilespmem:s0+$0xFFFFFFC0];
	v15 =	vadd.s32 $0x60, v3;
	v11 =	vadd.s32 $0x70, v3;
	v16 =	vadd.s32 $0x30, v3  }
0x74: {  	v12 =	vld [tilespmem:s0+$0xFFFFFFA0];
	v19 =	vadd.s32 $0x40, v3;
	v5 =	vmul.f32 $1.442695020e+00, v7;
	v27 =	vmul.f32 $1.442695020e+00, v4  }
0x75: {  	vm0 =	vgt.f32 v7, v2;
	v31 =	vmul.f32 $1.442695020e+00, v17;
	v32 =	vmul.f32 $1.442695020e+00, v14  }
0x76: {  	v59 =	vmul.f32 $1.442695020e+00, v28;
	v7 =	vsel vm0, v7, v2;
	v21 =	vsel vm0, v3, v6  }
0x77: {  	(erf) = vpow2.f32 v5;
	v5 =	vadd.s32 $0x20, v3;
	v2 =	vsel vm0, v2, v7  }
0x78: {  	v6 =	vsel vm0, v6, v21;
	v29 =	vmul.f32 $1.442695020e+00, v1;
	v3 =	vadd.s32 $0x10, v3  }
0x79: {  	vm1 =	vgt.f32 v12, v7;
	vm0 =	vgt.f32 v12, v2;
	(erf) = vpow2.f32 v27  }
0x7a: {  	v30 =	vsel vm0, v12, v2;
	v27 =	vsel vm0, v3, v6;
	(erf) = vpow2.f32 v29  }
0x7b: {  	v3 =	vsel vm1, v3, v21;
	v2 =	vsel vm0, v2, v30;
	v30 =	vsel vm1, v7, v30  }
0x7c: {  	v29 =	vld [tilespmem:s0+$0x0];
	(erf) = vpow2.f32 v32;
	v7 =	vsel vm1, v12, v7;
	v12 =	vmul.f32 $1.442695020e+00, v12  }
0x7d: {  	v6 =	vsel vm0, v6, v27;
	vm2 =	vgt.f32 v4, v2;
	vm3 =	vgt.f32 v4, v30  }
0x7e: {  	(erf) = vpow2.f32 v59;
	vm4 =	vgt.f32 v4, v7;
	v60 =	vsel vm3, v4, v30  }
0x7f: {  	v2 =	vsel vm2, v4, v2;
	(erf) = vpow2.f32 v31;
	v6 =	vsel vm2, v5, v6  }
0x80: {  	v4 =	vsel vm4, v4, v7;
	v2 =	vsel vm3, v30, v2;
	(erf) = vpow2.f32 v12  }
0x81: {  	v12 =	vsel vm1, v21, v27;
	v7 =	vsel vm4, v7, v60;
	v30 =	vmul.f32 $1.442695020e+00, v29  }
0x82: {  	v21 =	vsel vm4, v5, v3;
	vm0 =	vgt.f32 v1, v4;
	vm5 =	vgt.f32 v1, v7  }
0x83: {  	v5 =	vsel vm3, v5, v12;
	v33 =	vpop (erf);
	(erf) = vpow2.f32 v30;
	v30 =	vsel vm5, v1, v7  }
0x84: {  	v3 =	vsel vm4, v3, v5;
	v5 =	vsel vm3, v12, v6;
	v6 =	vsel vm0, v4, v30  }
0x85: {  	vm2 =	vgt.f32 v1, v2;
	v27 =	vpop (erf);
	vm1 =	vgt.f32 v14, v6  }
0x86: {  	v2 =	vsel vm2, v1, v2;
	v1 =	vsel vm0, v1, v4;
	v31 =	vpop (erf);
	v4 =	vsel vm1, v14, v6  }
0x87: {  	v8 =	vimm.f32 $0.0e+00;
	v61 =	vsel vm0, v16, v21;
	v12 =	vpop (erf)  }
0x88: {  	v2 =	vsel vm5, v7, v2;
	v5 =	vsel vm2, v16, v5;
	vm6 =	vgt.f32 v14, v1;
	v7 =	vpop (erf)  }
0x89: {  	v8 =	vadd.f32 v33, v8;
	v30 =	vsel vm6, v14, v1;
	v1 =	vsel vm6, v1, v4;
	v4 =	vpop (erf)  }
0x8a: {  	vm8 =	vgt.f32 v14, v2;
	v5 =	vsel vm5, v3, v5;
	v3 =	vsel vm5, v16, v3;
	v62 =	vpop (erf)  }
0x8b: {  	v2 =	vsel vm8, v14, v2;
	v5 =	vsel vm8, v19, v5;
	v8 =	vadd.f32 v62, v8  }
0x8c: {  	v3 =	vsel vm0, v21, v3;
	v21 =	vsel vm6, v19, v61;
	vm3 =	vgt.f32 v28, v30  }
0x8d: {  	v2 =	vsel vm1, v6, v2;
	vm2 =	vgt.f32 v28, v1;
	v8 =	vadd.f32 v27, v8  }
0x8e: {  	v6 =	vsel vm3, v28, v30;
	vm7 =	vgt.f32 v28, v2;
	v63 =	vsel vm2, v28, v1  }
0x8f: {  	vm13 =	vgt.f32 v17, v6;
	v33 =	vsel vm3, v30, v63;
	v8 =	vadd.f32 v31, v8  }
0x90: {  	v2 =	vsel vm7, v28, v2;
	vm14 =	vgt.f32 v17, v33;
	v27 =	vsel vm13, v17, v6  }
0x91: {  	v31 =	vsel vm3, v13, v21;
	v8 =	vadd.f32 v12, v8;
	v12 =	vsel vm1, v19, v3  }
0x92: {  	v19 =	vsel vm2, v1, v2;
	v2 =	vsel vm14, v17, v33;
	v3 =	vsel vm1, v3, v5  }
0x93: {  	v12 =	vsel vm6, v61, v12;
	vm15 =	vgt.f32 v17, v19;
	v14 =	vsel vm13, v6, v2  }
0x94: {  	v3 =	vsel vm7, v13, v3;
	v5 =	vadd.f32 v7, v8;
	v8 =	vsel vm2, v13, v12  }
0x95: {  	v1 =	vld [tilespmem:$0xE00];
	v6 =	vsel vm15, v17, v19;
	v3 =	vsel vm2, v12, v3;
	v19 =	vsel vm3, v21, v8  }
0x96: {  	v16 =	vsel vm13, v15, v31;
	v12 =	vsel vm14, v15, v19;
	v15 =	vsel vm15, v15, v3;
	v3 =	vld [tilespmem:$0xE58]  }
0x97: {  	vm0 =	vgt.f32 v29, v27;
	v2 =	vld [tilespmem:$0xE10]  }
0x98: {  	vm1 =	vgt.f32 v29, v14;
	v17 =	vsel vm14, v33, v6;
	v6 =	vld [tilespmem:$0xE30];
	v5 =	vadd.f32 v4, v5  }
0x99: {  	v28 =	vsel vm0, v29, v27;
	v7 =	vpop (erf);
	v13 =	vsel vm1, v29, v14;
	v4 =	vld [tilespmem:$0xE20]  }
0x9a: {  	vm2 =	vgt.f32 v29, v17;
	v30 =	vsel vm0, v27, v13;
	v8 =	vadd.f32 v7, v5;
	v7 =	vld [tilespmem:$0xE40]  }
0x9b: {  	s4 =	simm.s32 $0x0;
	s5 =	simm.s32 $0x2F0;
	v12 =	vsel vm13, v31, v12;
	v13 =	vsel vm14, v19, v15;
	v15 =	vsel vm2, v29, v17;
	v5 =	vld [tilespmem:$0xE50];
	[tilespmem:$0x1FFF0] =	vst v3  }
.LBB2_4:
0x9c: {  	v21 =	vmov v18  }
0x9d: {  	s4 =	sadd.s32 $0x8, s4;
	v19 =	vsel vm0, v11, v16;
	v27 =	vsel vm1, v11, v12;
	v15 =	vsel vm1, v14, v15;
	v29 =	vmovc v18;
	v17 =	vld [tilespmem:s5+$0xFFFFFF90]  }
0x9e: {  	v11 =	vsel vm2, v11, v13;
	p0 =	slt.u32 s4, $0x30;
	v27 =	vsel vm0, v16, v27;
	v14 =	vld [tilespmem:s5+$0xFFFFFFE0]  }
0x9f: {  	v18 =	vadd.s32 $0x80, v18;
	v32 =	vsel vm1, v12, v11;
	v31 =	vld [tilespmem:s5+$0xFFFFFFC0]  }
0xa0: {  	v13 =	vadd.s32 $0x50, v29;
	v12 =	vadd.s32 $0x60, v29;
	v11 =	vadd.s32 $0x70, v29;
	v33 =	vld [tilespmem:s5+$0xFFFFFFA0]  }
0xa1: {  	v34 =	vadd.s32 $0x20, v29;
	v36 =	vadd.s32 $0x30, v29;
	v16 =	vadd.s32 $0x40, v29;
	v35 =	vld [tilespmem:s5+$0xFFFFFFB0]  }
0xa2: {  	v37 =	vmul.f32 $1.442695020e+00, v17;
	vm0 =	vgt.f32 v17, v28;
	vm1 =	vgt.f32 v17, v30  }
0xa3: {  	vm2 =	vgt.f32 v17, v15;
	v38 =	vsel vm0, v29, v19;
	v39 =	vsel vm1, v17, v30  }
0xa4: {  	v40 =	vsel vm2, v17, v15;
	v32 =	vsel vm2, v29, v32;
	v15 =	vld [tilespmem:s5+$0xFFFFFFF0];
	(erf) = vpow2.f32 v37  }
0xa5: {  	v30 =	vsel vm1, v30, v40;
	v32 =	vsel vm1, v27, v32;
	v37 =	vmul.f32 $1.442695020e+00, v31;
	v40 =	vld [tilespmem:s5+$0xFFFFFFD0]  }
0xa6: {  	v39 =	vsel vm0, v28, v39;
	v27 =	vsel vm1, v29, v27;
	v41 =	vmul.f32 $1.442695020e+00, v35  }
0xa7: {  	v29 =	vadd.s32 $0x10, v29;
	vm2 =	vgt.f32 v33, v39;
	vm1 =	vgt.f32 v33, v30  }
0xa8: {  	v42 =	vsel vm2, v33, v39;
	v32 =	vsel vm1, v29, v32;
	(erf) = vpow2.f32 v41  }
0xa9: {  	v28 =	vsel vm0, v17, v28;
	v17 =	vsel vm1, v33, v30;
	v30 =	vmul.f32 $1.442695020e+00, v15  }
0xaa: {  	v19 =	vsel vm0, v19, v27;
	v27 =	vmul.f32 $1.442695020e+00, v40;
	(erf) = vpow2.f32 v37  }
0xab: {  	vm0 =	vgt.f32 v33, v28;
	v39 =	vsel vm2, v39, v17;
	v37 =	vsel vm2, v29, v19;
	v17 =	vld [tilespmem:s5+$0x0]  }
0xac: {  	v41 =	vsel vm0, v28, v42;
	vm3 =	vgt.f32 v35, v39;
	(erf) = vpow2.f32 v27  }
0xad: {  	vm1 =	vgt.f32 v35, v41;
	v27 =	vsel vm0, v33, v28;
	v28 =	vmul.f32 $1.442695020e+00, v14;
	v42 =	vpop (erf)  }
0xae: {  	v39 =	vsel vm3, v35, v39;
	v8 =	vadd.f32 v42, v8;
	v42 =	vsel vm1, v35, v41  }
0xaf: {  	v19 =	vsel vm2, v19, v32;
	v33 =	vmul.f32 $1.442695020e+00, v33;
	(erf) = vpow2.f32 v28  }
0xb0: {  	v28 =	vsel vm1, v41, v39;
	v32 =	vmul.f32 $1.442695020e+00, v17;
	(erf) = vpow2.f32 v30  }
0xb1: {  	v29 =	vsel vm0, v29, v38;
	vm2 =	vgt.f32 v35, v27;
	(erf) = vpow2.f32 v33;
	v30 =	vpop (erf)  }
0xb2: {  	v19 =	vsel vm3, v34, v19;
	vm3 =	vgt.f32 v31, v28;
	(erf) = vpow2.f32 v32  }
0xb3: {  	v33 =	vsel vm2, v35, v27;
	v27 =	vsel vm2, v27, v42;
	v32 =	vsel vm0, v38, v37;
	v35 =	vpop (erf)  }
0xb4: {  	v37 =	vsel vm2, v34, v29;
	vm0 =	vgt.f32 v31, v33;
	vm5 =	vgt.f32 v31, v27  }
0xb5: {  	v28 =	vsel vm3, v31, v28;
	v34 =	vsel vm1, v34, v32;
	v38 =	vsel vm5, v31, v27;
	v39 =	vpop (erf)  }
0xb6: {  	v19 =	vsel vm1, v32, v19;
	v29 =	vsel vm2, v29, v34;
	v32 =	vsel vm0, v33, v38  }
0xb7: {  	v3 =	vsel vm0, v31, v33;
	v27 =	vsel vm5, v27, v28;
	vm1 =	vgt.f32 v40, v32  }
0xb8: {  	vm4 =	vgt.f32 v40, v3;
	vm8 =	vgt.f32 v40, v27;
	v28 =	vsel vm1, v40, v32;
	v33 =	vpop (erf)  }
0xb9: {  	v19 =	vsel vm3, v36, v19;
	v34 =	vsel vm4, v40, v3;
	v28 =	vsel vm4, v3, v28;
	v31 =	vpop (erf)  }
0xba: {  	v38 =	vsel vm0, v36, v37;
	vm3 =	vgt.f32 v14, v34;
	vm2 =	vgt.f32 v14, v28;
	v41 =	vpop (erf)  }
0xbb: {  	v19 =	vsel vm5, v29, v19;
	v8 =	vadd.f32 v41, v8;
	v41 =	vsel vm2, v14, v28;
	v42 =	vpop (erf)  }
0xbc: {  	v29 =	vsel vm5, v36, v29;
	v27 =	vsel vm8, v40, v27;
	v36 =	vsel vm3, v34, v41  }
0xbd: {  	v27 =	vsel vm1, v32, v27;
	v8 =	vadd.f32 v30, v8;
	v30 =	vsel vm3, v14, v34  }
0xbe: {  	vm7 =	vgt.f32 v14, v27;
	vm6 =	vgt.f32 v15, v36;
	vm5 =	vgt.f32 v15, v30  }
0xbf: {  	v19 =	vsel vm8, v16, v19;
	v8 =	vadd.f32 v35, v8;
	v32 =	vsel vm5, v15, v30  }
0xc0: {  	v29 =	vsel vm0, v37, v29;
	v34 =	vsel vm4, v16, v38;
	v14 =	vsel vm7, v14, v27  }
0xc1: {  	v16 =	vsel vm1, v16, v29;
	vm0 =	vgt.f32 v17, v32;
	v8 =	vadd.f32 v39, v8  }
0xc2: {  	v27 =	vsel vm2, v28, v14;
	v14 =	vsel vm6, v15, v36;
	v28 =	vsel vm0, v17, v32  }
0xc3: {  	v19 =	vsel vm1, v29, v19;
	v35 =	vsel vm4, v38, v16;
	v8 =	vadd.f32 v33, v8  }
0xc4: {  	v29 =	vsel vm3, v13, v34;
	vm4 =	vgt.f32 v15, v27;
	v14 =	vsel vm5, v30, v14  }
0xc5: {  	v16 =	vsel vm5, v12, v29;
	v15 =	vsel vm4, v15, v27;
	v8 =	vadd.f32 v31, v8  }
.Ltmp2:
0xc6: {  	v27 =	vsel vm2, v13, v35;
	vm1 =	vgt.f32 v17, v14;
	v15 =	vsel vm6, v36, v15;
	(pc) =	sbr.rel @p0 .LBB2_4-.Ltmp2, $4  }
0xc7: {  	v13 =	vsel vm7, v13, v19;
	v27 =	vsel vm3, v34, v27;
	v8 =	vadd.f32 v42, v8  }
0xc8: {  	v13 =	vsel vm2, v35, v13;
	v30 =	vsel vm1, v17, v14;
	v19 =	vsel vm6, v12, v27  }
0xc9: {  	v13 =	vsel vm4, v12, v13;
	vm2 =	vgt.f32 v17, v15;
	v30 =	vsel vm0, v32, v30  }
0xca: {  	s5 =	sadd.s32 $0x200, s5;
	v12 =	vsel vm5, v29, v19;
	v13 =	vsel vm6, v27, v13;
	v15 =	vsel vm2, v17, v15  }
0xcb: {  	s0 =	simm.s32 $0x170  }
0xcc: {  	v17 =	vld [tilespmem:s0+$0xFFFFFF90]  }
0xcd: {  	v40 =	vsel vm1, v14, v15;
	v14 =	vld [tilespmem:s0+$0xFFFFFFB0]  }
0xce: {  	v35 =	vld [tilespmem:s0+$0xFFFFFFF0]  }
0xcf: {  	v3 =	vsel vm0, v11, v16;
	v19 =	vsel vm1, v11, v12;
	v34 =	vld [tilespmem:s0+$0xFFFFFFD0]  }
0xd0: {  	v11 =	vsel vm2, v11, v13;
	v13 =	vlaneseq.u32;
	[tilespmem:$0x1FF70] =	vst v3;
	v3 =	vsel vm0, v16, v19;
	v44 =	vld [tilespmem:s0+$0xFFFFFFE0]  }
0xd1: {  	v16 =	vimm.s32 $0x100000;
	v19 =	vimm.f32 $0.0e+00;
	v27 =	vadd.s32 $0x80, v13;
	v49 =	vld [tilespmem:s0+$0x0]  }
0xd2: {  	v32 =	vadd.s32 $0x50, v13;
	v33 =	vadd.s32 $0x60, v13;
	[tilespmem:$0x1FF80] =	vst v3;
	v3 =	vsel vm1, v12, v11;
	v11 =	vld [tilespmem:s0+$0xFFFFFFC0]  }
0xd3: {  	v31 =	vadd.s32 $0x70, v13;
	v36 =	vadd.s32 $0x30, v13;
	v37 =	vadd.s32 $0x40, v13  }
0xd4: {  	v29 =	vld [tilespmem:s0+$0xFFFFFFA0];
	v12 =	vimm.f32 $-Inf;
	v15 =	vmul.f32 $1.442695020e+00, v17;
	v43 =	vmul.f32 $1.442695020e+00, v14  }
0xd5: {  	vm0 =	vgt.f32 v17, v12;
	v47 =	vmul.f32 $1.442695020e+00, v35;
	v48 =	vmul.f32 $1.442695020e+00, v34  }
0xd6: {  	v60 =	vmul.f32 $1.442695020e+00, v44;
	v63 =	vmul.f32 $1.442695020e+00, v49;
	v17 =	vsel vm0, v17, v12  }
0xd7: {  	v42 =	vsel vm0, v13, v16;
	v45 =	vmul.f32 $1.442695020e+00, v11;
	(erf) = vpow2.f32 v15  }
0xd8: {  	v15 =	vadd.s32 $0x20, v13;
	v12 =	vsel vm0, v12, v17;
	v16 =	vsel vm0, v16, v42  }
0xd9: {  	v13 =	vadd.s32 $0x10, v13;
	vm1 =	vgt.f32 v29, v17;
	vm0 =	vgt.f32 v29, v12  }
0xda: {  	(erf) = vpow2.f32 v43;
	v46 =	vsel vm0, v29, v12;
	v58 =	vsel vm0, v13, v16  }
0xdb: {  	(erf) = vpow2.f32 v45;
	v13 =	vsel vm1, v13, v42;
	v12 =	vsel vm0, v12, v46  }
0xdc: {  	v59 =	vsel vm1, v17, v46;
	(erf) = vpow2.f32 v48;
	v17 =	vsel vm1, v29, v17  }
0xdd: {  	v29 =	vmul.f32 $1.442695020e+00, v29;
	v16 =	vsel vm0, v16, v58;
	vm2 =	vgt.f32 v14, v12  }
0xde: {  	vm3 =	vgt.f32 v14, v59;
	(erf) = vpow2.f32 v60;
	vm4 =	vgt.f32 v14, v17  }
0xdf: {  	v62 =	vsel vm3, v14, v59;
	v12 =	vsel vm2, v14, v12;
	(erf) = vpow2.f32 v47  }
0xe0: {  	v16 =	vsel vm2, v15, v16;
	v14 =	vsel vm4, v14, v17;
	v38 =	vsel vm4, v15, v13  }
0xe1: {  	v12 =	vsel vm3, v59, v12;
	(erf) = vpow2.f32 v29;
	v17 =	vsel vm4, v17, v62  }
0xe2: {  	v29 =	vsel vm1, v42, v58;
	vm0 =	vgt.f32 v11, v14;
	vm5 =	vgt.f32 v11, v17  }
0xe3: {  	vm2 =	vgt.f32 v11, v12;
	v15 =	vsel vm3, v15, v29;
	v52 =	vsel vm5, v11, v17  }
0xe4: {  	v13 =	vsel vm4, v13, v15;
	v15 =	vsel vm3, v29, v16;
	v61 =	vpop (erf);
	v16 =	vsel vm0, v14, v52  }
0xe5: {  	v55 =	vsel vm0, v36, v38;
	v12 =	vsel vm2, v11, v12;
	v39 =	vpop (erf);
	vm1 =	vgt.f32 v34, v16  }
0xe6: {  	v11 =	vsel vm0, v11, v14;
	(erf) = vpow2.f32 v63;
	v53 =	vpop (erf);
	v14 =	vsel vm1, v34, v16  }
0xe7: {  	v12 =	vsel vm5, v17, v12;
	vm6 =	vgt.f32 v34, v11;
	v15 =	vsel vm2, v36, v15;
	v29 =	vpop (erf)  }
0xe8: {  	v19 =	vadd.f32 v61, v19;
	vm8 =	vgt.f32 v34, v12;
	v54 =	vsel vm6, v34, v11;
	v17 =	vpop (erf)  }
0xe9: {  	v15 =	vsel vm5, v13, v15;
	v13 =	vsel vm5, v36, v13;
	v11 =	vsel vm6, v11, v14;
	v14 =	vpop (erf)  }
0xea: {  	v59 =	vsel vm6, v37, v55;
	vm3 =	vgt.f32 v44, v54;
	v12 =	vsel vm8, v34, v12;
	v56 =	vpop (erf)  }
0xeb: {  	v15 =	vsel vm8, v37, v15;
	v13 =	vsel vm0, v38, v13;
	v19 =	vadd.f32 v56, v19  }
0xec: {  	v12 =	vsel vm1, v16, v12;
	v16 =	vsel vm3, v44, v54;
	v15 =	vsel vm1, v13, v15  }
0xed: {  	v61 =	vsel vm3, v32, v59;
	vm2 =	vgt.f32 v44, v11;
	v19 =	vadd.f32 v39, v19  }
0xee: {  	vm7 =	vgt.f32 v44, v12;
	vm13 =	vgt.f32 v35, v16;
	v57 =	vsel vm2, v44, v11  }
0xef: {  	v58 =	vsel vm13, v35, v16;
	v48 =	vsel vm3, v54, v57;
	v19 =	vadd.f32 v53, v19  }
0xf0: {  	v12 =	vsel vm7, v44, v12;
	vm0 =	vgt.f32 v49, v58;
	vm14 =	vgt.f32 v35, v48  }
0xf1: {  	v60 =	vsel vm2, v11, v12;
	v12 =	vsel vm14, v35, v48;
	v19 =	vadd.f32 v29, v19  }
0xf2: {  	v36 =	vsel vm13, v33, v61;
	v45 =	vsel vm0, v49, v58;
	v34 =	vsel vm13, v16, v12  }
0xf3: {  	[tilespmem:$0x1FF90] =	vst v3;
	v3 =	vld [tilespmem:$0xED8];
	v29 =	vsel vm1, v37, v13;
	vm1 =	vgt.f32 v49, v34;
	v13 =	vadd.f32 v17, v19  }
0xf4: {  	v11 =	vld [tilespmem:$0xE80];
	vm15 =	vgt.f32 v35, v60;
	v29 =	vsel vm6, v55, v29;
	v63 =	vsel vm1, v49, v34  }
0xf5: {  	v12 =	vld [tilespmem:$0xE90];
	v19 =	vsel vm2, v32, v29;
	v32 =	vsel vm7, v32, v15;
	v16 =	vadd.f32 v14, v13  }
0xf6: {  	v17 =	vpop (erf);
	v15 =	vld [tilespmem:$0xEC0];
	v47 =	vsel vm0, v58, v63;
	v62 =	vsel vm3, v59, v19;
	v14 =	vsel vm15, v35, v60  }
0xf7: {  	v13 =	vld [tilespmem:$0xEA0];
	v35 =	vsel vm14, v48, v14;
	v19 =	vadd.f32 v17, v16;
	v17 =	vsel vm2, v29, v32  }
0xf8: {  	v14 =	vld [tilespmem:$0xEB0];
	v29 =	vsel vm14, v33, v62;
	vm2 =	vgt.f32 v49, v35;
	v33 =	vsel vm15, v33, v17  }
0xf9: {  	s4 =	simm.s32 $0x0;
	s5 =	simm.s32 $0x370;
	[tilespmem:$0x1FFA0] =	vst v3;
	v16 =	vld [tilespmem:$0xED0];
	v32 =	vsel vm13, v61, v29;
	v35 =	vsel vm2, v49, v35;
	v33 =	vsel vm14, v62, v33  }
.LBB2_6:
0xfa: {  	v29 =	vmov v27  }
0xfb: {  	s4 =	sadd.s32 $0x8, s4;
	v42 =	vsel vm0, v31, v36;
	v43 =	vsel vm1, v31, v32;
	v35 =	vsel vm1, v34, v35;
	v44 =	vmovc v27;
	v37 =	vld [tilespmem:s5+$0xFFFFFF90]  }
0xfc: {  	v31 =	vsel vm2, v31, v33;
	p0 =	slt.u32 s4, $0x30;
	v43 =	vsel vm0, v36, v43;
	v34 =	vld [tilespmem:s5+$0xFFFFFFE0]  }
0xfd: {  	v27 =	vadd.s32 $0x80, v27;
	v48 =	vsel vm1, v32, v31;
	v46 =	vld [tilespmem:s5+$0xFFFFFFC0]  }
0xfe: {  	v33 =	vadd.s32 $0x50, v44;
	v32 =	vadd.s32 $0x60, v44;
	v31 =	vadd.s32 $0x70, v44;
	v49 =	vld [tilespmem:s5+$0xFFFFFFA0]  }
0xff: {  	v50 =	vadd.s32 $0x20, v44;
	v52 =	vadd.s32 $0x30, v44;
	v36 =	vadd.s32 $0x40, v44;
	v51 =	vld [tilespmem:s5+$0xFFFFFFB0]  }
0x100: {  	v53 =	vmul.f32 $1.442695020e+00, v37;
	vm0 =	vgt.f32 v37, v45;
	vm1 =	vgt.f32 v37, v47  }
0x101: {  	vm2 =	vgt.f32 v37, v35;
	v54 =	vsel vm0, v44, v42;
	v55 =	vsel vm1, v37, v47  }
0x102: {  	v56 =	vsel vm2, v37, v35;
	v48 =	vsel vm2, v44, v48;
	v35 =	vld [tilespmem:s5+$0xFFFFFFF0];
	(erf) = vpow2.f32 v53  }
0x103: {  	v47 =	vsel vm1, v47, v56;
	v48 =	vsel vm1, v43, v48;
	v53 =	vmul.f32 $1.442695020e+00, v46;
	v56 =	vld [tilespmem:s5+$0xFFFFFFD0]  }
0x104: {  	v55 =	vsel vm0, v45, v55;
	v43 =	vsel vm1, v44, v43;
	v57 =	vmul.f32 $1.442695020e+00, v51  }
0x105: {  	v44 =	vadd.s32 $0x10, v44;
	vm2 =	vgt.f32 v49, v55;
	vm1 =	vgt.f32 v49, v47  }
0x106: {  	v58 =	vsel vm2, v49, v55;
	v48 =	vsel vm1, v44, v48;
	(erf) = vpow2.f32 v57  }
0x107: {  	v45 =	vsel vm0, v37, v45;
	v37 =	vsel vm1, v49, v47;
	v47 =	vmul.f32 $1.442695020e+00, v35  }
0x108: {  	v42 =	vsel vm0, v42, v43;
	v43 =	vmul.f32 $1.442695020e+00, v56;
	(erf) = vpow2.f32 v53  }
0x109: {  	vm0 =	vgt.f32 v49, v45;
	v55 =	vsel vm2, v55, v37;
	v53 =	vsel vm2, v44, v42;
	v37 =	vld [tilespmem:s5+$0x0]  }
0x10a: {  	v57 =	vsel vm0, v45, v58;
	vm3 =	vgt.f32 v51, v55;
	(erf) = vpow2.f32 v43  }
0x10b: {  	vm1 =	vgt.f32 v51, v57;
	v43 =	vsel vm0, v49, v45;
	v45 =	vmul.f32 $1.442695020e+00, v34;
	v58 =	vpop (erf)  }
0x10c: {  	v55 =	vsel vm3, v51, v55;
	v19 =	vadd.f32 v58, v19;
	v58 =	vsel vm1, v51, v57  }
0x10d: {  	v42 =	vsel vm2, v42, v48;
	v49 =	vmul.f32 $1.442695020e+00, v49;
	(erf) = vpow2.f32 v45  }
0x10e: {  	v45 =	vsel vm1, v57, v55;
	v48 =	vmul.f32 $1.442695020e+00, v37;
	(erf) = vpow2.f32 v47  }
0x10f: {  	v44 =	vsel vm0, v44, v54;
	vm2 =	vgt.f32 v51, v43;
	(erf) = vpow2.f32 v49;
	v47 =	vpop (erf)  }
0x110: {  	v42 =	vsel vm3, v50, v42;
	vm3 =	vgt.f32 v46, v45;
	(erf) = vpow2.f32 v48  }
0x111: {  	v49 =	vsel vm2, v51, v43;
	v43 =	vsel vm2, v43, v58;
	v48 =	vsel vm0, v54, v53;
	v51 =	vpop (erf)  }
0x112: {  	v53 =	vsel vm2, v50, v44;
	vm0 =	vgt.f32 v46, v49;
	vm5 =	vgt.f32 v46, v43  }
0x113: {  	v45 =	vsel vm3, v46, v45;
	v50 =	vsel vm1, v50, v48;
	v54 =	vsel vm5, v46, v43;
	v55 =	vpop (erf)  }
0x114: {  	v42 =	vsel vm1, v48, v42;
	v44 =	vsel vm2, v44, v50;
	v48 =	vsel vm0, v49, v54  }
0x115: {  	v3 =	vsel vm0, v46, v49;
	v43 =	vsel vm5, v43, v45;
	vm1 =	vgt.f32 v56, v48  }
0x116: {  	vm4 =	vgt.f32 v56, v3;
	vm8 =	vgt.f32 v56, v43;
	v45 =	vsel vm1, v56, v48;
	v49 =	vpop (erf)  }
0x117: {  	v42 =	vsel vm3, v52, v42;
	v50 =	vsel vm4, v56, v3;
	v45 =	vsel vm4, v3, v45;
	v46 =	vpop (erf)  }
0x118: {  	v54 =	vsel vm0, v52, v53;
	vm3 =	vgt.f32 v34, v50;
	vm2 =	vgt.f32 v34, v45;
	v57 =	vpop (erf)  }
0x119: {  	v42 =	vsel vm5, v44, v42;
	v19 =	vadd.f32 v57, v19;
	v57 =	vsel vm2, v34, v45;
	v58 =	vpop (erf)  }
0x11a: {  	v44 =	vsel vm5, v52, v44;
	v43 =	vsel vm8, v56, v43;
	v52 =	vsel vm3, v50, v57  }
0x11b: {  	v43 =	vsel vm1, v48, v43;
	v19 =	vadd.f32 v47, v19;
	v47 =	vsel vm3, v34, v50  }
0x11c: {  	vm7 =	vgt.f32 v34, v43;
	vm6 =	vgt.f32 v35, v52;
	vm5 =	vgt.f32 v35, v47  }
0x11d: {  	v42 =	vsel vm8, v36, v42;
	v19 =	vadd.f32 v51, v19;
	v48 =	vsel vm5, v35, v47  }
0x11e: {  	v44 =	vsel vm0, v53, v44;
	v50 =	vsel vm4, v36, v54;
	v34 =	vsel vm7, v34, v43  }
0x11f: {  	v36 =	vsel vm1, v36, v44;
	vm0 =	vgt.f32 v37, v48;
	v19 =	vadd.f32 v55, v19  }
0x120: {  	v43 =	vsel vm2, v45, v34;
	v34 =	vsel vm6, v35, v52;
	v45 =	vsel vm0, v37, v48  }
0x121: {  	v42 =	vsel vm1, v44, v42;
	v51 =	vsel vm4, v54, v36;
	v19 =	vadd.f32 v49, v19  }
0x122: {  	v44 =	vsel vm3, v33, v50;
	vm4 =	vgt.f32 v35, v43;
	v34 =	vsel vm5, v47, v34  }
0x123: {  	v36 =	vsel vm5, v32, v44;
	v35 =	vsel vm4, v35, v43;
	v19 =	vadd.f32 v46, v19  }
.Ltmp3:
0x124: {  	v43 =	vsel vm2, v33, v51;
	vm1 =	vgt.f32 v37, v34;
	v35 =	vsel vm6, v52, v35;
	(pc) =	sbr.rel @p0 .LBB2_6-.Ltmp3, $4  }
0x125: {  	v33 =	vsel vm7, v33, v42;
	v43 =	vsel vm3, v50, v43;
	v19 =	vadd.f32 v58, v19  }
0x126: {  	v33 =	vsel vm2, v51, v33;
	v42 =	vsel vm6, v32, v43;
	v46 =	vsel vm1, v37, v34  }
0x127: {  	v33 =	vsel vm4, v32, v33;
	vm2 =	vgt.f32 v37, v35;
	v47 =	vsel vm0, v48, v46  }
0x128: {  	s5 =	sadd.s32 $0x200, s5;
	v32 =	vsel vm5, v44, v42;
	v33 =	vsel vm6, v43, v33;
	v35 =	vsel vm2, v37, v35  }
0x129: {  	s0 =	simm.s32 $0x1F0  }
0x12a: {  	v48 =	vsel vm0, v31, v36;
	v42 =	vsel vm1, v31, v32;
	v31 =	vsel vm2, v31, v33;
	v37 =	vld [tilespmem:s0+$0xFFFFFF90]  }
0x12b: {  	v3 =	vsel vm1, v32, v31;
	v31 =	vld [tilespmem:s0+$0xFFFFFFC0]  }
0x12c: {  	v50 =	vsel vm1, v34, v35;
	v34 =	vld [tilespmem:s0+$0xFFFFFFB0]  }
0x12d: {  	v62 =	vimm.f32 $-Inf;
	v52 =	vld [tilespmem:s0+$0xFFFFFFD0]  }
0x12e: {  	v33 =	vlaneseq.u32;
	v43 =	vimm.f32 $0.0e+00;
	v49 =	vsel vm0, v36, v42;
	v60 =	vld [tilespmem:s0+$0xFFFFFFE0]  }
0x12f: {  	v36 =	vimm.s32 $0x100000;
	v42 =	vadd.s32 $0x80, v33;
	v53 =	vadd.s32 $0x50, v33  }
0x130: {  	v56 =	vadd.s32 $0x60, v33;
	v57 =	vld [tilespmem:s0+$0xFFFFFFF0];
	v44 =	vadd.s32 $0x70, v33;
	v35 =	vadd.s32 $0x20, v33  }
0x131: {  	v46 =	vld [tilespmem:s0+$0xFFFFFFA0];
	v54 =	vadd.s32 $0x30, v33;
	v55 =	vadd.s32 $0x40, v33;
	v63 =	vmul.f32 $1.442695020e+00, v37  }
0x132: {  	vm0 =	vgt.f32 v37, v62;
	v59 =	vmul.f32 $1.442695020e+00, v34;
	v61 =	vmul.f32 $1.442695020e+00, v31  }
0x133: {  	v26 =	vmul.f32 $1.442695020e+00, v52;
	v51 =	vmul.f32 $1.442695020e+00, v60;
	v37 =	vsel vm0, v37, v62  }
0x134: {  	v58 =	vsel vm0, v33, v36;
	v33 =	vadd.s32 $0x10, v33;
	(erf) = vpow2.f32 v63  }
0x135: {  	v32 =	vsel vm0, v62, v37;
	v36 =	vsel vm0, v36, v58;
	v63 =	vmul.f32 $1.442695020e+00, v57  }
0x136: {  	vm1 =	vgt.f32 v46, v37;
	vm0 =	vgt.f32 v46, v32;
	(erf) = vpow2.f32 v59  }
0x137: {  	v62 =	vsel vm0, v46, v32;
	v59 =	vsel vm0, v33, v36;
	(erf) = vpow2.f32 v61  }
0x138: {  	v61 =	vld [tilespmem:s0+$0x0];
	v33 =	vsel vm1, v33, v58;
	v32 =	vsel vm0, v32, v62;
	v62 =	vsel vm1, v37, v62  }
0x139: {  	(erf) = vpow2.f32 v26;
	v26 =	vsel vm1, v46, v37;
	v46 =	vmul.f32 $1.442695020e+00, v46  }
0x13a: {  	v36 =	vsel vm0, v36, v59;
	vm2 =	vgt.f32 v34, v32;
	vm3 =	vgt.f32 v34, v62  }
0x13b: {  	(erf) = vpow2.f32 v51;
	vm0 =	vgt.f32 v34, v26;
	v32 =	vsel vm2, v34, v32  }
0x13c: {  	v51 =	vsel vm1, v58, v59;
	(erf) = vpow2.f32 v63;
	v32 =	vsel vm3, v62, v32  }
0x13d: {  	v36 =	vsel vm2, v35, v36;
	v41 =	vmul.f32 $1.442695020e+00, v61;
	vm4 =	vgt.f32 v31, v32  }
0x13e: {  	[tilespmem:$0x1FF50] =	vst v3;
	(erf) = vpow2.f32 v46;
	v63 =	vsel vm3, v51, v36;
	v32 =	vsel vm4, v31, v32;
	v3 =	vpop (erf)  }
0x13f: {  	(erf) = vpow2.f32 v41;
	v3 =	vadd.f32 v3, v43;
	v43 =	vsel vm3, v34, v62  }
0x140: {  	v34 =	vsel vm0, v34, v26;
	v26 =	vsel vm0, v26, v43;
	v43 =	vsel vm0, v35, v33  }
0x141: {  	vm1 =	vgt.f32 v31, v34;
	v35 =	vsel vm3, v35, v51;
	vm5 =	vgt.f32 v31, v26  }
0x142: {  	v46 =	vpop (erf);
	v33 =	vsel vm0, v33, v35;
	v35 =	vsel vm4, v54, v63;
	v62 =	vsel vm5, v31, v26  }
0x143: {  	v59 =	vpop (erf);
	v31 =	vsel vm1, v31, v34;
	v26 =	vsel vm5, v26, v32;
	v35 =	vsel vm5, v33, v35  }
0x144: {  	v37 =	vpop (erf);
	v33 =	vsel vm5, v54, v33;
	v36 =	vsel vm1, v34, v62;
	vm6 =	vgt.f32 v52, v31  }
0x145: {  	vm8 =	vgt.f32 v52, v26;
	v34 =	vpop (erf);
	v62 =	vsel vm1, v54, v43;
	v33 =	vsel vm1, v43, v33  }
0x146: {  	vm2 =	vgt.f32 v52, v36;
	v39 =	vsel vm6, v52, v31;
	v32 =	vpop (erf);
	v26 =	vsel vm8, v52, v26  }
0x147: {  	v35 =	vsel vm8, v55, v35;
	v43 =	vsel vm6, v55, v62;
	v38 =	vsel vm2, v52, v36;
	v41 =	vpop (erf)  }
0x148: {  	vm3 =	vgt.f32 v60, v39;
	v26 =	vsel vm2, v36, v26;
	v3 =	vadd.f32 v41, v3  }
0x149: {  	v31 =	vsel vm6, v31, v38;
	v36 =	vsel vm3, v60, v39;
	vm7 =	vgt.f32 v60, v26  }
0x14a: {  	vm0 =	vgt.f32 v60, v31;
	vm4 =	vgt.f32 v57, v36;
	v3 =	vadd.f32 v46, v3  }
0x14b: {  	v26 =	vsel vm7, v60, v26;
	v51 =	vsel vm0, v60, v31;
	v46 =	vsel vm4, v57, v36  }
0x14c: {  	v60 =	vsel vm2, v55, v33;
	v26 =	vsel vm0, v31, v26;
	v3 =	vadd.f32 v59, v3  }
0x14d: {  	v33 =	vsel vm2, v33, v35;
	v63 =	vsel vm3, v39, v51;
	vm1 =	vgt.f32 v61, v46  }
0x14e: {  	v62 =	vsel vm6, v62, v60;
	vm15 =	vgt.f32 v57, v26;
	v3 =	vadd.f32 v37, v3  }
0x14f: {  	v33 =	vsel vm7, v53, v33;
	vm5 =	vgt.f32 v57, v63;
	v52 =	vsel vm1, v61, v46  }
0x150: {  	v17 =	vld [tilespmem:$0xF58];
	v59 =	vsel vm3, v53, v43;
	v26 =	vsel vm15, v57, v26;
	v3 =	vadd.f32 v34, v3  }
0x151: {  	v35 =	vld [tilespmem:$0xF00];
	v31 =	vsel vm5, v57, v63;
	v54 =	vsel vm4, v56, v59;
	v57 =	vsel vm0, v53, v62  }
0x152: {  	v26 =	vsel vm5, v63, v26;
	v55 =	vsel vm4, v36, v31;
	v36 =	vld [tilespmem:$0xF10];
	v3 =	vadd.f32 v32, v3  }
0x153: {  	v51 =	vpop (erf);
	v37 =	vld [tilespmem:$0xF20];
	v60 =	vsel vm3, v43, v57;
	vm3 =	vgt.f32 v61, v26;
	vm2 =	vgt.f32 v61, v55  }
0x154: {  	v31 =	vld [tilespmem:$0xF30];
	v58 =	vsel vm3, v61, v26;
	v43 =	vadd.f32 v51, v3;
	v3 =	vsel vm0, v62, v33  }
0x155: {  	v63 =	vsel vm2, v61, v55;
	v32 =	vld [tilespmem:$0xF40];
	v62 =	vsel vm5, v56, v60;
	v3 =	vsel vm15, v56, v3  }
0x156: {  	s4 =	simm.s32 $0x0;
	s5 =	simm.s32 $0x3F0;
	[tilespmem:$0x1FF60] =	vst v17;
	v53 =	vsel vm1, v46, v63;
	v33 =	vld [tilespmem:$0xF50];
	v56 =	vsel vm4, v59, v62;
	v57 =	vsel vm5, v60, v3  }
.LBB2_8:
0x157: {  	v46 =	vmov v42  }
0x158: {  	s4 =	sadd.s32 $0x8, s4;
	v26 =	vsel vm1, v44, v54;
	v59 =	vsel vm2, v44, v56;
	v58 =	vsel vm2, v55, v58;
	v60 =	vmovc v42;
	v3 =	vld [tilespmem:s5+$0xFFFFFF90]  }
0x159: {  	v44 =	vsel vm3, v44, v57;
	p0 =	slt.u32 s4, $0x30;
	v59 =	vsel vm1, v54, v59;
	v55 =	vld [tilespmem:s5+$0xFFFFFFE0]  }
0x15a: {  	v42 =	vadd.s32 $0x80, v42;
	v62 =	vsel vm2, v56, v44;
	v61 =	vld [tilespmem:s5+$0xFFFFFFC0]  }
0x15b: {  	v57 =	vadd.s32 $0x50, v60;
	v56 =	vadd.s32 $0x60, v60;
	v44 =	vadd.s32 $0x70, v60;
	v63 =	vld [tilespmem:s5+$0xFFFFFFA0]  }
0x15c: {  	v41 =	vadd.s32 $0x20, v60;
	v23 =	vadd.s32 $0x30, v60;
	v54 =	vadd.s32 $0x40, v60;
	v17 =	vld [tilespmem:s5+$0xFFFFFFB0]  }
0x15d: {  	v51 =	vmul.f32 $1.442695020e+00, v3;
	vm0 =	vgt.f32 v3, v52;
	vm1 =	vgt.f32 v3, v53  }
0x15e: {  	vm2 =	vgt.f32 v3, v58;
	v24 =	vsel vm0, v60, v26;
	v25 =	vsel vm1, v3, v53  }
0x15f: {  	v34 =	vsel vm2, v3, v58;
	v62 =	vsel vm2, v60, v62;
	v58 =	vld [tilespmem:s5+$0xFFFFFFF0];
	(erf) = vpow2.f32 v51  }
0x160: {  	v51 =	vsel vm1, v59, v62;
	v62 =	vld [tilespmem:s5+$0xFFFFFFD0]  }
0x161: {  	v3 =	vsel vm0, v3, v52;
	v34 =	vsel vm1, v53, v34;
	v53 =	vmul.f32 $1.442695020e+00, v61  }
0x162: {  	v25 =	vsel vm0, v52, v25;
	v59 =	vsel vm1, v60, v59;
	v38 =	vmul.f32 $1.442695020e+00, v17  }
0x163: {  	v60 =	vadd.s32 $0x10, v60;
	vm2 =	vgt.f32 v63, v25;
	vm1 =	vgt.f32 v63, v34  }
0x164: {  	v39 =	vsel vm2, v63, v25;
	v51 =	vsel vm1, v60, v51;
	(erf) = vpow2.f32 v38  }
0x165: {  	v34 =	vsel vm1, v63, v34;
	v38 =	vmul.f32 $1.442695020e+00, v58;
	v52 =	vmul.f32 $1.442695020e+00, v62  }
0x166: {  	v26 =	vsel vm0, v26, v59;
	(erf) = vpow2.f32 v53  }
0x167: {  	vm1 =	vgt.f32 v63, v3;
	v25 =	vsel vm2, v25, v34;
	v53 =	vsel vm2, v60, v26;
	v59 =	vld [tilespmem:s5+$0x0]  }
0x168: {  	v34 =	vsel vm1, v3, v39;
	vm3 =	vgt.f32 v17, v25;
	(erf) = vpow2.f32 v52  }
0x169: {  	v3 =	vsel vm1, v63, v3;
	v39 =	vmul.f32 $1.442695020e+00, v55;
	vm0 =	vgt.f32 v17, v34;
	v52 =	vpop (erf)  }
0x16a: {  	v25 =	vsel vm3, v17, v25;
	v43 =	vadd.f32 v52, v43;
	v52 =	vsel vm0, v17, v34  }
0x16b: {  	v63 =	vmul.f32 $1.442695020e+00, v63;
	v26 =	vsel vm2, v26, v51;
	(erf) = vpow2.f32 v39  }
0x16c: {  	v25 =	vsel vm0, v34, v25;
	v51 =	vmul.f32 $1.442695020e+00, v59;
	(erf) = vpow2.f32 v38  }
0x16d: {  	vm2 =	vgt.f32 v17, v3;
	v38 =	vsel vm1, v60, v24;
	(erf) = vpow2.f32 v63;
	v39 =	vpop (erf)  }
0x16e: {  	v26 =	vsel vm3, v41, v26;
	vm3 =	vgt.f32 v61, v25;
	(erf) = vpow2.f32 v51  }
0x16f: {  	v17 =	vsel vm2, v17, v3;
	v3 =	vsel vm2, v3, v52;
	v24 =	vsel vm1, v24, v53;
	v34 =	vpop (erf)  }
0x170: {  	vm1 =	vgt.f32 v61, v17;
	vm5 =	vgt.f32 v61, v3;
	v51 =	vsel vm2, v41, v38  }
0x171: {  	v25 =	vsel vm3, v61, v25;
	v52 =	vsel vm5, v61, v3;
	v41 =	vsel vm0, v41, v24;
	v53 =	vpop (erf)  }
0x172: {  	v24 =	vsel vm0, v24, v26;
	v26 =	vsel vm1, v17, v52;
	v38 =	vsel vm2, v38, v41  }
0x173: {  	v3 =	vsel vm5, v3, v25;
	v17 =	vsel vm1, v61, v17;
	vm2 =	vgt.f32 v62, v26  }
0x174: {  	vm8 =	vgt.f32 v62, v3;
	vm4 =	vgt.f32 v62, v17;
	v60 =	vsel vm2, v62, v26;
	v41 =	vpop (erf)  }
0x175: {  	v24 =	vsel vm3, v23, v24;
	v52 =	vsel vm4, v62, v17;
	v17 =	vsel vm4, v17, v60;
	v25 =	vpop (erf)  }
0x176: {  	v60 =	vsel vm1, v23, v51;
	vm3 =	vgt.f32 v55, v52;
	vm0 =	vgt.f32 v55, v17;
	v61 =	vpop (erf)  }
0x177: {  	v24 =	vsel vm5, v38, v24;
	v43 =	vadd.f32 v61, v43;
	v61 =	vsel vm0, v55, v17;
	v63 =	vpop (erf)  }
0x178: {  	v3 =	vsel vm8, v62, v3;
	v23 =	vsel vm5, v23, v38;
	v38 =	vsel vm3, v52, v61  }
0x179: {  	v3 =	vsel vm2, v26, v3;
	v26 =	vsel vm3, v55, v52;
	v39 =	vadd.f32 v39, v43  }
0x17a: {  	vm7 =	vgt.f32 v55, v3;
	vm5 =	vgt.f32 v58, v26;
	vm6 =	vgt.f32 v58, v38  }
0x17b: {  	v24 =	vsel vm8, v54, v24;
	v34 =	vadd.f32 v34, v39;
	v39 =	vsel vm5, v58, v26  }
0x17c: {  	v23 =	vsel vm1, v51, v23;
	v3 =	vsel vm7, v55, v3;
	v43 =	vsel vm4, v54, v60  }
0x17d: {  	v51 =	vsel vm2, v54, v23;
	vm1 =	vgt.f32 v59, v39;
	v34 =	vadd.f32 v53, v34  }
0x17e: {  	v3 =	vsel vm0, v17, v3;
	v17 =	vsel vm6, v58, v38;
	v52 =	vsel vm1, v59, v39  }
0x17f: {  	v23 =	vsel vm2, v23, v24;
	v51 =	vsel vm4, v60, v51;
	v24 =	vadd.f32 v41, v34  }
0x180: {  	vm4 =	vgt.f32 v58, v3;
	v55 =	vsel vm5, v26, v17;
	v34 =	vsel vm3, v57, v43  }
0x181: {  	v3 =	vsel vm4, v58, v3;
	v54 =	vsel vm5, v56, v34;
	v17 =	vadd.f32 v25, v24  }
.Ltmp4:
0x182: {  	v3 =	vsel vm6, v38, v3;
	vm2 =	vgt.f32 v59, v55;
	v24 =	vsel vm0, v57, v51;
	(pc) =	sbr.rel @p0 .LBB2_8-.Ltmp4, $4  }
0x183: {  	v23 =	vsel vm7, v57, v23;
	v24 =	vsel vm3, v43, v24;
	v43 =	vadd.f32 v63, v17  }
0x184: {  	v25 =	vsel vm2, v59, v55;
	v17 =	vsel vm0, v51, v23;
	v23 =	vsel vm6, v56, v24  }
0x185: {  	vm3 =	vgt.f32 v59, v3;
	v53 =	vsel vm1, v39, v25;
	v17 =	vsel vm4, v56, v17  }
0x186: {  	s5 =	sadd.s32 $0x200, s5;
	v58 =	vsel vm3, v59, v3;
	v56 =	vsel vm5, v34, v23;
	v57 =	vsel vm6, v24, v17  }
0x187: {  	v24 =	vld [tilespmem:$0x1FFC0]  }
0x188: {  	v25 =	vld [tilespmem:$0x1FFB0]  }
0x189: {  	vm4 =	vgt.f32 v1, v20;
	v26 =	vld [tilespmem:$0x1FFD0]  }
0x18a: {  	vm0 =	vgt.f32 v1, v22;
	v34 =	vld [tilespmem:$0x1FFE0];
	v17 =	vsel vm4, v1, v20  }
0x18b: {  	v63 =	vadd.s32 $0x90, v10;
	v51 =	vimm.s32 $0x0;
	vm15 =	vgt.f32 v2, v17  }
0x18c: {  	vm13 =	vmmov $0xff;
	v3 =	vsel vm0, v1, v22;
	v38 =	vsel vm15, v2, v17  }
0x18d: {  	v3 =	vsel vm4, v20, v3;
	vm6 =	vgt.f32 v4, v38;
	vm5 =	vgt.f32 v1, v24  }
0x18e: {  	v23 =	vsel vm4, v9, v25;
	v60 =	vsel vm0, v9, v26;
	v24 =	vsel vm5, v1, v24  }
0x18f: {  	v61 =	vsel vm5, v9, v34;
	v20 =	vsel vm4, v25, v60;
	vm4 =	vgt.f32 v2, v3  }
0x190: {  	v34 =	vsel vm15, v63, v23;
	v25 =	vsel vm6, v4, v38;
	v60 =	vimm.s32 $0x0  }
0x191: {  	v62 =	vsel vm0, v22, v24;
	v9 =	vsel vm0, v26, v61;
	v39 =	vsel vm4, v2, v3  }
0x192: {  	v41 =	vsel vm4, v63, v20;
	vm8 =	vgt.f32 v6, v25;
	vm9 =	vgt.f32 v2, v62  }
0x193: {  	v17 =	vsel vm15, v17, v39;
	v23 =	vsel vm15, v23, v41;
	v22 =	vsel vm9, v2, v62  }
0x194: {  	v41 =	vimm.s32 $0x0;
	vm5 =	vgt.f32 v4, v17;
	v3 =	vsel vm4, v3, v22  }
0x195: {  	v9 =	vsel vm9, v63, v9;
	v62 =	vsel vm8, v6, v25;
	vm7 =	vgt.f32 v4, v3  }
0x196: {  	v59 =	vsel vm5, v4, v17;
	v22 =	vsel vm7, $0xFFFFFFFF, v51;
	v3 =	vsel vm7, v4, v3  }
0x197: {  	v24 =	vsel vm13, $0xFFFFFFFF, v41;
	[tilespmem:$0x1FE70] =	vst v22;
	v22 =	vsel vm6, v38, v59;
	v3 =	vsel vm5, v17, v3  }
0x198: {  	vm14 =	vgt.f32 v7, v62;
	vm7 =	vgt.f32 v6, v22;
	vm12 =	vgt.f32 v6, v3  }
0x199: {  	v17 =	vsel vm12, $0xFFFFFFFF, v60;
	v61 =	vsel vm7, v6, v22;
	v3 =	vsel vm12, v6, v3  }
0x19a: {  	v9 =	vsel vm4, v20, v9;
	[tilespmem:$0x1FE80] =	vst v17;
	v17 =	vsel vm8, v25, v61;
	v3 =	vsel vm7, v22, v3  }
0x19b: {  	v38 =	vimm.s32 $0x0;
	v59 =	vld [tilespmem:$0x1FFF0];
	vm12 =	vgt.f32 v7, v17;
	vm15 =	vgt.f32 v7, v3  }
0x19c: {  	v25 =	vsel vm14, v7, v62;
	v63 =	vsel vm12, v7, v17;
	v3 =	vsel vm15, v7, v3  }
0x19d: {  	v61 =	vadd.s32 $0xA0, v10;
	v22 =	vsel vm14, v62, v63;
	v3 =	vsel vm12, v17, v3  }
0x19e: {  	vm9 =	vgt.f32 v5, v25;
	vm10 =	vgt.f32 v5, v22;
	vm11 =	vgt.f32 v5, v3  }
0x19f: {  	v41 =	vsel vm6, v61, v34;
	v17 =	vsel vm11, $0xFFFFFFFF, v38;
	v39 =	vsel vm10, v5, v22  }
0x1a0: {  	v51 =	vsel vm13, $0xFF800000, v59;
	v3 =	vsel vm11, v5, v3;
	[tilespmem:$0x1FE90] =	vst v17;
	v17 =	vsel vm9, v25, v39  }
0x1a1: {  	v38 =	vld [tilespmem:$0x1FE70];
	v25 =	vsel vm9, v5, v25;
	v3 =	vsel vm10, v22, v3;
	vm11 =	vgt.f32 v51, v17  }
0x1a2: {  	vm0 =	vgt.f32 v51, v25;
	vm13 =	vgt.f32 v51, v3;
	v60 =	vsel vm11, v51, v17  }
0x1a3: {  	v3 =	vsel vm13, v51, v3;
	v26 =	vsel vm0, v25, v60;
	v25 =	vsel vm0, v51, v25;
	v60 =	vld [tilespmem:$0x1FE80]  }
0x1a4: {  	v63 =	vsel vm5, v61, v23;
	v3 =	vsel vm11, v17, v3;
	v62 =	vmax.f32 v25, v26  }
0x1a5: {  	v20 =	vsel vm6, v34, v63;
	v39 =	vadd.s32 $0xB0, v10;
	v17 =	vmax.f32 v62, v3  }
0x1a6: {  	v63 =	vadd.s32 $0xD0, v10;
	v51 =	vsel vm7, v39, v20;
	vm4 =	vnez.u8 v38;
	(xrf0) =	vmax.scan.msk.f32 $0xffff, v17  }
0x1a7: {  	v22 =	vsel vm8, v41, v51;
	v38 =	vld [tilespmem:$0x1FE90];
	v9 =	vsel vm4, v61, v9;
	v61 =	vadd.s32 $0xC0, v10  }
0x1a8: {  	v9 =	vsel vm5, v23, v9;
	v17 =	vsel vm8, v39, v41;
	vm4 =	vnez.u8 v60  }
0x1a9: {  	[tilespmem:$0x1FF40] =	vst v24;
	v62 =	vsel vm12, v61, v22;
	v24 =	vsel vm14, v61, v17;
	v9 =	vsel vm4, v39, v9  }
0x1aa: {  	v17 =	vsel vm14, v17, v62;
	v41 =	vsel vm9, v63, v24;
	v9 =	vsel vm7, v20, v9  }
0x1ab: {  	v51 =	vsel vm10, v63, v17;
	v39 =	vlaneseq.u32;
	v9 =	vsel vm15, v61, v9  }
0x1ac: {  	v9 =	vsel vm12, v22, v9;
	v22 =	vadd.s32 $0x3D8, v39;
	v60, _, _ =	vpop (xrf0);
	vm12 =	vnez.u8 v38  }
0x1ad: {  	v10 =	vsel vm12, v63, v9;
	v38 =	vsel vm0, v22, v41;
	v9 =	vbroadcast v60, $0xF  }
0x1ae: {  	v61 =	vsel vm9, v24, v51;
	vm14 =	vlt.s32 v38, $0x100000  }
0x1af: {  	v62 =	vsel vm11, v22, v61;
	vm15 =	veq.f32 v25, v9;
	v24 =	vnsel vm14, $0x100000, v38  }
0x1b0: {  	v10 =	vsel vm10, v17, v10;
	v17 =	vsel vm0, v41, v62;
	v63 =	vnsel vm15, $0x100000, v24  }
0x1b1: {  	v10 =	vsel vm13, v22, v10;
	vm9 =	veq.f32 v26, v9;
	vm0 =	vlt.s32 v63, v17  }
0x1b2: {  	vm10 =	veq.f32 v3, v9;
	v34 =	vsel vm11, v61, v10;
	v20 =	vsel vm0, v63, v17  }
0x1b3: {  	v10 =	vsel vm9, v20, v63;
	v20 =	vnsel vm10, $0x100000, v34  }
0x1b4: {  	vm11 =	vlt.s32 v10, v20  }
0x1b5: {  	v10 =	vsel vm11, v10, v20  }
0x1b6: {  	v10 =	vxor.u32 $0x80000000, v10  }
0x1b7: {  	(xrf0) =	vmin.scan.msk.u32 $0xffff, v10;
	_ =	sdelay $0x5  }
0x1b8: {  	v10, _, _ =	vpop (xrf0)  }
0x1b9: {  	(v2sf) =	vpush v10, $0xF;
	_ =	sdelay $0xe  }
0x1ba: {  	s0 =	spop (v2sf)  }
0x1bb: {  	s4 =	sxor.u32 $0x80000000, s0  }
0x1bc: {  	vm12 =	veq.s32 v38, s4;
	vm13 =	veq.s32 v17, s4  }
0x1bd: {  	vm14 =	veq.s32 v34, s4;
	vm5 =	vmand vm15, vm12;
	vm4 =	vmand vm9, vm13  }
0x1be: {  	vm0 =	vmand vm10, vm14;
	v39 =	vsel vm5, $0xFF800000, v25;
	v41 =	vsel vm4, $0xFF800000, v26  }
0x1bf: {  	v3 =	vsel vm0, $0xFF800000, v3;
	v51 =	vmax.f32 v39, v41  }
0x1c0: {  	v10 =	vmax.f32 v51, v3  }
0x1c1: {  	(xrf0) =	vmax.scan.msk.f32 $0xffff, v10;
	_ =	sdelay $0x5  }
0x1c2: {  	v10, _, _ =	vpop (xrf0)  }
0x1c3: {  	v10 =	vbroadcast v10, $0xF;
	_ =	sdelay $0x1  }
0x1c4: {  	vm15 =	veq.f32 v39, v10  }
0x1c5: {  	v60 =	vnsel vm15, $0x100000, v24  }
0x1c6: {  	vm9 =	vlt.s32 v60, v17  }
0x1c7: {  	vm10 =	veq.f32 v41, v10;
	vm11 =	veq.f32 v3, v10;
	v61 =	vsel vm9, v60, v17  }
0x1c8: {  	v62 =	vnsel vm11, $0x100000, v34;
	v25 =	vsel vm10, v61, v60  }
0x1c9: {  	vm12 =	vlt.s32 v25, v62  }
0x1ca: {  	v25 =	vsel vm12, v25, v62  }
0x1cb: {  	v25 =	vxor.u32 $0x80000000, v25  }
0x1cc: {  	(xrf0) =	vmin.scan.msk.u32 $0xffff, v25;
	_ =	sdelay $0x5  }
0x1cd: {  	v25, _, _ =	vpop (xrf0)  }
0x1ce: {  	(v2sf) =	vpush v25, $0xF;
	_ =	sdelay $0xe  }
0x1cf: {  	s21 =	spop (v2sf)  }
0x1d0: {  	s5 =	sxor.u32 $0x80000000, s21  }
0x1d1: {  	vm13 =	veq.s32 v38, s5;
	vm14 =	veq.s32 v17, s5  }
0x1d2: {  	vm0 =	vmand vm15, vm13;
	vm5 =	vmand vm10, vm14;
	vm15 =	veq.s32 v34, s5  }
0x1d3: {  	v63 =	vsel vm0, $0xFF800000, v39;
	v23 =	vsel vm5, $0xFF800000, v41;
	vm9 =	vmand vm11, vm15  }
0x1d4: {  	v3 =	vsel vm9, $0xFF800000, v3;
	v20 =	vmax.f32 v63, v23  }
0x1d5: {  	v20 =	vmax.f32 v20, v3  }
0x1d6: {  	(xrf0) =	vmax.scan.msk.f32 $0xffff, v20;
	_ =	sdelay $0x2  }
0x1d7: {  	v60 =	vld [tilespmem:$0x1FF90]  }
0x1d8: {  	v39 =	vld [tilespmem:$0x1FF80];
	_ =	sdelay $0x1  }
0x1d9: {  	v20, _, _ =	vpop (xrf0)  }
0x1da: {  	v62 =	vimm.s32 $0x0;
	vm15 =	vgt.f32 v11, v40;
	v20 =	vbroadcast v20, $0xF  }
0x1db: {  	vm13 =	vgt.f32 v11, v28;
	vm14 =	vgt.f32 v11, v30;
	v51 =	vsel vm15, v11, v40  }
0x1dc: {  	v38 =	vld [tilespmem:$0x1FF70];
	v61 =	vsel vm15, v18, v60;
	v41 =	vsel vm14, v18, v39;
	vm10 =	veq.f32 v63, v20  }
0x1dd: {  	vm11 =	veq.f32 v23, v20;
	vm12 =	veq.f32 v3, v20;
	v24 =	vnsel vm10, $0x100000, v24  }
0x1de: {  	v26 =	vnsel vm12, $0x100000, v34;
	v34 =	vsel vm14, v11, v30;
	vm0 =	vlt.s32 v24, v17  }
0x1df: {  	v23 =	vsel vm13, v28, v34;
	v34 =	vimm.s32 $0x0;
	v17 =	vsel vm0, v24, v17  }
0x1e0: {  	vm9 =	vgt.f32 v12, v23;
	v25 =	vsel vm11, v17, v24;
	v17 =	vsel vm13, v11, v28  }
0x1e1: {  	v24 =	vsel vm13, v18, v38;
	v18 =	vsel vm14, v39, v61;
	vm0 =	vlt.s32 v25, v26  }
0x1e2: {  	v63 =	vsel vm9, v12, v23;
	v3 =	vsel vm0, v25, v26;
	v26 =	vsel vm14, v30, v51  }
0x1e3: {  	v39 =	vimm.s32 $0x0;
	v25 =	vsel vm13, v38, v41;
	vm8 =	vgt.f32 v12, v26  }
0x1e4: {  	vm0 =	vgt.f32 v12, v17;
	v28 =	vsel vm8, $0xFFFFFFFF, v62;
	v26 =	vsel vm8, v12, v26  }
0x1e5: {  	[tilespmem:$0x1FEA0] =	vst v28;
	v28 =	vsel vm0, v17, v63;
	v17 =	vsel vm0, v12, v17;
	v23 =	vsel vm9, v23, v26  }
0x1e6: {  	vm6 =	vgt.f32 v13, v28;
	vm8 =	vgt.f32 v13, v17;
	vm10 =	vgt.f32 v13, v23  }
0x1e7: {  	v26 =	vsel vm10, $0xFFFFFFFF, v34;
	v38 =	vsel vm6, v13, v28;
	v23 =	vsel vm10, v13, v23  }
0x1e8: {  	[tilespmem:$0x1FEB0] =	vst v26;
	v26 =	vsel vm8, v17, v38;
	v17 =	vsel vm8, v13, v17;
	v23 =	vsel vm6, v28, v23  }
0x1e9: {  	vm7 =	vgt.f32 v14, v26;
	vm12 =	vgt.f32 v14, v17;
	vm11 =	vgt.f32 v14, v23  }
0x1ea: {  	v28 =	vsel vm11, $0xFFFFFFFF, v39;
	v40 =	vsel vm7, v14, v26;
	v23 =	vsel vm11, v14, v23  }
0x1eb: {  	v51 =	vimm.s32 $0x0;
	v62 =	vld [tilespmem:$0x1FF40];
	[tilespmem:$0x1FEC0] =	vst v28;
	v28 =	vsel vm12, v17, v40;
	v23 =	vsel vm7, v26, v23  }
0x1ec: {  	v17 =	vsel vm12, v14, v17;
	vm10 =	vgt.f32 v15, v28;
	vm13 =	vgt.f32 v15, v23  }
0x1ed: {  	vm5 =	vgt.f32 v15, v17;
	v26 =	vsel vm13, $0xFFFFFFFF, v51;
	v60 =	vsel vm10, v15, v28  }
0x1ee: {  	v30 =	vadd.s32 $0x90, v21;
	[tilespmem:$0x1FED0] =	vst v26;
	v26 =	vsel vm5, v17, v60;
	v60 =	vld [tilespmem:$0x1FFA0]  }
0x1ef: {  	v41 =	vsel vm9, v30, v25;
	v34 =	vsel vm0, v30, v24;
	v23 =	vsel vm13, v15, v23  }
0x1f0: {  	v24 =	vsel vm0, v24, v41;
	vm14 =	vnez.u8 v62;
	v23 =	vsel vm10, v28, v23  }
0x1f1: {  	v17 =	vsel vm5, v15, v17;
	vm11 =	vgt.f32 v16, v26;
	vm13 =	vgt.f32 v16, v23  }
0x1f2: {  	vm4 =	vgt.f32 v16, v17;
	v61 =	vsel vm11, v16, v26;
	v23 =	vsel vm13, v16, v23  }
0x1f3: {  	v28 =	vsel vm4, v17, v61;
	v23 =	vsel vm11, v26, v23;
	v38 =	vsel vm14, $0xFF800000, v60  }
0x1f4: {  	v17 =	vsel vm4, v16, v17;
	vm14 =	vgt.f32 v38, v28;
	vm15 =	vgt.f32 v38, v23  }
0x1f5: {  	vm0 =	vgt.f32 v38, v17;
	v63 =	vsel vm14, v38, v28;
	v23 =	vsel vm15, v38, v23  }
0x1f6: {  	v61 =	vld [tilespmem:$0x1FEA0];
	v26 =	vsel vm0, v17, v63;
	v17 =	vsel vm0, v38, v17;
	v38 =	vadd.s32 $0xA0, v21  }
0x1f7: {  	v3 =	vxor.u32 $0x80000000, v3;
	v62 =	vsel vm6, v38, v24  }
0x1f8: {  	(xrf0) =	vmin.scan.msk.u32 $0xffff, v3;
	v63 =	vsel vm8, v38, v34;
	v3 =	vsel vm8, v34, v62;
	v34 =	vld [tilespmem:$0x1FEB0]  }
0x1f9: {  	v39 =	vimm.s32 $0x0  }
0x1fa: {  	v39 =	vsel vm15, $0xFFFFFFFF, v39  }
0x1fb: {  	v23 =	vsel vm14, v28, v23;
	vm15 =	vnez.u8 v61;
	v51 =	vmax.f32 v17, v26  }
0x1fc: {  	v18 =	vsel vm15, v30, v18;
	v28 =	vmax.f32 v51, v23;
	v51 =	vld [tilespmem:$0x1FEC0]  }
0x1fd: {  	v18 =	vsel vm9, v25, v18;
	(xrf0) =	vmax.scan.msk.f32 $0xffff, v28;
	vm15 =	vnez.u8 v34  }
0x1fe: {  	v18 =	vsel vm15, v38, v18;
	v38 =	vld [tilespmem:$0x1FED0]  }
0x1ff: {  	[tilespmem:$0x1FEE0] =	vst v39;
	v39 =	vadd.s32 $0xB0, v21  }
0x200: {  	v61 =	vadd.s32 $0xC0, v21;
	v40 =	vsel vm12, v39, v63;
	v41 =	vsel vm7, v39, v3  }
0x201: {  	v25 =	vsel vm12, v63, v41;
	vm9 =	vnez.u8 v51;
	v18 =	vsel vm6, v24, v18  }
0x202: {  	v62 =	vsel vm5, v61, v40;
	v63 =	vsel vm10, v61, v25;
	v34, _, _ =	vpop (xrf0);
	v18 =	vsel vm9, v39, v18  }
0x203: {  	v24 =	vsel vm5, v40, v63;
	v41, _, _ =	vpop (xrf0);
	v3 =	vsel vm7, v3, v18;
	vm12 =	vnez.u8 v38  }
0x204: {  	v39 =	vadd.s32 $0xD0, v21;
	v18 =	vbroadcast v41, $0xF;
	v3 =	vsel vm12, v61, v3;
	v61 =	vld [tilespmem:$0x1FEE0]  }
0x205: {  	v21 =	vsel vm4, v39, v62;
	v40 =	vsel vm11, v39, v24  }
0x206: {  	v38 =	vsel vm0, v22, v21;
	vm15 =	veq.f32 v17, v18;
	v3 =	vsel vm10, v25, v3  }
0x207: {  	v25 =	vsel vm4, v62, v40;
	v3 =	vsel vm13, v39, v3;
	vm13 =	vlt.s32 v38, $0x100000  }
0x208: {  	v51 =	vsel vm14, v22, v25;
	v3 =	vsel vm11, v24, v3;
	v28 =	vnsel vm13, $0x100000, v38  }
0x209: {  	v24 =	vsel vm0, v21, v51;
	v62 =	vnsel vm15, $0x100000, v28;
	vm8 =	vnez.u8 v61  }
0x20a: {  	vm10 =	veq.f32 v26, v18;
	vm9 =	vlt.s32 v62, v24;
	v3 =	vsel vm8, v22, v3  }
0x20b: {  	vm11 =	veq.f32 v23, v18;
	v63 =	vsel vm9, v62, v24;
	v3 =	vsel vm14, v25, v3  }
0x20c: {  	v21 =	vsel vm10, v63, v62;
	v30 =	vnsel vm11, $0x100000, v3  }
0x20d: {  	vm12 =	vlt.s32 v21, v30  }
0x20e: {  	v21 =	vsel vm12, v21, v30  }
0x20f: {  	v21 =	vxor.u32 $0x80000000, v21  }
0x210: {  	(xrf0) =	vmin.scan.msk.u32 $0xffff, v21;
	_ =	sdelay $0x5  }
0x211: {  	(v2sf) =	vpush v34, $0xF;
	v21, _, _ =	vpop (xrf0)  }
0x212: {  	(v2sf) =	vpush v21, $0xF;
	_ =	sdelay $0xd  }
0x213: {  	s7 =	spop (v2sf)  }
0x214: {  	s22 =	spop (v2sf)  }
0x215: {  	s6 =	sxor.u32 $0x80000000, s22  }
0x216: {  	vm13 =	veq.s32 v38, s6;
	vm14 =	veq.s32 v24, s6  }
0x217: {  	vm5 =	vmand vm15, vm13;
	vm4 =	vmand vm10, vm14;
	vm15 =	veq.s32 v3, s6  }
0x218: {  	v17 =	vsel vm5, $0xFF800000, v17;
	v34 =	vsel vm4, $0xFF800000, v26;
	vm0 =	vmand vm11, vm15  }
0x219: {  	v23 =	vsel vm0, $0xFF800000, v23;
	v39 =	vmax.f32 v17, v34  }
0x21a: {  	v21 =	vmax.f32 v39, v23  }
0x21b: {  	(xrf0) =	vmax.scan.msk.f32 $0xffff, v21;
	_ =	sdelay $0x5  }
0x21c: {  	v21, _, _ =	vpop (xrf0)  }
0x21d: {  	v21 =	vbroadcast v21, $0xF;
	_ =	sdelay $0x1  }
0x21e: {  	vm9 =	veq.f32 v17, v21  }
0x21f: {  	v40 =	vnsel vm9, $0x100000, v28  }
0x220: {  	vm10 =	vlt.s32 v40, v24  }
0x221: {  	vm11 =	veq.f32 v34, v21;
	vm12 =	veq.f32 v23, v21;
	v41 =	vsel vm10, v40, v24  }
0x222: {  	v51 =	vnsel vm12, $0x100000, v3;
	v26 =	vsel vm11, v41, v40  }
0x223: {  	vm13 =	vlt.s32 v26, v51  }
0x224: {  	v26 =	vsel vm13, v26, v51  }
0x225: {  	v26 =	vxor.u32 $0x80000000, v26  }
0x226: {  	(xrf0) =	vmin.scan.msk.u32 $0xffff, v26;
	_ =	sdelay $0x5  }
0x227: {  	v26, _, _ =	vpop (xrf0)  }
0x228: {  	(v2sf) =	vpush v26, $0xF;
	_ =	sdelay $0xe  }
0x229: {  	s23 =	spop (v2sf)  }
0x22a: {  	s10 =	sxor.u32 $0x80000000, s23  }
0x22b: {  	vm14 =	veq.s32 v38, s10;
	vm15 =	veq.s32 v24, s10  }
0x22c: {  	vm0 =	vmand vm9, vm14;
	vm5 =	vmand vm11, vm15;
	vm9 =	veq.s32 v3, s10  }
0x22d: {  	v17 =	vsel vm0, $0xFF800000, v17;
	v25 =	vsel vm5, $0xFF800000, v34;
	vm10 =	vmand vm12, vm9  }
0x22e: {  	v61 =	vsel vm10, $0xFF800000, v23;
	v62 =	vmax.f32 v17, v25  }
0x22f: {  	v23 =	vmax.f32 v62, v61  }
0x230: {  	(xrf0) =	vmax.scan.msk.f32 $0xffff, v23;
	_ =	sdelay $0x3  }
0x231: {  	vm8 =	vgt.f32 v35, v50  }
0x232: {  	v40 =	vsel vm8, v35, v50  }
0x233: {  	v50 =	vimm.s32 $0x0;
	vm14 =	vgt.f32 v35, v45;
	vm15 =	vgt.f32 v35, v47;
	v23, _, _ =	vpop (xrf0)  }
0x234: {  	v63 =	vsel vm14, v35, v45;
	v39 =	vsel vm15, v27, v49;
	v23 =	vbroadcast v23, $0xF  }
0x235: {  	v38 =	vsel vm15, v35, v47;
	v34 =	vadd.s32 $0x90, v29;
	v26 =	vsel vm14, v48, v39  }
0x236: {  	v41 =	vld [tilespmem:$0x1FF50];
	vm11 =	veq.f32 v17, v23;
	vm12 =	veq.f32 v25, v23;
	vm13 =	veq.f32 v61, v23  }
0x237: {  	v25 =	vsel vm14, v27, v48;
	v48 =	vimm.s32 $0x0;
	v17 =	vnsel vm11, $0x100000, v28  }
0x238: {  	v61 =	vimm.s32 $0x0;
	v28 =	vsel vm15, v47, v40;
	vm0 =	vlt.s32 v17, v24  }
0x239: {  	v3 =	vnsel vm13, $0x100000, v3;
	vm9 =	vgt.f32 v36, v28;
	v24 =	vsel vm0, v17, v24  }
0x23a: {  	v30 =	vsel vm9, $0xFFFFFFFF, v48;
	v28 =	vsel vm9, v36, v28;
	v17 =	vsel vm12, v24, v17  }
0x23b: {  	v24 =	vsel vm14, v45, v38;
	v45 =	vsel vm8, v27, v41;
	vm0 =	vlt.s32 v17, v3  }
0x23c: {  	v27 =	vsel vm15, v49, v45;
	vm7 =	vgt.f32 v36, v24;
	v45 =	vimm.s32 $0x0  }
0x23d: {  	v3 =	vsel vm0, v17, v3;
	vm0 =	vgt.f32 v36, v63;
	v49 =	vsel vm7, v36, v24  }
0x23e: {  	[tilespmem:$0x1FEF0] =	vst v30;
	v24 =	vsel vm7, v24, v28;
	v30 =	vsel vm0, v63, v49;
	v17 =	vsel vm0, v36, v63  }
0x23f: {  	vm10 =	vgt.f32 v37, v24;
	v38 =	vsel vm0, v34, v25;
	v63 =	vsel vm7, v34, v26  }
0x240: {  	v3 =	vxor.u32 $0x80000000, v3;
	vm5 =	vgt.f32 v37, v30;
	vm8 =	vgt.f32 v37, v17  }
0x241: {  	v49 =	vld [tilespmem:$0x1FF40];
	v28 =	vsel vm10, $0xFFFFFFFF, v50;
	v24 =	vsel vm10, v37, v24;
	v51 =	vsel vm5, v37, v30  }
0x242: {  	v25 =	vsel vm0, v25, v63;
	[tilespmem:$0x1FF00] =	vst v28;
	v24 =	vsel vm5, v30, v24;
	v28 =	vsel vm8, v17, v51  }
0x243: {  	v17 =	vsel vm8, v37, v17;
	vm11 =	vgt.f32 v31, v24;
	v51 =	vimm.s32 $0x0  }
0x244: {  	vm6 =	vgt.f32 v31, v28;
	vm12 =	vgt.f32 v31, v17;
	v24 =	vsel vm11, v31, v24  }
0x245: {  	v30 =	vsel vm11, $0xFFFFFFFF, v61;
	v61 =	vld [tilespmem:$0x1FF60];
	v62 =	vsel vm6, v31, v28;
	v24 =	vsel vm6, v28, v24  }
0x246: {  	[tilespmem:$0x1FF10] =	vst v30;
	vm14 =	vnez.u8 v49;
	v30 =	vsel vm12, v17, v62;
	v17 =	vsel vm12, v31, v17  }
0x247: {  	vm13 =	vgt.f32 v32, v24;
	vm10 =	vgt.f32 v32, v30;
	vm15 =	vgt.f32 v32, v17  }
0x248: {  	v28 =	vsel vm13, $0xFFFFFFFF, v45;
	v24 =	vsel vm13, v32, v24;
	v47 =	vsel vm10, v32, v30  }
0x249: {  	[tilespmem:$0x1FF20] =	vst v28;
	v24 =	vsel vm10, v30, v24;
	v28 =	vsel vm15, v17, v47;
	v17 =	vsel vm15, v32, v17  }
0x24a: {  	v63 =	vld [tilespmem:$0x1FEF0];
	vm9 =	vgt.f32 v33, v24;
	v39 =	vsel vm14, $0xFF800000, v61;
	vm11 =	vgt.f32 v33, v28  }
0x24b: {  	vm4 =	vgt.f32 v33, v17;
	v24 =	vsel vm9, v33, v24;
	v48 =	vsel vm11, v33, v28  }
0x24c: {  	v47 =	vld [tilespmem:$0x1FF00];
	v24 =	vsel vm11, v28, v24;
	v30 =	vsel vm4, v17, v48;
	v17 =	vsel vm4, v33, v17  }
0x24d: {  	vm13 =	vgt.f32 v39, v24;
	v48 =	vadd.s32 $0xB0, v29;
	vm14 =	vgt.f32 v39, v30  }
0x24e: {  	vm0 =	vgt.f32 v39, v17;
	v40 =	vsel vm13, $0xFFFFFFFF, v51;
	v24 =	vsel vm13, v39, v24  }
0x24f: {  	vm13 =	vnez.u8 v63;
	v50 =	vsel vm14, v39, v30;
	v30 =	vsel vm14, v30, v24  }
0x250: {  	v51 =	vld [tilespmem:$0x1FF10];
	v27 =	vsel vm13, v34, v27;
	v28 =	vsel vm0, v17, v50;
	v17 =	vsel vm0, v39, v17  }
0x251: {  	[tilespmem:$0x1FF30] =	vst v40;
	v40 =	vadd.s32 $0xA0, v29;
	vm13 =	vnez.u8 v47;
	v47 =	vld [tilespmem:$0x1FF20];
	v62 =	vmax.f32 v17, v28  }
0x252: {  	(xrf0) =	vmin.scan.msk.u32 $0xffff, v3;
	v26 =	vsel vm7, v26, v27;
	v45 =	vsel vm5, v40, v25;
	v24 =	vmax.f32 v62, v30  }
0x253: {  	v41 =	vsel vm8, v40, v38;
	v3 =	vsel vm13, v40, v26;
	(xrf0) =	vmax.scan.msk.f32 $0xffff, v24;
	v24 =	vsel vm8, v38, v45  }
0x254: {  	v49 =	vsel vm12, v48, v41;
	v3 =	vsel vm5, v25, v3;
	v50 =	vsel vm6, v48, v24  }
0x255: {  	v62 =	vadd.s32 $0xC0, v29;
	vm13 =	vnez.u8 v51;
	v27 =	vsel vm12, v41, v50  }
0x256: {  	v3 =	vsel vm13, v48, v3;
	vm8 =	vnez.u8 v47;
	v41 =	vsel vm10, v62, v27  }
0x257: {  	v48 =	vadd.s32 $0xD0, v29;
	v3 =	vsel vm6, v24, v3;
	v25 =	vsel vm15, v49, v41  }
0x258: {  	v63 =	vsel vm15, v62, v49;
	v3 =	vsel vm8, v62, v3;
	v50 =	vsel vm11, v48, v25  }
0x259: {  	v45, _, _ =	vpop (xrf0);
	v3 =	vsel vm10, v27, v3;
	v49 =	vsel vm4, v48, v63;
	v27 =	vsel vm4, v63, v50;
	v63 =	vld [tilespmem:$0x1FF30]  }
0x25a: {  	v51, _, _ =	vpop (xrf0)  }
0x25b: {  	v3 =	vsel vm9, v48, v3;
	v39 =	vsel vm0, v22, v49;
	v24 =	vbroadcast v51, $0xF  }
0x25c: {  	v3 =	vsel vm11, v25, v3;
	vm10 =	vlt.s32 v39, $0x100000  }
0x25d: {  	v62 =	vsel vm14, v22, v27;
	v29 =	vnsel vm10, $0x100000, v39;
	vm5 =	veq.f32 v17, v24  }
0x25e: {  	v34 =	vsel vm0, v49, v62;
	v40 =	vnsel vm5, $0x100000, v29;
	vm11 =	vnez.u8 v63  }
0x25f: {  	vm13 =	veq.f32 v28, v24;
	vm12 =	vlt.s32 v40, v34;
	v3 =	vsel vm11, v22, v3  }
0x260: {  	v26 =	vsel vm12, v40, v34;
	v3 =	vsel vm14, v27, v3;
	vm14 =	veq.f32 v30, v24  }
0x261: {  	v25 =	vsel vm13, v26, v40;
	v41 =	vnsel vm14, $0x100000, v3  }
0x262: {  	vm15 =	vlt.s32 v25, v41  }
0x263: {  	v25 =	vsel vm15, v25, v41  }
0x264: {  	v25 =	vxor.u32 $0x80000000, v25  }
0x265: {  	(xrf0) =	vmin.scan.msk.u32 $0xffff, v25;
	_ =	sdelay $0x5  }
0x266: {  	(v2sf) =	vpush v45, $0xF;
	v25, _, _ =	vpop (xrf0)  }
0x267: {  	(v2sf) =	vpush v25, $0xF;
	_ =	sdelay $0xd  }
0x268: {  	s13 =	spop (v2sf)  }
0x269: {  	s24 =	spop (v2sf)  }
0x26a: {  	s8 =	sxor.u32 $0x80000000, s24  }
0x26b: {  	vm9 =	veq.s32 v39, s8;
	vm10 =	veq.s32 v34, s8  }
0x26c: {  	vm11 =	veq.s32 v3, s8;
	vm5 =	vmand vm5, vm9;
	vm4 =	vmand vm13, vm10  }
0x26d: {  	vm0 =	vmand vm14, vm11;
	v17 =	vsel vm5, $0xFF800000, v17;
	v45 =	vsel vm4, $0xFF800000, v28  }
0x26e: {  	v47 =	vsel vm0, $0xFF800000, v30;
	v48 =	vmax.f32 v17, v45  }
0x26f: {  	v25 =	vmax.f32 v48, v47  }
0x270: {  	(xrf0) =	vmax.scan.msk.f32 $0xffff, v25;
	_ =	sdelay $0x5  }
0x271: {  	v25, _, _ =	vpop (xrf0)  }
0x272: {  	v25 =	vbroadcast v25, $0xF;
	_ =	sdelay $0x1  }
0x273: {  	vm12 =	veq.f32 v17, v25  }
0x274: {  	v49 =	vnsel vm12, $0x100000, v29  }
0x275: {  	vm13 =	vlt.s32 v49, v34  }
0x276: {  	vm14 =	veq.f32 v45, v25;
	vm15 =	veq.f32 v47, v25;
	v50 =	vsel vm13, v49, v34  }
0x277: {  	v51 =	vnsel vm15, $0x100000, v3;
	v28 =	vsel vm14, v50, v49  }
0x278: {  	vm9 =	vlt.s32 v28, v51  }
0x279: {  	v28 =	vsel vm9, v28, v51  }
0x27a: {  	v28 =	vxor.u32 $0x80000000, v28  }
0x27b: {  	(xrf0) =	vmin.scan.msk.u32 $0xffff, v28;
	_ =	sdelay $0x5  }
0x27c: {  	v28, _, _ =	vpop (xrf0)  }
0x27d: {  	(v2sf) =	vpush v28, $0xF;
	_ =	sdelay $0xe  }
0x27e: {  	s25 =	spop (v2sf)  }
0x27f: {  	s11 =	sxor.u32 $0x80000000, s25  }
0x280: {  	vm10 =	veq.s32 v39, s11;
	vm11 =	veq.s32 v34, s11  }
0x281: {  	vm0 =	vmand vm12, vm10;
	vm5 =	vmand vm14, vm11;
	vm12 =	veq.s32 v3, s11  }
0x282: {  	v17 =	vsel vm0, $0xFF800000, v17;
	v62 =	vsel vm5, $0xFF800000, v45;
	vm13 =	vmand vm15, vm12  }
0x283: {  	v27 =	vsel vm13, $0xFF800000, v47;
	v26 =	vmax.f32 v17, v62  }
0x284: {  	v26 =	vmax.f32 v26, v27  }
0x285: {  	(xrf0) =	vmax.scan.msk.f32 $0xffff, v26  }
0x286: {  	v30 =	vld [tilespmem:$0xF80];
	_ =	sdelay $0x1  }
0x287: {  	v38 =	vld [tilespmem:$0xF90];
	_ =	sdelay $0x1  }
0x288: {  	v63 =	vsel vm1, v44, v54;
	v48 =	vsel vm2, v44, v56  }
0x289: {  	v54 =	vsel vm1, v54, v48;
	v49 =	vsel vm2, v55, v58;
	vm9 =	vgt.f32 v30, v52;
	v26, _, _ =	vpop (xrf0)  }
0x28a: {  	v51 =	vsel vm3, v44, v57;
	v55 =	vsel vm9, v30, v52;
	v26 =	vbroadcast v26, $0xF  }
0x28b: {  	vm1 =	vgt.f32 v38, v55;
	vm10 =	vgt.f32 v30, v53;
	vm11 =	vgt.f32 v30, v49  }
0x28c: {  	v45 =	vsel vm9, v42, v63;
	v40 =	vsel vm11, v30, v49;
	vm14 =	veq.f32 v17, v26  }
0x28d: {  	v41 =	vsel vm10, v42, v54;
	v57 =	vsel vm10, v53, v40;
	v29 =	vnsel vm14, $0x100000, v29  }
0x28e: {  	v47 =	vadd.s32 $0x90, v46;
	vm15 =	veq.f32 v62, v26;
	vm0 =	vlt.s32 v29, v34  }
0x28f: {  	vm8 =	veq.f32 v27, v26;
	v27 =	vsel vm2, v56, v51;
	v50 =	vsel vm0, v29, v34  }
0x290: {  	v39 =	vld [tilespmem:$0xFA0];
	v56 =	vsel vm10, v30, v53;
	v3 =	vnsel vm8, $0x100000, v3;
	v28 =	vsel vm15, v50, v29  }
0x291: {  	vm12 =	vgt.f32 v38, v57;
	v34 =	vsel vm9, v52, v56;
	vm0 =	vlt.s32 v28, v3  }
0x292: {  	v27 =	vsel vm11, v42, v27;
	v3 =	vsel vm0, v28, v3;
	vm0 =	vgt.f32 v38, v34  }
0x293: {  	v40 =	vld [tilespmem:$0xFB0];
	v17 =	vsel vm9, v63, v41;
	v27 =	vsel vm10, v54, v27;
	v58 =	vsel vm0, v38, v34  }
0x294: {  	v41 =	vsel vm12, v38, v57;
	v27 =	vsel vm12, v47, v27;
	v29 =	vsel vm1, v55, v58  }
0x295: {  	v28 =	vsel vm1, v38, v55;
	v34 =	vsel vm0, v34, v41;
	vm3 =	vgt.f32 v39, v29  }
0x296: {  	vm2 =	vgt.f32 v39, v28;
	v41 =	vld [tilespmem:$0xFC0];
	vm6 =	vgt.f32 v39, v34;
	v62 =	vsel vm3, v39, v29  }
0x297: {  	v63 =	vsel vm0, v47, v17;
	v34 =	vsel vm6, v39, v34;
	v51 =	vsel vm2, v28, v62  }
0x298: {  	v56 =	vld [tilespmem:$0x1FF40];
	v29 =	vsel vm3, v29, v34;
	v28 =	vsel vm2, v39, v28;
	vm5 =	vgt.f32 v40, v51  }
0x299: {  	v42 =	vld [tilespmem:$0xFD0];
	vm11 =	vgt.f32 v40, v29;
	vm4 =	vgt.f32 v40, v28;
	v52 =	vsel vm5, v40, v51  }
0x29a: {  	v17 =	vsel vm0, v17, v27;
	v29 =	vsel vm11, v40, v29;
	v34 =	vsel vm4, v28, v52  }
0x29b: {  	v44 =	vld [tilespmem:$0xFD8];
	v29 =	vsel vm5, v51, v29;
	v28 =	vsel vm4, v40, v28;
	vm9 =	vgt.f32 v41, v34  }
0x29c: {  	vm14 =	vgt.f32 v41, v29;
	vm7 =	vgt.f32 v41, v28;
	v53 =	vsel vm9, v41, v34  }
0x29d: {  	vm13 =	vnez.u8 v56;
	v29 =	vsel vm14, v41, v29;
	v54 =	vsel vm7, v28, v53  }
0x29e: {  	v29 =	vsel vm9, v34, v29;
	v28 =	vsel vm7, v41, v28;
	vm8 =	vgt.f32 v42, v54  }
0x29f: {  	vm15 =	vgt.f32 v42, v29;
	vm12 =	vgt.f32 v42, v28;
	v55 =	vsel vm8, v42, v54  }
0x2a0: {  	v49 =	vsel vm13, $0xFF800000, v44;
	v29 =	vsel vm15, v42, v29;
	v34 =	vsel vm12, v28, v55  }
0x2a1: {  	v27 =	vsel vm8, v54, v29;
	v28 =	vsel vm12, v42, v28;
	vm10 =	vgt.f32 v49, v34  }
0x2a2: {  	vm13 =	vgt.f32 v49, v27;
	vm0 =	vgt.f32 v49, v28;
	v57 =	vsel vm10, v49, v34  }
0x2a3: {  	v27 =	vsel vm13, v49, v27;
	v51 =	vsel vm0, v49, v28;
	v50 =	vsel vm0, v28, v57  }
0x2a4: {  	v3 =	vxor.u32 $0x80000000, v3;
	v34 =	vsel vm10, v34, v27;
	v58 =	vmax.f32 v51, v50  }
0x2a5: {  	(xrf0) =	vmin.scan.msk.u32 $0xffff, v3;
	v62 =	vsel vm1, v45, v63;
	v63 =	vadd.s32 $0xA0, v46;
	v27 =	vmax.f32 v58, v34  }
0x2a6: {  	v45 =	vsel vm1, v47, v45;
	v17 =	vsel vm6, v63, v17;
	v47 =	vsel vm3, v63, v62;
	(xrf0) =	vmax.scan.msk.f32 $0xffff, v27  }
0x2a7: {  	v3 =	vsel vm3, v62, v17;
	v48 =	vsel vm2, v45, v47;
	v49 =	vadd.s32 $0xB0, v46  }
0x2a8: {  	v28 =	vsel vm2, v63, v45;
	v3 =	vsel vm11, v49, v3;
	v52 =	vsel vm5, v49, v48  }
0x2a9: {  	v54 =	vadd.s32 $0xC0, v46;
	v3 =	vsel vm5, v48, v3;
	v53 =	vsel vm4, v28, v52  }
0x2aa: {  	v3 =	vsel vm14, v54, v3;
	v55 =	vsel vm9, v54, v53;
	v27 =	vsel vm4, v49, v28  }
0x2ab: {  	v56, _, _ =	vpop (xrf0);
	v58 =	vadd.s32 $0xD0, v46;
	v3 =	vsel vm9, v53, v3;
	v57 =	vsel vm7, v54, v27  }
0x2ac: {  	v27 =	vsel vm7, v27, v55;
	v3 =	vsel vm15, v58, v3;
	v46 =	vsel vm12, v58, v57;
	v62, _, _ =	vpop (xrf0)  }
0x2ad: {  	v63 =	vsel vm8, v58, v27;
	v45 =	vsel vm0, v22, v46;
	v29 =	vbroadcast v62, $0xF  }
0x2ae: {  	v3 =	vsel vm8, v27, v3;
	v17 =	vsel vm12, v57, v63;
	vm5 =	vlt.s32 v45, $0x100000  }
0x2af: {  	v48 =	vsel vm10, v22, v17;
	v28 =	vnsel vm5, $0x100000, v45;
	vm6 =	veq.f32 v51, v29  }
0x2b0: {  	v3 =	vsel vm13, v22, v3;
	v27 =	vsel vm0, v46, v48;
	v49 =	vnsel vm6, $0x100000, v28  }
0x2b1: {  	v22 =	vsel vm10, v17, v3;
	vm0 =	vlt.s32 v49, v27  }
0x2b2: {  	vm7 =	veq.f32 v50, v29;
	vm8 =	veq.f32 v34, v29;
	v52 =	vsel vm0, v49, v27  }
0x2b3: {  	v17 =	vnsel vm8, $0x100000, v22;
	v3 =	vsel vm7, v52, v49  }
0x2b4: {  	vm9 =	vlt.s32 v3, v17  }
0x2b5: {  	v3 =	vsel vm9, v3, v17  }
0x2b6: {  	v3 =	vxor.u32 $0x80000000, v3  }
0x2b7: {  	(xrf0) =	vmin.scan.msk.u32 $0xffff, v3;
	_ =	sdelay $0x5  }
0x2b8: {  	(v2sf) =	vpush v56, $0xF;
	v3, _, _ =	vpop (xrf0)  }
0x2b9: {  	(v2sf) =	vpush v3, $0xF;
	_ =	sdelay $0xd  }
0x2ba: {  	v11 =	vmul.f32 $1.442695020e+00, v11;
	s14 =	spop (v2sf)  }
0x2bb: {  	v56 =	vmul.f32 $1.442695020e+00, v6;
	v53 =	vmul.f32 $1.442695020e+00, v1;
	s26 =	spop (v2sf)  }
0x2bc: {  	v54 =	vmul.f32 $1.442695020e+00, v2;
	v55 =	vmul.f32 $1.442695020e+00, v4;
	s9 =	sxor.u32 $0x80000000, s26  }
0x2bd: {  	(erf) = vpow2.f32 v53;
	vm10 =	veq.s32 v45, s9;
	vm11 =	veq.s32 v27, s9  }
0x2be: {  	vm12 =	veq.s32 v22, s9;
	vm1 =	vmand vm6, vm10;
	vm2 =	vmand vm7, vm11  }
0x2bf: {  	vm0 =	vmand vm8, vm12;
	v2 =	vsel vm1, $0xFF800000, v51;
	v4 =	vsel vm2, $0xFF800000, v50  }
0x2c0: {  	(erf) = vpow2.f32 v54;
	v3 =	vsel vm0, $0xFF800000, v34;
	v63 =	vmax.f32 v2, v4  }
0x2c1: {  	v57 =	vmul.f32 $1.442695020e+00, v7;
	(erf) = vpow2.f32 v55;
	v6 =	vmax.f32 v63, v3  }
0x2c2: {  	v58 =	vmul.f32 $1.442695020e+00, v5;
	(erf) = vpow2.f32 v56;
	(xrf0) =	vmax.scan.msk.f32 $0xffff, v6  }
0x2c3: {  	(erf) = vpow2.f32 v57;
	v62 =	vmul.f32 $1.442695020e+00, v59  }
0x2c4: {  	v12 =	vmul.f32 $1.442695020e+00, v12;
	(erf) = vpow2.f32 v58  }
0x2c5: {  	v13 =	vmul.f32 $1.442695020e+00, v13;
	(erf) = vpow2.f32 v62  }
0x2c6: {  	v14 =	vmul.f32 $1.442695020e+00, v14;
	(erf) = vpow2.f32 v11  }
0x2c7: {  	v15 =	vmul.f32 $1.442695020e+00, v15;
	(erf) = vpow2.f32 v12  }
0x2c8: {  	v16 =	vmul.f32 $1.442695020e+00, v16;
	(erf) = vpow2.f32 v13;
	v34, _, _ =	vpop (xrf0)  }
0x2c9: {  	(erf) = vpow2.f32 v14;
	v6 =	vpop (erf);
	v1 =	vbroadcast v34, $0xF  }
0x2ca: {  	v17 =	vmul.f32 $1.442695020e+00, v60;
	(erf) = vpow2.f32 v15;
	v7 =	vpop (erf)  }
0x2cb: {  	v35 =	vmul.f32 $1.442695020e+00, v35;
	(erf) = vpow2.f32 v16;
	v12 =	vpop (erf);
	vm1 =	veq.f32 v2, v1  }
0x2cc: {  	v47 =	vmul.f32 $1.442695020e+00, v37;
	(erf) = vpow2.f32 v17;
	v13 =	vpop (erf);
	v48 =	vnsel vm1, $0x100000, v28  }
0x2cd: {  	v46 =	vmul.f32 $1.442695020e+00, v36;
	(erf) = vpow2.f32 v35;
	v14 =	vpop (erf);
	vm13 =	vlt.s32 v48, v27  }
0x2ce: {  	v15 =	vpop (erf);
	vm14 =	veq.f32 v4, v1;
	vm15 =	veq.f32 v3, v1;
	v49 =	vsel vm13, v48, v27  }
0x2cf: {  	(erf) = vpow2.f32 v46;
	v11 =	vpop (erf);
	v52 =	vnsel vm15, $0x100000, v22;
	v5 =	vsel vm14, v49, v48  }
0x2d0: {  	v51 =	vmul.f32 $1.442695020e+00, v31;
	v50 =	vpop (erf);
	vm7 =	vlt.s32 v5, v52  }
0x2d1: {  	v53 =	vmul.f32 $1.442695020e+00, v32;
	(erf) = vpow2.f32 v47;
	v34 =	vpop (erf);
	v5 =	vsel vm7, v5, v52  }
0x2d2: {  	v54 =	vmul.f32 $1.442695020e+00, v33;
	(erf) = vpow2.f32 v51;
	v35 =	vpop (erf);
	v5 =	vxor.u32 $0x80000000, v5  }
0x2d3: {  	v55 =	vmul.f32 $1.442695020e+00, v61;
	(erf) = vpow2.f32 v53;
	v16 =	vpop (erf);
	(xrf0) =	vmin.scan.msk.u32 $0xffff, v5  }
0x2d4: {  	v30 =	vmul.f32 $1.442695020e+00, v30;
	v33 =	vpop (erf);
	(erf) = vpow2.f32 v54  }
0x2d5: {  	(erf) = vpow2.f32 v55;
	v5 =	vpop (erf)  }
0x2d6: {  	v56 =	vmul.f32 $1.442695020e+00, v38;
	v31 =	vpop (erf);
	(erf) = vpow2.f32 v30  }
0x2d7: {  	v57 =	vpop (erf)  }
0x2d8: {  	v59 =	vmul.f32 $1.442695020e+00, v39;
	(erf) = vpow2.f32 v56;
	v58 =	vpop (erf)  }
0x2d9: {  	v62, _, _ =	vpop (xrf0)  }
0x2da: {  	v61 =	vmul.f32 $1.442695020e+00, v40;
	(erf) = vpow2.f32 v59;
	v60 =	vpop (erf);
	(v2sf) =	vpush v62, $0xF  }
0x2db: {  	v0 =	vadd.f32 v6, v0;
	v63 =	vpop (erf)  }
0x2dc: {  	v46 =	vmul.f32 $1.442695020e+00, v41;
	v8 =	vadd.f32 v50, v8;
	(erf) = vpow2.f32 v61;
	v40 =	vpop (erf)  }
0x2dd: {  	v0 =	vadd.f32 v7, v0;
	v47 =	vpop (erf)  }
0x2de: {  	v8 =	vadd.f32 v34, v8;
	v49 =	vmul.f32 $1.442695020e+00, v42;
	(erf) = vpow2.f32 v46;
	v48 =	vpop (erf)  }
0x2df: {  	v0 =	vadd.f32 v12, v0;
	v52 =	vmul.f32 $1.442695020e+00, v44;
	v50 =	vadd.f32 v57, v19;
	v51 =	vpop (erf)  }
0x2e0: {  	v8 =	vadd.f32 v35, v8;
	v59 =	vld [tilespmem:$0x1FF40];
	(erf) = vpow2.f32 v49;
	v53 =	vadd.f32 v51, v43  }
0x2e1: {  	v0 =	vadd.f32 v13, v0;
	v17 =	vadd.f32 v58, v50;
	v54 =	vpop (erf);
	(erf) = vpow2.f32 v52  }
0x2e2: {  	v8 =	vadd.f32 v16, v8;
	v12 =	vadd.f32 v54, v53  }
0x2e3: {  	v0 =	vadd.f32 v14, v0;
	v17 =	vadd.f32 v60, v17;
	v55 =	vpop (erf)  }
0x2e4: {  	vm3 =	vcmask $0x3F18;
	v8 =	vadd.f32 v33, v8;
	v12 =	vadd.f32 v55, v12  }
0x2e5: {  	v0 =	vadd.f32 v15, v0;
	vm8 =	vnez.u8 v59;
	v57 =	vadd.f32 v63, v17;
	v56 =	vpop (erf)  }
0x2e6: {  	v5 =	vadd.f32 v5, v8;
	v11 =	vsel vm8, $0x0, v11;
	v12 =	vadd.f32 v56, v12  }
0x2e7: {  	v62 =	vsel vm8, $0x0, v31;
	v0 =	vadd.f32 v11, v0;
	v6 =	vadd.f32 v40, v57;
	v58 =	vpop (erf)  }
0x2e8: {  	vm2 =	vcmask $0x3F24;
	v5 =	vadd.f32 v62, v5;
	v60 =	vadd.f32 v58, v12  }
0x2e9: {  	vm5 =	vcmask $0x730;
	v15 =	vsel vm2, v29, v24;
	(xrf2) =	vadd.scan.msk.f32 $0xffff, v0;
	v6 =	vadd.f32 v47, v6;
	v61 =	vpop (erf);
	s28 =	spop (v2sf)  }
0x2ea: {  	v7 =	vsel vm8, $0x0, v48;
	(xrf2) =	vadd.scan.msk.f32 $0xffff, v5;
	v5 =	vsel vm3, v15, v18;
	v63 =	vpop (erf);
	v8 =	vadd.f32 v61, v60;
	s12 =	sxor.u32 $0x80000000, s28  }
0x2eb: {  	v6 =	vadd.f32 v7, v6;
	v12 =	vsel vm8, $0x0, v63;
	vm9 =	veq.s32 v45, s12  }
0x2ec: {  	vm10 =	veq.s32 v27, s12;
	vm12 =	veq.s32 v22, s12;
	v7 =	vadd.f32 v12, v8  }
0x2ed: {  	(xrf2) =	vadd.scan.msk.f32 $0xffff, v6;
	vm0 =	vmand vm1, vm9;
	vm11 =	vmand vm14, vm10;
	vm13 =	vmand vm15, vm12  }
0x2ee: {  	vm14 =	vcmask $0x3F0C;
	vm1 =	vmmov $0x1;
	vm15 =	vcmask $0x330  }
0x2ef: {  	v13 =	vsel vm0, $0xFF800000, v2;
	v14 =	vsel vm11, $0xFF800000, v4;
	v3 =	vsel vm13, $0xFF800000, v3;
	(xrf2) =	vadd.scan.msk.f32 $0xffff, v7  }
0x2f0: {  	v5 =	vsel vm14, v5, v9;
	v16 =	vnsel vm1, $0x0, v9;
	v4 =	vmax.f32 v13, v14  }
0x2f1: {  	v17 =	vsub.f32 $0.0e+00, v5;
	v6 =	vsel vm15, v16, v10;
	v4 =	vmax.f32 v4, v3  }
0x2f2: {  	vm6 =	vcmask $0xB30;
	v6 =	vsel vm5, v6, v20;
	(xrf0) =	vmax.scan.msk.f32 $0xffff, v4  }
0x2f3: {  	vm7 =	vcmask $0xF30;
	v4 =	vmul.f32 $1.442695020e+00, v17;
	v6 =	vsel vm6, v6, v18  }
0x2f4: {  	vm8 =	vcmask $0x1330;
	v6 =	vsel vm7, v6, v21  }
0x2f5: {  	vm9 =	vcmask $0x1730;
	v18, _, _ =	vpop (xrf2);
	(erf) = vpow2.f32 v4;
	v19 =	vsel vm8, v6, v23  }
0x2f6: {  	vm10 =	vcmask $0x1B30;
	v20, _, _ =	vpop (xrf2);
	v4 =	vsel vm9, v19, v24  }
0x2f7: {  	vm11 =	vcmask $0x1F30;
	v23, _, _ =	vpop (xrf2);
	v4 =	vsel vm10, v4, v25  }
0x2f8: {  	vm12 =	vcmask $0x2330;
	vm13 =	vcmask $0x2730;
	v4 =	vsel vm11, v4, v26;
	v21, _, _ =	vpop (xrf0)  }
0x2f9: {  	vm0 =	vcmask $0x2B30;
	v4 =	vsel vm12, v4, v29;
	v8 =	vbroadcast v21, $0xF;
	v24, _, _ =	vpop (xrf2)  }
0x2fa: {  	v9 =	vbroadcast v23, $0xF;
	v1 =	vsel vm13, v4, v1;
	v10 =	vbroadcast v24, $0xF  }
0x2fb: {  	v25 =	vbroadcast v20, $0xF;
	v1 =	vsel vm0, v1, v8  }
0x2fc: {  	v7 =	vbroadcast v18, $0xF;
	v1 =	vsub.f32 v1, v5;
	v26 =	vsel vm2, v10, v9  }
0x2fd: {  	v4 =	vsel vm3, v26, v25  }
0x2fe: {  	v29 =	vpop (erf);
	v1 =	vmul.f32 $1.442695020e+00, v1;
	v4 =	vsel vm14, v4, v7  }
0x2ff: {  	v4 =	vmul.f32 v29, v4  }
0x300: {  	(erf) = vpow2.f32 v1  }
0x301: {  	(erf) = vrcp.f32 v4;
	_ =	sdelay $0x7  }
0x302: {  	v1 =	vpop (erf)  }
0x303: {  	v4 =	vpop (erf)  }
0x304: {  	v1 =	vmul.f32 v1, v4;
	_ =	sdelay $0x1  }
0x305: {  	v1 =	vadd.f32 $2.220446050e-16, v1;
	_ =	sdelay $0x1  }
0x306: {  	v30 =	vand.u32 $0x7FFFFF, v1  }
0x307: {  	v4 =	vor.u32 $0x3F800000, v30  }
0x308: {  	v31 =	vmul.f32 $5.000000000e-01, v4  }
0x309: {  	vm14 =	vgt.f32 v4, $1.414213540e+00  }
0x30a: {  	v4 =	vsel vm14, v31, v4  }
0x30b: {  	v5 =	vadd.f32 $1.000000000e+00, v4;
	_ =	sdelay $0x1  }
0x30c: {  	(erf) = vrcp.f32 v5;
	_ =	sdelay $0x7  }
0x30d: {  	v4 =	vadd.f32 $-1.000000000e+00, v4  }
0x30e: {  	v5 =	vpop (erf)  }
0x30f: {  	v4 =	vmul.f32 v5, v4;
	_ =	sdelay $0x1  }
0x310: {  	v5 =	vmul.f32 v4, v4;
	_ =	sdelay $0x1  }
0x311: {  	v32 =	vmul.f32 $1.111111120e-01, v5;
	_ =	sdelay $0x1  }
0x312: {  	v6 =	vadd.f32 $1.428571490e-01, v32;
	_ =	sdelay $0x1  }
0x313: {  	v6 =	vmul.f32 v6, v5;
	_ =	sdelay $0x1  }
0x314: {  	v6 =	vadd.f32 $2.000000030e-01, v6;
	_ =	sdelay $0x1  }
0x315: {  	v6 =	vmul.f32 v6, v5;
	_ =	sdelay $0x1  }
0x316: {  	v6 =	vadd.f32 $3.333333430e-01, v6  }
0x317: {  	v33 =	vimm.s32 $0xFFFFFF81  }
0x318: {  	v1 =	vshra.s32 v1, $0x17;
	v0 =	vsel vm14, $0xFFFFFF82, v33;
	v5 =	vmul.f32 v6, v5  }
0x319: {  	vm15 =	veq.f32 v13, v8;
	v0 =	vadd.s32 v1, v0  }
0x31a: {  	v0 =	vcvt.s32.f32 v0;
	v4 =	vadd.f32 v4, v4;
	v35 =	vadd.f32 $1.000000000e+00, v5  }
0x31b: {  	vm7 =	veq.f32 v3, v8;
	v34 =	vnsel vm15, $0x100000, v28  }
0x31c: {  	vm3 =	vlt.s32 v34, v27;
	v37 =	vmul.f32 $-2.121944420e-04, v0;
	v1 =	vmul.f32 v35, v4  }
0x31d: {  	vm6 =	veq.f32 v14, v8;
	v3 =	vnsel vm7, $0x100000, v22;
	v36 =	vsel vm3, v34, v27  }
0x31e: {  	v2 =	vsel vm6, v36, v34;
	v0 =	vmul.f32 $6.933593750e-01, v0;
	v1 =	vadd.f32 v37, v1  }
0x31f: {  	vm2 =	vlt.s32 v2, v3  }
0x320: {  	v2 =	vsel vm2, v2, v3;
	v0 =	vadd.f32 v1, v0  }
0x321: {  	v38 =	vxor.u32 $0x80000000, v2  }
0x322: {  	vm8 =	vcmask $0x308;
	(xrf0) =	vmin.scan.msk.u32 $0xffff, v38;
	v39 =	vnsel vm1, $0x0, v0  }
0x323: {  	vm9 =	vcmask $0x70C;
	v40 =	vsel vm8, $0x0, v0;
	(xrf2) =	vadd.scan.msk.f32 $0xffff, v39  }
0x324: {  	vm10 =	vcmask $0xB10;
	v41 =	vsel vm9, $0x0, v0;
	(xrf2) =	vadd.scan.msk.f32 $0xffff, v40  }
0x325: {  	vm11 =	vcmask $0xF14;
	v42 =	vsel vm10, $0x0, v0;
	(xrf2) =	vadd.scan.msk.f32 $0xffff, v41  }
0x326: {  	vm12 =	vcmask $0x1318;
	v43 =	vsel vm11, $0x0, v0;
	(xrf2) =	vadd.scan.msk.f32 $0xffff, v42  }
0x327: {  	v44 =	vsel vm12, $0x0, v0;
	(xrf2) =	vadd.scan.msk.f32 $0xffff, v43  }
0x328: {  	(xrf2) =	vadd.scan.msk.f32 $0xffff, v44;
	_ =	sdelay $0x3  }
0x329: {  	v45, _, _ =	vpop (xrf0)  }
0x32a: {  	(v2sf) =	vpush v45, $0xF;
	v46, _, _ =	vpop (xrf2)  }
0x32b: {  	v47, _, _ =	vpop (xrf2);
	(v2sf) =	vpush v46, $0xF  }
0x32c: {  	v48, _, _ =	vpop (xrf2);
	(v2sf) =	vpush v47, $0xF  }
0x32d: {  	(v2sf) =	vpush v48, $0xF;
	v49, _, _ =	vpop (xrf2)  }
0x32e: {  	(v2sf) =	vpush v49, $0xF;
	v50, _, _ =	vpop (xrf2)  }
0x32f: {  	(v2sf) =	vpush v50, $0xF;
	v51, _, _ =	vpop (xrf2)  }
0x330: {  	(v2sf) =	vpush v51, $0xF;
	_ =	sdelay $0x8  }
0x331: {  	s15 =	spop (v2sf)  }
0x332: {  	s29 =	spop (v2sf)  }
0x333: {  	s17 =	spop (v2sf)  }
0x334: {  	s23 =	spop (v2sf)  }
0x335: {  	s24 =	spop (v2sf)  }
0x336: {  	s25 =	spop (v2sf);
	s16 =	sadd.f32 s24, s29  }
0x337: {  	s26 =	spop (v2sf);
	s18 =	sadd.f32 s25, s29  }
0x338: {  	s21 =	sadd.f32 s26, s29  }
0x339: {  	s20 =	sadd.f32 s24, s17;
	s30 =	smax.f32 s16, s18  }
0x33a: {  	s19 =	sadd.f32 s25, s17;
	s0 =	smax.f32 s30, s21  }
0x33b: {  	s22 =	sadd.f32 s26, s17;
	s0 =	smax.f32 s0, s20  }
0x33c: {  	s24 =	sadd.f32 s24, s23;
	s0 =	smax.f32 s0, s19  }
0x33d: {  	s25 =	sadd.f32 s25, s23;
	s0 =	smax.f32 s0, s22  }
0x33e: {  	s26 =	sadd.f32 s26, s23;
	s0 =	smax.f32 s0, s24  }
0x33f: {  	s0 =	smax.f32 s0, s25  }
0x340: {  	s23 =	smax.f32 s0, s26  }
0x341: {  	p0 =	seq.f32 s25, s23  }
0x342: {  	s17 =	simm.s32 $0x1;
	p1 =	seq.f32 s24, s23  }
0x343: {  	s17 =	simm.s32 @!p0 $0x2;
	p0 =	seq.f32 s22, s23  }
0x344: {  	p2 =	seq.f32 s20, s23;
	s17 =	simm.s32 @p1 $0x0;
	p1 =	seq.f32 s19, s23  }
0x345: {  	s17 =	simm.s32 @p0 $0x2  }
0x346: {  	s17 =	simm.s32 @p1 $0x1;
	p1 =	por p2, p1  }
0x347: {  	p4 =	seq.f32 s18, s23;
	p5 =	seq.f32 s16, s23;
	p1 =	por p1, p0  }
0x348: {  	p3 =	seq.f32 s21, s23;
	s0 =	simm.s32 @!p1 $0x0  }
0x349: {  	p6 =	por p5, p4;
	s17 =	simm.s32 @p2 $0x0;
	s0 =	simm.s32 @p1 $0x1  }
0x34a: {  	s17 =	simm.s32 @p3 $0x2;
	[smem:$0x7D8] =	sst s0;
	s0 =	simm.s32 $0x3  }
0x34b: {  	p0 =	por p6, p3;
	s17 =	simm.s32 @p4 $0x1;
	s0 =	simm.s32 @!p1 $0x6  }
0x34c: {  	s17 =	simm.s32 @p5 $0x0;
	s0 =	simm.s32 @p0 $0x0  }
0x34d: {  	s2 =	simm.s32 @!p0 $0x0;
	s0 =	sadd.s32 s0, s17  }
0x34e: {  	s2 =	simm.s32 @p0 $0x1;
	p0 =	seq.s32 s0, $0x0;
	p1 =	seq.s32 s0, $0x1  }
0x34f: {  	s16 =	simm.s32 @p0 $0xFF800000;
	s18 =	simm.s32 @p1 $0xFF800000;
	p0 =	seq.s32 s0, $0x2  }
0x350: {  	s21 =	simm.s32 @p0 $0xFF800000;
	p0 =	seq.s32 s0, $0x3;
	s28 =	smax.f32 s16, s18  }
0x351: {  	s20 =	simm.s32 @p0 $0xFF800000;
	p0 =	seq.s32 s0, $0x4;
	s28 =	smax.f32 s28, s21  }
0x352: {  	s19 =	simm.s32 @p0 $0xFF800000;
	p0 =	seq.s32 s0, $0x5;
	s28 =	smax.f32 s28, s20  }
0x353: {  	s22 =	simm.s32 @p0 $0xFF800000;
	p0 =	seq.s32 s0, $0x6;
	s28 =	smax.f32 s28, s19  }
0x354: {  	vm13 =	vcmask $0x171C;
	s24 =	simm.s32 @p0 $0xFF800000;
	p0 =	seq.s32 s0, $0x7;
	s28 =	smax.f32 s28, s22  }
0x355: {  	vm14 =	vcmask $0x1B20;
	v52 =	vsel vm13, $0x0, v0;
	p1 =	seq.s32 s0, $0x8;
	s25 =	simm.s32 @p0 $0xFF800000;
	s31 =	smax.f32 s28, s24  }
0x356: {  	v53 =	vsel vm14, $0x0, v0;
	(xrf2) =	vadd.scan.msk.f32 $0xffff, v52;
	s26 =	simm.s32 @p1 $0xFF800000;
	s0 =	smax.f32 s31, s25  }
0x357: {  	(xrf2) =	vadd.scan.msk.f32 $0xffff, v53;
	s0 =	smax.f32 s0, s26  }
0x358: {  	vm15 =	vcmask $0x1F24;
	p0 =	seq.f32 s25, s0  }
0x359: {  	v54 =	vsel vm15, $0x0, v0;
	s28 =	simm.s32 $0x1;
	p1 =	seq.f32 s24, s0  }
0x35a: {  	(xrf2) =	vadd.scan.msk.f32 $0xffff, v54;
	s29 =	simm.s32 $0x3;
	s28 =	simm.s32 @!p0 $0x2;
	p0 =	seq.f32 s22, s0  }
0x35b: {  	p2 =	seq.f32 s20, s0;
	s28 =	simm.s32 @p1 $0x0;
	p1 =	seq.f32 s19, s0  }
0x35c: {  	p3 =	seq.f32 s21, s0;
	p4 =	seq.f32 s18, s0;
	s28 =	simm.s32 @p0 $0x2  }
0x35d: {  	p5 =	seq.f32 s16, s0;
	s28 =	simm.s32 @p1 $0x1;
	p1 =	por p2, p1  }
0x35e: {  	[smem:$0x7DF] =	sst s2;
	p1 =	por p1, p0;
	s28 =	simm.s32 @p2 $0x0  }
0x35f: {  	p2 =	por p5, p4;
	s2 =	simm.s32 @!p1 $0x0;
	s28 =	simm.s32 @p3 $0x2  }
0x360: {  	v55, _, _ =	vpop (xrf2);
	p0 =	por p2, p3;
	s29 =	simm.s32 @!p1 $0x6;
	s28 =	simm.s32 @p4 $0x1  }
0x361: {  	(v2sf) =	vpush v55, $0xF;
	v56, _, _ =	vpop (xrf2);
	s2 =	simm.s32 @p1 $0x1;
	s29 =	simm.s32 @p0 $0x0;
	s28 =	simm.s32 @p5 $0x0  }
0x362: {  	(v2sf) =	vpush v56, $0xF;
	[smem:$0x7DA] =	sst s2;
	s2 =	simm.s32 @!p0 $0x0;
	s29 =	sadd.s32 s29, s28  }
0x363: {  	s2 =	simm.s32 @p0 $0x1;
	p0 =	seq.s32 s29, $0x0;
	p1 =	seq.s32 s29, $0x1  }
0x364: {  	v57, _, _ =	vpop (xrf2);
	s16 =	simm.s32 @p0 $0xFF800000;
	s18 =	simm.s32 @p1 $0xFF800000;
	p0 =	seq.s32 s29, $0x2  }
0x365: {  	(v2sf) =	vpush v57, $0xF;
	s21 =	simm.s32 @p0 $0xFF800000;
	p0 =	seq.s32 s29, $0x3;
	s30 =	smax.f32 s16, s18  }
0x366: {  	s20 =	simm.s32 @p0 $0xFF800000;
	p0 =	seq.s32 s29, $0x4;
	s30 =	smax.f32 s30, s21  }
0x367: {  	s19 =	simm.s32 @p0 $0xFF800000;
	p0 =	seq.s32 s29, $0x5;
	s30 =	smax.f32 s30, s20  }
0x368: {  	s22 =	simm.s32 @p0 $0xFF800000;
	p0 =	seq.s32 s29, $0x6;
	s30 =	smax.f32 s30, s19  }
0x369: {  	s24 =	simm.s32 @p0 $0xFF800000;
	p0 =	seq.s32 s29, $0x7;
	s30 =	smax.f32 s30, s22  }
0x36a: {  	s25 =	simm.s32 @p0 $0xFF800000;
	s30 =	smax.f32 s30, s24  }
0x36b: {  	s30 =	smax.f32 s30, s25  }
0x36c: {  	p0 =	seq.s32 s29, $0x8;
	s29 =	smax.f32 s30, s26  }
0x36d: {  	s29 =	smov.u32 @p0 s30  }
0x36e: {  	p1 =	seq.f32 s24, s29;
	_ =	sdelay $0x1  }
0x36f: {  	[smem:$0x7E1] =	sst s2;
	s26 =	spop (v2sf);
	s2 =	simm.s32 @!p1 $0x0  }
0x370: {  	s30 =	spop (v2sf);
	s2 =	simm.s32 @p1 $0x1;
	p1 =	seq.f32 s22, s29  }
0x371: {  	p3 =	seq.f32 s19, s29;
	s19 =	sadd.f32 s23, s26  }
0x372: {  	p0 =	seq.f32 s25, s29;
	[smem:$0x7D4] =	sst s2;
	s2 =	simm.s32 @!p1 $0x0  }
0x373: {  	s31 =	spop (v2sf);
	s25 =	sadd.f32 s0, s30;
	s2 =	simm.s32 @p1 $0x1  }
0x374: {  	p1 =	seq.f32 s20, s29;
	[smem:$0x7D9] =	sst s2;
	s2 =	simm.s32 @!p3 $0x0  }
0x375: {  	p2 =	seq.f32 s21, s29;
	s21 =	sadd.f32 s23, s31;
	s2 =	simm.s32 @p3 $0x1  }
0x376: {  	[smem:$0x7DB] =	sst s2;
	s2 =	simm.s32 @!p1 $0x0  }
0x377: {  	s20 =	sadd.f32 s23, s30;
	s2 =	simm.s32 @p1 $0x1  }
0x378: {  	[smem:$0x7DC] =	sst s2;
	s2 =	simm.s32 @!p2 $0x0  }
0x379: {  	p5 =	seq.f32 s18, s29;
	s22 =	sadd.f32 s0, s26;
	s2 =	simm.s32 @p2 $0x1  }
0x37a: {  	[smem:$0x7E0] =	sst s2;
	s2 =	smax.f32 s19, s20  }
0x37b: {  	s24 =	sadd.f32 s0, s31;
	s23 =	smax.f32 s2, s21  }
0x37c: {  	s3 =	smax.f32 s23, s22;
	s23 =	sadd.f32 s29, s26  }
0x37d: {  	p6 =	seq.f32 s16, s29;
	s26 =	sadd.f32 s29, s30  }
0x37e: {  	s18 =	simm.s32 $0x1;
	s2 =	simm.s32 @!p5 $0x0;
	s30 =	sadd.f32 s29, s31  }
0x37f: {  	s2 =	simm.s32 @p5 $0x1;
	s31 =	sld [smem:$0x7D4];
	s0 =	smax.f32 s3, s25  }
0x380: {  	p2 =	seq.s32 s17, $0x1;
	[smem:$0x7DD] =	sst s2;
	s0 =	smax.f32 s0, s24  }
0x381: {  	s3 =	sxor.u32 $0x80000000, s13;
	s2 =	simm.s32 @!p6 $0x0;
	s0 =	smax.f32 s0, s23  }
0x382: {  	s13 =	sld [smem:$0x7D9];
	s16 =	smov.u32 s3;
	s0 =	smax.f32 s0, s26  }
0x383: {  	s16 =	smov.u32 @p2 s10;
	p4 =	seq.s32 s31, $0x1;
	s29 =	smax.f32 s0, s30  }
0x384: {  	s31 =	sld [smem:$0x7E0];
	s0 =	simm.s32 $0x1;
	p2 =	seq.f32 s26, s29  }
0x385: {  	s2 =	simm.s32 @p6 $0x1;
	s0 =	simm.s32 @!p0 $0x2;
	p0 =	seq.f32 s23, s29  }
0x386: {  	[smem:$0x7DE] =	sst s2;
	s0 =	simm.s32 @p4 $0x0;
	s18 =	simm.s32 @!p2 $0x2  }
0x387: {  	p2 =	seq.s32 s31, $0x1;
	s18 =	simm.s32 @p0 $0x0;
	p0 =	seq.s32 s13, $0x1  }
0x388: {  	s0 =	simm.s32 @p0 $0x2;
	p0 =	seq.s32 s17, $0x0;
	s17 =	smov.u32 s3  }
0x389: {  	s0 =	simm.s32 @p3 $0x1;
	p3 =	seq.f32 s24, s29;
	s2 =	simm.s32 @!p0 $0x0  }
0x38a: {  	s0 =	simm.s32 @p1 $0x0;
	p1 =	seq.f32 s25, s29;
	s2 =	simm.s32 @p0 $0x1  }
0x38b: {  	p0 =	seq.f32 s22, s29;
	[smem:$0x7D6] =	sst s2;
	s18 =	simm.s32 @p3 $0x2  }
0x38c: {  	s0 =	simm.s32 @p2 $0x2;
	p2 =	seq.s32 s28, $0x0;
	s18 =	simm.s32 @p1 $0x1  }
0x38d: {  	s2 =	simm.s32 @!p2 $0x0;
	p4 =	por p0, p1;
	p1 =	seq.f32 s20, s29  }
0x38e: {  	s0 =	simm.s32 @p5 $0x1;
	s31 =	sld [smem:$0x7D6];
	s2 =	simm.s32 @p2 $0x1  }
0x38f: {  	p2 =	seq.s32 s28, $0x1;
	s18 =	simm.s32 @p0 $0x0;
	p0 =	seq.f32 s19, s29  }
0x390: {  	p3 =	por p4, p3;
	[smem:$0x7D7] =	sst s2;
	s2 =	simm.s32 @!p2 $0x0  }
0x391: {  	s28 =	simm.s32 $0x3;
	s2 =	simm.s32 @p2 $0x1;
	p2 =	seq.f32 s21, s29  }
0x392: {  	s0 =	simm.s32 @p6 $0x0;
	[smem:$0x7D5] =	sst s2;
	s2 =	simm.s32 @!p3 $0x0  }
0x393: {  	s28 =	simm.s32 @!p3 $0x6;
	s2 =	simm.s32 @p3 $0x1;
	s18 =	simm.s32 @p2 $0x2  }
0x394: {  	s13 =	sld [smem:$0x7D5];
	s18 =	simm.s32 @p1 $0x1;
	p1 =	por p0, p1  }
0x395: {  	[smem:$0x7E5] =	sst s2;
	p1 =	por p1, p2;
	s18 =	simm.s32 @p0 $0x0  }
0x396: {  	p0 =	seq.s32 s0, $0x1;
	s2 =	simm.s32 @!p1 $0x0;
	s28 =	simm.s32 @p1 $0x0  }
0x397: {  	s3 =	smov.u32 @p0 s10;
	s2 =	simm.s32 @p1 $0x1;
	p1 =	seq.s32 s13, $0x1  }
0x398: {  	p0 =	seq.s32 s31, $0x1;
	s17 =	smov.u32 @p1 s10;
	s10 =	sadd.s32 s28, s18  }
0x399: {  	s16 =	smov.u32 @p0 s6;
	p0 =	seq.s32 s10, $0x0  }
0x39a: {  	p1 =	seq.s32 s10, $0x1;
	s19 =	simm.s32 @p0 $0xFF800000;
	p0 =	seq.s32 s10, $0x2  }
0x39b: {  	s20 =	simm.s32 @p1 $0xFF800000;
	s21 =	simm.s32 @p0 $0xFF800000;
	p0 =	seq.s32 s10, $0x3  }
0x39c: {  	s13 =	smax.f32 s19, s20;
	s22 =	simm.s32 @p0 $0xFF800000;
	p0 =	seq.s32 s10, $0x4  }
0x39d: {  	s28 =	smax.f32 s13, s21;
	s25 =	simm.s32 @p0 $0xFF800000;
	p0 =	seq.s32 s10, $0x5  }
0x39e: {  	s28 =	smax.f32 s28, s22;
	s24 =	simm.s32 @p0 $0xFF800000;
	p0 =	seq.s32 s10, $0x6  }
0x39f: {  	p1 =	seq.s32 s10, $0x8;
	s28 =	smax.f32 s28, s25;
	s23 =	simm.s32 @p0 $0xFF800000  }
0x3a0: {  	s28 =	smax.f32 s28, s24;
	p0 =	seq.s32 s10, $0x7;
	s10 =	sld [smem:$0x7D7]  }
0x3a1: {  	s30 =	simm.s32 @p1 $0xFF800000;
	s26 =	simm.s32 @p0 $0xFF800000;
	s28 =	smax.f32 s28, s23  }
0x3a2: {  	s13 =	sld [smem:$0x7D8];
	p0 =	seq.s32 s0, $0x0;
	s31 =	smax.f32 s28, s26  }
0x3a3: {  	s3 =	smov.u32 @p0 s6;
	s28 =	sld [smem:$0x7D9];
	p1 =	seq.s32 s10, $0x1  }
0x3a4: {  	s10 =	sxor.u32 $0x80000000, s7;
	s7 =	smax.f32 s31, s30;
	s31 =	simm.s32 $0x1  }
0x3a5: {  	s17 =	smov.u32 @p1 s6;
	p0 =	seq.f32 s26, s7;
	s0 =	smov.u32 s10  }
0x3a6: {  	p1 =	seq.s32 s13, $0x1;
	p2 =	seq.f32 s22, s7;
	p4 =	seq.f32 s20, s7  }
0x3a7: {  	p5 =	seq.f32 s19, s7;
	s0 =	smov.u32 @p1 s5;
	p1 =	seq.f32 s23, s7  }
0x3a8: {  	s6 =	smov.u32 s10;
	s31 =	simm.s32 @!p0 $0x2;
	p0 =	seq.f32 s24, s7  }
0x3a9: {  	p6 =	seq.s32 s28, $0x1;
	s31 =	simm.s32 @p1 $0x0;
	p1 =	seq.f32 s25, s7  }
0x3aa: {  	p3 =	seq.f32 s21, s7;
	s6 =	smov.u32 @p6 s5;
	s31 =	simm.s32 @p0 $0x2  }
0x3ab: {  	p6 =	por p5, p4;
	s31 =	simm.s32 @p1 $0x1;
	p1 =	por p2, p1  }
0x3ac: {  	p1 =	por p1, p0;
	p0 =	por p6, p3  }
0x3ad: {  	s13 =	simm.s32 @!p0 $0x0  }
0x3ae: {  	[smem:$0x7ED] =	sst s2;
	s13 =	simm.s32 @p0 $0x1  }
0x3af: {  	s2 =	simm.s32 @!p1 $0x0;
	[smem:$0x7EE] =	sst s13  }
0x3b0: {  	s2 =	simm.s32 @p1 $0x1;
	s13 =	sld [smem:$0x7DA]  }
0x3b1: {  	[smem:$0x7E6] =	sst s2;
	s2 =	simm.s32 $0x3  }
0x3b2: {  	s2 =	simm.s32 @!p1 $0x6  }
0x3b3: {  	s2 =	simm.s32 @p0 $0x0;
	p0 =	seq.s32 s13, $0x1;
	s13 =	sld [smem:$0x7DB]  }
0x3b4: {  	s31 =	simm.s32 @p2 $0x0  }
0x3b5: {  	s28 =	smov.u32 s10;
	s31 =	simm.s32 @p3 $0x2  }
0x3b6: {  	s28 =	smov.u32 @p0 s5;
	p0 =	seq.s32 s13, $0x1;
	s13 =	sld [smem:$0x7DC]  }
0x3b7: {  	vm4 =	vcmask $0x2328;
	s31 =	simm.s32 @p4 $0x1  }
0x3b8: {  	v58 =	vsel vm4, $0x0, v0;
	s31 =	simm.s32 @p5 $0x0  }
0x3b9: {  	(xrf2) =	vadd.scan.msk.f32 $0xffff, v58;
	s2 =	sadd.s32 s2, s31;
	s6 =	smov.u32 @p0 s5;
	p0 =	seq.s32 s13, $0x1  }
0x3ba: {  	p1 =	seq.s32 s2, $0x1;
	s6 =	smov.u32 @p0 s5;
	p0 =	seq.s32 s2, $0x0  }
0x3bb: {  	vm5 =	vcmask $0x272C;
	s20 =	simm.s32 @p1 $0xFF800000;
	s19 =	simm.s32 @p0 $0xFF800000;
	p0 =	seq.s32 s2, $0x2  }
0x3bc: {  	v59 =	vsel vm5, $0x0, v0;
	s21 =	simm.s32 @p0 $0xFF800000;
	s13 =	smax.f32 s19, s20  }
0x3bd: {  	(xrf2) =	vadd.scan.msk.f32 $0xffff, v59;
	s5 =	smax.f32 s13, s21;
	s13 =	sld [smem:$0x7DD]  }
0x3be: {  	p0 =	seq.s32 s2, $0x3  }
0x3bf: {  	s22 =	simm.s32 @p0 $0xFF800000  }
0x3c0: {  	p0 =	seq.s32 s2, $0x4;
	p2 =	seq.s32 s13, $0x1;
	s13 =	sld [smem:$0x7DE]  }
0x3c1: {  	v0 =	vsel vm0, $0x0, v0;
	s25 =	simm.s32 @p0 $0xFF800000;
	p0 =	seq.s32 s2, $0x5  }
0x3c2: {  	(xrf2) =	vadd.scan.msk.f32 $0xffff, v0;
	s24 =	simm.s32 @p0 $0xFF800000  }
0x3c3: {  	v60, _, _ =	vpop (xrf2);
	p0 =	seq.s32 s2, $0x6;
	p3 =	seq.s32 s13, $0x1;
	s13 =	sld [smem:$0x7DF]  }
0x3c4: {  	(v2sf) =	vpush v60, $0xF;
	s5 =	smax.f32 s5, s22;
	s23 =	simm.s32 @p0 $0xFF800000;
	p0 =	seq.s32 s2, $0x7  }
0x3c5: {  	s5 =	smax.f32 s5, s25;
	s26 =	simm.s32 @p0 $0xFF800000  }
0x3c6: {  	p0 =	por p3, p2;
	p2 =	seq.s32 s13, $0x1;
	s13 =	sld [smem:$0x7E0]  }
0x3c7: {  	v1, _, _ =	vpop (xrf2);
	s5 =	smax.f32 s5, s24  }
0x3c8: {  	(v2sf) =	vpush v1, $0xF;
	p1 =	seq.s32 s2, $0x8;
	s2 =	smax.f32 s5, s23  }
0x3c9: {  	s2 =	smax.f32 s2, s26;
	p4 =	seq.s32 s13, $0x1;
	s13 =	sld [smem:$0x7E1]  }
0x3ca: {  	s5 =	smax.f32 s2, s30;
	p0 =	por p0, p4  }
0x3cb: {  	s5 =	smov.u32 @p1 s2;
	s6 =	smov.u32 @p0 s10  }
0x3cc: {  	v61, _, _ =	vpop (xrf2);
	p3 =	seq.s32 s13, $0x1;
	s6 =	smov.u32 @p0 s4;
	p0 =	seq.f32 s26, s5  }
0x3cd: {  	(v2sf) =	vpush v61, $0xF;
	s28 =	smov.u32 @p3 s10  }
0x3ce: {  	s28 =	smov.u32 @p3 s4;
	s2 =	simm.s32 @!p0 $0x0;
	p3 =	seq.f32 s24, s5  }
0x3cf: {  	s0 =	smov.u32 @p2 s10;
	s2 =	simm.s32 @p0 $0x1;
	p0 =	seq.f32 s23, s5  }
0x3d0: {  	p5 =	seq.f32 s25, s5;
	s0 =	smov.u32 @p2 s4;
	s4 =	simm.s32 @!p3 $0x0  }
0x3d1: {  	[smem:$0x7E2] =	sst s2;
	s2 =	simm.s32 @!p0 $0x0;
	s4 =	simm.s32 @p3 $0x1  }
0x3d2: {  	s2 =	simm.s32 @p0 $0x1;
	[smem:$0x7E9] =	sst s4  }
0x3d3: {  	s4 =	simm.s32 @!p5 $0x0;
	[smem:$0x7E3] =	sst s2;
	s2 =	spop (v2sf)  }
0x3d4: {  	s4 =	simm.s32 @p5 $0x1;
	s23 =	sadd.f32 s29, s2  }
0x3d5: {  	[smem:$0x7E7] =	sst s4  }
0x3d6: {  	p2 =	seq.f32 s20, s5;
	s25 =	sadd.f32 s7, s2  }
0x3d7: {  	s10 =	spop (v2sf);
	s20 =	sld [smem:$0x7E3]  }
0x3d8: {  	p6 =	seq.f32 s22, s5;
	s26 =	sadd.f32 s29, s10  }
0x3d9: {  	p1 =	seq.f32 s19, s5;
	s22 =	sadd.f32 s7, s10  }
0x3da: {  	p4 =	seq.f32 s21, s5;
	s4 =	simm.s32 @!p6 $0x0;
	s19 =	sadd.f32 s5, s10  }
0x3db: {  	s4 =	simm.s32 @p6 $0x1;
	s10 =	sld [smem:$0x7E2]  }
0x3dc: {  	s13 =	spop (v2sf);
	[smem:$0x7E8] =	sst s4;
	s4 =	simm.s32 @!p4 $0x0  }
0x3dd: {  	s24 =	sadd.f32 s29, s13;
	s4 =	simm.s32 @p4 $0x1  }
0x3de: {  	[smem:$0x7EC] =	sst s4;
	s4 =	simm.s32 @!p2 $0x0  }
0x3df: {  	s21 =	sadd.f32 s7, s13;
	s4 =	simm.s32 @p2 $0x1  }
0x3e0: {  	[smem:$0x7EA] =	sst s4  }
0x3e1: {  	s4 =	sxor.u32 $0x80000000, s14;
	s14 =	sadd.f32 s5, s2;
	s2 =	simm.s32 @!p1 $0x0  }
0x3e2: {  	s29 =	sadd.f32 s5, s13;
	s2 =	simm.s32 @p1 $0x1  }
0x3e3: {  	p0 =	seq.s32 s18, $0x1;
	s7 =	smov.u32 s4;
	[smem:$0x7EB] =	sst s2  }
0x3e4: {  	s7 =	smov.u32 @p0 s11;
	s2 =	simm.s32 $0x1;
	p0 =	seq.s32 s10, $0x1  }
0x3e5: {  	s13 =	smax.f32 s23, s26;
	s2 =	simm.s32 @!p0 $0x2;
	p0 =	seq.s32 s20, $0x1  }
0x3e6: {  	s5 =	smax.f32 s13, s24;
	s2 =	simm.s32 @p0 $0x0  }
0x3e7: {  	s5 =	smax.f32 s5, s25;
	s2 =	simm.s32 @p3 $0x2  }
0x3e8: {  	s5 =	smax.f32 s5, s22;
	s2 =	simm.s32 @p5 $0x1  }
0x3e9: {  	s5 =	smax.f32 s5, s21;
	s2 =	simm.s32 @p6 $0x0  }
0x3ea: {  	s20 =	smov.u32 s4;
	s5 =	smax.f32 s5, s14;
	s2 =	simm.s32 @p4 $0x2  }
0x3eb: {  	p0 =	seq.s32 s31, $0x1;
	s5 =	smax.f32 s5, s19;
	s2 =	simm.s32 @p2 $0x1  }
0x3ec: {  	s20 =	smov.u32 @p0 s11;
	s5 =	smax.f32 s5, s29;
	s2 =	simm.s32 @p1 $0x0  }
0x3ed: {  	p6 =	seq.s32 s31, $0x0;
	p1 =	seq.f32 s19, s5;
	p0 =	seq.s32 s2, $0x1  }
0x3ee: {  	s4 =	smov.u32 @p0 s11;
	p0 =	seq.f32 s14, s5;
	s11 =	simm.s32 $0x1  }
0x3ef: {  	p4 =	seq.f32 s21, s5;
	p2 =	seq.f32 s22, s5;
	s11 =	simm.s32 @!p1 $0x2  }
0x3f0: {  	p1 =	seq.f32 s25, s5;
	s11 =	simm.s32 @p0 $0x0;
	p0 =	seq.s32 s18, $0x0  }
0x3f1: {  	p3 =	seq.f32 s24, s5;
	s20 =	smov.u32 @p6 s8;
	s10 =	simm.s32 @!p0 $0x0  }
0x3f2: {  	s11 =	simm.s32 @p4 $0x2;
	p5 =	por p1, p2;
	s10 =	simm.s32 @p0 $0x1  }
0x3f3: {  	s11 =	simm.s32 @p2 $0x1;
	p0 =	seq.f32 s26, s5;
	p4 =	por p5, p4  }
0x3f4: {  	p2 =	seq.f32 s23, s5;
	[smem:$0x7E4] =	sst s10;
	s10 =	simm.s32 @!p4 $0x0  }
0x3f5: {  	s18 =	sld [smem:$0x7ED];
	s11 =	simm.s32 @p1 $0x0;
	s10 =	simm.s32 @p4 $0x1  }
0x3f6: {  	s11 =	simm.s32 @p3 $0x2;
	p5 =	por p2, p0;
	s30 =	sld [smem:$0x7E4]  }
0x3f7: {  	[smem:$0x7F3] =	sst s10;
	s10 =	simm.s32 $0x3;
	p1 =	por p5, p3  }
0x3f8: {  	s11 =	simm.s32 @p0 $0x1;
	p0 =	seq.s32 s2, $0x0;
	s13 =	simm.s32 @!p1 $0x0  }
0x3f9: {  	s10 =	simm.s32 @!p4 $0x6;
	s11 =	simm.s32 @p2 $0x0;
	p4 =	seq.s32 s18, $0x1  }
0x3fa: {  	s18 =	sld [smem:$0x7E8];
	s13 =	simm.s32 @p1 $0x1;
	s10 =	simm.s32 @p1 $0x0  }
0x3fb: {  	p1 =	seq.s32 s30, $0x1;
	s30 =	sld [smem:$0x7EE];
	s31 =	sadd.s32 s10, s11  }
0x3fc: {  	s4 =	smov.u32 @p0 s8;
	[smem:$0x7F8] =	sst s13;
	p0 =	seq.s32 s31, $0x0  }
0x3fd: {  	s7 =	smov.u32 @p1 s8;
	p1 =	seq.s32 s31, $0x1;
	s23 =	simm.s32 @p0 $0xFF800000  }
0x3fe: {  	s26 =	simm.s32 @p1 $0xFF800000;
	p0 =	seq.s32 s31, $0x2;
	p1 =	seq.s32 s31, $0x8  }
0x3ff: {  	p5 =	seq.s32 s30, $0x1;
	s30 =	sld [smem:$0x7E9];
	s24 =	simm.s32 @p0 $0xFF800000  }
0x400: {  	p0 =	seq.s32 s31, $0x3;
	s10 =	smax.f32 s23, s26;
	s29 =	simm.s32 @p1 $0xFF800000  }
0x401: {  	p1 =	por !p5, !p5;
	p5 =	seq.s32 s18, $0x1;
	s25 =	simm.s32 @p0 $0xFF800000  }
0x402: {  	s8 =	smax.f32 s10, s24;
	p0 =	seq.s32 s31, $0x4;
	s10 =	sld [smem:$0x7E6]  }
0x403: {  	s22 =	simm.s32 @p0 $0xFF800000;
	s8 =	smax.f32 s8, s25;
	p0 =	seq.s32 s31, $0x5  }
0x404: {  	s21 =	simm.s32 @p0 $0xFF800000;
	s8 =	smax.f32 s8, s22;
	p0 =	seq.s32 s31, $0x6  }
0x405: {  	s18 =	simm.s32 $0x1;
	s14 =	simm.s32 @p0 $0xFF800000;
	s8 =	smax.f32 s8, s21  }
0x406: {  	p0 =	seq.s32 s31, $0x7;
	s31 =	sld [smem:$0x7E5];
	p3 =	seq.s32 s10, $0x1  }
0x407: {  	s10 =	sld [smem:$0x7EB];
	s19 =	simm.s32 @p0 $0xFF800000;
	s13 =	smax.f32 s8, s14  }
0x408: {  	p0 =	por !p4, !p4;
	s2 =	smax.f32 s13, s19;
	s13 =	sld [smem:$0x7E7]  }
0x409: {  	p1 =	por !p1, !p3;
	s8 =	smax.f32 s2, s29;
	p6 =	seq.s32 s31, $0x1  }
0x40a: {  	s31 =	sld [smem:$0x7EA];
	p2 =	por !p0, !p6;
	p0 =	seq.f32 s19, s8  }
0x40b: {  	p6 =	seq.s32 s30, $0x1;
	s30 =	smov.u32 s6;
	p4 =	seq.s32 s13, $0x1  }
0x40c: {  	s13 =	sld [smem:$0x7EC];
	p3 =	por p5, p4;
	p4 =	seq.f32 s14, s8  }
0x40d: {  	s18 =	simm.s32 @!p0 $0x2;
	p0 =	por !p2, !p2;
	p2 =	seq.f32 s25, s8  }
0x40e: {  	p5 =	por p3, p6;
	p3 =	seq.s32 s31, $0x1;
	p6 =	seq.s32 s10, $0x1  }
0x40f: {  	s30 =	smov.u32 @p0 s28;
	p3 =	por p6, p3;
	p6 =	seq.s32 s13, $0x1  }
0x410: {  	s18 =	simm.s32 @p4 $0x0;
	p4 =	seq.f32 s21, s8;
	p3 =	por p3, p6  }
0x411: {  	s31 =	smov.u32 s6;
	s13 =	sld [smem:$0x7EE];
	s2 =	simm.s32 @!p3 $0x0  }
0x412: {  	p6 =	por !p3, !p3;
	s18 =	simm.s32 @p4 $0x2;
	s2 =	simm.s32 @p3 $0x1  }
0x413: {  	p5 =	por !p6, !p5;
	[smem:$0x7EF] =	sst s2;
	s2 =	simm.s32 @!p0 $0x0  }
0x414: {  	p3 =	seq.f32 s23, s8;
	s2 =	simm.s32 @p0 $0x1;
	p0 =	por !p1, !p1  }
0x415: {  	p1 =	seq.f32 s22, s8;
	[smem:$0x7F0] =	sst s2;
	s2 =	simm.s32 @!p0 $0x0  }
0x416: {  	s31 =	smov.u32 @p0 s28;
	s2 =	simm.s32 @p0 $0x1;
	p0 =	por !p5, !p5  }
0x417: {  	s18 =	simm.s32 @p1 $0x1;
	p5 =	seq.f32 s24, s8;
	p6 =	por p2, p1  }
0x418: {  	p1 =	seq.f32 s26, s8;
	[smem:$0x7F1] =	sst s2;
	s2 =	simm.s32 @!p0 $0x0  }
0x419: {  	s6 =	smov.u32 @p0 s28;
	p4 =	por p6, p4;
	s18 =	simm.s32 @p2 $0x0  }
0x41a: {  	s28 =	sld [smem:$0x7ED];
	s2 =	simm.s32 @p0 $0x1;
	s18 =	simm.s32 @p5 $0x2  }
0x41b: {  	p0 =	por p3, p1;
	[smem:$0x7F2] =	sst s2;
	s2 =	simm.s32 @!p4 $0x0  }
0x41c: {  	s18 =	simm.s32 @p1 $0x1;
	p5 =	por p0, p5;
	s2 =	simm.s32 @p4 $0x1  }
0x41d: {  	s18 =	simm.s32 @p3 $0x0;
	p2 =	seq.s32 s28, $0x1;
	s28 =	sld [smem:$0x7EF]  }
0x41e: {  	s10 =	simm.s32 @!p5 $0x0;
	[smem:$0x7F4] =	sst s2;
	s2 =	simm.s32 $0x3  }
0x41f: {  	s10 =	simm.s32 @p5 $0x1;
	s2 =	simm.s32 @!p4 $0x6;
	p4 =	seq.s32 s13, $0x1  }
0x420: {  	s30 =	smov.u32 @p2 s0;
	s2 =	simm.s32 @p5 $0x0;
	s31 =	smov.u32 @p4 s0  }
0x421: {  	p3 =	seq.s32 s28, $0x1;
	s28 =	sld [smem:$0x7F0];
	s2 =	sadd.s32 s2, s18  }
0x422: {  	s6 =	smov.u32 @p3 s0;
	p0 =	seq.s32 s2, $0x0;
	p1 =	seq.s32 s2, $0x1  }
0x423: {  	s23 =	simm.s32 @p0 $0xFF800000;
	s26 =	simm.s32 @p1 $0xFF800000;
	p0 =	seq.s32 s2, $0x2  }
0x424: {  	s24 =	simm.s32 @p0 $0xFF800000;
	p0 =	seq.s32 s2, $0x3;
	s13 =	smax.f32 s23, s26  }
0x425: {  	s25 =	simm.s32 @p0 $0xFF800000;
	s0 =	smax.f32 s13, s24;
	p0 =	seq.s32 s2, $0x4  }
0x426: {  	s22 =	simm.s32 @p0 $0xFF800000;
	s0 =	smax.f32 s0, s25;
	p0 =	seq.s32 s2, $0x5  }
0x427: {  	s21 =	simm.s32 @p0 $0xFF800000;
	s0 =	smax.f32 s0, s22;
	p0 =	seq.s32 s2, $0x6  }
0x428: {  	s14 =	simm.s32 @p0 $0xFF800000;
	s0 =	smax.f32 s0, s21;
	p0 =	seq.s32 s2, $0x7  }
0x429: {  	[smem:$0x7F9] =	sst s10;
	s19 =	simm.s32 @p0 $0xFF800000;
	s10 =	smax.f32 s0, s14  }
0x42a: {  	p0 =	seq.s32 s28, $0x1;
	s28 =	smax.f32 s10, s19;
	s10 =	sld [smem:$0x7F1]  }
0x42b: {  	s0 =	smov.u32 s3  }
0x42c: {  	s13 =	smov.u32 s3;
	s0 =	smov.u32 @p0 s17  }
0x42d: {  	p0 =	seq.s32 s2, $0x8;
	p1 =	seq.s32 s10, $0x1;
	s10 =	smax.f32 s28, s29  }
0x42e: {  	s13 =	smov.u32 @p1 s17;
	s10 =	smov.u32 @p0 s28  }
0x42f: {  	s13 =	smov.u32 @p4 s16;
	p4 =	seq.f32 s22, s10;
	s22 =	sld [smem:$0x7F8]  }
0x430: {  	_ = 	snop  }
0x431: {  	s29 =	sld [smem:$0x7F2]  }
0x432: {  	s0 =	smov.u32 @p2 s16;
	p2 =	seq.s32 s22, $0x1  }
0x433: {  	p0 =	por !p2, !p2;
	p2 =	seq.f32 s26, s10  }
0x434: {  	p6 =	seq.f32 s23, s10;
	s23 =	sld [smem:$0x7F3];
	p1 =	seq.s32 s29, $0x1  }
0x435: {  	s3 =	smov.u32 @p1 s17;
	s2 =	simm.s32 @!p2 $0x0  }
0x436: {  	s3 =	smov.u32 @p3 s16;
	s2 =	simm.s32 @p2 $0x1  }
0x437: {  	p3 =	seq.s32 s23, $0x1;
	[smem:$0x7FC] =	sst s2;
	s2 =	simm.s32 @!p6 $0x0  }
0x438: {  	p0 =	por !p0, !p3;
	s2 =	simm.s32 @p6 $0x1  }
0x439: {  	p1 =	seq.f32 s25, s10;
	[smem:$0x7FD] =	sst s2;
	s2 =	simm.s32 @!p0 $0x0  }
0x43a: {  	s2 =	simm.s32 @p0 $0x1  }
0x43b: {  	p0 =	seq.f32 s24, s10;
	[smem:$0x7F6] =	sst s2;
	s2 =	simm.s32 @!p1 $0x0  }
0x43c: {  	s2 =	simm.s32 @p1 $0x1  }
0x43d: {  	[smem:$0x7FA] =	sst s2;
	s2 =	simm.s32 @!p0 $0x0  }
0x43e: {  	p3 =	por !p5, !p5;
	s2 =	simm.s32 @p0 $0x1  }
0x43f: {  	[smem:$0x7FB] =	sst s2;
	s2 =	simm.s32 @!p3 $0x0  }
0x440: {  	s25 =	sld [smem:$0x7F4];
	s2 =	simm.s32 @p3 $0x1  }
0x441: {  	[smem:$0x7F5] =	sst s2  }
0x442: {  	s26 =	sld [smem:$0x7F5];
	_ =	sdelay $0x2  }
0x443: {  	p5 =	por p6, p2;
	p2 =	seq.s32 s25, $0x1;
	p6 =	seq.s32 s26, $0x1  }
0x444: {  	p2 =	por !p6, !p2  }
0x445: {  	s17 =	smov.u32 s4;
	s2 =	simm.s32 @!p2 $0x0  }
0x446: {  	s23 =	smov.u32 s4;
	s28 =	sld [smem:$0x7F6];
	s2 =	simm.s32 @p2 $0x1  }
0x447: {  	s16 =	smov.u32 s3;
	p3 =	seq.f32 s21, s10;
	[smem:$0x7F7] =	sst s2  }
0x448: {  	p5 =	por p5, p0;
	p0 =	por p1, p4;
	s29 =	sld [smem:$0x7F7]  }
0x449: {  	s22 =	smov.u32 s3;
	p1 =	por !p5, !p5;
	p0 =	por p0, p3  }
0x44a: {  	s21 =	smov.u32 s6;
	p0 =	por !p1, !p0;
	p6 =	seq.s32 s28, $0x1  }
0x44b: {  	p0 =	por !p0, !p0;
	p2 =	por !p6, !p6;
	p6 =	seq.s32 s29, $0x1  }
0x44c: {  	s2 =	smov.u32 s6;
	s6 =	smov.u32 @p0 s31;
	p1 =	por !p6, !p6  }
0x44d: {  	s2 =	smov.u32 @p2 s31;
	s21 =	smov.u32 @p1 s31;
	s31 =	sld [smem:$0x7F8]  }
0x44e: {  	s24 =	sld [smem:$0x7FD];
	s3 =	smov.u32 @p0 s13;
	s22 =	smov.u32 @p1 s13  }
0x44f: {  	s23 =	smov.u32 @p1 s20;
	p1 =	seq.f32 s19, s10;
	s19 =	sld [smem:$0x7F9]  }
0x450: {  	s4 =	smov.u32 @p0 s20;
	s16 =	smov.u32 @p2 s13;
	p6 =	seq.s32 s31, $0x1  }
0x451: {  	s17 =	smov.u32 @p2 s20;
	s13 =	simm.s32 $0x1;
	s2 =	smov.u32 @p6 s30  }
0x452: {  	vm0 =	vcmask $0x300;
	s20 =	sld [smem:$0x7FA];
	s13 =	simm.s32 @!p1 $0x2;
	p1 =	seq.s32 s19, $0x1;
	v62 =	vmov s2  }
0x453: {  	vm1 =	vcmask $0x704;
	s3 =	smov.u32 @p5 s0;
	p2 =	seq.f32 s14, s10;
	s21 =	smov.u32 @p1 s30;
	v0 =	vnsel vm0, $0x0, v62  }
0x454: {  	vm6 =	vcmask $0xB08;
	s4 =	smov.u32 @p5 s7;
	p0 =	seq.s32 s11, $0x0;
	s6 =	smov.u32 @p5 s30;
	v0 =	vsel vm1, s21, v0  }
0x455: {  	vm7 =	vcmask $0x1310;
	s13 =	simm.s32 @p2 $0x0;
	p2 =	seq.s32 s20, $0x1;
	s16 =	smov.u32 @p6 s0;
	v0 =	vsel vm6, s6, v0  }
0x456: {  	vm8 =	vcmask $0x1714;
	s17 =	smov.u32 @p6 s7;
	s22 =	smov.u32 @p1 s0;
	s21 =	sld [smem:$0x7FB];
	v0 =	vsel vm7, s16, v0  }
0x457: {  	s13 =	simm.s32 @p3 $0x2;
	p6 =	seq.s32 s11, $0x1;
	v0 =	vsel vm8, s22, v0;
	s22 =	sld [smem:$0x7FC]  }
0x458: {  	s23 =	smov.u32 @p1 s7;
	s0 =	sxor.u32 $0x80000000, s15;
	s13 =	simm.s32 @p4 $0x1  }
0x459: {  	vm9 =	vcmask $0x1B18;
	s2 =	smov.u32 s0;
	s13 =	simm.s32 @p2 $0x0;
	p1 =	seq.s32 s21, $0x1  }
0x45a: {  	vm10 =	vcmask $0x2320;
	s2 =	smov.u32 @p6 s12;
	v0 =	vsel vm9, s3, v0;
	s13 =	simm.s32 @p1 $0x2;
	p2 =	seq.s32 s22, $0x1  }
0x45b: {  	vm11 =	vcmask $0x2724;
	p3 =	seq.s32 s24, $0x1;
	s2 =	smov.u32 @p0 s9;
	v0 =	vsel vm10, s17, v0;
	s13 =	simm.s32 @p2 $0x1  }
0x45c: {  	vm12 =	vcmask $0x2B28;
	v63 =	vmov s5;
	s3 =	smov.u32 s0;
	v0 =	vsel vm11, s23, v0;
	p2 =	seq.s32 s18, $0x1;
	s13 =	simm.s32 @p3 $0x0  }
0x45d: {  	vm13 =	vcmask $0x3330;
	v1 =	vnsel vm0, $0x0, v63;
	p1 =	seq.s32 s18, $0x0;
	v0 =	vsel vm12, s4, v0;
	s3 =	smov.u32 @p2 s12;
	p0 =	seq.s32 s13, $0x1  }
0x45e: {  	vm14 =	vcmask $0x3734;
	v1 =	vsel vm1, s8, v1;
	v0 =	vsel vm13, s2, v0;
	p2 =	seq.s32 s13, $0x0;
	s3 =	smov.u32 @p1 s9;
	s0 =	smov.u32 @p0 s12  }
0x45f: {  	vm15 =	vcmask $0x3B38;
	v1 =	vsel vm6, s10, v1;
	v0 =	vsel vm14, s3, v0;
	s0 =	smov.u32 @p2 s9  }
0x460: {  	[tilespmem:$0x1080] =	vst v1;
	s25 =	simm.s32 $0x0;
	v0 =	vsel vm15, s0, v0  }
0x461: {  	s26 =	simm.s32 $0x1000;
	s28 =	rddreg [dreg:$0x5];
	s29 =	simm.s32 $0x1;
	[tilespmem:$0x1000] =	vst v0  }
0x462: {  	[hbm4b:s28+s25] =	stream.linear.scatter [tilespmem:s26], [sflag:$0x1], $0x80, $0x38;
	[tilespmem:$0x1100] =	vst v63  }
0x463: {  	_ =	swait.ge [sflag:s29], $0x80  }
0x464: {  	[sflag:s29] =	ssyncset.done $0x0  }
0x465: {  	s30 =	simm.s32 $0x1080;
	s31 =	rddreg [dreg:$0x4];
	[sflag:s29] =	ssyncadd.s32 $0xFFFFFF80  }
0x466: {  	[hbm4b:s31+s25] =	stream.linear.scatter [tilespmem:s30], [sflag:$0x1], $0x80, $0x38;
	[tilespmem:$0x1100] =	vst v63  }
0x467: {  	_ =	swait.ge [sflag:s29], $0x80  }
0x468: {  	[sflag:s29] =	ssyncset.done $0x0  }
0x469: {  	[sflag:s29] =	ssyncadd.s32 $0xFFFFFF80  }
0x46a: {  	s5 =	rddreg [dreg:$0x3]  }
.LBB2_10:
0x46b: {  	_ =	sfence.sel $0x180000  }
0x46c: {  	[bflag:$0x0] =	sbarrier.arrive $0xFFFF  }
0x46d: {  	p0 =	sne.s32 s1, $0x0;
	_ =	strace $0x90000047  }
0x46e: {  	s0 =	sadd.s32 @!p0 $0x100000, s5;
	[bflag:$0x2] =	sbarrier.arrive $0xFFFF  }
0x46f: {  	[sflag:s0] =	ssyncadd.tile.s32 @!p0 $0x1;
	_ =	shalt  }
.Lfunc_end2:
_tile_overlayer_lowered:
.L_overlay_start_2:
0x470: {  	(tag) =	ssettag $0x2  }
0x471: {  	s0 =	rddreg [dreg:$0x0];
	s2 =	stileid.u32  }
0x472: {  	s1 =	rddreg [dreg:$0x1];
	p0 =	sne.s32 s2, $0x0  }
0x473: {  	s3 =	rddreg [dreg:$0x2];
	[bflag:$0x3] =	sbarrier.arrive $0xFFFF;
	s2 =	simm.s32 @!p0 $0x1C01  }
0x474: {  	[timem:s3], [sflag:s2] =	dma.local @!p0 [hbm:s0], s1  }
0x475: {  	s0 =	simm.s32 @!p0 $0x1  }
0x476: {  	_ =	swait.ge @!p0 [sflag:s0], s1  }
0x477: {  	s1 =	ssub.s32 @!p0 $0x0, s1;
	[sflag:s0] =	ssyncset.done @!p0 $0x0  }
0x478: {  	[sflag:s0] =	ssyncadd.s32 @!p0 s1  }
0x479: {  	[bflag:$0x3] =	sbarrier.arrive $0xFFFF  }
0x47a: {  	_ =	shalt  }

</sc_bundles>
